<compile_context>
chip_gen: v7x
topology: tpu7x:2x2x1
jax: 0.10.2.dev20260603
libtpu: 0.0.44.dev20260713+nightly
codegen_flags: <defaults>
</compile_context>

<pallas_src>
import functools

import jax
import jax.numpy as jnp
from jax import lax
from jax.experimental import pallas as pl
from jax.experimental.pallas import tpu as pltpu
from jax.experimental.pallas import tpu_sc as plsc

N = 10000
EMB = 128
E = 320000
NTYPES = 4

NC, NS = 2, 16
NW = NC * NS
CH = 80
EPW = E // NW
NCHUNK = EPW // CH
NPAD = 10240
EMB_PW = NPAD // NW
NAPAD = 10112
ROWS_PT = NAPAD // NS

_mesh = plsc.VectorSubcoreMesh(core_axis_name="c", subcore_axis_name="s")


@functools.partial(
    pl.kernel,
    out_type=jax.ShapeDtypeStruct((N, EMB), jnp.float32),
    mesh=_mesh,
    scratch_types=(
        [[pltpu.VMEM((CH,), jnp.int32)] * 4]
        + [[pltpu.VMEM((CH,), jnp.int32)] * 4]
        + [[pltpu.VMEM((CH, EMB), jnp.float32)] * 4]
        + [[pltpu.VMEM((CH, EMB), jnp.float32)] * 4]
        + [[pltpu.SemaphoreType.DMA] * 4]
        + [[pltpu.SemaphoreType.DMA] * 4]
    ),
)
def _embed_sc(keys_hbm, vals_hbm, xk_hbm, xv_hbm, out_hbm,
              idk, idv, bufk, bufv, semk, semv):
    c = lax.axis_index("c")
    s = lax.axis_index("s")
    wid = c * NS + s
    base0 = wid * EMB_PW
    NCH_E = EMB_PW // CH

    def valid(j):
        return base0 + j * CH + CH <= N

    def base(j):
        return base0 + j * CH

    for j in range(NCH_E):
        @pl.when(valid(j))
        def _(j=j):
            pltpu.async_copy(xk_hbm.at[pl.ds(base(j), CH)], idk[j], semk[j])
            pltpu.async_copy(xv_hbm.at[pl.ds(base(j), CH)], idv[j], semk[j])

    for j in range(NCH_E):
        @pl.when(valid(j))
        def _(j=j):
            pltpu.make_async_copy(xk_hbm.at[pl.ds(base(j), CH)], idk[j], semk[j]).wait()
            pltpu.make_async_copy(xv_hbm.at[pl.ds(base(j), CH)], idv[j], semk[j]).wait()
            pltpu.async_copy(keys_hbm.at[idk[j]], bufk[j], semv[j])
            pltpu.async_copy(vals_hbm.at[idv[j]], bufv[j], semv[j])

    for j in range(NCH_E):
        @pl.when(valid(j))
        def _(j=j):
            pltpu.make_async_copy(keys_hbm.at[idk[j]], bufk[j], semv[j]).wait()
            pltpu.make_async_copy(vals_hbm.at[idv[j]], bufv[j], semv[j]).wait()

            def rbody(r, carry2):
                for q in range(EMB // 16):
                    sl = (r, pl.ds(q * 16, 16))
                    bufk[j][sl] = bufk[j][sl] + bufv[j][sl]
                return carry2

            lax.fori_loop(0, CH, rbody, 0)
            pltpu.async_copy(bufk[j], out_hbm.at[pl.ds(base(j), CH)], semk[j])

    for j in range(NCH_E):
        @pl.when(valid(j))
        def _(j=j):
            pltpu.make_async_copy(bufk[j], out_hbm.at[pl.ds(base(j), CH)], semk[j]).wait()


@functools.partial(
    pl.kernel,
    out_type=jax.ShapeDtypeStruct((NC, NAPAD, EMB), jnp.float32),
    mesh=_mesh,
    scratch_types=(
        [pltpu.VMEM((CH,), jnp.int32)] * 4
        + [pltpu.VMEM((CH,), jnp.int32)] * 4
        + [pltpu.VMEM((CH, EMB), jnp.float32)] * 4
        + [pltpu.SemaphoreType.DMA] * 12
        + [pltpu.VMEM_SHARED((NAPAD, EMB), jnp.float32)]
    ),
)
def _message_sc(hplus_hbm, gidx_hbm, dst_hbm, out_hbm,
                gb0, gb1, gb2, gb3, db0, db1, db2, db3,
                rw0, rw1, rw2, rw3,
                is0, is1, is2, is3, gs0, gs1, gs2, gs3, ss0, ss1, ss2, ss3,
                aggr_sh):
    GB = (gb0, gb1, gb2, gb3)
    DB = (db0, db1, db2, db3)
    RW = (rw0, rw1, rw2, rw3)
    IS = (is0, is1, is2, is3)
    GS = (gs0, gs1, gs2, gs3)
    SS = (ss0, ss1, ss2, ss3)
    c = lax.axis_index("c")
    s = lax.axis_index("s")
    wid = c * NS + s
    r0 = s * ROWS_PT

    base0 = wid * EPW

    def fire_idx(j, b):
        pltpu.async_copy(gidx_hbm.at[pl.ds(base0 + j * CH, CH)], GB[b], IS[b])
        pltpu.async_copy(dst_hbm.at[pl.ds(base0 + j * CH, CH)], DB[b], IS[b])

    def wait_idx(j, b):
        pltpu.make_async_copy(gidx_hbm.at[pl.ds(base0 + j * CH, CH)], GB[b], IS[b]).wait()
        pltpu.make_async_copy(dst_hbm.at[pl.ds(base0 + j * CH, CH)], DB[b], IS[b]).wait()

    def fire_gather(b):
        pltpu.async_copy(hplus_hbm.at[GB[b]], RW[b], GS[b])

    def wait_gather(b):
        pltpu.make_async_copy(hplus_hbm.at[GB[b]], RW[b], GS[b]).wait()

    def fire_scatter(b):
        pltpu.async_copy(RW[b], aggr_sh.at[DB[b]], SS[b], add=True)

    def wait_scatter(b):
        pltpu.make_async_copy(RW[b], aggr_sh.at[DB[b]], SS[b]).wait()

    fire_idx(0, 0)
    fire_idx(1, 1)
    fire_idx(2, 2)
    zv = jnp.zeros((16,), jnp.float32)

    def zrow(r, carry):
        for q in range(EMB // 16):
            rw0[r, pl.ds(q * 16, 16)] = zv
        return carry

    lax.fori_loop(0, CH, zrow, 0)
    for k in range(ROWS_PT // CH):
        pltpu.sync_copy(rw0, aggr_sh.at[pl.ds(r0 + k * CH, CH)])
    _tail = ROWS_PT % CH
    if _tail:
        pltpu.sync_copy(rw0.at[pl.ds(0, _tail)],
                        aggr_sh.at[pl.ds(r0 + (ROWS_PT // CH) * CH, _tail)])
    wait_idx(0, 0)
    fire_gather(0)
    wait_idx(1, 1)
    fire_gather(1)
    plsc.subcore_barrier()

    def process(j, k):
        wait_gather(k)
        fire_scatter(k)
        b3 = (k + 3) % 4

        @pl.when(j >= 1)
        def _():
            wait_scatter(b3)

        @pl.when(j + 3 < NCHUNK)
        def _():
            fire_idx(j + 3, b3)

        b2 = (k + 2) % 4

        @pl.when(j + 2 < NCHUNK)
        def _():
            wait_idx(j + 2, b2)
            fire_gather(b2)

    def body(i, carry):
        j = 4 * i
        for k in range(4):
            process(j + k, k)
        return carry

    lax.fori_loop(0, NCHUNK // 4, body, 0)
    for jl in range(NCHUNK - NCHUNK % 4, NCHUNK):
        process(jl, jl % 4)
    wait_scatter((NCHUNK - 1) % 4)
    plsc.subcore_barrier()
    pltpu.sync_copy(aggr_sh.at[pl.ds(r0, ROWS_PT)], out_hbm.at[c, pl.ds(r0, ROWS_PT)])


def _hplus_body(h_ref, et_ref, out_ref):
    out_ref[...] = jnp.maximum(h_ref[...][None, :, :] + et_ref[...][:, None, :],
                               0.0)


_BLK = 2000
_NB = N // _BLK


def _build_hplus(h, et):
    return pl.pallas_call(
        _hplus_body,
        grid=(_NB,),
        in_specs=[
            pl.BlockSpec((_BLK, EMB), lambda i: (i, 0)),
            pl.BlockSpec((NTYPES, EMB), lambda i: (0, 0)),
        ],
        out_specs=pl.BlockSpec((NTYPES, _BLK, EMB), lambda i: (0, i, 0)),
        out_shape=jax.ShapeDtypeStruct((NTYPES, N, EMB), jnp.float32),
    )(h, et)


def _layer_body(with_hplus, eps_ref, h_ref, ag_ref, w1_ref, b1_ref, w2_ref,
                b2_ref, bg_ref, bb_ref, lg_ref, lb_ref, *rest):
    if with_hplus:
        et_ref, hn_ref, hp_ref, y_sc, h_sc, cs_sc, cq_sc = rest
    else:
        hn_ref, y_sc, h_sc, cs_sc, cq_sc = rest
    p = pl.program_id(0)
    i = pl.program_id(1)

    @pl.when(p == 0)
    def _():
        h = h_ref[...]
        h_sc[i] = h
        z = (1.0 + eps_ref[0]) * h + ag_ref[0] + ag_ref[1]
        t = jnp.dot(z.astype(jnp.bfloat16),
                    w1_ref[...].astype(jnp.bfloat16),
                    preferred_element_type=jnp.float32)
        t = jnp.maximum(t + b1_ref[...][None, :], 0.0)
        y = jnp.dot(t.astype(jnp.bfloat16),
                    w2_ref[...].astype(jnp.bfloat16),
                    preferred_element_type=jnp.float32)
        y = y + b2_ref[...][None, :]
        y_sc[i] = y

        @pl.when(i == 0)
        def _():
            cs_sc[...] = jnp.zeros_like(cs_sc)
            cq_sc[...] = jnp.zeros_like(cq_sc)

        cs_sc[...] += jnp.sum(y, axis=0, keepdims=True)
        cq_sc[...] += jnp.sum(y * y, axis=0, keepdims=True)

    @pl.when(p == 1)
    def _():
        y = y_sc[i]
        mean = cs_sc[...] * (1.0 / N)
        var = cq_sc[...] * (1.0 / N) - mean * mean
        scale = bg_ref[...][None, :] * lax.rsqrt(var + 1e-5)
        shift = bb_ref[...][None, :] - mean * scale
        z = y * scale + shift
        z = jnp.maximum(z, 0.0) + h_sc[i]
        m = jnp.mean(z, axis=1, keepdims=True)
        zc = z - m
        v = jnp.mean(zc * zc, axis=1, keepdims=True)
        hn = zc * lax.rsqrt(v + 1e-5) * lg_ref[...][None, :] + lb_ref[...][None, :]
        hn_ref[...] = hn
        if with_hplus:
            hp_ref[...] = jnp.maximum(hn[None, :, :] + et_ref[...][:, None, :],
                                      0.0)


def _row_i(p, i):
    return (i, 0)


_LAYER_IN_SPECS = [
    pl.BlockSpec(memory_space=pltpu.SMEM),
    pl.BlockSpec((_BLK, EMB),
                 lambda p, i: (jnp.where(p == 0, i, 0), 0)),
    pl.BlockSpec((NC, _BLK, EMB),
                 lambda p, i: (0, jnp.where(p == 0, i, 0), 0)),
    pl.BlockSpec((EMB, 2 * EMB), lambda p, i: (0, 0)),
    pl.BlockSpec((2 * EMB,), lambda p, i: (0,)),
    pl.BlockSpec((2 * EMB, EMB), lambda p, i: (0, 0)),
] + [pl.BlockSpec((EMB,), lambda p, i: (0,))] * 5

_LAYER_SCRATCH = [
    pltpu.VMEM((_NB, _BLK, EMB), jnp.float32),
    pltpu.VMEM((_NB, _BLK, EMB), jnp.float32),
    pltpu.VMEM((1, EMB), jnp.float32),
    pltpu.VMEM((1, EMB), jnp.float32),
]


def _layer_tc(h, aggr2, lp, et_next):
    args = [lp['eps'].reshape(1), h, aggr2, lp['W1'], lp['b1'], lp['W2'],
            lp['b2'], lp['bn_g'], lp['bn_b'], lp['ln_g'], lp['ln_b']]
    out_row = pl.BlockSpec((_BLK, EMB), lambda p, i: (jnp.where(p == 1, i, 0), 0))
    if et_next is not None:
        return pl.pallas_call(
            functools.partial(_layer_body, True),
            grid=(2, _NB),
            in_specs=_LAYER_IN_SPECS + [pl.BlockSpec((NTYPES, EMB),
                                                     lambda p, i: (0, 0))],
            out_specs=[
                out_row,
                pl.BlockSpec((NTYPES, _BLK, EMB),
                             lambda p, i: (0, jnp.where(p == 1, i, 0), 0)),
            ],
            out_shape=[
                jax.ShapeDtypeStruct((N, EMB), jnp.float32),
                jax.ShapeDtypeStruct((NTYPES, N, EMB), jnp.float32),
            ],
            scratch_shapes=_LAYER_SCRATCH,
        )(*args, et_next)
    return pl.pallas_call(
        functools.partial(_layer_body, False),
        grid=(2, _NB),
        in_specs=_LAYER_IN_SPECS,
        out_specs=out_row,
        out_shape=jax.ShapeDtypeStruct((N, EMB), jnp.float32),
        scratch_shapes=_LAYER_SCRATCH,
    )(*args)


def kernel(x, edge_index, edge_attr, batch, root_mask, params):
    x = x.astype(jnp.int32)
    src = edge_index[0].astype(jnp.int32)
    dst = edge_index[1].astype(jnp.int32)
    attr = edge_attr.astype(jnp.int32)

    h = _embed_sc(params['keys_table'], params['values_table'], x[:, 0], x[:, 1])
    gidx = attr * N + src

    layers = params['layers']
    hplus = None
    for l, lp in enumerate(layers):
        if hplus is None:
            hplus = _build_hplus(h, lp['edge_table'])
        aggr2 = _message_sc(hplus.reshape(NTYPES * N, EMB), gidx, dst)
        if l + 1 < len(layers):
            h, hplus = _layer_tc(h, aggr2, lp, layers[l + 1]['edge_table'])
        else:
            h = _layer_tc(h, aggr2, lp, None)
    return h

# --- scband reference (transcript-rebuilt; emitter-appended) ---
"""Pipeline reference for scband-gnn-node-79224966742697 (READ-ONLY COPY).

The authoritative reference and input builder live on the scoring server;
editing this copy changes nothing except your own understanding.
"""

import jax, jax.numpy as jnp
import numpy as np

NUM_LAYER = 2
EMB = 128
N = 10000
E = 320000
VOCAB = 1001  # tree_neighbours_dim0 + 1
N_EDGE_TYPES = 4


def setup_inputs(seed: int = 0) -> dict:
    key = jax.random.key(seed)
    ks = jax.random.split(key, 8 + 6 * NUM_LAYER)
    x = jax.random.randint(ks[0], (N, 2), 0, VOCAB)
    edge_index = jax.random.randint(ks[1], (2, E), 0, N)
    edge_attr = jax.random.randint(ks[2], (E,), 0, N_EDGE_TYPES)
    batch = jnp.sort(jax.random.randint(ks[3], (N,), 0, 64))
    root_mask = jnp.zeros((N,), dtype=bool)

    def nrm(k, shape, scale=0.02):
        return jax.random.normal(k, shape, dtype=jnp.float32) * scale

    layers = []
    for l in range(NUM_LAYER):
        base = 8 + 6 * l
        layers.append({
            'W1': nrm(ks[base + 0], (EMB, 2 * EMB)),
            'b1': jnp.zeros((2 * EMB,), jnp.float32),
            'W2': nrm(ks[base + 1], (2 * EMB, EMB)),
            'b2': jnp.zeros((EMB,), jnp.float32),
            'edge_table': nrm(ks[base + 2], (N_EDGE_TYPES, EMB)),
            'eps': jnp.float32(0.0),
            'bn_g': jnp.ones((EMB,), jnp.float32),
            'bn_b': jnp.zeros((EMB,), jnp.float32),
            'ln_g': jnp.ones((EMB,), jnp.float32),
            'ln_b': jnp.zeros((EMB,), jnp.float32),
        })
    params = {
        'keys_table': nrm(ks[4], (VOCAB, EMB)),
        'values_table': nrm(ks[5], (VOCAB, EMB)),
        'layers': layers,
    }
    return {'x': x, 'edge_index': edge_index, 'edge_attr': edge_attr,
            'batch': batch, 'root_mask': root_mask, 'params': params}


def _forward(params, x, edge_index, edge_attr):
    # node embedding: key embed + value embed
    h = jnp.take(params['keys_table'], x[:, 0], axis=0) + \
        jnp.take(params['values_table'], x[:, 1], axis=0)
    src = edge_index[0]
    dst = edge_index[1]
    n = h.shape[0]
    for lp in params['layers']:
        h_prev = h
        # GINConv (OGB-style): mlp((1+eps)*x + sum_j relu(x_j + edge_emb))
        e = jnp.take(lp['edge_table'], edge_attr, axis=0)
        msg = jax.nn.relu(jnp.take(h_prev, src, axis=0) + e)
        aggr = jax.ops.segment_sum(msg, dst, num_segments=n)
        z = (1.0 + lp['eps']) * h_prev + aggr
        z = jax.nn.relu(z @ lp['W1'] + lp['b1']) @ lp['W2'] + lp['b2']
        # BatchNorm1d (training-mode batch statistics)
        mean = jnp.mean(z, axis=0)
        var = jnp.var(z, axis=0)
        z = (z - mean) / jnp.sqrt(var + 1e-5) * lp['bn_g'] + lp['bn_b']
        # relu + unconditional residual (as in original forward)
        z = jax.nn.relu(z) + h_prev
        # LayerNorm
        m = jnp.mean(z, axis=-1, keepdims=True)
        v = jnp.var(z, axis=-1, keepdims=True)
        h = (z - m) / jnp.sqrt(v + 1e-5) * lp['ln_g'] + lp['ln_b']
    return h


def reference(x, edge_index, edge_attr, batch, root_mask, params):
    # batch and root_mask are unpacked by the original forward but unused
    return _forward(params, x, edge_index, edge_attr)

if __name__ == "__main__":
    import jax
    _d = setup_inputs()
    print(jax.jit(kernel)(*tuple(_d.values())))

</pallas_src>

<mosaic_0001>
#map = affine_map<(d0, d1) -> (0, 0)>
#map1 = affine_map<(d0, d1) -> (0)>
#map2 = affine_map<(d0, d1) -> (0, 0, 0)>
module attributes {stable_mosaic.version = 14 : i64} {
  func.func @_message_sc(%arg0: i32, %arg1: i32, %arg2: memref<40000x128xf32, #tpu.memory_space<hbm>>, %arg3: memref<320000xi32, #tpu.memory_space<hbm>>, %arg4: memref<320000xi32, #tpu.memory_space<hbm>>, %arg5: memref<2x10112x128xf32, #tpu.memory_space<hbm>>, %arg6: memref<80xi32, #tpu.memory_space<vmem>>, %arg7: memref<80xi32, #tpu.memory_space<vmem>>, %arg8: memref<80xi32, #tpu.memory_space<vmem>>, %arg9: memref<80xi32, #tpu.memory_space<vmem>>, %arg10: memref<80xi32, #tpu.memory_space<vmem>>, %arg11: memref<80xi32, #tpu.memory_space<vmem>>, %arg12: memref<80xi32, #tpu.memory_space<vmem>>, %arg13: memref<80xi32, #tpu.memory_space<vmem>>, %arg14: memref<80x128xf32, #tpu.memory_space<vmem>>, %arg15: memref<80x128xf32, #tpu.memory_space<vmem>>, %arg16: memref<80x128xf32, #tpu.memory_space<vmem>>, %arg17: memref<80x128xf32, #tpu.memory_space<vmem>>, %arg18: memref<!tpu.dma_semaphore, #tpu.memory_space<semaphore_mem>>, %arg19: memref<!tpu.dma_semaphore, #tpu.memory_space<semaphore_mem>>, %arg20: memref<!tpu.dma_semaphore, #tpu.memory_space<semaphore_mem>>, %arg21: memref<!tpu.dma_semaphore, #tpu.memory_space<semaphore_mem>>, %arg22: memref<!tpu.dma_semaphore, #tpu.memory_space<semaphore_mem>>, %arg23: memref<!tpu.dma_semaphore, #tpu.memory_space<semaphore_mem>>, %arg24: memref<!tpu.dma_semaphore, #tpu.memory_space<semaphore_mem>>, %arg25: memref<!tpu.dma_semaphore, #tpu.memory_space<semaphore_mem>>, %arg26: memref<!tpu.dma_semaphore, #tpu.memory_space<semaphore_mem>>, %arg27: memref<!tpu.dma_semaphore, #tpu.memory_space<semaphore_mem>>, %arg28: memref<!tpu.dma_semaphore, #tpu.memory_space<semaphore_mem>>, %arg29: memref<!tpu.dma_semaphore, #tpu.memory_space<semaphore_mem>>, %arg30: memref<10112x128xf32, #tpu.memory_space<vmem_shared>>) attributes {dimension_semantics = [#tpu.dimension_semantics<core_parallel>, #tpu.dimension_semantics<subcore_parallel>], iteration_bounds = array<i64: 2, 16>, scalar_prefetch = 0 : i64, scratch_operands = 25 : i64, tpu.core_type = #tpu.core_type<sc_vector_subcore>, window_params = [{transform_indices = #map}, {transform_indices = #map1}, {transform_indices = #map1}, {transform_indices = #map2}]} {
    %mul3A = arith.constant 16 : i32
    %mul3A_0 = arith.muli %arg0, %mul3A : i32
    %add3A = arith.addi %mul3A_0, %arg1 : i32
    %mul3A_1 = arith.constant 632 : i32
    %mul3A_2 = arith.muli %arg1, %mul3A_1 : i32
    %mul3A_3 = arith.constant 10000 : i32
    %mul3A_4 = arith.muli %add3A, %mul3A_3 : i32
    %add3A_5 = arith.constant 0 : i32
    %add3A_6 = arith.addi %mul3A_4, %add3A_5 : i32
    %dma_start3A = tpu.memref_slice %arg3[%add3A_6] : memref<320000xi32, #tpu.memory_space<hbm>> -> memref<80xi32, #tpu.memory_space<hbm>>
    %dma_start3A_7 = tpu.memref_slice %arg3[%add3A_6] : memref<320000xi32, #tpu.memory_space<hbm>> -> memref<80xi32, #tpu.memory_space<hbm>>
    tpu.enqueue_dma source(%dma_start3A_7 : memref<80xi32, #tpu.memory_space<hbm>>) target(%arg6 : memref<80xi32, #tpu.memory_space<vmem>>) target_semaphore(%arg18 : memref<!tpu.dma_semaphore, #tpu.memory_space<semaphore_mem>>)
    %add3A_8 = arith.constant 0 : i32
    %add3A_9 = arith.addi %mul3A_4, %add3A_8 : i32
    %dma_start3A_10 = tpu.memref_slice %arg4[%add3A_9] : memref<320000xi32, #tpu.memory_space<hbm>> -> memref<80xi32, #tpu.memory_space<hbm>>
    %dma_start3A_11 = tpu.memref_slice %arg4[%add3A_9] : memref<320000xi32, #tpu.memory_space<hbm>> -> memref<80xi32, #tpu.memory_space<hbm>>
    tpu.enqueue_dma source(%dma_start3A_11 : memref<80xi32, #tpu.memory_space<hbm>>) target(%arg10 : memref<80xi32, #tpu.memory_space<vmem>>) target_semaphore(%arg18 : memref<!tpu.dma_semaphore, #tpu.memory_space<semaphore_mem>>)
    %add3A_12 = arith.constant 80 : i32
    %add3A_13 = arith.addi %mul3A_4, %add3A_12 : i32
    %dma_start3A_14 = tpu.memref_slice %arg3[%add3A_13] : memref<320000xi32, #tpu.memory_space<hbm>> -> memref<80xi32, #tpu.memory_space<hbm>>
    %dma_start3A_15 = tpu.memref_slice %arg3[%add3A_13] : memref<320000xi32, #tpu.memory_space<hbm>> -> memref<80xi32, #tpu.memory_space<hbm>>
    tpu.enqueue_dma source(%dma_start3A_15 : memref<80xi32, #tpu.memory_space<hbm>>) target(%arg7 : memref<80xi32, #tpu.memory_space<vmem>>) target_semaphore(%arg19 : memref<!tpu.dma_semaphore, #tpu.memory_space<semaphore_mem>>)
    %add3A_16 = arith.constant 80 : i32
    %add3A_17 = arith.addi %mul3A_4, %add3A_16 : i32
    %dma_start3A_18 = tpu.memref_slice %arg4[%add3A_17] : memref<320000xi32, #tpu.memory_space<hbm>> -> memref<80xi32, #tpu.memory_space<hbm>>
    %dma_start3A_19 = tpu.memref_slice %arg4[%add3A_17] : memref<320000xi32, #tpu.memory_space<hbm>> -> memref<80xi32, #tpu.memory_space<hbm>>
    tpu.enqueue_dma source(%dma_start3A_19 : memref<80xi32, #tpu.memory_space<hbm>>) target(%arg11 : memref<80xi32, #tpu.memory_space<vmem>>) target_semaphore(%arg19 : memref<!tpu.dma_semaphore, #tpu.memory_space<semaphore_mem>>)
    %add3A_20 = arith.constant 160 : i32
    %add3A_21 = arith.addi %mul3A_4, %add3A_20 : i32
    %dma_start3A_22 = tpu.memref_slice %arg3[%add3A_21] : memref<320000xi32, #tpu.memory_space<hbm>> -> memref<80xi32, #tpu.memory_space<hbm>>
    %dma_start3A_23 = tpu.memref_slice %arg3[%add3A_21] : memref<320000xi32, #tpu.memory_space<hbm>> -> memref<80xi32, #tpu.memory_space<hbm>>
    tpu.enqueue_dma source(%dma_start3A_23 : memref<80xi32, #tpu.memory_space<hbm>>) target(%arg8 : memref<80xi32, #tpu.memory_space<vmem>>) target_semaphore(%arg20 : memref<!tpu.dma_semaphore, #tpu.memory_space<semaphore_mem>>)
    %add3A_24 = arith.constant 160 : i32
    %add3A_25 = arith.addi %mul3A_4, %add3A_24 : i32
    %dma_start3A_26 = tpu.memref_slice %arg4[%add3A_25] : memref<320000xi32, #tpu.memory_space<hbm>> -> memref<80xi32, #tpu.memory_space<hbm>>
    %dma_start3A_27 = tpu.memref_slice %arg4[%add3A_25] : memref<320000xi32, #tpu.memory_space<hbm>> -> memref<80xi32, #tpu.memory_space<hbm>>
    tpu.enqueue_dma source(%dma_start3A_27 : memref<80xi32, #tpu.memory_space<hbm>>) target(%arg12 : memref<80xi32, #tpu.memory_space<vmem>>) target_semaphore(%arg20 : memref<!tpu.dma_semaphore, #tpu.memory_space<semaphore_mem>>)
    %broadcast_in_dim3A = arith.constant 0.000000e+00 : f32
    %broadcast_in_dim3A_28 = vector.broadcast %broadcast_in_dim3A : f32 to vector<16xf32>
    %scan3A = arith.constant 0 : i32
    %scan3A_29 = arith.constant 0 : i32
    %scan3A_30 = arith.constant 80 : i32
    %scan3A_31 = arith.addi %scan3A_29, %scan3A_30 : i32
    %scan3A_32 = arith.constant 1 : i32
    scf.for %scan3A_90 = %scan3A_29 to %scan3A_31 step %scan3A_32  : i32 {
      %swap3A = arith.index_cast %scan3A_90 : i32 to index
      %swap3A_91 = arith.constant 0 : index
      %swap3A_92 = tpu.vector_load %arg14[%swap3A, %swap3A_91] {strides = array<i32>} : memref<80x128xf32, #tpu.memory_space<vmem>>, vector<1x16xf32>,
      %swap3A_93 = vector.shape_cast %swap3A_92 : vector<1x16xf32> to vector<16xf32>
      %swap3A_94 = vector.shape_cast %broadcast_in_dim3A_28 : vector<16xf32> to vector<1x16xf32>
      tpu.vector_store %arg14[%swap3A, %swap3A_91], %swap3A_94 {strides = array<i32>} : memref<80x128xf32, #tpu.memory_space<vmem>>, vector<1x16xf32>,
      %swap3A_95 = arith.index_cast %scan3A_90 : i32 to index
      %swap3A_96 = arith.constant 16 : index
      %swap3A_97 = tpu.vector_load %arg14[%swap3A_95, %swap3A_96] {strides = array<i32>} : memref<80x128xf32, #tpu.memory_space<vmem>>, vector<1x16xf32>,
      %swap3A_98 = vector.shape_cast %swap3A_97 : vector<1x16xf32> to vector<16xf32>
      %swap3A_99 = vector.shape_cast %broadcast_in_dim3A_28 : vector<16xf32> to vector<1x16xf32>
      tpu.vector_store %arg14[%swap3A_95, %swap3A_96], %swap3A_99 {strides = array<i32>} : memref<80x128xf32, #tpu.memory_space<vmem>>, vector<1x16xf32>,
      %swap3A_100 = arith.index_cast %scan3A_90 : i32 to index
      %swap3A_101 = arith.constant 32 : index
      %swap3A_102 = tpu.vector_load %arg14[%swap3A_100, %swap3A_101] {strides = array<i32>} : memref<80x128xf32, #tpu.memory_space<vmem>>, vector<1x16xf32>,
      %swap3A_103 = vector.shape_cast %swap3A_102 : vector<1x16xf32> to vector<16xf32>
      %swap3A_104 = vector.shape_cast %broadcast_in_dim3A_28 : vector<16xf32> to vector<1x16xf32>
      tpu.vector_store %arg14[%swap3A_100, %swap3A_101], %swap3A_104 {strides = array<i32>} : memref<80x128xf32, #tpu.memory_space<vmem>>, vector<1x16xf32>,
      %swap3A_105 = arith.index_cast %scan3A_90 : i32 to index
      %swap3A_106 = arith.constant 48 : index
      %swap3A_107 = tpu.vector_load %arg14[%swap3A_105, %swap3A_106] {strides = array<i32>} : memref<80x128xf32, #tpu.memory_space<vmem>>, vector<1x16xf32>,
      %swap3A_108 = vector.shape_cast %swap3A_107 : vector<1x16xf32> to vector<16xf32>
      %swap3A_109 = vector.shape_cast %broadcast_in_dim3A_28 : vector<16xf32> to vector<1x16xf32>
      tpu.vector_store %arg14[%swap3A_105, %swap3A_106], %swap3A_109 {strides = array<i32>} : memref<80x128xf32, #tpu.memory_space<vmem>>, vector<1x16xf32>,
      %swap3A_110 = arith.index_cast %scan3A_90 : i32 to index
      %swap3A_111 = arith.constant 64 : index
      %swap3A_112 = tpu.vector_load %arg14[%swap3A_110, %swap3A_111] {strides = array<i32>} : memref<80x128xf32, #tpu.memory_space<vmem>>, vector<1x16xf32>,
      %swap3A_113 = vector.shape_cast %swap3A_112 : vector<1x16xf32> to vector<16xf32>
      %swap3A_114 = vector.shape_cast %broadcast_in_dim3A_28 : vector<16xf32> to vector<1x16xf32>
      tpu.vector_store %arg14[%swap3A_110, %swap3A_111], %swap3A_114 {strides = array<i32>} : memref<80x128xf32, #tpu.memory_space<vmem>>, vector<1x16xf32>,
      %swap3A_115 = arith.index_cast %scan3A_90 : i32 to index
      %swap3A_116 = arith.constant 80 : index
      %swap3A_117 = tpu.vector_load %arg14[%swap3A_115, %swap3A_116] {strides = array<i32>} : memref<80x128xf32, #tpu.memory_space<vmem>>, vector<1x16xf32>,
      %swap3A_118 = vector.shape_cast %swap3A_117 : vector<1x16xf32> to vector<16xf32>
      %swap3A_119 = vector.shape_cast %broadcast_in_dim3A_28 : vector<16xf32> to vector<1x16xf32>
      tpu.vector_store %arg14[%swap3A_115, %swap3A_116], %swap3A_119 {strides = array<i32>} : memref<80x128xf32, #tpu.memory_space<vmem>>, vector<1x16xf32>,
      %swap3A_120 = arith.index_cast %scan3A_90 : i32 to index
      %swap3A_121 = arith.constant 96 : index
      %swap3A_122 = tpu.vector_load %arg14[%swap3A_120, %swap3A_121] {strides = array<i32>} : memref<80x128xf32, #tpu.memory_space<vmem>>, vector<1x16xf32>,
      %swap3A_123 = vector.shape_cast %swap3A_122 : vector<1x16xf32> to vector<16xf32>
      %swap3A_124 = vector.shape_cast %broadcast_in_dim3A_28 : vector<16xf32> to vector<1x16xf32>
      tpu.vector_store %arg14[%swap3A_120, %swap3A_121], %swap3A_124 {strides = array<i32>} : memref<80x128xf32, #tpu.memory_space<vmem>>, vector<1x16xf32>,
      %swap3A_125 = arith.index_cast %scan3A_90 : i32 to index
      %swap3A_126 = arith.constant 112 : index
      %swap3A_127 = tpu.vector_load %arg14[%swap3A_125, %swap3A_126] {strides = array<i32>} : memref<80x128xf32, #tpu.memory_space<vmem>>, vector<1x16xf32>,
      %swap3A_128 = vector.shape_cast %swap3A_127 : vector<1x16xf32> to vector<16xf32>
      %swap3A_129 = vector.shape_cast %broadcast_in_dim3A_28 : vector<16xf32> to vector<1x16xf32>
      tpu.vector_store %arg14[%swap3A_125, %swap3A_126], %swap3A_129 {strides = array<i32>} : memref<80x128xf32, #tpu.memory_space<vmem>>, vector<1x16xf32>,
    }
    %scan3A_33 = arith.constant 80 : i32
    %add3A_34 = arith.constant 0 : i32
    %add3A_35 = arith.addi %mul3A_2, %add3A_34 : i32
    "tpu.region"() ({
      %run_scoped3A = tpu.sem_alloc : memref<!tpu.dma_semaphore, #tpu.memory_space<semaphore_mem>>
      %dma_start3A_90 = arith.constant 0 : i32
      %dma_start3A_91 = tpu.memref_slice %arg30[%add3A_35, %dma_start3A_90] : memref<10112x128xf32, #tpu.memory_space<vmem_shared>> -> memref<80x128xf32, #tpu.memory_space<vmem_shared>>
      %dma_start3A_92 = arith.constant 0 : i32
      %dma_start3A_93 = tpu.memref_slice %arg30[%add3A_35, %dma_start3A_92] : memref<10112x128xf32, #tpu.memory_space<vmem_shared>> -> memref<80x128xf32, #tpu.memory_space<vmem_shared>>
      tpu.enqueue_dma source(%arg14 : memref<80x128xf32, #tpu.memory_space<vmem>>) target(%dma_start3A_93 : memref<80x128xf32, #tpu.memory_space<vmem_shared>>) target_semaphore(%run_scoped3A : memref<!tpu.dma_semaphore, #tpu.memory_space<semaphore_mem>>)
      %dma_wait3A_94 = arith.constant 0 : i32
      %dma_wait3A_95 = tpu.memref_slice %arg30[%add3A_35, %dma_wait3A_94] : memref<10112x128xf32, #tpu.memory_space<vmem_shared>> -> memref<80x128xf32, #tpu.memory_space<vmem_shared>>
      %dma_wait3A_96 = arith.constant 0 : i32
      %dma_wait3A_97 = tpu.memref_slice %arg30[%add3A_35, %dma_wait3A_96] : memref<10112x128xf32, #tpu.memory_space<vmem_shared>> -> memref<80x128xf32, #tpu.memory_space<vmem_shared>>
      tpu.wait_dma2 semaphore(%run_scoped3A : memref<!tpu.dma_semaphore, #tpu.memory_space<semaphore_mem>>) src(%arg14 : memref<80x128xf32, #tpu.memory_space<vmem>>) dst(%dma_wait3A_97 : memref<80x128xf32, #tpu.memory_space<vmem_shared>>)
      tpu.yield
    }) : () -> ()
    %add3A_36 = arith.constant 80 : i32
    %add3A_37 = arith.addi %mul3A_2, %add3A_36 : i32
    "tpu.region"() ({
      %run_scoped3A = tpu.sem_alloc : memref<!tpu.dma_semaphore, #tpu.memory_space<semaphore_mem>>
      %dma_start3A_90 = arith.constant 0 : i32
      %dma_start3A_91 = tpu.memref_slice %arg30[%add3A_37, %dma_start3A_90] : memref<10112x128xf32, #tpu.memory_space<vmem_shared>> -> memref<80x128xf32, #tpu.memory_space<vmem_shared>>
      %dma_start3A_92 = arith.constant 0 : i32
      %dma_start3A_93 = tpu.memref_slice %arg30[%add3A_37, %dma_start3A_92] : memref<10112x128xf32, #tpu.memory_space<vmem_shared>> -> memref<80x128xf32, #tpu.memory_space<vmem_shared>>
      tpu.enqueue_dma source(%arg14 : memref<80x128xf32, #tpu.memory_space<vmem>>) target(%dma_start3A_93 : memref<80x128xf32, #tpu.memory_space<vmem_shared>>) target_semaphore(%run_scoped3A : memref<!tpu.dma_semaphore, #tpu.memory_space<semaphore_mem>>)
      %dma_wait3A_94 = arith.constant 0 : i32
      %dma_wait3A_95 = tpu.memref_slice %arg30[%add3A_37, %dma_wait3A_94] : memref<10112x128xf32, #tpu.memory_space<vmem_shared>> -> memref<80x128xf32, #tpu.memory_space<vmem_shared>>
      %dma_wait3A_96 = arith.constant 0 : i32
      %dma_wait3A_97 = tpu.memref_slice %arg30[%add3A_37, %dma_wait3A_96] : memref<10112x128xf32, #tpu.memory_space<vmem_shared>> -> memref<80x128xf32, #tpu.memory_space<vmem_shared>>
      tpu.wait_dma2 semaphore(%run_scoped3A : memref<!tpu.dma_semaphore, #tpu.memory_space<semaphore_mem>>) src(%arg14 : memref<80x128xf32, #tpu.memory_space<vmem>>) dst(%dma_wait3A_97 : memref<80x128xf32, #tpu.memory_space<vmem_shared>>)
      tpu.yield
    }) : () -> ()
    %add3A_38 = arith.constant 160 : i32
    %add3A_39 = arith.addi %mul3A_2, %add3A_38 : i32
    "tpu.region"() ({
      %run_scoped3A = tpu.sem_alloc : memref<!tpu.dma_semaphore, #tpu.memory_space<semaphore_mem>>
      %dma_start3A_90 = arith.constant 0 : i32
      %dma_start3A_91 = tpu.memref_slice %arg30[%add3A_39, %dma_start3A_90] : memref<10112x128xf32, #tpu.memory_space<vmem_shared>> -> memref<80x128xf32, #tpu.memory_space<vmem_shared>>
      %dma_start3A_92 = arith.constant 0 : i32
      %dma_start3A_93 = tpu.memref_slice %arg30[%add3A_39, %dma_start3A_92] : memref<10112x128xf32, #tpu.memory_space<vmem_shared>> -> memref<80x128xf32, #tpu.memory_space<vmem_shared>>
      tpu.enqueue_dma source(%arg14 : memref<80x128xf32, #tpu.memory_space<vmem>>) target(%dma_start3A_93 : memref<80x128xf32, #tpu.memory_space<vmem_shared>>) target_semaphore(%run_scoped3A : memref<!tpu.dma_semaphore, #tpu.memory_space<semaphore_mem>>)
      %dma_wait3A_94 = arith.constant 0 : i32
      %dma_wait3A_95 = tpu.memref_slice %arg30[%add3A_39, %dma_wait3A_94] : memref<10112x128xf32, #tpu.memory_space<vmem_shared>> -> memref<80x128xf32, #tpu.memory_space<vmem_shared>>
      %dma_wait3A_96 = arith.constant 0 : i32
      %dma_wait3A_97 = tpu.memref_slice %arg30[%add3A_39, %dma_wait3A_96] : memref<10112x128xf32, #tpu.memory_space<vmem_shared>> -> memref<80x128xf32, #tpu.memory_space<vmem_shared>>
      tpu.wait_dma2 semaphore(%run_scoped3A : memref<!tpu.dma_semaphore, #tpu.memory_space<semaphore_mem>>) src(%arg14 : memref<80x128xf32, #tpu.memory_space<vmem>>) dst(%dma_wait3A_97 : memref<80x128xf32, #tpu.memory_space<vmem_shared>>)
      tpu.yield
    }) : () -> ()
    %add3A_40 = arith.constant 240 : i32
    %add3A_41 = arith.addi %mul3A_2, %add3A_40 : i32
    "tpu.region"() ({
      %run_scoped3A = tpu.sem_alloc : memref<!tpu.dma_semaphore, #tpu.memory_space<semaphore_mem>>
      %dma_start3A_90 = arith.constant 0 : i32
      %dma_start3A_91 = tpu.memref_slice %arg30[%add3A_41, %dma_start3A_90] : memref<10112x128xf32, #tpu.memory_space<vmem_shared>> -> memref<80x128xf32, #tpu.memory_space<vmem_shared>>
      %dma_start3A_92 = arith.constant 0 : i32
      %dma_start3A_93 = tpu.memref_slice %arg30[%add3A_41, %dma_start3A_92] : memref<10112x128xf32, #tpu.memory_space<vmem_shared>> -> memref<80x128xf32, #tpu.memory_space<vmem_shared>>
      tpu.enqueue_dma source(%arg14 : memref<80x128xf32, #tpu.memory_space<vmem>>) target(%dma_start3A_93 : memref<80x128xf32, #tpu.memory_space<vmem_shared>>) target_semaphore(%run_scoped3A : memref<!tpu.dma_semaphore, #tpu.memory_space<semaphore_mem>>)
      %dma_wait3A_94 = arith.constant 0 : i32
      %dma_wait3A_95 = tpu.memref_slice %arg30[%add3A_41, %dma_wait3A_94] : memref<10112x128xf32, #tpu.memory_space<vmem_shared>> -> memref<80x128xf32, #tpu.memory_space<vmem_shared>>
      %dma_wait3A_96 = arith.constant 0 : i32
      %dma_wait3A_97 = tpu.memref_slice %arg30[%add3A_41, %dma_wait3A_96] : memref<10112x128xf32, #tpu.memory_space<vmem_shared>> -> memref<80x128xf32, #tpu.memory_space<vmem_shared>>
      tpu.wait_dma2 semaphore(%run_scoped3A : memref<!tpu.dma_semaphore, #tpu.memory_space<semaphore_mem>>) src(%arg14 : memref<80x128xf32, #tpu.memory_space<vmem>>) dst(%dma_wait3A_97 : memref<80x128xf32, #tpu.memory_space<vmem_shared>>)
      tpu.yield
    }) : () -> ()
    %add3A_42 = arith.constant 320 : i32
    %add3A_43 = arith.addi %mul3A_2, %add3A_42 : i32
    "tpu.region"() ({
      %run_scoped3A = tpu.sem_alloc : memref<!tpu.dma_semaphore, #tpu.memory_space<semaphore_mem>>
      %dma_start3A_90 = arith.constant 0 : i32
      %dma_start3A_91 = tpu.memref_slice %arg30[%add3A_43, %dma_start3A_90] : memref<10112x128xf32, #tpu.memory_space<vmem_shared>> -> memref<80x128xf32, #tpu.memory_space<vmem_shared>>
      %dma_start3A_92 = arith.constant 0 : i32
      %dma_start3A_93 = tpu.memref_slice %arg30[%add3A_43, %dma_start3A_92] : memref<10112x128xf32, #tpu.memory_space<vmem_shared>> -> memref<80x128xf32, #tpu.memory_space<vmem_shared>>
      tpu.enqueue_dma source(%arg14 : memref<80x128xf32, #tpu.memory_space<vmem>>) target(%dma_start3A_93 : memref<80x128xf32, #tpu.memory_space<vmem_shared>>) target_semaphore(%run_scoped3A : memref<!tpu.dma_semaphore, #tpu.memory_space<semaphore_mem>>)
      %dma_wait3A_94 = arith.constant 0 : i32
      %dma_wait3A_95 = tpu.memref_slice %arg30[%add3A_43, %dma_wait3A_94] : memref<10112x128xf32, #tpu.memory_space<vmem_shared>> -> memref<80x128xf32, #tpu.memory_space<vmem_shared>>
      %dma_wait3A_96 = arith.constant 0 : i32
      %dma_wait3A_97 = tpu.memref_slice %arg30[%add3A_43, %dma_wait3A_96] : memref<10112x128xf32, #tpu.memory_space<vmem_shared>> -> memref<80x128xf32, #tpu.memory_space<vmem_shared>>
      tpu.wait_dma2 semaphore(%run_scoped3A : memref<!tpu.dma_semaphore, #tpu.memory_space<semaphore_mem>>) src(%arg14 : memref<80x128xf32, #tpu.memory_space<vmem>>) dst(%dma_wait3A_97 : memref<80x128xf32, #tpu.memory_space<vmem_shared>>)
      tpu.yield
    }) : () -> ()
    %add3A_44 = arith.constant 400 : i32
    %add3A_45 = arith.addi %mul3A_2, %add3A_44 : i32
    "tpu.region"() ({
      %run_scoped3A = tpu.sem_alloc : memref<!tpu.dma_semaphore, #tpu.memory_space<semaphore_mem>>
      %dma_start3A_90 = arith.constant 0 : i32
      %dma_start3A_91 = tpu.memref_slice %arg30[%add3A_45, %dma_start3A_90] : memref<10112x128xf32, #tpu.memory_space<vmem_shared>> -> memref<80x128xf32, #tpu.memory_space<vmem_shared>>
      %dma_start3A_92 = arith.constant 0 : i32
      %dma_start3A_93 = tpu.memref_slice %arg30[%add3A_45, %dma_start3A_92] : memref<10112x128xf32, #tpu.memory_space<vmem_shared>> -> memref<80x128xf32, #tpu.memory_space<vmem_shared>>
      tpu.enqueue_dma source(%arg14 : memref<80x128xf32, #tpu.memory_space<vmem>>) target(%dma_start3A_93 : memref<80x128xf32, #tpu.memory_space<vmem_shared>>) target_semaphore(%run_scoped3A : memref<!tpu.dma_semaphore, #tpu.memory_space<semaphore_mem>>)
      %dma_wait3A_94 = arith.constant 0 : i32
      %dma_wait3A_95 = tpu.memref_slice %arg30[%add3A_45, %dma_wait3A_94] : memref<10112x128xf32, #tpu.memory_space<vmem_shared>> -> memref<80x128xf32, #tpu.memory_space<vmem_shared>>
      %dma_wait3A_96 = arith.constant 0 : i32
      %dma_wait3A_97 = tpu.memref_slice %arg30[%add3A_45, %dma_wait3A_96] : memref<10112x128xf32, #tpu.memory_space<vmem_shared>> -> memref<80x128xf32, #tpu.memory_space<vmem_shared>>
      tpu.wait_dma2 semaphore(%run_scoped3A : memref<!tpu.dma_semaphore, #tpu.memory_space<semaphore_mem>>) src(%arg14 : memref<80x128xf32, #tpu.memory_space<vmem>>) dst(%dma_wait3A_97 : memref<80x128xf32, #tpu.memory_space<vmem_shared>>)
      tpu.yield
    }) : () -> ()
    %add3A_46 = arith.constant 480 : i32
    %add3A_47 = arith.addi %mul3A_2, %add3A_46 : i32
    "tpu.region"() ({
      %run_scoped3A = tpu.sem_alloc : memref<!tpu.dma_semaphore, #tpu.memory_space<semaphore_mem>>
      %dma_start3A_90 = arith.constant 0 : i32
      %dma_start3A_91 = tpu.memref_slice %arg30[%add3A_47, %dma_start3A_90] : memref<10112x128xf32, #tpu.memory_space<vmem_shared>> -> memref<80x128xf32, #tpu.memory_space<vmem_shared>>
      %dma_start3A_92 = arith.constant 0 : i32
      %dma_start3A_93 = tpu.memref_slice %arg30[%add3A_47, %dma_start3A_92] : memref<10112x128xf32, #tpu.memory_space<vmem_shared>> -> memref<80x128xf32, #tpu.memory_space<vmem_shared>>
      tpu.enqueue_dma source(%arg14 : memref<80x128xf32, #tpu.memory_space<vmem>>) target(%dma_start3A_93 : memref<80x128xf32, #tpu.memory_space<vmem_shared>>) target_semaphore(%run_scoped3A : memref<!tpu.dma_semaphore, #tpu.memory_space<semaphore_mem>>)
      %dma_wait3A_94 = arith.constant 0 : i32
      %dma_wait3A_95 = tpu.memref_slice %arg30[%add3A_47, %dma_wait3A_94] : memref<10112x128xf32, #tpu.memory_space<vmem_shared>> -> memref<80x128xf32, #tpu.memory_space<vmem_shared>>
      %dma_wait3A_96 = arith.constant 0 : i32
      %dma_wait3A_97 = tpu.memref_slice %arg30[%add3A_47, %dma_wait3A_96] : memref<10112x128xf32, #tpu.memory_space<vmem_shared>> -> memref<80x128xf32, #tpu.memory_space<vmem_shared>>
      tpu.wait_dma2 semaphore(%run_scoped3A : memref<!tpu.dma_semaphore, #tpu.memory_space<semaphore_mem>>) src(%arg14 : memref<80x128xf32, #tpu.memory_space<vmem>>) dst(%dma_wait3A_97 : memref<80x128xf32, #tpu.memory_space<vmem_shared>>)
      tpu.yield
    }) : () -> ()
    %add3A_48 = arith.constant 560 : i32
    %add3A_49 = arith.addi %mul3A_2, %add3A_48 : i32
    "tpu.region"() ({
      %run_scoped3A = tpu.sem_alloc : memref<!tpu.dma_semaphore, #tpu.memory_space<semaphore_mem>>
      %dma_start3A_90 = arith.constant 0 : i32
      %dma_start3A_91 = arith.constant 0 : i32
      %dma_start3A_92 = tpu.memref_slice %arg14[%dma_start3A_90, %dma_start3A_91] : memref<80x128xf32, #tpu.memory_space<vmem>> -> memref<72x128xf32, #tpu.memory_space<vmem>>
      %dma_start3A_93 = arith.constant 0 : i32
      %dma_start3A_94 = tpu.memref_slice %arg30[%add3A_49, %dma_start3A_93] : memref<10112x128xf32, #tpu.memory_space<vmem_shared>> -> memref<72x128xf32, #tpu.memory_space<vmem_shared>>
      %dma_start3A_95 = arith.constant 0 : i32
      %dma_start3A_96 = tpu.memref_slice %arg30[%add3A_49, %dma_start3A_95] : memref<10112x128xf32, #tpu.memory_space<vmem_shared>> -> memref<72x128xf32, #tpu.memory_space<vmem_shared>>
      %dma_start3A_97 = arith.constant 0 : i32
      %dma_start3A_98 = arith.constant 0 : i32
      %dma_start3A_99 = tpu.memref_slice %arg14[%dma_start3A_97, %dma_start3A_98] : memref<80x128xf32, #tpu.memory_space<vmem>> -> memref<72x128xf32, #tpu.memory_space<vmem>>
      tpu.enqueue_dma source(%dma_start3A_99 : memref<72x128xf32, #tpu.memory_space<vmem>>) target(%dma_start3A_96 : memref<72x128xf32, #tpu.memory_space<vmem_shared>>) target_semaphore(%run_scoped3A : memref<!tpu.dma_semaphore, #tpu.memory_space<semaphore_mem>>)
      %dma_wait3A_100 = arith.constant 0 : i32
      %dma_wait3A_101 = arith.constant 0 : i32
      %dma_wait3A_102 = tpu.memref_slice %arg14[%dma_wait3A_100, %dma_wait3A_101] : memref<80x128xf32, #tpu.memory_space<vmem>> -> memref<72x128xf32, #tpu.memory_space<vmem>>
      %dma_wait3A_103 = arith.constant 0 : i32
      %dma_wait3A_104 = tpu.memref_slice %arg30[%add3A_49, %dma_wait3A_103] : memref<10112x128xf32, #tpu.memory_space<vmem_shared>> -> memref<72x128xf32, #tpu.memory_space<vmem_shared>>
      %dma_wait3A_105 = arith.constant 0 : i32
      %dma_wait3A_106 = tpu.memref_slice %arg30[%add3A_49, %dma_wait3A_105] : memref<10112x128xf32, #tpu.memory_space<vmem_shared>> -> memref<72x128xf32, #tpu.memory_space<vmem_shared>>
      %dma_wait3A_107 = arith.constant 0 : i32
      %dma_wait3A_108 = arith.constant 0 : i32
      %dma_wait3A_109 = tpu.memref_slice %arg14[%dma_wait3A_107, %dma_wait3A_108] : memref<80x128xf32, #tpu.memory_space<vmem>> -> memref<72x128xf32, #tpu.memory_space<vmem>>
      tpu.wait_dma2 semaphore(%run_scoped3A : memref<!tpu.dma_semaphore, #tpu.memory_space<semaphore_mem>>) src(%dma_wait3A_109 : memref<72x128xf32, #tpu.memory_space<vmem>>) dst(%dma_wait3A_106 : memref<72x128xf32, #tpu.memory_space<vmem_shared>>)
      tpu.yield
    }) : () -> ()
    %add3A_50 = arith.constant 0 : i32
    %add3A_51 = arith.addi %mul3A_4, %add3A_50 : i32
    %dma_wait3A = tpu.memref_slice %arg3[%add3A_51] : memref<320000xi32, #tpu.memory_space<hbm>> -> memref<80xi32, #tpu.memory_space<hbm>>
    %dma_wait3A_52 = tpu.memref_slice %arg3[%add3A_51] : memref<320000xi32, #tpu.memory_space<hbm>> -> memref<80xi32, #tpu.memory_space<hbm>>
    tpu.wait_dma2 semaphore(%arg18 : memref<!tpu.dma_semaphore, #tpu.memory_space<semaphore_mem>>) src(%dma_wait3A_52 : memref<80xi32, #tpu.memory_space<hbm>>) dst(%arg6 : memref<80xi32, #tpu.memory_space<vmem>>)
    %add3A_53 = arith.constant 0 : i32
    %add3A_54 = arith.addi %mul3A_4, %add3A_53 : i32
    %dma_wait3A_55 = tpu.memref_slice %arg4[%add3A_54] : memref<320000xi32, #tpu.memory_space<hbm>> -> memref<80xi32, #tpu.memory_space<hbm>>
    %dma_wait3A_56 = tpu.memref_slice %arg4[%add3A_54] : memref<320000xi32, #tpu.memory_space<hbm>> -> memref<80xi32, #tpu.memory_space<hbm>>
    tpu.wait_dma2 semaphore(%arg18 : memref<!tpu.dma_semaphore, #tpu.memory_space<semaphore_mem>>) src(%dma_wait3A_56 : memref<80xi32, #tpu.memory_space<hbm>>) dst(%arg10 : memref<80xi32, #tpu.memory_space<vmem>>)
    %dma_start3A_57 = arith.constant 0 : i32
    %dma_start3A_58 = arith.constant 0 : i32
    %dma_start3A_59 = tpu.memref_slice %arg2[%dma_start3A_57, %dma_start3A_58] : memref<40000x128xf32, #tpu.memory_space<hbm>> -> memref<40000x128xf32, #tpu.memory_space<hbm>>
    tpu.enqueue_indirect_dma source(%dma_start3A_59 : memref<40000x128xf32, #tpu.memory_space<hbm>>) target(%arg14 : memref<80x128xf32, #tpu.memory_space<vmem>>) offsets(%arg6 : memref<80xi32, #tpu.memory_space<vmem>>) semaphore(%arg22 : memref<!tpu.dma_semaphore, #tpu.memory_space<semaphore_mem>>)
    %add3A_60 = arith.constant 80 : i32
    %add3A_61 = arith.addi %mul3A_4, %add3A_60 : i32
    %dma_wait3A_62 = tpu.memref_slice %arg3[%add3A_61] : memref<320000xi32, #tpu.memory_space<hbm>> -> memref<80xi32, #tpu.memory_space<hbm>>
    %dma_wait3A_63 = tpu.memref_slice %arg3[%add3A_61] : memref<320000xi32, #tpu.memory_space<hbm>> -> memref<80xi32, #tpu.memory_space<hbm>>
    tpu.wait_dma2 semaphore(%arg19 : memref<!tpu.dma_semaphore, #tpu.memory_space<semaphore_mem>>) src(%dma_wait3A_63 : memref<80xi32, #tpu.memory_space<hbm>>) dst(%arg7 : memref<80xi32, #tpu.memory_space<vmem>>)
    %add3A_64 = arith.constant 80 : i32
    %add3A_65 = arith.addi %mul3A_4, %add3A_64 : i32
    %dma_wait3A_66 = tpu.memref_slice %arg4[%add3A_65] : memref<320000xi32, #tpu.memory_space<hbm>> -> memref<80xi32, #tpu.memory_space<hbm>>
    %dma_wait3A_67 = tpu.memref_slice %arg4[%add3A_65] : memref<320000xi32, #tpu.memory_space<hbm>> -> memref<80xi32, #tpu.memory_space<hbm>>
    tpu.wait_dma2 semaphore(%arg19 : memref<!tpu.dma_semaphore, #tpu.memory_space<semaphore_mem>>) src(%dma_wait3A_67 : memref<80xi32, #tpu.memory_space<hbm>>) dst(%arg11 : memref<80xi32, #tpu.memory_space<vmem>>)
    %dma_start3A_68 = arith.constant 0 : i32
    %dma_start3A_69 = arith.constant 0 : i32
    %dma_start3A_70 = tpu.memref_slice %arg2[%dma_start3A_68, %dma_start3A_69] : memref<40000x128xf32, #tpu.memory_space<hbm>> -> memref<40000x128xf32, #tpu.memory_space<hbm>>
    tpu.enqueue_indirect_dma source(%dma_start3A_70 : memref<40000x128xf32, #tpu.memory_space<hbm>>) target(%arg15 : memref<80x128xf32, #tpu.memory_space<vmem>>) offsets(%arg7 : memref<80xi32, #tpu.memory_space<vmem>>) semaphore(%arg23 : memref<!tpu.dma_semaphore, #tpu.memory_space<semaphore_mem>>)
    %barrier3A = arith.constant 0 : index
    tpu.barrier barrier_id(%barrier3A)
    %scan3A_71 = arith.constant 0 : i32
    %scan3A_72 = arith.constant 0 : i32
    %scan3A_73 = arith.constant 31 : i32
    %scan3A_74 = arith.addi %scan3A_72, %scan3A_73 : i32
    %scan3A_75 = arith.constant 1 : i32
    scf.for %scan3A_90 = %scan3A_72 to %scan3A_74 step %scan3A_75  : i32 {
      %mul3A_91 = arith.constant 4 : i32
      %mul3A_92 = arith.muli %mul3A_91, %scan3A_90 : i32
      %add3A_93 = arith.constant 0 : i32
      %add3A_94 = arith.addi %mul3A_92, %add3A_93 : i32
      %dma_wait3A_95 = arith.constant 0 : i32
      %dma_wait3A_96 = arith.constant 0 : i32
      %dma_wait3A_97 = tpu.memref_slice %arg2[%dma_wait3A_95, %dma_wait3A_96] : memref<40000x128xf32, #tpu.memory_space<hbm>> -> memref<40000x128xf32, #tpu.memory_space<hbm>>
      tpu.wait_indirect_dma semaphore(%arg22 : memref<!tpu.dma_semaphore, #tpu.memory_space<semaphore_mem>>) src(%dma_wait3A_97 : memref<40000x128xf32, #tpu.memory_space<hbm>>) dst(%arg14 : memref<80x128xf32, #tpu.memory_space<vmem>>)
      %dma_start3A_98 = arith.constant 0 : i32
      %dma_start3A_99 = arith.constant 0 : i32
      %dma_start3A_100 = tpu.memref_slice %arg30[%dma_start3A_98, %dma_start3A_99] : memref<10112x128xf32, #tpu.memory_space<vmem_shared>> -> memref<10112x128xf32, #tpu.memory_space<vmem_shared>>
      tpu.enqueue_indirect_dma source(%arg14 : memref<80x128xf32, #tpu.memory_space<vmem>>) target(%dma_start3A_100 : memref<10112x128xf32, #tpu.memory_space<vmem_shared>>) offsets(%arg10 : memref<80xi32, #tpu.memory_space<vmem>>) semaphore(%arg26 : memref<!tpu.dma_semaphore, #tpu.memory_space<semaphore_mem>>) {add = true}
      %ge3A = arith.constant 1 : i32
      %ge3A_101 = arith.cmpi sge, %add3A_94, %ge3A : i32
      %convert_element_type3A = arith.extui %ge3A_101 : i1 to i32
      %cond3A = arith.constant 0 : i32
      %cond3A_102 = arith.cmpi ne, %convert_element_type3A, %cond3A : i32
      scf.if %cond3A_102 {
        %dma_wait3A_197 = arith.constant 0 : i32
        %dma_wait3A_198 = arith.constant 0 : i32
        %dma_wait3A_199 = tpu.memref_slice %arg30[%dma_wait3A_197, %dma_wait3A_198] : memref<10112x128xf32, #tpu.memory_space<vmem_shared>> -> memref<10112x128xf32, #tpu.memory_space<vmem_shared>>
        tpu.wait_indirect_dma semaphore(%arg29 : memref<!tpu.dma_semaphore, #tpu.memory_space<semaphore_mem>>) src(%arg17 : memref<80x128xf32, #tpu.memory_space<vmem>>) dst(%dma_wait3A_199 : memref<10112x128xf32, #tpu.memory_space<vmem_shared>>)
      } else {
      }
      %add3A_103 = arith.constant 3 : i32
      %add3A_104 = arith.addi %add3A_94, %add3A_103 : i32
      %lt3A = arith.constant 125 : i32
      %lt3A_105 = arith.cmpi slt, %add3A_104, %lt3A : i32
      %convert_element_type3A_106 = arith.extui %lt3A_105 : i1 to i32
      %cond3A_107 = arith.constant 0 : i32
      %cond3A_108 = arith.cmpi ne, %convert_element_type3A_106, %cond3A_107 : i32
      scf.if %cond3A_108 {
        %add3A_197 = arith.constant 3 : i32
        %add3A_198 = arith.addi %add3A_94, %add3A_197 : i32
        %mul3A_199 = arith.constant 80 : i32
        %mul3A_200 = arith.muli %add3A_198, %mul3A_199 : i32
        %add3A_201 = arith.addi %mul3A_4, %mul3A_200 : i32
        %dma_start3A_202 = tpu.memref_slice %arg3[%add3A_201] : memref<320000xi32, #tpu.memory_space<hbm>> -> memref<80xi32, #tpu.memory_space<hbm>>
        %dma_start3A_203 = tpu.memref_slice %arg3[%add3A_201] : memref<320000xi32, #tpu.memory_space<hbm>> -> memref<80xi32, #tpu.memory_space<hbm>>
        tpu.enqueue_dma source(%dma_start3A_203 : memref<80xi32, #tpu.memory_space<hbm>>) target(%arg9 : memref<80xi32, #tpu.memory_space<vmem>>) target_semaphore(%arg21 : memref<!tpu.dma_semaphore, #tpu.memory_space<semaphore_mem>>)
        %mul3A_204 = arith.constant 80 : i32
        %mul3A_205 = arith.muli %add3A_198, %mul3A_204 : i32
        %add3A_206 = arith.addi %mul3A_4, %mul3A_205 : i32
        %dma_start3A_207 = tpu.memref_slice %arg4[%add3A_206] : memref<320000xi32, #tpu.memory_space<hbm>> -> memref<80xi32, #tpu.memory_space<hbm>>
        %dma_start3A_208 = tpu.memref_slice %arg4[%add3A_206] : memref<320000xi32, #tpu.memory_space<hbm>> -> memref<80xi32, #tpu.memory_space<hbm>>
        tpu.enqueue_dma source(%dma_start3A_208 : memref<80xi32, #tpu.memory_space<hbm>>) target(%arg13 : memref<80xi32, #tpu.memory_space<vmem>>) target_semaphore(%arg21 : memref<!tpu.dma_semaphore, #tpu.memory_space<semaphore_mem>>)
      } else {
      }
      %add3A_109 = arith.constant 2 : i32
      %add3A_110 = arith.addi %add3A_94, %add3A_109 : i32
      %lt3A_111 = arith.constant 125 : i32
      %lt3A_112 = arith.cmpi slt, %add3A_110, %lt3A_111 : i32
      %convert_element_type3A_113 = arith.extui %lt3A_112 : i1 to i32
      %cond3A_114 = arith.constant 0 : i32
      %cond3A_115 = arith.cmpi ne, %convert_element_type3A_113, %cond3A_114 : i32
      scf.if %cond3A_115 {
        %add3A_197 = arith.constant 2 : i32
        %add3A_198 = arith.addi %add3A_94, %add3A_197 : i32
        %mul3A_199 = arith.constant 80 : i32
        %mul3A_200 = arith.muli %add3A_198, %mul3A_199 : i32
        %add3A_201 = arith.addi %mul3A_4, %mul3A_200 : i32
        %dma_wait3A_202 = tpu.memref_slice %arg3[%add3A_201] : memref<320000xi32, #tpu.memory_space<hbm>> -> memref<80xi32, #tpu.memory_space<hbm>>
        %dma_wait3A_203 = tpu.memref_slice %arg3[%add3A_201] : memref<320000xi32, #tpu.memory_space<hbm>> -> memref<80xi32, #tpu.memory_space<hbm>>
        tpu.wait_dma2 semaphore(%arg20 : memref<!tpu.dma_semaphore, #tpu.memory_space<semaphore_mem>>) src(%dma_wait3A_203 : memref<80xi32, #tpu.memory_space<hbm>>) dst(%arg8 : memref<80xi32, #tpu.memory_space<vmem>>)
        %mul3A_204 = arith.constant 80 : i32
        %mul3A_205 = arith.muli %add3A_198, %mul3A_204 : i32
        %add3A_206 = arith.addi %mul3A_4, %mul3A_205 : i32
        %dma_wait3A_207 = tpu.memref_slice %arg4[%add3A_206] : memref<320000xi32, #tpu.memory_space<hbm>> -> memref<80xi32, #tpu.memory_space<hbm>>
        %dma_wait3A_208 = tpu.memref_slice %arg4[%add3A_206] : memref<320000xi32, #tpu.memory_space<hbm>> -> memref<80xi32, #tpu.memory_space<hbm>>
        tpu.wait_dma2 semaphore(%arg20 : memref<!tpu.dma_semaphore, #tpu.memory_space<semaphore_mem>>) src(%dma_wait3A_208 : memref<80xi32, #tpu.memory_space<hbm>>) dst(%arg12 : memref<80xi32, #tpu.memory_space<vmem>>)
        %dma_start3A_209 = arith.constant 0 : i32
        %dma_start3A_210 = arith.constant 0 : i32
        %dma_start3A_211 = tpu.memref_slice %arg2[%dma_start3A_209, %dma_start3A_210] : memref<40000x128xf32, #tpu.memory_space<hbm>> -> memref<40000x128xf32, #tpu.memory_space<hbm>>
        tpu.enqueue_indirect_dma source(%dma_start3A_211 : memref<40000x128xf32, #tpu.memory_space<hbm>>) target(%arg16 : memref<80x128xf32, #tpu.memory_space<vmem>>) offsets(%arg8 : memref<80xi32, #tpu.memory_space<vmem>>) semaphore(%arg24 : memref<!tpu.dma_semaphore, #tpu.memory_space<semaphore_mem>>)
      } else {
      }
      %add3A_116 = arith.constant 1 : i32
      %add3A_117 = arith.addi %mul3A_92, %add3A_116 : i32
      %dma_wait3A_118 = arith.constant 0 : i32
      %dma_wait3A_119 = arith.constant 0 : i32
      %dma_wait3A_120 = tpu.memref_slice %arg2[%dma_wait3A_118, %dma_wait3A_119] : memref<40000x128xf32, #tpu.memory_space<hbm>> -> memref<40000x128xf32, #tpu.memory_space<hbm>>
      tpu.wait_indirect_dma semaphore(%arg23 : memref<!tpu.dma_semaphore, #tpu.memory_space<semaphore_mem>>) src(%dma_wait3A_120 : memref<40000x128xf32, #tpu.memory_space<hbm>>) dst(%arg15 : memref<80x128xf32, #tpu.memory_space<vmem>>)
      %dma_start3A_121 = arith.constant 0 : i32
      %dma_start3A_122 = arith.constant 0 : i32
      %dma_start3A_123 = tpu.memref_slice %arg30[%dma_start3A_121, %dma_start3A_122] : memref<10112x128xf32, #tpu.memory_space<vmem_shared>> -> memref<10112x128xf32, #tpu.memory_space<vmem_shared>>
      tpu.enqueue_indirect_dma source(%arg15 : memref<80x128xf32, #tpu.memory_space<vmem>>) target(%dma_start3A_123 : memref<10112x128xf32, #tpu.memory_space<vmem_shared>>) offsets(%arg11 : memref<80xi32, #tpu.memory_space<vmem>>) semaphore(%arg27 : memref<!tpu.dma_semaphore, #tpu.memory_space<semaphore_mem>>) {add = true}
      %ge3A_124 = arith.constant 1 : i32
      %ge3A_125 = arith.cmpi sge, %add3A_117, %ge3A_124 : i32
      %convert_element_type3A_126 = arith.extui %ge3A_125 : i1 to i32
      %cond3A_127 = arith.constant 0 : i32
      %cond3A_128 = arith.cmpi ne, %convert_element_type3A_126, %cond3A_127 : i32
      scf.if %cond3A_128 {
        %dma_wait3A_197 = arith.constant 0 : i32
        %dma_wait3A_198 = arith.constant 0 : i32
        %dma_wait3A_199 = tpu.memref_slice %arg30[%dma_wait3A_197, %dma_wait3A_198] : memref<10112x128xf32, #tpu.memory_space<vmem_shared>> -> memref<10112x128xf32, #tpu.memory_space<vmem_shared>>
        tpu.wait_indirect_dma semaphore(%arg26 : memref<!tpu.dma_semaphore, #tpu.memory_space<semaphore_mem>>) src(%arg14 : memref<80x128xf32, #tpu.memory_space<vmem>>) dst(%dma_wait3A_199 : memref<10112x128xf32, #tpu.memory_space<vmem_shared>>)
      } else {
      }
      %add3A_129 = arith.constant 3 : i32
      %add3A_130 = arith.addi %add3A_117, %add3A_129 : i32
      %lt3A_131 = arith.constant 125 : i32
      %lt3A_132 = arith.cmpi slt, %add3A_130, %lt3A_131 : i32
      %convert_element_type3A_133 = arith.extui %lt3A_132 : i1 to i32
      %cond3A_134 = arith.constant 0 : i32
      %cond3A_135 = arith.cmpi ne, %convert_element_type3A_133, %cond3A_134 : i32
      scf.if %cond3A_135 {
        %add3A_197 = arith.constant 3 : i32
        %add3A_198 = arith.addi %add3A_117, %add3A_197 : i32
        %mul3A_199 = arith.constant 80 : i32
        %mul3A_200 = arith.muli %add3A_198, %mul3A_199 : i32
        %add3A_201 = arith.addi %mul3A_4, %mul3A_200 : i32
        %dma_start3A_202 = tpu.memref_slice %arg3[%add3A_201] : memref<320000xi32, #tpu.memory_space<hbm>> -> memref<80xi32, #tpu.memory_space<hbm>>
        %dma_start3A_203 = tpu.memref_slice %arg3[%add3A_201] : memref<320000xi32, #tpu.memory_space<hbm>> -> memref<80xi32, #tpu.memory_space<hbm>>
        tpu.enqueue_dma source(%dma_start3A_203 : memref<80xi32, #tpu.memory_space<hbm>>) target(%arg6 : memref<80xi32, #tpu.memory_space<vmem>>) target_semaphore(%arg18 : memref<!tpu.dma_semaphore, #tpu.memory_space<semaphore_mem>>)
        %mul3A_204 = arith.constant 80 : i32
        %mul3A_205 = arith.muli %add3A_198, %mul3A_204 : i32
        %add3A_206 = arith.addi %mul3A_4, %mul3A_205 : i32
        %dma_start3A_207 = tpu.memref_slice %arg4[%add3A_206] : memref<320000xi32, #tpu.memory_space<hbm>> -> memref<80xi32, #tpu.memory_space<hbm>>
        %dma_start3A_208 = tpu.memref_slice %arg4[%add3A_206] : memref<320000xi32, #tpu.memory_space<hbm>> -> memref<80xi32, #tpu.memory_space<hbm>>
        tpu.enqueue_dma source(%dma_start3A_208 : memref<80xi32, #tpu.memory_space<hbm>>) target(%arg10 : memref<80xi32, #tpu.memory_space<vmem>>) target_semaphore(%arg18 : memref<!tpu.dma_semaphore, #tpu.memory_space<semaphore_mem>>)
      } else {
      }
      %add3A_136 = arith.constant 2 : i32
      %add3A_137 = arith.addi %add3A_117, %add3A_136 : i32
      %lt3A_138 = arith.constant 125 : i32
      %lt3A_139 = arith.cmpi slt, %add3A_137, %lt3A_138 : i32
      %convert_element_type3A_140 = arith.extui %lt3A_139 : i1 to i32
      %cond3A_141 = arith.constant 0 : i32
      %cond3A_142 = arith.cmpi ne, %convert_element_type3A_140, %cond3A_141 : i32
      scf.if %cond3A_142 {
        %add3A_197 = arith.constant 2 : i32
        %add3A_198 = arith.addi %add3A_117, %add3A_197 : i32
        %mul3A_199 = arith.constant 80 : i32
        %mul3A_200 = arith.muli %add3A_198, %mul3A_199 : i32
        %add3A_201 = arith.addi %mul3A_4, %mul3A_200 : i32
        %dma_wait3A_202 = tpu.memref_slice %arg3[%add3A_201] : memref<320000xi32, #tpu.memory_space<hbm>> -> memref<80xi32, #tpu.memory_space<hbm>>
        %dma_wait3A_203 = tpu.memref_slice %arg3[%add3A_201] : memref<320000xi32, #tpu.memory_space<hbm>> -> memref<80xi32, #tpu.memory_space<hbm>>
        tpu.wait_dma2 semaphore(%arg21 : memref<!tpu.dma_semaphore, #tpu.memory_space<semaphore_mem>>) src(%dma_wait3A_203 : memref<80xi32, #tpu.memory_space<hbm>>) dst(%arg9 : memref<80xi32, #tpu.memory_space<vmem>>)
        %mul3A_204 = arith.constant 80 : i32
        %mul3A_205 = arith.muli %add3A_198, %mul3A_204 : i32
        %add3A_206 = arith.addi %mul3A_4, %mul3A_205 : i32
        %dma_wait3A_207 = tpu.memref_slice %arg4[%add3A_206] : memref<320000xi32, #tpu.memory_space<hbm>> -> memref<80xi32, #tpu.memory_space<hbm>>
        %dma_wait3A_208 = tpu.memref_slice %arg4[%add3A_206] : memref<320000xi32, #tpu.memory_space<hbm>> -> memref<80xi32, #tpu.memory_space<hbm>>
        tpu.wait_dma2 semaphore(%arg21 : memref<!tpu.dma_semaphore, #tpu.memory_space<semaphore_mem>>) src(%dma_wait3A_208 : memref<80xi32, #tpu.memory_space<hbm>>) dst(%arg13 : memref<80xi32, #tpu.memory_space<vmem>>)
        %dma_start3A_209 = arith.constant 0 : i32
        %dma_start3A_210 = arith.constant 0 : i32
        %dma_start3A_211 = tpu.memref_slice %arg2[%dma_start3A_209, %dma_start3A_210] : memref<40000x128xf32, #tpu.memory_space<hbm>> -> memref<40000x128xf32, #tpu.memory_space<hbm>>
        tpu.enqueue_indirect_dma source(%dma_start3A_211 : memref<40000x128xf32, #tpu.memory_space<hbm>>) target(%arg17 : memref<80x128xf32, #tpu.memory_space<vmem>>) offsets(%arg9 : memref<80xi32, #tpu.memory_space<vmem>>) semaphore(%arg25 : memref<!tpu.dma_semaphore, #tpu.memory_space<semaphore_mem>>)
      } else {
      }
      %add3A_143 = arith.constant 2 : i32
      %add3A_144 = arith.addi %mul3A_92, %add3A_143 : i32
      %dma_wait3A_145 = arith.constant 0 : i32
      %dma_wait3A_146 = arith.constant 0 : i32
      %dma_wait3A_147 = tpu.memref_slice %arg2[%dma_wait3A_145, %dma_wait3A_146] : memref<40000x128xf32, #tpu.memory_space<hbm>> -> memref<40000x128xf32, #tpu.memory_space<hbm>>
      tpu.wait_indirect_dma semaphore(%arg24 : memref<!tpu.dma_semaphore, #tpu.memory_space<semaphore_mem>>) src(%dma_wait3A_147 : memref<40000x128xf32, #tpu.memory_space<hbm>>) dst(%arg16 : memref<80x128xf32, #tpu.memory_space<vmem>>)
      %dma_start3A_148 = arith.constant 0 : i32
      %dma_start3A_149 = arith.constant 0 : i32
      %dma_start3A_150 = tpu.memref_slice %arg30[%dma_start3A_148, %dma_start3A_149] : memref<10112x128xf32, #tpu.memory_space<vmem_shared>> -> memref<10112x128xf32, #tpu.memory_space<vmem_shared>>
      tpu.enqueue_indirect_dma source(%arg16 : memref<80x128xf32, #tpu.memory_space<vmem>>) target(%dma_start3A_150 : memref<10112x128xf32, #tpu.memory_space<vmem_shared>>) offsets(%arg12 : memref<80xi32, #tpu.memory_space<vmem>>) semaphore(%arg28 : memref<!tpu.dma_semaphore, #tpu.memory_space<semaphore_mem>>) {add = true}
      %ge3A_151 = arith.constant 1 : i32
      %ge3A_152 = arith.cmpi sge, %add3A_144, %ge3A_151 : i32
      %convert_element_type3A_153 = arith.extui %ge3A_152 : i1 to i32
      %cond3A_154 = arith.constant 0 : i32
      %cond3A_155 = arith.cmpi ne, %convert_element_type3A_153, %cond3A_154 : i32
      scf.if %cond3A_155 {
        %dma_wait3A_197 = arith.constant 0 : i32
        %dma_wait3A_198 = arith.constant 0 : i32
        %dma_wait3A_199 = tpu.memref_slice %arg30[%dma_wait3A_197, %dma_wait3A_198] : memref<10112x128xf32, #tpu.memory_space<vmem_shared>> -> memref<10112x128xf32, #tpu.memory_space<vmem_shared>>
        tpu.wait_indirect_dma semaphore(%arg27 : memref<!tpu.dma_semaphore, #tpu.memory_space<semaphore_mem>>) src(%arg15 : memref<80x128xf32, #tpu.memory_space<vmem>>) dst(%dma_wait3A_199 : memref<10112x128xf32, #tpu.memory_space<vmem_shared>>)
      } else {
      }
      %add3A_156 = arith.constant 3 : i32
      %add3A_157 = arith.addi %add3A_144, %add3A_156 : i32
      %lt3A_158 = arith.constant 125 : i32
      %lt3A_159 = arith.cmpi slt, %add3A_157, %lt3A_158 : i32
      %convert_element_type3A_160 = arith.extui %lt3A_159 : i1 to i32
      %cond3A_161 = arith.constant 0 : i32
      %cond3A_162 = arith.cmpi ne, %convert_element_type3A_160, %cond3A_161 : i32
      scf.if %cond3A_162 {
        %add3A_197 = arith.constant 3 : i32
        %add3A_198 = arith.addi %add3A_144, %add3A_197 : i32
        %mul3A_199 = arith.constant 80 : i32
        %mul3A_200 = arith.muli %add3A_198, %mul3A_199 : i32
        %add3A_201 = arith.addi %mul3A_4, %mul3A_200 : i32
        %dma_start3A_202 = tpu.memref_slice %arg3[%add3A_201] : memref<320000xi32, #tpu.memory_space<hbm>> -> memref<80xi32, #tpu.memory_space<hbm>>
        %dma_start3A_203 = tpu.memref_slice %arg3[%add3A_201] : memref<320000xi32, #tpu.memory_space<hbm>> -> memref<80xi32, #tpu.memory_space<hbm>>
        tpu.enqueue_dma source(%dma_start3A_203 : memref<80xi32, #tpu.memory_space<hbm>>) target(%arg7 : memref<80xi32, #tpu.memory_space<vmem>>) target_semaphore(%arg19 : memref<!tpu.dma_semaphore, #tpu.memory_space<semaphore_mem>>)
        %mul3A_204 = arith.constant 80 : i32
        %mul3A_205 = arith.muli %add3A_198, %mul3A_204 : i32
        %add3A_206 = arith.addi %mul3A_4, %mul3A_205 : i32
        %dma_start3A_207 = tpu.memref_slice %arg4[%add3A_206] : memref<320000xi32, #tpu.memory_space<hbm>> -> memref<80xi32, #tpu.memory_space<hbm>>
        %dma_start3A_208 = tpu.memref_slice %arg4[%add3A_206] : memref<320000xi32, #tpu.memory_space<hbm>> -> memref<80xi32, #tpu.memory_space<hbm>>
        tpu.enqueue_dma source(%dma_start3A_208 : memref<80xi32, #tpu.memory_space<hbm>>) target(%arg11 : memref<80xi32, #tpu.memory_space<vmem>>) target_semaphore(%arg19 : memref<!tpu.dma_semaphore, #tpu.memory_space<semaphore_mem>>)
      } else {
      }
      %add3A_163 = arith.constant 2 : i32
      %add3A_164 = arith.addi %add3A_144, %add3A_163 : i32
      %lt3A_165 = arith.constant 125 : i32
      %lt3A_166 = arith.cmpi slt, %add3A_164, %lt3A_165 : i32
      %convert_element_type3A_167 = arith.extui %lt3A_166 : i1 to i32
      %cond3A_168 = arith.constant 0 : i32
      %cond3A_169 = arith.cmpi ne, %convert_element_type3A_167, %cond3A_168 : i32
      scf.if %cond3A_169 {
        %add3A_197 = arith.constant 2 : i32
        %add3A_198 = arith.addi %add3A_144, %add3A_197 : i32
        %mul3A_199 = arith.constant 80 : i32
        %mul3A_200 = arith.muli %add3A_198, %mul3A_199 : i32
        %add3A_201 = arith.addi %mul3A_4, %mul3A_200 : i32
        %dma_wait3A_202 = tpu.memref_slice %arg3[%add3A_201] : memref<320000xi32, #tpu.memory_space<hbm>> -> memref<80xi32, #tpu.memory_space<hbm>>
        %dma_wait3A_203 = tpu.memref_slice %arg3[%add3A_201] : memref<320000xi32, #tpu.memory_space<hbm>> -> memref<80xi32, #tpu.memory_space<hbm>>
        tpu.wait_dma2 semaphore(%arg18 : memref<!tpu.dma_semaphore, #tpu.memory_space<semaphore_mem>>) src(%dma_wait3A_203 : memref<80xi32, #tpu.memory_space<hbm>>) dst(%arg6 : memref<80xi32, #tpu.memory_space<vmem>>)
        %mul3A_204 = arith.constant 80 : i32
        %mul3A_205 = arith.muli %add3A_198, %mul3A_204 : i32
        %add3A_206 = arith.addi %mul3A_4, %mul3A_205 : i32
        %dma_wait3A_207 = tpu.memref_slice %arg4[%add3A_206] : memref<320000xi32, #tpu.memory_space<hbm>> -> memref<80xi32, #tpu.memory_space<hbm>>
        %dma_wait3A_208 = tpu.memref_slice %arg4[%add3A_206] : memref<320000xi32, #tpu.memory_space<hbm>> -> memref<80xi32, #tpu.memory_space<hbm>>
        tpu.wait_dma2 semaphore(%arg18 : memref<!tpu.dma_semaphore, #tpu.memory_space<semaphore_mem>>) src(%dma_wait3A_208 : memref<80xi32, #tpu.memory_space<hbm>>) dst(%arg10 : memref<80xi32, #tpu.memory_space<vmem>>)
        %dma_start3A_209 = arith.constant 0 : i32
        %dma_start3A_210 = arith.constant 0 : i32
        %dma_start3A_211 = tpu.memref_slice %arg2[%dma_start3A_209, %dma_start3A_210] : memref<40000x128xf32, #tpu.memory_space<hbm>> -> memref<40000x128xf32, #tpu.memory_space<hbm>>
        tpu.enqueue_indirect_dma source(%dma_start3A_211 : memref<40000x128xf32, #tpu.memory_space<hbm>>) target(%arg14 : memref<80x128xf32, #tpu.memory_space<vmem>>) offsets(%arg6 : memref<80xi32, #tpu.memory_space<vmem>>) semaphore(%arg22 : memref<!tpu.dma_semaphore, #tpu.memory_space<semaphore_mem>>)
      } else {
      }
      %add3A_170 = arith.constant 3 : i32
      %add3A_171 = arith.addi %mul3A_92, %add3A_170 : i32
      %dma_wait3A_172 = arith.constant 0 : i32
      %dma_wait3A_173 = arith.constant 0 : i32
      %dma_wait3A_174 = tpu.memref_slice %arg2[%dma_wait3A_172, %dma_wait3A_173] : memref<40000x128xf32, #tpu.memory_space<hbm>> -> memref<40000x128xf32, #tpu.memory_space<hbm>>
      tpu.wait_indirect_dma semaphore(%arg25 : memref<!tpu.dma_semaphore, #tpu.memory_space<semaphore_mem>>) src(%dma_wait3A_174 : memref<40000x128xf32, #tpu.memory_space<hbm>>) dst(%arg17 : memref<80x128xf32, #tpu.memory_space<vmem>>)
      %dma_start3A_175 = arith.constant 0 : i32
      %dma_start3A_176 = arith.constant 0 : i32
      %dma_start3A_177 = tpu.memref_slice %arg30[%dma_start3A_175, %dma_start3A_176] : memref<10112x128xf32, #tpu.memory_space<vmem_shared>> -> memref<10112x128xf32, #tpu.memory_space<vmem_shared>>
      tpu.enqueue_indirect_dma source(%arg17 : memref<80x128xf32, #tpu.memory_space<vmem>>) target(%dma_start3A_177 : memref<10112x128xf32, #tpu.memory_space<vmem_shared>>) offsets(%arg13 : memref<80xi32, #tpu.memory_space<vmem>>) semaphore(%arg29 : memref<!tpu.dma_semaphore, #tpu.memory_space<semaphore_mem>>) {add = true}
      %ge3A_178 = arith.constant 1 : i32
      %ge3A_179 = arith.cmpi sge, %add3A_171, %ge3A_178 : i32
      %convert_element_type3A_180 = arith.extui %ge3A_179 : i1 to i32
      %cond3A_181 = arith.constant 0 : i32
      %cond3A_182 = arith.cmpi ne, %convert_element_type3A_180, %cond3A_181 : i32
      scf.if %cond3A_182 {
        %dma_wait3A_197 = arith.constant 0 : i32
        %dma_wait3A_198 = arith.constant 0 : i32
        %dma_wait3A_199 = tpu.memref_slice %arg30[%dma_wait3A_197, %dma_wait3A_198] : memref<10112x128xf32, #tpu.memory_space<vmem_shared>> -> memref<10112x128xf32, #tpu.memory_space<vmem_shared>>
        tpu.wait_indirect_dma semaphore(%arg28 : memref<!tpu.dma_semaphore, #tpu.memory_space<semaphore_mem>>) src(%arg16 : memref<80x128xf32, #tpu.memory_space<vmem>>) dst(%dma_wait3A_199 : memref<10112x128xf32, #tpu.memory_space<vmem_shared>>)
      } else {
      }
      %add3A_183 = arith.constant 3 : i32
      %add3A_184 = arith.addi %add3A_171, %add3A_183 : i32
      %lt3A_185 = arith.constant 125 : i32
      %lt3A_186 = arith.cmpi slt, %add3A_184, %lt3A_185 : i32
      %convert_element_type3A_187 = arith.extui %lt3A_186 : i1 to i32
      %cond3A_188 = arith.constant 0 : i32
      %cond3A_189 = arith.cmpi ne, %convert_element_type3A_187, %cond3A_188 : i32
      scf.if %cond3A_189 {
        %add3A_197 = arith.constant 3 : i32
        %add3A_198 = arith.addi %add3A_171, %add3A_197 : i32
        %mul3A_199 = arith.constant 80 : i32
        %mul3A_200 = arith.muli %add3A_198, %mul3A_199 : i32
        %add3A_201 = arith.addi %mul3A_4, %mul3A_200 : i32
        %dma_start3A_202 = tpu.memref_slice %arg3[%add3A_201] : memref<320000xi32, #tpu.memory_space<hbm>> -> memref<80xi32, #tpu.memory_space<hbm>>
        %dma_start3A_203 = tpu.memref_slice %arg3[%add3A_201] : memref<320000xi32, #tpu.memory_space<hbm>> -> memref<80xi32, #tpu.memory_space<hbm>>
        tpu.enqueue_dma source(%dma_start3A_203 : memref<80xi32, #tpu.memory_space<hbm>>) target(%arg8 : memref<80xi32, #tpu.memory_space<vmem>>) target_semaphore(%arg20 : memref<!tpu.dma_semaphore, #tpu.memory_space<semaphore_mem>>)
        %mul3A_204 = arith.constant 80 : i32
        %mul3A_205 = arith.muli %add3A_198, %mul3A_204 : i32
        %add3A_206 = arith.addi %mul3A_4, %mul3A_205 : i32
        %dma_start3A_207 = tpu.memref_slice %arg4[%add3A_206] : memref<320000xi32, #tpu.memory_space<hbm>> -> memref<80xi32, #tpu.memory_space<hbm>>
        %dma_start3A_208 = tpu.memref_slice %arg4[%add3A_206] : memref<320000xi32, #tpu.memory_space<hbm>> -> memref<80xi32, #tpu.memory_space<hbm>>
        tpu.enqueue_dma source(%dma_start3A_208 : memref<80xi32, #tpu.memory_space<hbm>>) target(%arg12 : memref<80xi32, #tpu.memory_space<vmem>>) target_semaphore(%arg20 : memref<!tpu.dma_semaphore, #tpu.memory_space<semaphore_mem>>)
      } else {
      }
      %add3A_190 = arith.constant 2 : i32
      %add3A_191 = arith.addi %add3A_171, %add3A_190 : i32
      %lt3A_192 = arith.constant 125 : i32
      %lt3A_193 = arith.cmpi slt, %add3A_191, %lt3A_192 : i32
      %convert_element_type3A_194 = arith.extui %lt3A_193 : i1 to i32
      %cond3A_195 = arith.constant 0 : i32
      %cond3A_196 = arith.cmpi ne, %convert_element_type3A_194, %cond3A_195 : i32
      scf.if %cond3A_196 {
        %add3A_197 = arith.constant 2 : i32
        %add3A_198 = arith.addi %add3A_171, %add3A_197 : i32
        %mul3A_199 = arith.constant 80 : i32
        %mul3A_200 = arith.muli %add3A_198, %mul3A_199 : i32
        %add3A_201 = arith.addi %mul3A_4, %mul3A_200 : i32
        %dma_wait3A_202 = tpu.memref_slice %arg3[%add3A_201] : memref<320000xi32, #tpu.memory_space<hbm>> -> memref<80xi32, #tpu.memory_space<hbm>>
        %dma_wait3A_203 = tpu.memref_slice %arg3[%add3A_201] : memref<320000xi32, #tpu.memory_space<hbm>> -> memref<80xi32, #tpu.memory_space<hbm>>
        tpu.wait_dma2 semaphore(%arg19 : memref<!tpu.dma_semaphore, #tpu.memory_space<semaphore_mem>>) src(%dma_wait3A_203 : memref<80xi32, #tpu.memory_space<hbm>>) dst(%arg7 : memref<80xi32, #tpu.memory_space<vmem>>)
        %mul3A_204 = arith.constant 80 : i32
        %mul3A_205 = arith.muli %add3A_198, %mul3A_204 : i32
        %add3A_206 = arith.addi %mul3A_4, %mul3A_205 : i32
        %dma_wait3A_207 = tpu.memref_slice %arg4[%add3A_206] : memref<320000xi32, #tpu.memory_space<hbm>> -> memref<80xi32, #tpu.memory_space<hbm>>
        %dma_wait3A_208 = tpu.memref_slice %arg4[%add3A_206] : memref<320000xi32, #tpu.memory_space<hbm>> -> memref<80xi32, #tpu.memory_space<hbm>>
        tpu.wait_dma2 semaphore(%arg19 : memref<!tpu.dma_semaphore, #tpu.memory_space<semaphore_mem>>) src(%dma_wait3A_208 : memref<80xi32, #tpu.memory_space<hbm>>) dst(%arg11 : memref<80xi32, #tpu.memory_space<vmem>>)
        %dma_start3A_209 = arith.constant 0 : i32
        %dma_start3A_210 = arith.constant 0 : i32
        %dma_start3A_211 = tpu.memref_slice %arg2[%dma_start3A_209, %dma_start3A_210] : memref<40000x128xf32, #tpu.memory_space<hbm>> -> memref<40000x128xf32, #tpu.memory_space<hbm>>
        tpu.enqueue_indirect_dma source(%dma_start3A_211 : memref<40000x128xf32, #tpu.memory_space<hbm>>) target(%arg15 : memref<80x128xf32, #tpu.memory_space<vmem>>) offsets(%arg7 : memref<80xi32, #tpu.memory_space<vmem>>) semaphore(%arg23 : memref<!tpu.dma_semaphore, #tpu.memory_space<semaphore_mem>>)
      } else {
      }
    }
    %scan3A_76 = arith.constant 31 : i32
    %dma_wait3A_77 = arith.constant 0 : i32
    %dma_wait3A_78 = arith.constant 0 : i32
    %dma_wait3A_79 = tpu.memref_slice %arg2[%dma_wait3A_77, %dma_wait3A_78] : memref<40000x128xf32, #tpu.memory_space<hbm>> -> memref<40000x128xf32, #tpu.memory_space<hbm>>
    tpu.wait_indirect_dma semaphore(%arg22 : memref<!tpu.dma_semaphore, #tpu.memory_space<semaphore_mem>>) src(%dma_wait3A_79 : memref<40000x128xf32, #tpu.memory_space<hbm>>) dst(%arg14 : memref<80x128xf32, #tpu.memory_space<vmem>>)
    %dma_start3A_80 = arith.constant 0 : i32
    %dma_start3A_81 = arith.constant 0 : i32
    %dma_start3A_82 = tpu.memref_slice %arg30[%dma_start3A_80, %dma_start3A_81] : memref<10112x128xf32, #tpu.memory_space<vmem_shared>> -> memref<10112x128xf32, #tpu.memory_space<vmem_shared>>
    tpu.enqueue_indirect_dma source(%arg14 : memref<80x128xf32, #tpu.memory_space<vmem>>) target(%dma_start3A_82 : memref<10112x128xf32, #tpu.memory_space<vmem_shared>>) offsets(%arg10 : memref<80xi32, #tpu.memory_space<vmem>>) semaphore(%arg26 : memref<!tpu.dma_semaphore, #tpu.memory_space<semaphore_mem>>) {add = true}
    %dma_wait3A_83 = arith.constant 0 : i32
    %dma_wait3A_84 = arith.constant 0 : i32
    %dma_wait3A_85 = tpu.memref_slice %arg30[%dma_wait3A_83, %dma_wait3A_84] : memref<10112x128xf32, #tpu.memory_space<vmem_shared>> -> memref<10112x128xf32, #tpu.memory_space<vmem_shared>>
    tpu.wait_indirect_dma semaphore(%arg29 : memref<!tpu.dma_semaphore, #tpu.memory_space<semaphore_mem>>) src(%arg17 : memref<80x128xf32, #tpu.memory_space<vmem>>) dst(%dma_wait3A_85 : memref<10112x128xf32, #tpu.memory_space<vmem_shared>>)
    %dma_wait3A_86 = arith.constant 0 : i32
    %dma_wait3A_87 = arith.constant 0 : i32
    %dma_wait3A_88 = tpu.memref_slice %arg30[%dma_wait3A_86, %dma_wait3A_87] : memref<10112x128xf32, #tpu.memory_space<vmem_shared>> -> memref<10112x128xf32, #tpu.memory_space<vmem_shared>>
    tpu.wait_indirect_dma semaphore(%arg26 : memref<!tpu.dma_semaphore, #tpu.memory_space<semaphore_mem>>) src(%arg14 : memref<80x128xf32, #tpu.memory_space<vmem>>) dst(%dma_wait3A_88 : memref<10112x128xf32, #tpu.memory_space<vmem_shared>>)
    %barrier3A_89 = arith.constant 0 : index
    tpu.barrier barrier_id(%barrier3A_89)
    "tpu.region"() ({
      %run_scoped3A = tpu.sem_alloc : memref<!tpu.dma_semaphore, #tpu.memory_space<semaphore_mem>>
      %dma_start3A_90 = arith.constant 0 : i32
      %dma_start3A_91 = tpu.memref_slice %arg5[%arg0, %mul3A_2, %dma_start3A_90] : memref<2x10112x128xf32, #tpu.memory_space<hbm>> -> memref<1x632x128xf32, #tpu.memory_space<hbm>>
      %dma_start3A_92 = tpu.memref_squeeze %dma_start3A_91 : memref<1x632x128xf32, #tpu.memory_space<hbm>> -> memref<632x128xf32, #tpu.memory_space<hbm>>
      %dma_start3A_93 = arith.constant 0 : i32
      %dma_start3A_94 = tpu.memref_slice %arg30[%mul3A_2, %dma_start3A_93] : memref<10112x128xf32, #tpu.memory_space<vmem_shared>> -> memref<632x128xf32, #tpu.memory_space<vmem_shared>>
      tpu.enqueue_dma source(%dma_start3A_94 : memref<632x128xf32, #tpu.memory_space<vmem_shared>>) target(%dma_start3A_92 : memref<632x128xf32, #tpu.memory_space<hbm>>) target_semaphore(%run_scoped3A : memref<!tpu.dma_semaphore, #tpu.memory_space<semaphore_mem>>)
      %dma_wait3A_95 = arith.constant 0 : i32
      %dma_wait3A_96 = tpu.memref_slice %arg5[%arg0, %mul3A_2, %dma_wait3A_95] : memref<2x10112x128xf32, #tpu.memory_space<hbm>> -> memref<1x632x128xf32, #tpu.memory_space<hbm>>
      %dma_wait3A_97 = tpu.memref_squeeze %dma_wait3A_96 : memref<1x632x128xf32, #tpu.memory_space<hbm>> -> memref<632x128xf32, #tpu.memory_space<hbm>>
      %dma_wait3A_98 = arith.constant 0 : i32
      %dma_wait3A_99 = tpu.memref_slice %arg30[%mul3A_2, %dma_wait3A_98] : memref<10112x128xf32, #tpu.memory_space<vmem_shared>> -> memref<632x128xf32, #tpu.memory_space<vmem_shared>>
      tpu.wait_dma2 semaphore(%run_scoped3A : memref<!tpu.dma_semaphore, #tpu.memory_space<semaphore_mem>>) src(%dma_wait3A_99 : memref<632x128xf32, #tpu.memory_space<vmem_shared>>) dst(%dma_wait3A_97 : memref<632x128xf32, #tpu.memory_space<hbm>>)
      tpu.yield
    }) : () -> ()
    return
  }
}

#map = affine_map<(d0, d1) -> (0, 0)>
#map1 = affine_map<(d0, d1) -> (0)>
#map2 = affine_map<(d0, d1) -> (0, 0, 0)>
module attributes {stable_mosaic.version = 14 : i64} {
  func.func @_message_sc(%arg0: i32, %arg1: i32, %arg2: memref<40000x128xf32, #tpu.memory_space<hbm>>, %arg3: memref<320000xi32, #tpu.memory_space<hbm>>, %arg4: memref<320000xi32, #tpu.memory_space<hbm>>, %arg5: memref<2x10112x128xf32, #tpu.memory_space<hbm>>, %arg6: memref<80xi32, #tpu.memory_space<vmem>>, %arg7: memref<80xi32, #tpu.memory_space<vmem>>, %arg8: memref<80xi32, #tpu.memory_space<vmem>>, %arg9: memref<80xi32, #tpu.memory_space<vmem>>, %arg10: memref<80xi32, #tpu.memory_space<vmem>>, %arg11: memref<80xi32, #tpu.memory_space<vmem>>, %arg12: memref<80xi32, #tpu.memory_space<vmem>>, %arg13: memref<80xi32, #tpu.memory_space<vmem>>, %arg14: memref<80x128xf32, #tpu.memory_space<vmem>>, %arg15: memref<80x128xf32, #tpu.memory_space<vmem>>, %arg16: memref<80x128xf32, #tpu.memory_space<vmem>>, %arg17: memref<80x128xf32, #tpu.memory_space<vmem>>, %arg18: memref<!tpu.dma_semaphore, #tpu.memory_space<semaphore_mem>>, %arg19: memref<!tpu.dma_semaphore, #tpu.memory_space<semaphore_mem>>, %arg20: memref<!tpu.dma_semaphore, #tpu.memory_space<semaphore_mem>>, %arg21: memref<!tpu.dma_semaphore, #tpu.memory_space<semaphore_mem>>, %arg22: memref<!tpu.dma_semaphore, #tpu.memory_space<semaphore_mem>>, %arg23: memref<!tpu.dma_semaphore, #tpu.memory_space<semaphore_mem>>, %arg24: memref<!tpu.dma_semaphore, #tpu.memory_space<semaphore_mem>>, %arg25: memref<!tpu.dma_semaphore, #tpu.memory_space<semaphore_mem>>, %arg26: memref<!tpu.dma_semaphore, #tpu.memory_space<semaphore_mem>>, %arg27: memref<!tpu.dma_semaphore, #tpu.memory_space<semaphore_mem>>, %arg28: memref<!tpu.dma_semaphore, #tpu.memory_space<semaphore_mem>>, %arg29: memref<!tpu.dma_semaphore, #tpu.memory_space<semaphore_mem>>, %arg30: memref<10112x128xf32, #tpu.memory_space<vmem_shared>>) attributes {dimension_semantics = [#tpu.dimension_semantics<core_parallel>, #tpu.dimension_semantics<subcore_parallel>], iteration_bounds = array<i64: 2, 16>, scalar_prefetch = 0 : i64, scratch_operands = 25 : i64, tpu.core_type = #tpu.core_type<sc_vector_subcore>, window_params = [{transform_indices = #map}, {transform_indices = #map1}, {transform_indices = #map1}, {transform_indices = #map2}]} {
    %mul3A = arith.constant 16 : i32
    %mul3A_0 = arith.muli %arg0, %mul3A : i32
    %add3A = arith.addi %mul3A_0, %arg1 : i32
    %mul3A_1 = arith.constant 632 : i32
    %mul3A_2 = arith.muli %arg1, %mul3A_1 : i32
    %mul3A_3 = arith.constant 10000 : i32
    %mul3A_4 = arith.muli %add3A, %mul3A_3 : i32
    %add3A_5 = arith.constant 0 : i32
    %add3A_6 = arith.addi %mul3A_4, %add3A_5 : i32
    %dma_start3A = tpu.memref_slice %arg3[%add3A_6] : memref<320000xi32, #tpu.memory_space<hbm>> -> memref<80xi32, #tpu.memory_space<hbm>>
    %dma_start3A_7 = tpu.memref_slice %arg3[%add3A_6] : memref<320000xi32, #tpu.memory_space<hbm>> -> memref<80xi32, #tpu.memory_space<hbm>>
    tpu.enqueue_dma source(%dma_start3A_7 : memref<80xi32, #tpu.memory_space<hbm>>) target(%arg6 : memref<80xi32, #tpu.memory_space<vmem>>) target_semaphore(%arg18 : memref<!tpu.dma_semaphore, #tpu.memory_space<semaphore_mem>>)
    %add3A_8 = arith.constant 0 : i32
    %add3A_9 = arith.addi %mul3A_4, %add3A_8 : i32
    %dma_start3A_10 = tpu.memref_slice %arg4[%add3A_9] : memref<320000xi32, #tpu.memory_space<hbm>> -> memref<80xi32, #tpu.memory_space<hbm>>
    %dma_start3A_11 = tpu.memref_slice %arg4[%add3A_9] : memref<320000xi32, #tpu.memory_space<hbm>> -> memref<80xi32, #tpu.memory_space<hbm>>
    tpu.enqueue_dma source(%dma_start3A_11 : memref<80xi32, #tpu.memory_space<hbm>>) target(%arg10 : memref<80xi32, #tpu.memory_space<vmem>>) target_semaphore(%arg18 : memref<!tpu.dma_semaphore, #tpu.memory_space<semaphore_mem>>)
    %add3A_12 = arith.constant 80 : i32
    %add3A_13 = arith.addi %mul3A_4, %add3A_12 : i32
    %dma_start3A_14 = tpu.memref_slice %arg3[%add3A_13] : memref<320000xi32, #tpu.memory_space<hbm>> -> memref<80xi32, #tpu.memory_space<hbm>>
    %dma_start3A_15 = tpu.memref_slice %arg3[%add3A_13] : memref<320000xi32, #tpu.memory_space<hbm>> -> memref<80xi32, #tpu.memory_space<hbm>>
    tpu.enqueue_dma source(%dma_start3A_15 : memref<80xi32, #tpu.memory_space<hbm>>) target(%arg7 : memref<80xi32, #tpu.memory_space<vmem>>) target_semaphore(%arg19 : memref<!tpu.dma_semaphore, #tpu.memory_space<semaphore_mem>>)
    %add3A_16 = arith.constant 80 : i32
    %add3A_17 = arith.addi %mul3A_4, %add3A_16 : i32
    %dma_start3A_18 = tpu.memref_slice %arg4[%add3A_17] : memref<320000xi32, #tpu.memory_space<hbm>> -> memref<80xi32, #tpu.memory_space<hbm>>
    %dma_start3A_19 = tpu.memref_slice %arg4[%add3A_17] : memref<320000xi32, #tpu.memory_space<hbm>> -> memref<80xi32, #tpu.memory_space<hbm>>
    tpu.enqueue_dma source(%dma_start3A_19 : memref<80xi32, #tpu.memory_space<hbm>>) target(%arg11 : memref<80xi32, #tpu.memory_space<vmem>>) target_semaphore(%arg19 : memref<!tpu.dma_semaphore, #tpu.memory_space<semaphore_mem>>)
    %add3A_20 = arith.constant 160 : i32
    %add3A_21 = arith.addi %mul3A_4, %add3A_20 : i32
    %dma_start3A_22 = tpu.memref_slice %arg3[%add3A_21] : memref<320000xi32, #tpu.memory_space<hbm>> -> memref<80xi32, #tpu.memory_space<hbm>>
    %dma_start3A_23 = tpu.memref_slice %arg3[%add3A_21] : memref<320000xi32, #tpu.memory_space<hbm>> -> memref<80xi32, #tpu.memory_space<hbm>>
    tpu.enqueue_dma source(%dma_start3A_23 : memref<80xi32, #tpu.memory_space<hbm>>) target(%arg8 : memref<80xi32, #tpu.memory_space<vmem>>) target_semaphore(%arg20 : memref<!tpu.dma_semaphore, #tpu.memory_space<semaphore_mem>>)
    %add3A_24 = arith.constant 160 : i32
    %add3A_25 = arith.addi %mul3A_4, %add3A_24 : i32
    %dma_start3A_26 = tpu.memref_slice %arg4[%add3A_25] : memref<320000xi32, #tpu.memory_space<hbm>> -> memref<80xi32, #tpu.memory_space<hbm>>
    %dma_start3A_27 = tpu.memref_slice %arg4[%add3A_25] : memref<320000xi32, #tpu.memory_space<hbm>> -> memref<80xi32, #tpu.memory_space<hbm>>
    tpu.enqueue_dma source(%dma_start3A_27 : memref<80xi32, #tpu.memory_space<hbm>>) target(%arg12 : memref<80xi32, #tpu.memory_space<vmem>>) target_semaphore(%arg20 : memref<!tpu.dma_semaphore, #tpu.memory_space<semaphore_mem>>)
    %broadcast_in_dim3A = arith.constant 0.000000e+00 : f32
    %broadcast_in_dim3A_28 = vector.broadcast %broadcast_in_dim3A : f32 to vector<16xf32>
    %scan3A = arith.constant 0 : i32
    %scan3A_29 = arith.constant 0 : i32
    %scan3A_30 = arith.constant 80 : i32
    %scan3A_31 = arith.addi %scan3A_29, %scan3A_30 : i32
    %scan3A_32 = arith.constant 1 : i32
    scf.for %scan3A_90 = %scan3A_29 to %scan3A_31 step %scan3A_32  : i32 {
      %swap3A = arith.index_cast %scan3A_90 : i32 to index
      %swap3A_91 = arith.constant 0 : index
      %swap3A_92 = tpu.vector_load %arg14[%swap3A, %swap3A_91] {strides = array<i32>} : memref<80x128xf32, #tpu.memory_space<vmem>>, vector<1x16xf32>,
      %swap3A_93 = vector.shape_cast %swap3A_92 : vector<1x16xf32> to vector<16xf32>
      %swap3A_94 = vector.shape_cast %broadcast_in_dim3A_28 : vector<16xf32> to vector<1x16xf32>
      tpu.vector_store %arg14[%swap3A, %swap3A_91], %swap3A_94 {strides = array<i32>} : memref<80x128xf32, #tpu.memory_space<vmem>>, vector<1x16xf32>,
      %swap3A_95 = arith.index_cast %scan3A_90 : i32 to index
      %swap3A_96 = arith.constant 16 : index
      %swap3A_97 = tpu.vector_load %arg14[%swap3A_95, %swap3A_96] {strides = array<i32>} : memref<80x128xf32, #tpu.memory_space<vmem>>, vector<1x16xf32>,
      %swap3A_98 = vector.shape_cast %swap3A_97 : vector<1x16xf32> to vector<16xf32>
      %swap3A_99 = vector.shape_cast %broadcast_in_dim3A_28 : vector<16xf32> to vector<1x16xf32>
      tpu.vector_store %arg14[%swap3A_95, %swap3A_96], %swap3A_99 {strides = array<i32>} : memref<80x128xf32, #tpu.memory_space<vmem>>, vector<1x16xf32>,
      %swap3A_100 = arith.index_cast %scan3A_90 : i32 to index
      %swap3A_101 = arith.constant 32 : index
      %swap3A_102 = tpu.vector_load %arg14[%swap3A_100, %swap3A_101] {strides = array<i32>} : memref<80x128xf32, #tpu.memory_space<vmem>>, vector<1x16xf32>,
      %swap3A_103 = vector.shape_cast %swap3A_102 : vector<1x16xf32> to vector<16xf32>
      %swap3A_104 = vector.shape_cast %broadcast_in_dim3A_28 : vector<16xf32> to vector<1x16xf32>
      tpu.vector_store %arg14[%swap3A_100, %swap3A_101], %swap3A_104 {strides = array<i32>} : memref<80x128xf32, #tpu.memory_space<vmem>>, vector<1x16xf32>,
      %swap3A_105 = arith.index_cast %scan3A_90 : i32 to index
      %swap3A_106 = arith.constant 48 : index
      %swap3A_107 = tpu.vector_load %arg14[%swap3A_105, %swap3A_106] {strides = array<i32>} : memref<80x128xf32, #tpu.memory_space<vmem>>, vector<1x16xf32>,
      %swap3A_108 = vector.shape_cast %swap3A_107 : vector<1x16xf32> to vector<16xf32>
      %swap3A_109 = vector.shape_cast %broadcast_in_dim3A_28 : vector<16xf32> to vector<1x16xf32>
      tpu.vector_store %arg14[%swap3A_105, %swap3A_106], %swap3A_109 {strides = array<i32>} : memref<80x128xf32, #tpu.memory_space<vmem>>, vector<1x16xf32>,
      %swap3A_110 = arith.index_cast %scan3A_90 : i32 to index
      %swap3A_111 = arith.constant 64 : index
      %swap3A_112 = tpu.vector_load %arg14[%swap3A_110, %swap3A_111] {strides = array<i32>} : memref<80x128xf32, #tpu.memory_space<vmem>>, vector<1x16xf32>,
      %swap3A_113 = vector.shape_cast %swap3A_112 : vector<1x16xf32> to vector<16xf32>
      %swap3A_114 = vector.shape_cast %broadcast_in_dim3A_28 : vector<16xf32> to vector<1x16xf32>
      tpu.vector_store %arg14[%swap3A_110, %swap3A_111], %swap3A_114 {strides = array<i32>} : memref<80x128xf32, #tpu.memory_space<vmem>>, vector<1x16xf32>,
      %swap3A_115 = arith.index_cast %scan3A_90 : i32 to index
      %swap3A_116 = arith.constant 80 : index
      %swap3A_117 = tpu.vector_load %arg14[%swap3A_115, %swap3A_116] {strides = array<i32>} : memref<80x128xf32, #tpu.memory_space<vmem>>, vector<1x16xf32>,
      %swap3A_118 = vector.shape_cast %swap3A_117 : vector<1x16xf32> to vector<16xf32>
      %swap3A_119 = vector.shape_cast %broadcast_in_dim3A_28 : vector<16xf32> to vector<1x16xf32>
      tpu.vector_store %arg14[%swap3A_115, %swap3A_116], %swap3A_119 {strides = array<i32>} : memref<80x128xf32, #tpu.memory_space<vmem>>, vector<1x16xf32>,
      %swap3A_120 = arith.index_cast %scan3A_90 : i32 to index
      %swap3A_121 = arith.constant 96 : index
      %swap3A_122 = tpu.vector_load %arg14[%swap3A_120, %swap3A_121] {strides = array<i32>} : memref<80x128xf32, #tpu.memory_space<vmem>>, vector<1x16xf32>,
      %swap3A_123 = vector.shape_cast %swap3A_122 : vector<1x16xf32> to vector<16xf32>
      %swap3A_124 = vector.shape_cast %broadcast_in_dim3A_28 : vector<16xf32> to vector<1x16xf32>
      tpu.vector_store %arg14[%swap3A_120, %swap3A_121], %swap3A_124 {strides = array<i32>} : memref<80x128xf32, #tpu.memory_space<vmem>>, vector<1x16xf32>,
      %swap3A_125 = arith.index_cast %scan3A_90 : i32 to index
      %swap3A_126 = arith.constant 112 : index
      %swap3A_127 = tpu.vector_load %arg14[%swap3A_125, %swap3A_126] {strides = array<i32>} : memref<80x128xf32, #tpu.memory_space<vmem>>, vector<1x16xf32>,
      %swap3A_128 = vector.shape_cast %swap3A_127 : vector<1x16xf32> to vector<16xf32>
      %swap3A_129 = vector.shape_cast %broadcast_in_dim3A_28 : vector<16xf32> to vector<1x16xf32>
      tpu.vector_store %arg14[%swap3A_125, %swap3A_126], %swap3A_129 {strides = array<i32>} : memref<80x128xf32, #tpu.memory_space<vmem>>, vector<1x16xf32>,
    }
    %scan3A_33 = arith.constant 80 : i32
    %add3A_34 = arith.constant 0 : i32
    %add3A_35 = arith.addi %mul3A_2, %add3A_34 : i32
    "tpu.region"() ({
      %run_scoped3A = tpu.sem_alloc : memref<!tpu.dma_semaphore, #tpu.memory_space<semaphore_mem>>
      %dma_start3A_90 = arith.constant 0 : i32
      %dma_start3A_91 = tpu.memref_slice %arg30[%add3A_35, %dma_start3A_90] : memref<10112x128xf32, #tpu.memory_space<vmem_shared>> -> memref<80x128xf32, #tpu.memory_space<vmem_shared>>
      %dma_start3A_92 = arith.constant 0 : i32
      %dma_start3A_93 = tpu.memref_slice %arg30[%add3A_35, %dma_start3A_92] : memref<10112x128xf32, #tpu.memory_space<vmem_shared>> -> memref<80x128xf32, #tpu.memory_space<vmem_shared>>
      tpu.enqueue_dma source(%arg14 : memref<80x128xf32, #tpu.memory_space<vmem>>) target(%dma_start3A_93 : memref<80x128xf32, #tpu.memory_space<vmem_shared>>) target_semaphore(%run_scoped3A : memref<!tpu.dma_semaphore, #tpu.memory_space<semaphore_mem>>)
      %dma_wait3A_94 = arith.constant 0 : i32
      %dma_wait3A_95 = tpu.memref_slice %arg30[%add3A_35, %dma_wait3A_94] : memref<10112x128xf32, #tpu.memory_space<vmem_shared>> -> memref<80x128xf32, #tpu.memory_space<vmem_shared>>
      %dma_wait3A_96 = arith.constant 0 : i32
      %dma_wait3A_97 = tpu.memref_slice %arg30[%add3A_35, %dma_wait3A_96] : memref<10112x128xf32, #tpu.memory_space<vmem_shared>> -> memref<80x128xf32, #tpu.memory_space<vmem_shared>>
      tpu.wait_dma2 semaphore(%run_scoped3A : memref<!tpu.dma_semaphore, #tpu.memory_space<semaphore_mem>>) src(%arg14 : memref<80x128xf32, #tpu.memory_space<vmem>>) dst(%dma_wait3A_97 : memref<80x128xf32, #tpu.memory_space<vmem_shared>>)
      tpu.yield
    }) : () -> ()
    %add3A_36 = arith.constant 80 : i32
    %add3A_37 = arith.addi %mul3A_2, %add3A_36 : i32
    "tpu.region"() ({
      %run_scoped3A = tpu.sem_alloc : memref<!tpu.dma_semaphore, #tpu.memory_space<semaphore_mem>>
      %dma_start3A_90 = arith.constant 0 : i32
      %dma_start3A_91 = tpu.memref_slice %arg30[%add3A_37, %dma_start3A_90] : memref<10112x128xf32, #tpu.memory_space<vmem_shared>> -> memref<80x128xf32, #tpu.memory_space<vmem_shared>>
      %dma_start3A_92 = arith.constant 0 : i32
      %dma_start3A_93 = tpu.memref_slice %arg30[%add3A_37, %dma_start3A_92] : memref<10112x128xf32, #tpu.memory_space<vmem_shared>> -> memref<80x128xf32, #tpu.memory_space<vmem_shared>>
      tpu.enqueue_dma source(%arg14 : memref<80x128xf32, #tpu.memory_space<vmem>>) target(%dma_start3A_93 : memref<80x128xf32, #tpu.memory_space<vmem_shared>>) target_semaphore(%run_scoped3A : memref<!tpu.dma_semaphore, #tpu.memory_space<semaphore_mem>>)
      %dma_wait3A_94 = arith.constant 0 : i32
      %dma_wait3A_95 = tpu.memref_slice %arg30[%add3A_37, %dma_wait3A_94] : memref<10112x128xf32, #tpu.memory_space<vmem_shared>> -> memref<80x128xf32, #tpu.memory_space<vmem_shared>>
      %dma_wait3A_96 = arith.constant 0 : i32
      %dma_wait3A_97 = tpu.memref_slice %arg30[%add3A_37, %dma_wait3A_96] : memref<10112x128xf32, #tpu.memory_space<vmem_shared>> -> memref<80x128xf32, #tpu.memory_space<vmem_shared>>
      tpu.wait_dma2 semaphore(%run_scoped3A : memref<!tpu.dma_semaphore, #tpu.memory_space<semaphore_mem>>) src(%arg14 : memref<80x128xf32, #tpu.memory_space<vmem>>) dst(%dma_wait3A_97 : memref<80x128xf32, #tpu.memory_space<vmem_shared>>)
      tpu.yield
    }) : () -> ()
    %add3A_38 = arith.constant 160 : i32
    %add3A_39 = arith.addi %mul3A_2, %add3A_38 : i32
    "tpu.region"() ({
      %run_scoped3A = tpu.sem_alloc : memref<!tpu.dma_semaphore, #tpu.memory_space<semaphore_mem>>
      %dma_start3A_90 = arith.constant 0 : i32
      %dma_start3A_91 = tpu.memref_slice %arg30[%add3A_39, %dma_start3A_90] : memref<10112x128xf32, #tpu.memory_space<vmem_shared>> -> memref<80x128xf32, #tpu.memory_space<vmem_shared>>
      %dma_start3A_92 = arith.constant 0 : i32
      %dma_start3A_93 = tpu.memref_slice %arg30[%add3A_39, %dma_start3A_92] : memref<10112x128xf32, #tpu.memory_space<vmem_shared>> -> memref<80x128xf32, #tpu.memory_space<vmem_shared>>
      tpu.enqueue_dma source(%arg14 : memref<80x128xf32, #tpu.memory_space<vmem>>) target(%dma_start3A_93 : memref<80x128xf32, #tpu.memory_space<vmem_shared>>) target_semaphore(%run_scoped3A : memref<!tpu.dma_semaphore, #tpu.memory_space<semaphore_mem>>)
      %dma_wait3A_94 = arith.constant 0 : i32
      %dma_wait3A_95 = tpu.memref_slice %arg30[%add3A_39, %dma_wait3A_94] : memref<10112x128xf32, #tpu.memory_space<vmem_shared>> -> memref<80x128xf32, #tpu.memory_space<vmem_shared>>
      %dma_wait3A_96 = arith.constant 0 : i32
      %dma_wait3A_97 = tpu.memref_slice %arg30[%add3A_39, %dma_wait3A_96] : memref<10112x128xf32, #tpu.memory_space<vmem_shared>> -> memref<80x128xf32, #tpu.memory_space<vmem_shared>>
      tpu.wait_dma2 semaphore(%run_scoped3A : memref<!tpu.dma_semaphore, #tpu.memory_space<semaphore_mem>>) src(%arg14 : memref<80x128xf32, #tpu.memory_space<vmem>>) dst(%dma_wait3A_97 : memref<80x128xf32, #tpu.memory_space<vmem_shared>>)
      tpu.yield
    }) : () -> ()
    %add3A_40 = arith.constant 240 : i32
    %add3A_41 = arith.addi %mul3A_2, %add3A_40 : i32
    "tpu.region"() ({
      %run_scoped3A = tpu.sem_alloc : memref<!tpu.dma_semaphore, #tpu.memory_space<semaphore_mem>>
      %dma_start3A_90 = arith.constant 0 : i32
      %dma_start3A_91 = tpu.memref_slice %arg30[%add3A_41, %dma_start3A_90] : memref<10112x128xf32, #tpu.memory_space<vmem_shared>> -> memref<80x128xf32, #tpu.memory_space<vmem_shared>>
      %dma_start3A_92 = arith.constant 0 : i32
      %dma_start3A_93 = tpu.memref_slice %arg30[%add3A_41, %dma_start3A_92] : memref<10112x128xf32, #tpu.memory_space<vmem_shared>> -> memref<80x128xf32, #tpu.memory_space<vmem_shared>>
      tpu.enqueue_dma source(%arg14 : memref<80x128xf32, #tpu.memory_space<vmem>>) target(%dma_start3A_93 : memref<80x128xf32, #tpu.memory_space<vmem_shared>>) target_semaphore(%run_scoped3A : memref<!tpu.dma_semaphore, #tpu.memory_space<semaphore_mem>>)
      %dma_wait3A_94 = arith.constant 0 : i32
      %dma_wait3A_95 = tpu.memref_slice %arg30[%add3A_41, %dma_wait3A_94] : memref<10112x128xf32, #tpu.memory_space<vmem_shared>> -> memref<80x128xf32, #tpu.memory_space<vmem_shared>>
      %dma_wait3A_96 = arith.constant 0 : i32
      %dma_wait3A_97 = tpu.memref_slice %arg30[%add3A_41, %dma_wait3A_96] : memref<10112x128xf32, #tpu.memory_space<vmem_shared>> -> memref<80x128xf32, #tpu.memory_space<vmem_shared>>
      tpu.wait_dma2 semaphore(%run_scoped3A : memref<!tpu.dma_semaphore, #tpu.memory_space<semaphore_mem>>) src(%arg14 : memref<80x128xf32, #tpu.memory_space<vmem>>) dst(%dma_wait3A_97 : memref<80x128xf32, #tpu.memory_space<vmem_shared>>)
      tpu.yield
    }) : () -> ()
    %add3A_42 = arith.constant 320 : i32
    %add3A_43 = arith.addi %mul3A_2, %add3A_42 : i32
    "tpu.region"() ({
      %run_scoped3A = tpu.sem_alloc : memref<!tpu.dma_semaphore, #tpu.memory_space<semaphore_mem>>
      %dma_start3A_90 = arith.constant 0 : i32
      %dma_start3A_91 = tpu.memref_slice %arg30[%add3A_43, %dma_start3A_90] : memref<10112x128xf32, #tpu.memory_space<vmem_shared>> -> memref<80x128xf32, #tpu.memory_space<vmem_shared>>
      %dma_start3A_92 = arith.constant 0 : i32
      %dma_start3A_93 = tpu.memref_slice %arg30[%add3A_43, %dma_start3A_92] : memref<10112x128xf32, #tpu.memory_space<vmem_shared>> -> memref<80x128xf32, #tpu.memory_space<vmem_shared>>
      tpu.enqueue_dma source(%arg14 : memref<80x128xf32, #tpu.memory_space<vmem>>) target(%dma_start3A_93 : memref<80x128xf32, #tpu.memory_space<vmem_shared>>) target_semaphore(%run_scoped3A : memref<!tpu.dma_semaphore, #tpu.memory_space<semaphore_mem>>)
      %dma_wait3A_94 = arith.constant 0 : i32
      %dma_wait3A_95 = tpu.memref_slice %arg30[%add3A_43, %dma_wait3A_94] : memref<10112x128xf32, #tpu.memory_space<vmem_shared>> -> memref<80x128xf32, #tpu.memory_space<vmem_shared>>
      %dma_wait3A_96 = arith.constant 0 : i32
      %dma_wait3A_97 = tpu.memref_slice %arg30[%add3A_43, %dma_wait3A_96] : memref<10112x128xf32, #tpu.memory_space<vmem_shared>> -> memref<80x128xf32, #tpu.memory_space<vmem_shared>>
      tpu.wait_dma2 semaphore(%run_scoped3A : memref<!tpu.dma_semaphore, #tpu.memory_space<semaphore_mem>>) src(%arg14 : memref<80x128xf32, #tpu.memory_space<vmem>>) dst(%dma_wait3A_97 : memref<80x128xf32, #tpu.memory_space<vmem_shared>>)
      tpu.yield
    }) : () -> ()
    %add3A_44 = arith.constant 400 : i32
    %add3A_45 = arith.addi %mul3A_2, %add3A_44 : i32
    "tpu.region"() ({
      %run_scoped3A = tpu.sem_alloc : memref<!tpu.dma_semaphore, #tpu.memory_space<semaphore_mem>>
      %dma_start3A_90 = arith.constant 0 : i32
      %dma_start3A_91 = tpu.memref_slice %arg30[%add3A_45, %dma_start3A_90] : memref<10112x128xf32, #tpu.memory_space<vmem_shared>> -> memref<80x128xf32, #tpu.memory_space<vmem_shared>>
      %dma_start3A_92 = arith.constant 0 : i32
      %dma_start3A_93 = tpu.memref_slice %arg30[%add3A_45, %dma_start3A_92] : memref<10112x128xf32, #tpu.memory_space<vmem_shared>> -> memref<80x128xf32, #tpu.memory_space<vmem_shared>>
      tpu.enqueue_dma source(%arg14 : memref<80x128xf32, #tpu.memory_space<vmem>>) target(%dma_start3A_93 : memref<80x128xf32, #tpu.memory_space<vmem_shared>>) target_semaphore(%run_scoped3A : memref<!tpu.dma_semaphore, #tpu.memory_space<semaphore_mem>>)
      %dma_wait3A_94 = arith.constant 0 : i32
      %dma_wait3A_95 = tpu.memref_slice %arg30[%add3A_45, %dma_wait3A_94] : memref<10112x128xf32, #tpu.memory_space<vmem_shared>> -> memref<80x128xf32, #tpu.memory_space<vmem_shared>>
      %dma_wait3A_96 = arith.constant 0 : i32
      %dma_wait3A_97 = tpu.memref_slice %arg30[%add3A_45, %dma_wait3A_96] : memref<10112x128xf32, #tpu.memory_space<vmem_shared>> -> memref<80x128xf32, #tpu.memory_space<vmem_shared>>
      tpu.wait_dma2 semaphore(%run_scoped3A : memref<!tpu.dma_semaphore, #tpu.memory_space<semaphore_mem>>) src(%arg14 : memref<80x128xf32, #tpu.memory_space<vmem>>) dst(%dma_wait3A_97 : memref<80x128xf32, #tpu.memory_space<vmem_shared>>)
      tpu.yield
    }) : () -> ()
    %add3A_46 = arith.constant 480 : i32
    %add3A_47 = arith.addi %mul3A_2, %add3A_46 : i32
    "tpu.region"() ({
      %run_scoped3A = tpu.sem_alloc : memref<!tpu.dma_semaphore, #tpu.memory_space<semaphore_mem>>
      %dma_start3A_90 = arith.constant 0 : i32
      %dma_start3A_91 = tpu.memref_slice %arg30[%add3A_47, %dma_start3A_90] : memref<10112x128xf32, #tpu.memory_space<vmem_shared>> -> memref<80x128xf32, #tpu.memory_space<vmem_shared>>
      %dma_start3A_92 = arith.constant 0 : i32
      %dma_start3A_93 = tpu.memref_slice %arg30[%add3A_47, %dma_start3A_92] : memref<10112x128xf32, #tpu.memory_space<vmem_shared>> -> memref<80x128xf32, #tpu.memory_space<vmem_shared>>
      tpu.enqueue_dma source(%arg14 : memref<80x128xf32, #tpu.memory_space<vmem>>) target(%dma_start3A_93 : memref<80x128xf32, #tpu.memory_space<vmem_shared>>) target_semaphore(%run_scoped3A : memref<!tpu.dma_semaphore, #tpu.memory_space<semaphore_mem>>)
      %dma_wait3A_94 = arith.constant 0 : i32
      %dma_wait3A_95 = tpu.memref_slice %arg30[%add3A_47, %dma_wait3A_94] : memref<10112x128xf32, #tpu.memory_space<vmem_shared>> -> memref<80x128xf32, #tpu.memory_space<vmem_shared>>
      %dma_wait3A_96 = arith.constant 0 : i32
      %dma_wait3A_97 = tpu.memref_slice %arg30[%add3A_47, %dma_wait3A_96] : memref<10112x128xf32, #tpu.memory_space<vmem_shared>> -> memref<80x128xf32, #tpu.memory_space<vmem_shared>>
      tpu.wait_dma2 semaphore(%run_scoped3A : memref<!tpu.dma_semaphore, #tpu.memory_space<semaphore_mem>>) src(%arg14 : memref<80x128xf32, #tpu.memory_space<vmem>>) dst(%dma_wait3A_97 : memref<80x128xf32, #tpu.memory_space<vmem_shared>>)
      tpu.yield
    }) : () -> ()
    %add3A_48 = arith.constant 560 : i32
    %add3A_49 = arith.addi %mul3A_2, %add3A_48 : i32
    "tpu.region"() ({
      %run_scoped3A = tpu.sem_alloc : memref<!tpu.dma_semaphore, #tpu.memory_space<semaphore_mem>>
      %dma_start3A_90 = arith.constant 0 : i32
      %dma_start3A_91 = arith.constant 0 : i32
      %dma_start3A_92 = tpu.memref_slice %arg14[%dma_start3A_90, %dma_start3A_91] : memref<80x128xf32, #tpu.memory_space<vmem>> -> memref<72x128xf32, #tpu.memory_space<vmem>>
      %dma_start3A_93 = arith.constant 0 : i32
      %dma_start3A_94 = tpu.memref_slice %arg30[%add3A_49, %dma_start3A_93] : memref<10112x128xf32, #tpu.memory_space<vmem_shared>> -> memref<72x128xf32, #tpu.memory_space<vmem_shared>>
      %dma_start3A_95 = arith.constant 0 : i32
      %dma_start3A_96 = tpu.memref_slice %arg30[%add3A_49, %dma_start3A_95] : memref<10112x128xf32, #tpu.memory_space<vmem_shared>> -> memref<72x128xf32, #tpu.memory_space<vmem_shared>>
      %dma_start3A_97 = arith.constant 0 : i32
      %dma_start3A_98 = arith.constant 0 : i32
      %dma_start3A_99 = tpu.memref_slice %arg14[%dma_start3A_97, %dma_start3A_98] : memref<80x128xf32, #tpu.memory_space<vmem>> -> memref<72x128xf32, #tpu.memory_space<vmem>>
      tpu.enqueue_dma source(%dma_start3A_99 : memref<72x128xf32, #tpu.memory_space<vmem>>) target(%dma_start3A_96 : memref<72x128xf32, #tpu.memory_space<vmem_shared>>) target_semaphore(%run_scoped3A : memref<!tpu.dma_semaphore, #tpu.memory_space<semaphore_mem>>)
      %dma_wait3A_100 = arith.constant 0 : i32
      %dma_wait3A_101 = arith.constant 0 : i32
      %dma_wait3A_102 = tpu.memref_slice %arg14[%dma_wait3A_100, %dma_wait3A_101] : memref<80x128xf32, #tpu.memory_space<vmem>> -> memref<72x128xf32, #tpu.memory_space<vmem>>
      %dma_wait3A_103 = arith.constant 0 : i32
      %dma_wait3A_104 = tpu.memref_slice %arg30[%add3A_49, %dma_wait3A_103] : memref<10112x128xf32, #tpu.memory_space<vmem_shared>> -> memref<72x128xf32, #tpu.memory_space<vmem_shared>>
      %dma_wait3A_105 = arith.constant 0 : i32
      %dma_wait3A_106 = tpu.memref_slice %arg30[%add3A_49, %dma_wait3A_105] : memref<10112x128xf32, #tpu.memory_space<vmem_shared>> -> memref<72x128xf32, #tpu.memory_space<vmem_shared>>
      %dma_wait3A_107 = arith.constant 0 : i32
      %dma_wait3A_108 = arith.constant 0 : i32
      %dma_wait3A_109 = tpu.memref_slice %arg14[%dma_wait3A_107, %dma_wait3A_108] : memref<80x128xf32, #tpu.memory_space<vmem>> -> memref<72x128xf32, #tpu.memory_space<vmem>>
      tpu.wait_dma2 semaphore(%run_scoped3A : memref<!tpu.dma_semaphore, #tpu.memory_space<semaphore_mem>>) src(%dma_wait3A_109 : memref<72x128xf32, #tpu.memory_space<vmem>>) dst(%dma_wait3A_106 : memref<72x128xf32, #tpu.memory_space<vmem_shared>>)
      tpu.yield
    }) : () -> ()
    %add3A_50 = arith.constant 0 : i32
    %add3A_51 = arith.addi %mul3A_4, %add3A_50 : i32
    %dma_wait3A = tpu.memref_slice %arg3[%add3A_51] : memref<320000xi32, #tpu.memory_space<hbm>> -> memref<80xi32, #tpu.memory_space<hbm>>
    %dma_wait3A_52 = tpu.memref_slice %arg3[%add3A_51] : memref<320000xi32, #tpu.memory_space<hbm>> -> memref<80xi32, #tpu.memory_space<hbm>>
    tpu.wait_dma2 semaphore(%arg18 : memref<!tpu.dma_semaphore, #tpu.memory_space<semaphore_mem>>) src(%dma_wait3A_52 : memref<80xi32, #tpu.memory_space<hbm>>) dst(%arg6 : memref<80xi32, #tpu.memory_space<vmem>>)
    %add3A_53 = arith.constant 0 : i32
    %add3A_54 = arith.addi %mul3A_4, %add3A_53 : i32
    %dma_wait3A_55 = tpu.memref_slice %arg4[%add3A_54] : memref<320000xi32, #tpu.memory_space<hbm>> -> memref<80xi32, #tpu.memory_space<hbm>>
    %dma_wait3A_56 = tpu.memref_slice %arg4[%add3A_54] : memref<320000xi32, #tpu.memory_space<hbm>> -> memref<80xi32, #tpu.memory_space<hbm>>
    tpu.wait_dma2 semaphore(%arg18 : memref<!tpu.dma_semaphore, #tpu.memory_space<semaphore_mem>>) src(%dma_wait3A_56 : memref<80xi32, #tpu.memory_space<hbm>>) dst(%arg10 : memref<80xi32, #tpu.memory_space<vmem>>)
    %dma_start3A_57 = arith.constant 0 : i32
    %dma_start3A_58 = arith.constant 0 : i32
    %dma_start3A_59 = tpu.memref_slice %arg2[%dma_start3A_57, %dma_start3A_58] : memref<40000x128xf32, #tpu.memory_space<hbm>> -> memref<40000x128xf32, #tpu.memory_space<hbm>>
    tpu.enqueue_indirect_dma source(%dma_start3A_59 : memref<40000x128xf32, #tpu.memory_space<hbm>>) target(%arg14 : memref<80x128xf32, #tpu.memory_space<vmem>>) offsets(%arg6 : memref<80xi32, #tpu.memory_space<vmem>>) semaphore(%arg22 : memref<!tpu.dma_semaphore, #tpu.memory_space<semaphore_mem>>)
    %add3A_60 = arith.constant 80 : i32
    %add3A_61 = arith.addi %mul3A_4, %add3A_60 : i32
    %dma_wait3A_62 = tpu.memref_slice %arg3[%add3A_61] : memref<320000xi32, #tpu.memory_space<hbm>> -> memref<80xi32, #tpu.memory_space<hbm>>
    %dma_wait3A_63 = tpu.memref_slice %arg3[%add3A_61] : memref<320000xi32, #tpu.memory_space<hbm>> -> memref<80xi32, #tpu.memory_space<hbm>>
    tpu.wait_dma2 semaphore(%arg19 : memref<!tpu.dma_semaphore, #tpu.memory_space<semaphore_mem>>) src(%dma_wait3A_63 : memref<80xi32, #tpu.memory_space<hbm>>) dst(%arg7 : memref<80xi32, #tpu.memory_space<vmem>>)
    %add3A_64 = arith.constant 80 : i32
    %add3A_65 = arith.addi %mul3A_4, %add3A_64 : i32
    %dma_wait3A_66 = tpu.memref_slice %arg4[%add3A_65] : memref<320000xi32, #tpu.memory_space<hbm>> -> memref<80xi32, #tpu.memory_space<hbm>>
    %dma_wait3A_67 = tpu.memref_slice %arg4[%add3A_65] : memref<320000xi32, #tpu.memory_space<hbm>> -> memref<80xi32, #tpu.memory_space<hbm>>
    tpu.wait_dma2 semaphore(%arg19 : memref<!tpu.dma_semaphore, #tpu.memory_space<semaphore_mem>>) src(%dma_wait3A_67 : memref<80xi32, #tpu.memory_space<hbm>>) dst(%arg11 : memref<80xi32, #tpu.memory_space<vmem>>)
    %dma_start3A_68 = arith.constant 0 : i32
    %dma_start3A_69 = arith.constant 0 : i32
    %dma_start3A_70 = tpu.memref_slice %arg2[%dma_start3A_68, %dma_start3A_69] : memref<40000x128xf32, #tpu.memory_space<hbm>> -> memref<40000x128xf32, #tpu.memory_space<hbm>>
    tpu.enqueue_indirect_dma source(%dma_start3A_70 : memref<40000x128xf32, #tpu.memory_space<hbm>>) target(%arg15 : memref<80x128xf32, #tpu.memory_space<vmem>>) offsets(%arg7 : memref<80xi32, #tpu.memory_space<vmem>>) semaphore(%arg23 : memref<!tpu.dma_semaphore, #tpu.memory_space<semaphore_mem>>)
    %barrier3A = arith.constant 0 : index
    tpu.barrier barrier_id(%barrier3A)
    %scan3A_71 = arith.constant 0 : i32
    %scan3A_72 = arith.constant 0 : i32
    %scan3A_73 = arith.constant 31 : i32
    %scan3A_74 = arith.addi %scan3A_72, %scan3A_73 : i32
    %scan3A_75 = arith.constant 1 : i32
    scf.for %scan3A_90 = %scan3A_72 to %scan3A_74 step %scan3A_75  : i32 {
      %mul3A_91 = arith.constant 4 : i32
      %mul3A_92 = arith.muli %mul3A_91, %scan3A_90 : i32
      %add3A_93 = arith.constant 0 : i32
      %add3A_94 = arith.addi %mul3A_92, %add3A_93 : i32
      %dma_wait3A_95 = arith.constant 0 : i32
      %dma_wait3A_96 = arith.constant 0 : i32
      %dma_wait3A_97 = tpu.memref_slice %arg2[%dma_wait3A_95, %dma_wait3A_96] : memref<40000x128xf32, #tpu.memory_space<hbm>> -> memref<40000x128xf32, #tpu.memory_space<hbm>>
      tpu.wait_indirect_dma semaphore(%arg22 : memref<!tpu.dma_semaphore, #tpu.memory_space<semaphore_mem>>) src(%dma_wait3A_97 : memref<40000x128xf32, #tpu.memory_space<hbm>>) dst(%arg14 : memref<80x128xf32, #tpu.memory_space<vmem>>)
      %dma_start3A_98 = arith.constant 0 : i32
      %dma_start3A_99 = arith.constant 0 : i32
      %dma_start3A_100 = tpu.memref_slice %arg30[%dma_start3A_98, %dma_start3A_99] : memref<10112x128xf32, #tpu.memory_space<vmem_shared>> -> memref<10112x128xf32, #tpu.memory_space<vmem_shared>>
      tpu.enqueue_indirect_dma source(%arg14 : memref<80x128xf32, #tpu.memory_space<vmem>>) target(%dma_start3A_100 : memref<10112x128xf32, #tpu.memory_space<vmem_shared>>) offsets(%arg10 : memref<80xi32, #tpu.memory_space<vmem>>) semaphore(%arg26 : memref<!tpu.dma_semaphore, #tpu.memory_space<semaphore_mem>>) {add = true}
      %ge3A = arith.constant 1 : i32
      %ge3A_101 = arith.cmpi sge, %add3A_94, %ge3A : i32
      %convert_element_type3A = arith.extui %ge3A_101 : i1 to i32
      %cond3A = arith.constant 0 : i32
      %cond3A_102 = arith.cmpi ne, %convert_element_type3A, %cond3A : i32
      scf.if %cond3A_102 {
        %dma_wait3A_197 = arith.constant 0 : i32
        %dma_wait3A_198 = arith.constant 0 : i32
        %dma_wait3A_199 = tpu.memref_slice %arg30[%dma_wait3A_197, %dma_wait3A_198] : memref<10112x128xf32, #tpu.memory_space<vmem_shared>> -> memref<10112x128xf32, #tpu.memory_space<vmem_shared>>
        tpu.wait_indirect_dma semaphore(%arg29 : memref<!tpu.dma_semaphore, #tpu.memory_space<semaphore_mem>>) src(%arg17 : memref<80x128xf32, #tpu.memory_space<vmem>>) dst(%dma_wait3A_199 : memref<10112x128xf32, #tpu.memory_space<vmem_shared>>)
      } else {
      }
      %add3A_103 = arith.constant 3 : i32
      %add3A_104 = arith.addi %add3A_94, %add3A_103 : i32
      %lt3A = arith.constant 125 : i32
      %lt3A_105 = arith.cmpi slt, %add3A_104, %lt3A : i32
      %convert_element_type3A_106 = arith.extui %lt3A_105 : i1 to i32
      %cond3A_107 = arith.constant 0 : i32
      %cond3A_108 = arith.cmpi ne, %convert_element_type3A_106, %cond3A_107 : i32
      scf.if %cond3A_108 {
        %add3A_197 = arith.constant 3 : i32
        %add3A_198 = arith.addi %add3A_94, %add3A_197 : i32
        %mul3A_199 = arith.constant 80 : i32
        %mul3A_200 = arith.muli %add3A_198, %mul3A_199 : i32
        %add3A_201 = arith.addi %mul3A_4, %mul3A_200 : i32
        %dma_start3A_202 = tpu.memref_slice %arg3[%add3A_201] : memref<320000xi32, #tpu.memory_space<hbm>> -> memref<80xi32, #tpu.memory_space<hbm>>
        %dma_start3A_203 = tpu.memref_slice %arg3[%add3A_201] : memref<320000xi32, #tpu.memory_space<hbm>> -> memref<80xi32, #tpu.memory_space<hbm>>
        tpu.enqueue_dma source(%dma_start3A_203 : memref<80xi32, #tpu.memory_space<hbm>>) target(%arg9 : memref<80xi32, #tpu.memory_space<vmem>>) target_semaphore(%arg21 : memref<!tpu.dma_semaphore, #tpu.memory_space<semaphore_mem>>)
        %mul3A_204 = arith.constant 80 : i32
        %mul3A_205 = arith.muli %add3A_198, %mul3A_204 : i32
        %add3A_206 = arith.addi %mul3A_4, %mul3A_205 : i32
        %dma_start3A_207 = tpu.memref_slice %arg4[%add3A_206] : memref<320000xi32, #tpu.memory_space<hbm>> -> memref<80xi32, #tpu.memory_space<hbm>>
        %dma_start3A_208 = tpu.memref_slice %arg4[%add3A_206] : memref<320000xi32, #tpu.memory_space<hbm>> -> memref<80xi32, #tpu.memory_space<hbm>>
        tpu.enqueue_dma source(%dma_start3A_208 : memref<80xi32, #tpu.memory_space<hbm>>) target(%arg13 : memref<80xi32, #tpu.memory_space<vmem>>) target_semaphore(%arg21 : memref<!tpu.dma_semaphore, #tpu.memory_space<semaphore_mem>>)
      } else {
      }
      %add3A_109 = arith.constant 2 : i32
      %add3A_110 = arith.addi %add3A_94, %add3A_109 : i32
      %lt3A_111 = arith.constant 125 : i32
      %lt3A_112 = arith.cmpi slt, %add3A_110, %lt3A_111 : i32
      %convert_element_type3A_113 = arith.extui %lt3A_112 : i1 to i32
      %cond3A_114 = arith.constant 0 : i32
      %cond3A_115 = arith.cmpi ne, %convert_element_type3A_113, %cond3A_114 : i32
      scf.if %cond3A_115 {
        %add3A_197 = arith.constant 2 : i32
        %add3A_198 = arith.addi %add3A_94, %add3A_197 : i32
        %mul3A_199 = arith.constant 80 : i32
        %mul3A_200 = arith.muli %add3A_198, %mul3A_199 : i32
        %add3A_201 = arith.addi %mul3A_4, %mul3A_200 : i32
        %dma_wait3A_202 = tpu.memref_slice %arg3[%add3A_201] : memref<320000xi32, #tpu.memory_space<hbm>> -> memref<80xi32, #tpu.memory_space<hbm>>
        %dma_wait3A_203 = tpu.memref_slice %arg3[%add3A_201] : memref<320000xi32, #tpu.memory_space<hbm>> -> memref<80xi32, #tpu.memory_space<hbm>>
        tpu.wait_dma2 semaphore(%arg20 : memref<!tpu.dma_semaphore, #tpu.memory_space<semaphore_mem>>) src(%dma_wait3A_203 : memref<80xi32, #tpu.memory_space<hbm>>) dst(%arg8 : memref<80xi32, #tpu.memory_space<vmem>>)
        %mul3A_204 = arith.constant 80 : i32
        %mul3A_205 = arith.muli %add3A_198, %mul3A_204 : i32
        %add3A_206 = arith.addi %mul3A_4, %mul3A_205 : i32
        %dma_wait3A_207 = tpu.memref_slice %arg4[%add3A_206] : memref<320000xi32, #tpu.memory_space<hbm>> -> memref<80xi32, #tpu.memory_space<hbm>>
        %dma_wait3A_208 = tpu.memref_slice %arg4[%add3A_206] : memref<320000xi32, #tpu.memory_space<hbm>> -> memref<80xi32, #tpu.memory_space<hbm>>
        tpu.wait_dma2 semaphore(%arg20 : memref<!tpu.dma_semaphore, #tpu.memory_space<semaphore_mem>>) src(%dma_wait3A_208 : memref<80xi32, #tpu.memory_space<hbm>>) dst(%arg12 : memref<80xi32, #tpu.memory_space<vmem>>)
        %dma_start3A_209 = arith.constant 0 : i32
        %dma_start3A_210 = arith.constant 0 : i32
        %dma_start3A_211 = tpu.memref_slice %arg2[%dma_start3A_209, %dma_start3A_210] : memref<40000x128xf32, #tpu.memory_space<hbm>> -> memref<40000x128xf32, #tpu.memory_space<hbm>>
        tpu.enqueue_indirect_dma source(%dma_start3A_211 : memref<40000x128xf32, #tpu.memory_space<hbm>>) target(%arg16 : memref<80x128xf32, #tpu.memory_space<vmem>>) offsets(%arg8 : memref<80xi32, #tpu.memory_space<vmem>>) semaphore(%arg24 : memref<!tpu.dma_semaphore, #tpu.memory_space<semaphore_mem>>)
      } else {
      }
      %add3A_116 = arith.constant 1 : i32
      %add3A_117 = arith.addi %mul3A_92, %add3A_116 : i32
      %dma_wait3A_118 = arith.constant 0 : i32
      %dma_wait3A_119 = arith.constant 0 : i32
      %dma_wait3A_120 = tpu.memref_slice %arg2[%dma_wait3A_118, %dma_wait3A_119] : memref<40000x128xf32, #tpu.memory_space<hbm>> -> memref<40000x128xf32, #tpu.memory_space<hbm>>
      tpu.wait_indirect_dma semaphore(%arg23 : memref<!tpu.dma_semaphore, #tpu.memory_space<semaphore_mem>>) src(%dma_wait3A_120 : memref<40000x128xf32, #tpu.memory_space<hbm>>) dst(%arg15 : memref<80x128xf32, #tpu.memory_space<vmem>>)
      %dma_start3A_121 = arith.constant 0 : i32
      %dma_start3A_122 = arith.constant 0 : i32
      %dma_start3A_123 = tpu.memref_slice %arg30[%dma_start3A_121, %dma_start3A_122] : memref<10112x128xf32, #tpu.memory_space<vmem_shared>> -> memref<10112x128xf32, #tpu.memory_space<vmem_shared>>
      tpu.enqueue_indirect_dma source(%arg15 : memref<80x128xf32, #tpu.memory_space<vmem>>) target(%dma_start3A_123 : memref<10112x128xf32, #tpu.memory_space<vmem_shared>>) offsets(%arg11 : memref<80xi32, #tpu.memory_space<vmem>>) semaphore(%arg27 : memref<!tpu.dma_semaphore, #tpu.memory_space<semaphore_mem>>) {add = true}
      %ge3A_124 = arith.constant 1 : i32
      %ge3A_125 = arith.cmpi sge, %add3A_117, %ge3A_124 : i32
      %convert_element_type3A_126 = arith.extui %ge3A_125 : i1 to i32
      %cond3A_127 = arith.constant 0 : i32
      %cond3A_128 = arith.cmpi ne, %convert_element_type3A_126, %cond3A_127 : i32
      scf.if %cond3A_128 {
        %dma_wait3A_197 = arith.constant 0 : i32
        %dma_wait3A_198 = arith.constant 0 : i32
        %dma_wait3A_199 = tpu.memref_slice %arg30[%dma_wait3A_197, %dma_wait3A_198] : memref<10112x128xf32, #tpu.memory_space<vmem_shared>> -> memref<10112x128xf32, #tpu.memory_space<vmem_shared>>
        tpu.wait_indirect_dma semaphore(%arg26 : memref<!tpu.dma_semaphore, #tpu.memory_space<semaphore_mem>>) src(%arg14 : memref<80x128xf32, #tpu.memory_space<vmem>>) dst(%dma_wait3A_199 : memref<10112x128xf32, #tpu.memory_space<vmem_shared>>)
      } else {
      }
      %add3A_129 = arith.constant 3 : i32
      %add3A_130 = arith.addi %add3A_117, %add3A_129 : i32
      %lt3A_131 = arith.constant 125 : i32
      %lt3A_132 = arith.cmpi slt, %add3A_130, %lt3A_131 : i32
      %convert_element_type3A_133 = arith.extui %lt3A_132 : i1 to i32
      %cond3A_134 = arith.constant 0 : i32
      %cond3A_135 = arith.cmpi ne, %convert_element_type3A_133, %cond3A_134 : i32
      scf.if %cond3A_135 {
        %add3A_197 = arith.constant 3 : i32
        %add3A_198 = arith.addi %add3A_117, %add3A_197 : i32
        %mul3A_199 = arith.constant 80 : i32
        %mul3A_200 = arith.muli %add3A_198, %mul3A_199 : i32
        %add3A_201 = arith.addi %mul3A_4, %mul3A_200 : i32
        %dma_start3A_202 = tpu.memref_slice %arg3[%add3A_201] : memref<320000xi32, #tpu.memory_space<hbm>> -> memref<80xi32, #tpu.memory_space<hbm>>
        %dma_start3A_203 = tpu.memref_slice %arg3[%add3A_201] : memref<320000xi32, #tpu.memory_space<hbm>> -> memref<80xi32, #tpu.memory_space<hbm>>
        tpu.enqueue_dma source(%dma_start3A_203 : memref<80xi32, #tpu.memory_space<hbm>>) target(%arg6 : memref<80xi32, #tpu.memory_space<vmem>>) target_semaphore(%arg18 : memref<!tpu.dma_semaphore, #tpu.memory_space<semaphore_mem>>)
        %mul3A_204 = arith.constant 80 : i32
        %mul3A_205 = arith.muli %add3A_198, %mul3A_204 : i32
        %add3A_206 = arith.addi %mul3A_4, %mul3A_205 : i32
        %dma_start3A_207 = tpu.memref_slice %arg4[%add3A_206] : memref<320000xi32, #tpu.memory_space<hbm>> -> memref<80xi32, #tpu.memory_space<hbm>>
        %dma_start3A_208 = tpu.memref_slice %arg4[%add3A_206] : memref<320000xi32, #tpu.memory_space<hbm>> -> memref<80xi32, #tpu.memory_space<hbm>>
        tpu.enqueue_dma source(%dma_start3A_208 : memref<80xi32, #tpu.memory_space<hbm>>) target(%arg10 : memref<80xi32, #tpu.memory_space<vmem>>) target_semaphore(%arg18 : memref<!tpu.dma_semaphore, #tpu.memory_space<semaphore_mem>>)
      } else {
      }
      %add3A_136 = arith.constant 2 : i32
      %add3A_137 = arith.addi %add3A_117, %add3A_136 : i32
      %lt3A_138 = arith.constant 125 : i32
      %lt3A_139 = arith.cmpi slt, %add3A_137, %lt3A_138 : i32
      %convert_element_type3A_140 = arith.extui %lt3A_139 : i1 to i32
      %cond3A_141 = arith.constant 0 : i32
      %cond3A_142 = arith.cmpi ne, %convert_element_type3A_140, %cond3A_141 : i32
      scf.if %cond3A_142 {
        %add3A_197 = arith.constant 2 : i32
        %add3A_198 = arith.addi %add3A_117, %add3A_197 : i32
        %mul3A_199 = arith.constant 80 : i32
        %mul3A_200 = arith.muli %add3A_198, %mul3A_199 : i32
        %add3A_201 = arith.addi %mul3A_4, %mul3A_200 : i32
        %dma_wait3A_202 = tpu.memref_slice %arg3[%add3A_201] : memref<320000xi32, #tpu.memory_space<hbm>> -> memref<80xi32, #tpu.memory_space<hbm>>
        %dma_wait3A_203 = tpu.memref_slice %arg3[%add3A_201] : memref<320000xi32, #tpu.memory_space<hbm>> -> memref<80xi32, #tpu.memory_space<hbm>>
        tpu.wait_dma2 semaphore(%arg21 : memref<!tpu.dma_semaphore, #tpu.memory_space<semaphore_mem>>) src(%dma_wait3A_203 : memref<80xi32, #tpu.memory_space<hbm>>) dst(%arg9 : memref<80xi32, #tpu.memory_space<vmem>>)
        %mul3A_204 = arith.constant 80 : i32
        %mul3A_205 = arith.muli %add3A_198, %mul3A_204 : i32
        %add3A_206 = arith.addi %mul3A_4, %mul3A_205 : i32
        %dma_wait3A_207 = tpu.memref_slice %arg4[%add3A_206] : memref<320000xi32, #tpu.memory_space<hbm>> -> memref<80xi32, #tpu.memory_space<hbm>>
        %dma_wait3A_208 = tpu.memref_slice %arg4[%add3A_206] : memref<320000xi32, #tpu.memory_space<hbm>> -> memref<80xi32, #tpu.memory_space<hbm>>
        tpu.wait_dma2 semaphore(%arg21 : memref<!tpu.dma_semaphore, #tpu.memory_space<semaphore_mem>>) src(%dma_wait3A_208 : memref<80xi32, #tpu.memory_space<hbm>>) dst(%arg13 : memref<80xi32, #tpu.memory_space<vmem>>)
        %dma_start3A_209 = arith.constant 0 : i32
        %dma_start3A_210 = arith.constant 0 : i32
        %dma_start3A_211 = tpu.memref_slice %arg2[%dma_start3A_209, %dma_start3A_210] : memref<40000x128xf32, #tpu.memory_space<hbm>> -> memref<40000x128xf32, #tpu.memory_space<hbm>>
        tpu.enqueue_indirect_dma source(%dma_start3A_211 : memref<40000x128xf32, #tpu.memory_space<hbm>>) target(%arg17 : memref<80x128xf32, #tpu.memory_space<vmem>>) offsets(%arg9 : memref<80xi32, #tpu.memory_space<vmem>>) semaphore(%arg25 : memref<!tpu.dma_semaphore, #tpu.memory_space<semaphore_mem>>)
      } else {
      }
      %add3A_143 = arith.constant 2 : i32
      %add3A_144 = arith.addi %mul3A_92, %add3A_143 : i32
      %dma_wait3A_145 = arith.constant 0 : i32
      %dma_wait3A_146 = arith.constant 0 : i32
      %dma_wait3A_147 = tpu.memref_slice %arg2[%dma_wait3A_145, %dma_wait3A_146] : memref<40000x128xf32, #tpu.memory_space<hbm>> -> memref<40000x128xf32, #tpu.memory_space<hbm>>
      tpu.wait_indirect_dma semaphore(%arg24 : memref<!tpu.dma_semaphore, #tpu.memory_space<semaphore_mem>>) src(%dma_wait3A_147 : memref<40000x128xf32, #tpu.memory_space<hbm>>) dst(%arg16 : memref<80x128xf32, #tpu.memory_space<vmem>>)
      %dma_start3A_148 = arith.constant 0 : i32
      %dma_start3A_149 = arith.constant 0 : i32
      %dma_start3A_150 = tpu.memref_slice %arg30[%dma_start3A_148, %dma_start3A_149] : memref<10112x128xf32, #tpu.memory_space<vmem_shared>> -> memref<10112x128xf32, #tpu.memory_space<vmem_shared>>
      tpu.enqueue_indirect_dma source(%arg16 : memref<80x128xf32, #tpu.memory_space<vmem>>) target(%dma_start3A_150 : memref<10112x128xf32, #tpu.memory_space<vmem_shared>>) offsets(%arg12 : memref<80xi32, #tpu.memory_space<vmem>>) semaphore(%arg28 : memref<!tpu.dma_semaphore, #tpu.memory_space<semaphore_mem>>) {add = true}
      %ge3A_151 = arith.constant 1 : i32
      %ge3A_152 = arith.cmpi sge, %add3A_144, %ge3A_151 : i32
      %convert_element_type3A_153 = arith.extui %ge3A_152 : i1 to i32
      %cond3A_154 = arith.constant 0 : i32
      %cond3A_155 = arith.cmpi ne, %convert_element_type3A_153, %cond3A_154 : i32
      scf.if %cond3A_155 {
        %dma_wait3A_197 = arith.constant 0 : i32
        %dma_wait3A_198 = arith.constant 0 : i32
        %dma_wait3A_199 = tpu.memref_slice %arg30[%dma_wait3A_197, %dma_wait3A_198] : memref<10112x128xf32, #tpu.memory_space<vmem_shared>> -> memref<10112x128xf32, #tpu.memory_space<vmem_shared>>
        tpu.wait_indirect_dma semaphore(%arg27 : memref<!tpu.dma_semaphore, #tpu.memory_space<semaphore_mem>>) src(%arg15 : memref<80x128xf32, #tpu.memory_space<vmem>>) dst(%dma_wait3A_199 : memref<10112x128xf32, #tpu.memory_space<vmem_shared>>)
      } else {
      }
      %add3A_156 = arith.constant 3 : i32
      %add3A_157 = arith.addi %add3A_144, %add3A_156 : i32
      %lt3A_158 = arith.constant 125 : i32
      %lt3A_159 = arith.cmpi slt, %add3A_157, %lt3A_158 : i32
      %convert_element_type3A_160 = arith.extui %lt3A_159 : i1 to i32
      %cond3A_161 = arith.constant 0 : i32
      %cond3A_162 = arith.cmpi ne, %convert_element_type3A_160, %cond3A_161 : i32
      scf.if %cond3A_162 {
        %add3A_197 = arith.constant 3 : i32
        %add3A_198 = arith.addi %add3A_144, %add3A_197 : i32
        %mul3A_199 = arith.constant 80 : i32
        %mul3A_200 = arith.muli %add3A_198, %mul3A_199 : i32
        %add3A_201 = arith.addi %mul3A_4, %mul3A_200 : i32
        %dma_start3A_202 = tpu.memref_slice %arg3[%add3A_201] : memref<320000xi32, #tpu.memory_space<hbm>> -> memref<80xi32, #tpu.memory_space<hbm>>
        %dma_start3A_203 = tpu.memref_slice %arg3[%add3A_201] : memref<320000xi32, #tpu.memory_space<hbm>> -> memref<80xi32, #tpu.memory_space<hbm>>
        tpu.enqueue_dma source(%dma_start3A_203 : memref<80xi32, #tpu.memory_space<hbm>>) target(%arg7 : memref<80xi32, #tpu.memory_space<vmem>>) target_semaphore(%arg19 : memref<!tpu.dma_semaphore, #tpu.memory_space<semaphore_mem>>)
        %mul3A_204 = arith.constant 80 : i32
        %mul3A_205 = arith.muli %add3A_198, %mul3A_204 : i32
        %add3A_206 = arith.addi %mul3A_4, %mul3A_205 : i32
        %dma_start3A_207 = tpu.memref_slice %arg4[%add3A_206] : memref<320000xi32, #tpu.memory_space<hbm>> -> memref<80xi32, #tpu.memory_space<hbm>>
        %dma_start3A_208 = tpu.memref_slice %arg4[%add3A_206] : memref<320000xi32, #tpu.memory_space<hbm>> -> memref<80xi32, #tpu.memory_space<hbm>>
        tpu.enqueue_dma source(%dma_start3A_208 : memref<80xi32, #tpu.memory_space<hbm>>) target(%arg11 : memref<80xi32, #tpu.memory_space<vmem>>) target_semaphore(%arg19 : memref<!tpu.dma_semaphore, #tpu.memory_space<semaphore_mem>>)
      } else {
      }
      %add3A_163 = arith.constant 2 : i32
      %add3A_164 = arith.addi %add3A_144, %add3A_163 : i32
      %lt3A_165 = arith.constant 125 : i32
      %lt3A_166 = arith.cmpi slt, %add3A_164, %lt3A_165 : i32
      %convert_element_type3A_167 = arith.extui %lt3A_166 : i1 to i32
      %cond3A_168 = arith.constant 0 : i32
      %cond3A_169 = arith.cmpi ne, %convert_element_type3A_167, %cond3A_168 : i32
      scf.if %cond3A_169 {
        %add3A_197 = arith.constant 2 : i32
        %add3A_198 = arith.addi %add3A_144, %add3A_197 : i32
        %mul3A_199 = arith.constant 80 : i32
        %mul3A_200 = arith.muli %add3A_198, %mul3A_199 : i32
        %add3A_201 = arith.addi %mul3A_4, %mul3A_200 : i32
        %dma_wait3A_202 = tpu.memref_slice %arg3[%add3A_201] : memref<320000xi32, #tpu.memory_space<hbm>> -> memref<80xi32, #tpu.memory_space<hbm>>
        %dma_wait3A_203 = tpu.memref_slice %arg3[%add3A_201] : memref<320000xi32, #tpu.memory_space<hbm>> -> memref<80xi32, #tpu.memory_space<hbm>>
        tpu.wait_dma2 semaphore(%arg18 : memref<!tpu.dma_semaphore, #tpu.memory_space<semaphore_mem>>) src(%dma_wait3A_203 : memref<80xi32, #tpu.memory_space<hbm>>) dst(%arg6 : memref<80xi32, #tpu.memory_space<vmem>>)
        %mul3A_204 = arith.constant 80 : i32
        %mul3A_205 = arith.muli %add3A_198, %mul3A_204 : i32
        %add3A_206 = arith.addi %mul3A_4, %mul3A_205 : i32
        %dma_wait3A_207 = tpu.memref_slice %arg4[%add3A_206] : memref<320000xi32, #tpu.memory_space<hbm>> -> memref<80xi32, #tpu.memory_space<hbm>>
        %dma_wait3A_208 = tpu.memref_slice %arg4[%add3A_206] : memref<320000xi32, #tpu.memory_space<hbm>> -> memref<80xi32, #tpu.memory_space<hbm>>
        tpu.wait_dma2 semaphore(%arg18 : memref<!tpu.dma_semaphore, #tpu.memory_space<semaphore_mem>>) src(%dma_wait3A_208 : memref<80xi32, #tpu.memory_space<hbm>>) dst(%arg10 : memref<80xi32, #tpu.memory_space<vmem>>)
        %dma_start3A_209 = arith.constant 0 : i32
        %dma_start3A_210 = arith.constant 0 : i32
        %dma_start3A_211 = tpu.memref_slice %arg2[%dma_start3A_209, %dma_start3A_210] : memref<40000x128xf32, #tpu.memory_space<hbm>> -> memref<40000x128xf32, #tpu.memory_space<hbm>>
        tpu.enqueue_indirect_dma source(%dma_start3A_211 : memref<40000x128xf32, #tpu.memory_space<hbm>>) target(%arg14 : memref<80x128xf32, #tpu.memory_space<vmem>>) offsets(%arg6 : memref<80xi32, #tpu.memory_space<vmem>>) semaphore(%arg22 : memref<!tpu.dma_semaphore, #tpu.memory_space<semaphore_mem>>)
      } else {
      }
      %add3A_170 = arith.constant 3 : i32
      %add3A_171 = arith.addi %mul3A_92, %add3A_170 : i32
      %dma_wait3A_172 = arith.constant 0 : i32
      %dma_wait3A_173 = arith.constant 0 : i32
      %dma_wait3A_174 = tpu.memref_slice %arg2[%dma_wait3A_172, %dma_wait3A_173] : memref<40000x128xf32, #tpu.memory_space<hbm>> -> memref<40000x128xf32, #tpu.memory_space<hbm>>
      tpu.wait_indirect_dma semaphore(%arg25 : memref<!tpu.dma_semaphore, #tpu.memory_space<semaphore_mem>>) src(%dma_wait3A_174 : memref<40000x128xf32, #tpu.memory_space<hbm>>) dst(%arg17 : memref<80x128xf32, #tpu.memory_space<vmem>>)
      %dma_start3A_175 = arith.constant 0 : i32
      %dma_start3A_176 = arith.constant 0 : i32
      %dma_start3A_177 = tpu.memref_slice %arg30[%dma_start3A_175, %dma_start3A_176] : memref<10112x128xf32, #tpu.memory_space<vmem_shared>> -> memref<10112x128xf32, #tpu.memory_space<vmem_shared>>
      tpu.enqueue_indirect_dma source(%arg17 : memref<80x128xf32, #tpu.memory_space<vmem>>) target(%dma_start3A_177 : memref<10112x128xf32, #tpu.memory_space<vmem_shared>>) offsets(%arg13 : memref<80xi32, #tpu.memory_space<vmem>>) semaphore(%arg29 : memref<!tpu.dma_semaphore, #tpu.memory_space<semaphore_mem>>) {add = true}
      %ge3A_178 = arith.constant 1 : i32
      %ge3A_179 = arith.cmpi sge, %add3A_171, %ge3A_178 : i32
      %convert_element_type3A_180 = arith.extui %ge3A_179 : i1 to i32
      %cond3A_181 = arith.constant 0 : i32
      %cond3A_182 = arith.cmpi ne, %convert_element_type3A_180, %cond3A_181 : i32
      scf.if %cond3A_182 {
        %dma_wait3A_197 = arith.constant 0 : i32
        %dma_wait3A_198 = arith.constant 0 : i32
        %dma_wait3A_199 = tpu.memref_slice %arg30[%dma_wait3A_197, %dma_wait3A_198] : memref<10112x128xf32, #tpu.memory_space<vmem_shared>> -> memref<10112x128xf32, #tpu.memory_space<vmem_shared>>
        tpu.wait_indirect_dma semaphore(%arg28 : memref<!tpu.dma_semaphore, #tpu.memory_space<semaphore_mem>>) src(%arg16 : memref<80x128xf32, #tpu.memory_space<vmem>>) dst(%dma_wait3A_199 : memref<10112x128xf32, #tpu.memory_space<vmem_shared>>)
      } else {
      }
      %add3A_183 = arith.constant 3 : i32
      %add3A_184 = arith.addi %add3A_171, %add3A_183 : i32
      %lt3A_185 = arith.constant 125 : i32
      %lt3A_186 = arith.cmpi slt, %add3A_184, %lt3A_185 : i32
      %convert_element_type3A_187 = arith.extui %lt3A_186 : i1 to i32
      %cond3A_188 = arith.constant 0 : i32
      %cond3A_189 = arith.cmpi ne, %convert_element_type3A_187, %cond3A_188 : i32
      scf.if %cond3A_189 {
        %add3A_197 = arith.constant 3 : i32
        %add3A_198 = arith.addi %add3A_171, %add3A_197 : i32
        %mul3A_199 = arith.constant 80 : i32
        %mul3A_200 = arith.muli %add3A_198, %mul3A_199 : i32
        %add3A_201 = arith.addi %mul3A_4, %mul3A_200 : i32
        %dma_start3A_202 = tpu.memref_slice %arg3[%add3A_201] : memref<320000xi32, #tpu.memory_space<hbm>> -> memref<80xi32, #tpu.memory_space<hbm>>
        %dma_start3A_203 = tpu.memref_slice %arg3[%add3A_201] : memref<320000xi32, #tpu.memory_space<hbm>> -> memref<80xi32, #tpu.memory_space<hbm>>
        tpu.enqueue_dma source(%dma_start3A_203 : memref<80xi32, #tpu.memory_space<hbm>>) target(%arg8 : memref<80xi32, #tpu.memory_space<vmem>>) target_semaphore(%arg20 : memref<!tpu.dma_semaphore, #tpu.memory_space<semaphore_mem>>)
        %mul3A_204 = arith.constant 80 : i32
        %mul3A_205 = arith.muli %add3A_198, %mul3A_204 : i32
        %add3A_206 = arith.addi %mul3A_4, %mul3A_205 : i32
        %dma_start3A_207 = tpu.memref_slice %arg4[%add3A_206] : memref<320000xi32, #tpu.memory_space<hbm>> -> memref<80xi32, #tpu.memory_space<hbm>>
        %dma_start3A_208 = tpu.memref_slice %arg4[%add3A_206] : memref<320000xi32, #tpu.memory_space<hbm>> -> memref<80xi32, #tpu.memory_space<hbm>>
        tpu.enqueue_dma source(%dma_start3A_208 : memref<80xi32, #tpu.memory_space<hbm>>) target(%arg12 : memref<80xi32, #tpu.memory_space<vmem>>) target_semaphore(%arg20 : memref<!tpu.dma_semaphore, #tpu.memory_space<semaphore_mem>>)
      } else {
      }
      %add3A_190 = arith.constant 2 : i32
      %add3A_191 = arith.addi %add3A_171, %add3A_190 : i32
      %lt3A_192 = arith.constant 125 : i32
      %lt3A_193 = arith.cmpi slt, %add3A_191, %lt3A_192 : i32
      %convert_element_type3A_194 = arith.extui %lt3A_193 : i1 to i32
      %cond3A_195 = arith.constant 0 : i32
      %cond3A_196 = arith.cmpi ne, %convert_element_type3A_194, %cond3A_195 : i32
      scf.if %cond3A_196 {
        %add3A_197 = arith.constant 2 : i32
        %add3A_198 = arith.addi %add3A_171, %add3A_197 : i32
        %mul3A_199 = arith.constant 80 : i32
        %mul3A_200 = arith.muli %add3A_198, %mul3A_199 : i32
        %add3A_201 = arith.addi %mul3A_4, %mul3A_200 : i32
        %dma_wait3A_202 = tpu.memref_slice %arg3[%add3A_201] : memref<320000xi32, #tpu.memory_space<hbm>> -> memref<80xi32, #tpu.memory_space<hbm>>
        %dma_wait3A_203 = tpu.memref_slice %arg3[%add3A_201] : memref<320000xi32, #tpu.memory_space<hbm>> -> memref<80xi32, #tpu.memory_space<hbm>>
        tpu.wait_dma2 semaphore(%arg19 : memref<!tpu.dma_semaphore, #tpu.memory_space<semaphore_mem>>) src(%dma_wait3A_203 : memref<80xi32, #tpu.memory_space<hbm>>) dst(%arg7 : memref<80xi32, #tpu.memory_space<vmem>>)
        %mul3A_204 = arith.constant 80 : i32
        %mul3A_205 = arith.muli %add3A_198, %mul3A_204 : i32
        %add3A_206 = arith.addi %mul3A_4, %mul3A_205 : i32
        %dma_wait3A_207 = tpu.memref_slice %arg4[%add3A_206] : memref<320000xi32, #tpu.memory_space<hbm>> -> memref<80xi32, #tpu.memory_space<hbm>>
        %dma_wait3A_208 = tpu.memref_slice %arg4[%add3A_206] : memref<320000xi32, #tpu.memory_space<hbm>> -> memref<80xi32, #tpu.memory_space<hbm>>
        tpu.wait_dma2 semaphore(%arg19 : memref<!tpu.dma_semaphore, #tpu.memory_space<semaphore_mem>>) src(%dma_wait3A_208 : memref<80xi32, #tpu.memory_space<hbm>>) dst(%arg11 : memref<80xi32, #tpu.memory_space<vmem>>)
        %dma_start3A_209 = arith.constant 0 : i32
        %dma_start3A_210 = arith.constant 0 : i32
        %dma_start3A_211 = tpu.memref_slice %arg2[%dma_start3A_209, %dma_start3A_210] : memref<40000x128xf32, #tpu.memory_space<hbm>> -> memref<40000x128xf32, #tpu.memory_space<hbm>>
        tpu.enqueue_indirect_dma source(%dma_start3A_211 : memref<40000x128xf32, #tpu.memory_space<hbm>>) target(%arg15 : memref<80x128xf32, #tpu.memory_space<vmem>>) offsets(%arg7 : memref<80xi32, #tpu.memory_space<vmem>>) semaphore(%arg23 : memref<!tpu.dma_semaphore, #tpu.memory_space<semaphore_mem>>)
      } else {
      }
    }
    %scan3A_76 = arith.constant 31 : i32
    %dma_wait3A_77 = arith.constant 0 : i32
    %dma_wait3A_78 = arith.constant 0 : i32
    %dma_wait3A_79 = tpu.memref_slice %arg2[%dma_wait3A_77, %dma_wait3A_78] : memref<40000x128xf32, #tpu.memory_space<hbm>> -> memref<40000x128xf32, #tpu.memory_space<hbm>>
    tpu.wait_indirect_dma semaphore(%arg22 : memref<!tpu.dma_semaphore, #tpu.memory_space<semaphore_mem>>) src(%dma_wait3A_79 : memref<40000x128xf32, #tpu.memory_space<hbm>>) dst(%arg14 : memref<80x128xf32, #tpu.memory_space<vmem>>)
    %dma_start3A_80 = arith.constant 0 : i32
    %dma_start3A_81 = arith.constant 0 : i32
    %dma_start3A_82 = tpu.memref_slice %arg30[%dma_start3A_80, %dma_start3A_81] : memref<10112x128xf32, #tpu.memory_space<vmem_shared>> -> memref<10112x128xf32, #tpu.memory_space<vmem_shared>>
    tpu.enqueue_indirect_dma source(%arg14 : memref<80x128xf32, #tpu.memory_space<vmem>>) target(%dma_start3A_82 : memref<10112x128xf32, #tpu.memory_space<vmem_shared>>) offsets(%arg10 : memref<80xi32, #tpu.memory_space<vmem>>) semaphore(%arg26 : memref<!tpu.dma_semaphore, #tpu.memory_space<semaphore_mem>>) {add = true}
    %dma_wait3A_83 = arith.constant 0 : i32
    %dma_wait3A_84 = arith.constant 0 : i32
    %dma_wait3A_85 = tpu.memref_slice %arg30[%dma_wait3A_83, %dma_wait3A_84] : memref<10112x128xf32, #tpu.memory_space<vmem_shared>> -> memref<10112x128xf32, #tpu.memory_space<vmem_shared>>
    tpu.wait_indirect_dma semaphore(%arg29 : memref<!tpu.dma_semaphore, #tpu.memory_space<semaphore_mem>>) src(%arg17 : memref<80x128xf32, #tpu.memory_space<vmem>>) dst(%dma_wait3A_85 : memref<10112x128xf32, #tpu.memory_space<vmem_shared>>)
    %dma_wait3A_86 = arith.constant 0 : i32
    %dma_wait3A_87 = arith.constant 0 : i32
    %dma_wait3A_88 = tpu.memref_slice %arg30[%dma_wait3A_86, %dma_wait3A_87] : memref<10112x128xf32, #tpu.memory_space<vmem_shared>> -> memref<10112x128xf32, #tpu.memory_space<vmem_shared>>
    tpu.wait_indirect_dma semaphore(%arg26 : memref<!tpu.dma_semaphore, #tpu.memory_space<semaphore_mem>>) src(%arg14 : memref<80x128xf32, #tpu.memory_space<vmem>>) dst(%dma_wait3A_88 : memref<10112x128xf32, #tpu.memory_space<vmem_shared>>)
    %barrier3A_89 = arith.constant 0 : index
    tpu.barrier barrier_id(%barrier3A_89)
    "tpu.region"() ({
      %run_scoped3A = tpu.sem_alloc : memref<!tpu.dma_semaphore, #tpu.memory_space<semaphore_mem>>
      %dma_start3A_90 = arith.constant 0 : i32
      %dma_start3A_91 = tpu.memref_slice %arg5[%arg0, %mul3A_2, %dma_start3A_90] : memref<2x10112x128xf32, #tpu.memory_space<hbm>> -> memref<1x632x128xf32, #tpu.memory_space<hbm>>
      %dma_start3A_92 = tpu.memref_squeeze %dma_start3A_91 : memref<1x632x128xf32, #tpu.memory_space<hbm>> -> memref<632x128xf32, #tpu.memory_space<hbm>>
      %dma_start3A_93 = arith.constant 0 : i32
      %dma_start3A_94 = tpu.memref_slice %arg30[%mul3A_2, %dma_start3A_93] : memref<10112x128xf32, #tpu.memory_space<vmem_shared>> -> memref<632x128xf32, #tpu.memory_space<vmem_shared>>
      tpu.enqueue_dma source(%dma_start3A_94 : memref<632x128xf32, #tpu.memory_space<vmem_shared>>) target(%dma_start3A_92 : memref<632x128xf32, #tpu.memory_space<hbm>>) target_semaphore(%run_scoped3A : memref<!tpu.dma_semaphore, #tpu.memory_space<semaphore_mem>>)
      %dma_wait3A_95 = arith.constant 0 : i32
      %dma_wait3A_96 = tpu.memref_slice %arg5[%arg0, %mul3A_2, %dma_wait3A_95] : memref<2x10112x128xf32, #tpu.memory_space<hbm>> -> memref<1x632x128xf32, #tpu.memory_space<hbm>>
      %dma_wait3A_97 = tpu.memref_squeeze %dma_wait3A_96 : memref<1x632x128xf32, #tpu.memory_space<hbm>> -> memref<632x128xf32, #tpu.memory_space<hbm>>
      %dma_wait3A_98 = arith.constant 0 : i32
      %dma_wait3A_99 = tpu.memref_slice %arg30[%mul3A_2, %dma_wait3A_98] : memref<10112x128xf32, #tpu.memory_space<vmem_shared>> -> memref<632x128xf32, #tpu.memory_space<vmem_shared>>
      tpu.wait_dma2 semaphore(%run_scoped3A : memref<!tpu.dma_semaphore, #tpu.memory_space<semaphore_mem>>) src(%dma_wait3A_99 : memref<632x128xf32, #tpu.memory_space<vmem_shared>>) dst(%dma_wait3A_97 : memref<632x128xf32, #tpu.memory_space<hbm>>)
      tpu.yield
    }) : () -> ()
    return
  }
}

#map = affine_map<(d0, d1) -> (0, 0)>
#map1 = affine_map<(d0, d1) -> (0)>
module attributes {stable_mosaic.version = 14 : i64} {
  func.func @_embed_sc(%arg0: i32, %arg1: i32, %arg2: memref<1001x128xf32, #tpu.memory_space<hbm>>, %arg3: memref<1001x128xf32, #tpu.memory_space<hbm>>, %arg4: memref<10000xi32, #tpu.memory_space<hbm>>, %arg5: memref<10000xi32, #tpu.memory_space<hbm>>, %arg6: memref<10000x128xf32, #tpu.memory_space<hbm>>, %arg7: memref<80xi32, #tpu.memory_space<vmem>>, %arg8: memref<80xi32, #tpu.memory_space<vmem>>, %arg9: memref<80xi32, #tpu.memory_space<vmem>>, %arg10: memref<80xi32, #tpu.memory_space<vmem>>, %arg11: memref<80xi32, #tpu.memory_space<vmem>>, %arg12: memref<80xi32, #tpu.memory_space<vmem>>, %arg13: memref<80xi32, #tpu.memory_space<vmem>>, %arg14: memref<80xi32, #tpu.memory_space<vmem>>, %arg15: memref<80x128xf32, #tpu.memory_space<vmem>>, %arg16: memref<80x128xf32, #tpu.memory_space<vmem>>, %arg17: memref<80x128xf32, #tpu.memory_space<vmem>>, %arg18: memref<80x128xf32, #tpu.memory_space<vmem>>, %arg19: memref<80x128xf32, #tpu.memory_space<vmem>>, %arg20: memref<80x128xf32, #tpu.memory_space<vmem>>, %arg21: memref<80x128xf32, #tpu.memory_space<vmem>>, %arg22: memref<80x128xf32, #tpu.memory_space<vmem>>, %arg23: memref<!tpu.dma_semaphore, #tpu.memory_space<semaphore_mem>>, %arg24: memref<!tpu.dma_semaphore, #tpu.memory_space<semaphore_mem>>, %arg25: memref<!tpu.dma_semaphore, #tpu.memory_space<semaphore_mem>>, %arg26: memref<!tpu.dma_semaphore, #tpu.memory_space<semaphore_mem>>, %arg27: memref<!tpu.dma_semaphore, #tpu.memory_space<semaphore_mem>>, %arg28: memref<!tpu.dma_semaphore, #tpu.memory_space<semaphore_mem>>, %arg29: memref<!tpu.dma_semaphore, #tpu.memory_space<semaphore_mem>>, %arg30: memref<!tpu.dma_semaphore, #tpu.memory_space<semaphore_mem>>) attributes {dimension_semantics = [#tpu.dimension_semantics<core_parallel>, #tpu.dimension_semantics<subcore_parallel>], iteration_bounds = array<i64: 2, 16>, scalar_prefetch = 0 : i64, scratch_operands = 24 : i64, tpu.core_type = #tpu.core_type<sc_vector_subcore>, window_params = [{transform_indices = #map}, {transform_indices = #map}, {transform_indices = #map1}, {transform_indices = #map1}, {transform_indices = #map}]} {
    %mul3A = arith.constant 16 : i32
    %mul3A_0 = arith.muli %arg0, %mul3A : i32
    %add3A = arith.addi %mul3A_0, %arg1 : i32
    %mul3A_1 = arith.constant 320 : i32
    %mul3A_2 = arith.muli %add3A, %mul3A_1 : i32
    %add3A_3 = arith.constant 0 : i32
    %add3A_4 = arith.addi %mul3A_2, %add3A_3 : i32
    %add3A_5 = arith.constant 80 : i32
    %add3A_6 = arith.addi %add3A_4, %add3A_5 : i32
    %le3A = arith.constant 10000 : i32
    %le3A_7 = arith.cmpi sle, %add3A_6, %le3A : i32
    %convert_element_type3A = arith.extui %le3A_7 : i1 to i32
    %cond3A = arith.constant 0 : i32
    %cond3A_8 = arith.cmpi ne, %convert_element_type3A, %cond3A : i32
    scf.if %cond3A_8 {
      %add3A_144 = arith.constant 0 : i32
      %add3A_145 = arith.addi %mul3A_2, %add3A_144 : i32
      %dma_start3A = tpu.memref_slice %arg4[%add3A_145] : memref<10000xi32, #tpu.memory_space<hbm>> -> memref<80xi32, #tpu.memory_space<hbm>>
      %dma_start3A_146 = tpu.memref_slice %arg4[%add3A_145] : memref<10000xi32, #tpu.memory_space<hbm>> -> memref<80xi32, #tpu.memory_space<hbm>>
      tpu.enqueue_dma source(%dma_start3A_146 : memref<80xi32, #tpu.memory_space<hbm>>) target(%arg7 : memref<80xi32, #tpu.memory_space<vmem>>) target_semaphore(%arg23 : memref<!tpu.dma_semaphore, #tpu.memory_space<semaphore_mem>>)
      %add3A_147 = arith.constant 0 : i32
      %add3A_148 = arith.addi %mul3A_2, %add3A_147 : i32
      %dma_start3A_149 = tpu.memref_slice %arg5[%add3A_148] : memref<10000xi32, #tpu.memory_space<hbm>> -> memref<80xi32, #tpu.memory_space<hbm>>
      %dma_start3A_150 = tpu.memref_slice %arg5[%add3A_148] : memref<10000xi32, #tpu.memory_space<hbm>> -> memref<80xi32, #tpu.memory_space<hbm>>
      tpu.enqueue_dma source(%dma_start3A_150 : memref<80xi32, #tpu.memory_space<hbm>>) target(%arg11 : memref<80xi32, #tpu.memory_space<vmem>>) target_semaphore(%arg23 : memref<!tpu.dma_semaphore, #tpu.memory_space<semaphore_mem>>)
    } else {
    }
    %add3A_9 = arith.constant 80 : i32
    %add3A_10 = arith.addi %mul3A_2, %add3A_9 : i32
    %add3A_11 = arith.constant 80 : i32
    %add3A_12 = arith.addi %add3A_10, %add3A_11 : i32
    %le3A_13 = arith.constant 10000 : i32
    %le3A_14 = arith.cmpi sle, %add3A_12, %le3A_13 : i32
    %convert_element_type3A_15 = arith.extui %le3A_14 : i1 to i32
    %cond3A_16 = arith.constant 0 : i32
    %cond3A_17 = arith.cmpi ne, %convert_element_type3A_15, %cond3A_16 : i32
    scf.if %cond3A_17 {
      %add3A_144 = arith.constant 80 : i32
      %add3A_145 = arith.addi %mul3A_2, %add3A_144 : i32
      %dma_start3A = tpu.memref_slice %arg4[%add3A_145] : memref<10000xi32, #tpu.memory_space<hbm>> -> memref<80xi32, #tpu.memory_space<hbm>>
      %dma_start3A_146 = tpu.memref_slice %arg4[%add3A_145] : memref<10000xi32, #tpu.memory_space<hbm>> -> memref<80xi32, #tpu.memory_space<hbm>>
      tpu.enqueue_dma source(%dma_start3A_146 : memref<80xi32, #tpu.memory_space<hbm>>) target(%arg8 : memref<80xi32, #tpu.memory_space<vmem>>) target_semaphore(%arg24 : memref<!tpu.dma_semaphore, #tpu.memory_space<semaphore_mem>>)
      %add3A_147 = arith.constant 80 : i32
      %add3A_148 = arith.addi %mul3A_2, %add3A_147 : i32
      %dma_start3A_149 = tpu.memref_slice %arg5[%add3A_148] : memref<10000xi32, #tpu.memory_space<hbm>> -> memref<80xi32, #tpu.memory_space<hbm>>
      %dma_start3A_150 = tpu.memref_slice %arg5[%add3A_148] : memref<10000xi32, #tpu.memory_space<hbm>> -> memref<80xi32, #tpu.memory_space<hbm>>
      tpu.enqueue_dma source(%dma_start3A_150 : memref<80xi32, #tpu.memory_space<hbm>>) target(%arg12 : memref<80xi32, #tpu.memory_space<vmem>>) target_semaphore(%arg24 : memref<!tpu.dma_semaphore, #tpu.memory_space<semaphore_mem>>)
    } else {
    }
    %add3A_18 = arith.constant 160 : i32
    %add3A_19 = arith.addi %mul3A_2, %add3A_18 : i32
    %add3A_20 = arith.constant 80 : i32
    %add3A_21 = arith.addi %add3A_19, %add3A_20 : i32
    %le3A_22 = arith.constant 10000 : i32
    %le3A_23 = arith.cmpi sle, %add3A_21, %le3A_22 : i32
    %convert_element_type3A_24 = arith.extui %le3A_23 : i1 to i32
    %cond3A_25 = arith.constant 0 : i32
    %cond3A_26 = arith.cmpi ne, %convert_element_type3A_24, %cond3A_25 : i32
    scf.if %cond3A_26 {
      %add3A_144 = arith.constant 160 : i32
      %add3A_145 = arith.addi %mul3A_2, %add3A_144 : i32
      %dma_start3A = tpu.memref_slice %arg4[%add3A_145] : memref<10000xi32, #tpu.memory_space<hbm>> -> memref<80xi32, #tpu.memory_space<hbm>>
      %dma_start3A_146 = tpu.memref_slice %arg4[%add3A_145] : memref<10000xi32, #tpu.memory_space<hbm>> -> memref<80xi32, #tpu.memory_space<hbm>>
      tpu.enqueue_dma source(%dma_start3A_146 : memref<80xi32, #tpu.memory_space<hbm>>) target(%arg9 : memref<80xi32, #tpu.memory_space<vmem>>) target_semaphore(%arg25 : memref<!tpu.dma_semaphore, #tpu.memory_space<semaphore_mem>>)
      %add3A_147 = arith.constant 160 : i32
      %add3A_148 = arith.addi %mul3A_2, %add3A_147 : i32
      %dma_start3A_149 = tpu.memref_slice %arg5[%add3A_148] : memref<10000xi32, #tpu.memory_space<hbm>> -> memref<80xi32, #tpu.memory_space<hbm>>
      %dma_start3A_150 = tpu.memref_slice %arg5[%add3A_148] : memref<10000xi32, #tpu.memory_space<hbm>> -> memref<80xi32, #tpu.memory_space<hbm>>
      tpu.enqueue_dma source(%dma_start3A_150 : memref<80xi32, #tpu.memory_space<hbm>>) target(%arg13 : memref<80xi32, #tpu.memory_space<vmem>>) target_semaphore(%arg25 : memref<!tpu.dma_semaphore, #tpu.memory_space<semaphore_mem>>)
    } else {
    }
    %add3A_27 = arith.constant 240 : i32
    %add3A_28 = arith.addi %mul3A_2, %add3A_27 : i32
    %add3A_29 = arith.constant 80 : i32
    %add3A_30 = arith.addi %add3A_28, %add3A_29 : i32
    %le3A_31 = arith.constant 10000 : i32
    %le3A_32 = arith.cmpi sle, %add3A_30, %le3A_31 : i32
    %convert_element_type3A_33 = arith.extui %le3A_32 : i1 to i32
    %cond3A_34 = arith.constant 0 : i32
    %cond3A_35 = arith.cmpi ne, %convert_element_type3A_33, %cond3A_34 : i32
    scf.if %cond3A_35 {
      %add3A_144 = arith.constant 240 : i32
      %add3A_145 = arith.addi %mul3A_2, %add3A_144 : i32
      %dma_start3A = tpu.memref_slice %arg4[%add3A_145] : memref<10000xi32, #tpu.memory_space<hbm>> -> memref<80xi32, #tpu.memory_space<hbm>>
      %dma_start3A_146 = tpu.memref_slice %arg4[%add3A_145] : memref<10000xi32, #tpu.memory_space<hbm>> -> memref<80xi32, #tpu.memory_space<hbm>>
      tpu.enqueue_dma source(%dma_start3A_146 : memref<80xi32, #tpu.memory_space<hbm>>) target(%arg10 : memref<80xi32, #tpu.memory_space<vmem>>) target_semaphore(%arg26 : memref<!tpu.dma_semaphore, #tpu.memory_space<semaphore_mem>>)
      %add3A_147 = arith.constant 240 : i32
      %add3A_148 = arith.addi %mul3A_2, %add3A_147 : i32
      %dma_start3A_149 = tpu.memref_slice %arg5[%add3A_148] : memref<10000xi32, #tpu.memory_space<hbm>> -> memref<80xi32, #tpu.memory_space<hbm>>
      %dma_start3A_150 = tpu.memref_slice %arg5[%add3A_148] : memref<10000xi32, #tpu.memory_space<hbm>> -> memref<80xi32, #tpu.memory_space<hbm>>
      tpu.enqueue_dma source(%dma_start3A_150 : memref<80xi32, #tpu.memory_space<hbm>>) target(%arg14 : memref<80xi32, #tpu.memory_space<vmem>>) target_semaphore(%arg26 : memref<!tpu.dma_semaphore, #tpu.memory_space<semaphore_mem>>)
    } else {
    }
    %add3A_36 = arith.constant 0 : i32
    %add3A_37 = arith.addi %mul3A_2, %add3A_36 : i32
    %add3A_38 = arith.constant 80 : i32
    %add3A_39 = arith.addi %add3A_37, %add3A_38 : i32
    %le3A_40 = arith.constant 10000 : i32
    %le3A_41 = arith.cmpi sle, %add3A_39, %le3A_40 : i32
    %convert_element_type3A_42 = arith.extui %le3A_41 : i1 to i32
    %cond3A_43 = arith.constant 0 : i32
    %cond3A_44 = arith.cmpi ne, %convert_element_type3A_42, %cond3A_43 : i32
    scf.if %cond3A_44 {
      %add3A_144 = arith.constant 0 : i32
      %add3A_145 = arith.addi %mul3A_2, %add3A_144 : i32
      %dma_wait3A = tpu.memref_slice %arg4[%add3A_145] : memref<10000xi32, #tpu.memory_space<hbm>> -> memref<80xi32, #tpu.memory_space<hbm>>
      %dma_wait3A_146 = tpu.memref_slice %arg4[%add3A_145] : memref<10000xi32, #tpu.memory_space<hbm>> -> memref<80xi32, #tpu.memory_space<hbm>>
      tpu.wait_dma2 semaphore(%arg23 : memref<!tpu.dma_semaphore, #tpu.memory_space<semaphore_mem>>) src(%dma_wait3A_146 : memref<80xi32, #tpu.memory_space<hbm>>) dst(%arg7 : memref<80xi32, #tpu.memory_space<vmem>>)
      %add3A_147 = arith.constant 0 : i32
      %add3A_148 = arith.addi %mul3A_2, %add3A_147 : i32
      %dma_wait3A_149 = tpu.memref_slice %arg5[%add3A_148] : memref<10000xi32, #tpu.memory_space<hbm>> -> memref<80xi32, #tpu.memory_space<hbm>>
      %dma_wait3A_150 = tpu.memref_slice %arg5[%add3A_148] : memref<10000xi32, #tpu.memory_space<hbm>> -> memref<80xi32, #tpu.memory_space<hbm>>
      tpu.wait_dma2 semaphore(%arg23 : memref<!tpu.dma_semaphore, #tpu.memory_space<semaphore_mem>>) src(%dma_wait3A_150 : memref<80xi32, #tpu.memory_space<hbm>>) dst(%arg11 : memref<80xi32, #tpu.memory_space<vmem>>)
      %dma_start3A = arith.constant 0 : i32
      %dma_start3A_151 = arith.constant 0 : i32
      %dma_start3A_152 = tpu.memref_slice %arg2[%dma_start3A, %dma_start3A_151] : memref<1001x128xf32, #tpu.memory_space<hbm>> -> memref<1001x128xf32, #tpu.memory_space<hbm>>
      tpu.enqueue_indirect_dma source(%dma_start3A_152 : memref<1001x128xf32, #tpu.memory_space<hbm>>) target(%arg15 : memref<80x128xf32, #tpu.memory_space<vmem>>) offsets(%arg7 : memref<80xi32, #tpu.memory_space<vmem>>) semaphore(%arg27 : memref<!tpu.dma_semaphore, #tpu.memory_space<semaphore_mem>>)
      %dma_start3A_153 = arith.constant 0 : i32
      %dma_start3A_154 = arith.constant 0 : i32
      %dma_start3A_155 = tpu.memref_slice %arg3[%dma_start3A_153, %dma_start3A_154] : memref<1001x128xf32, #tpu.memory_space<hbm>> -> memref<1001x128xf32, #tpu.memory_space<hbm>>
      tpu.enqueue_indirect_dma source(%dma_start3A_155 : memref<1001x128xf32, #tpu.memory_space<hbm>>) target(%arg19 : memref<80x128xf32, #tpu.memory_space<vmem>>) offsets(%arg11 : memref<80xi32, #tpu.memory_space<vmem>>) semaphore(%arg27 : memref<!tpu.dma_semaphore, #tpu.memory_space<semaphore_mem>>)
    } else {
    }
    %add3A_45 = arith.constant 80 : i32
    %add3A_46 = arith.addi %mul3A_2, %add3A_45 : i32
    %add3A_47 = arith.constant 80 : i32
    %add3A_48 = arith.addi %add3A_46, %add3A_47 : i32
    %le3A_49 = arith.constant 10000 : i32
    %le3A_50 = arith.cmpi sle, %add3A_48, %le3A_49 : i32
    %convert_element_type3A_51 = arith.extui %le3A_50 : i1 to i32
    %cond3A_52 = arith.constant 0 : i32
    %cond3A_53 = arith.cmpi ne, %convert_element_type3A_51, %cond3A_52 : i32
    scf.if %cond3A_53 {
      %add3A_144 = arith.constant 80 : i32
      %add3A_145 = arith.addi %mul3A_2, %add3A_144 : i32
      %dma_wait3A = tpu.memref_slice %arg4[%add3A_145] : memref<10000xi32, #tpu.memory_space<hbm>> -> memref<80xi32, #tpu.memory_space<hbm>>
      %dma_wait3A_146 = tpu.memref_slice %arg4[%add3A_145] : memref<10000xi32, #tpu.memory_space<hbm>> -> memref<80xi32, #tpu.memory_space<hbm>>
      tpu.wait_dma2 semaphore(%arg24 : memref<!tpu.dma_semaphore, #tpu.memory_space<semaphore_mem>>) src(%dma_wait3A_146 : memref<80xi32, #tpu.memory_space<hbm>>) dst(%arg8 : memref<80xi32, #tpu.memory_space<vmem>>)
      %add3A_147 = arith.constant 80 : i32
      %add3A_148 = arith.addi %mul3A_2, %add3A_147 : i32
      %dma_wait3A_149 = tpu.memref_slice %arg5[%add3A_148] : memref<10000xi32, #tpu.memory_space<hbm>> -> memref<80xi32, #tpu.memory_space<hbm>>
      %dma_wait3A_150 = tpu.memref_slice %arg5[%add3A_148] : memref<10000xi32, #tpu.memory_space<hbm>> -> memref<80xi32, #tpu.memory_space<hbm>>
      tpu.wait_dma2 semaphore(%arg24 : memref<!tpu.dma_semaphore, #tpu.memory_space<semaphore_mem>>) src(%dma_wait3A_150 : memref<80xi32, #tpu.memory_space<hbm>>) dst(%arg12 : memref<80xi32, #tpu.memory_space<vmem>>)
      %dma_start3A = arith.constant 0 : i32
      %dma_start3A_151 = arith.constant 0 : i32
      %dma_start3A_152 = tpu.memref_slice %arg2[%dma_start3A, %dma_start3A_151] : memref<1001x128xf32, #tpu.memory_space<hbm>> -> memref<1001x128xf32, #tpu.memory_space<hbm>>
      tpu.enqueue_indirect_dma source(%dma_start3A_152 : memref<1001x128xf32, #tpu.memory_space<hbm>>) target(%arg16 : memref<80x128xf32, #tpu.memory_space<vmem>>) offsets(%arg8 : memref<80xi32, #tpu.memory_space<vmem>>) semaphore(%arg28 : memref<!tpu.dma_semaphore, #tpu.memory_space<semaphore_mem>>)
      %dma_start3A_153 = arith.constant 0 : i32
      %dma_start3A_154 = arith.constant 0 : i32
      %dma_start3A_155 = tpu.memref_slice %arg3[%dma_start3A_153, %dma_start3A_154] : memref<1001x128xf32, #tpu.memory_space<hbm>> -> memref<1001x128xf32, #tpu.memory_space<hbm>>
      tpu.enqueue_indirect_dma source(%dma_start3A_155 : memref<1001x128xf32, #tpu.memory_space<hbm>>) target(%arg20 : memref<80x128xf32, #tpu.memory_space<vmem>>) offsets(%arg12 : memref<80xi32, #tpu.memory_space<vmem>>) semaphore(%arg28 : memref<!tpu.dma_semaphore, #tpu.memory_space<semaphore_mem>>)
    } else {
    }
    %add3A_54 = arith.constant 160 : i32
    %add3A_55 = arith.addi %mul3A_2, %add3A_54 : i32
    %add3A_56 = arith.constant 80 : i32
    %add3A_57 = arith.addi %add3A_55, %add3A_56 : i32
    %le3A_58 = arith.constant 10000 : i32
    %le3A_59 = arith.cmpi sle, %add3A_57, %le3A_58 : i32
    %convert_element_type3A_60 = arith.extui %le3A_59 : i1 to i32
    %cond3A_61 = arith.constant 0 : i32
    %cond3A_62 = arith.cmpi ne, %convert_element_type3A_60, %cond3A_61 : i32
    scf.if %cond3A_62 {
      %add3A_144 = arith.constant 160 : i32
      %add3A_145 = arith.addi %mul3A_2, %add3A_144 : i32
      %dma_wait3A = tpu.memref_slice %arg4[%add3A_145] : memref<10000xi32, #tpu.memory_space<hbm>> -> memref<80xi32, #tpu.memory_space<hbm>>
      %dma_wait3A_146 = tpu.memref_slice %arg4[%add3A_145] : memref<10000xi32, #tpu.memory_space<hbm>> -> memref<80xi32, #tpu.memory_space<hbm>>
      tpu.wait_dma2 semaphore(%arg25 : memref<!tpu.dma_semaphore, #tpu.memory_space<semaphore_mem>>) src(%dma_wait3A_146 : memref<80xi32, #tpu.memory_space<hbm>>) dst(%arg9 : memref<80xi32, #tpu.memory_space<vmem>>)
      %add3A_147 = arith.constant 160 : i32
      %add3A_148 = arith.addi %mul3A_2, %add3A_147 : i32
      %dma_wait3A_149 = tpu.memref_slice %arg5[%add3A_148] : memref<10000xi32, #tpu.memory_space<hbm>> -> memref<80xi32, #tpu.memory_space<hbm>>
      %dma_wait3A_150 = tpu.memref_slice %arg5[%add3A_148] : memref<10000xi32, #tpu.memory_space<hbm>> -> memref<80xi32, #tpu.memory_space<hbm>>
      tpu.wait_dma2 semaphore(%arg25 : memref<!tpu.dma_semaphore, #tpu.memory_space<semaphore_mem>>) src(%dma_wait3A_150 : memref<80xi32, #tpu.memory_space<hbm>>) dst(%arg13 : memref<80xi32, #tpu.memory_space<vmem>>)
      %dma_start3A = arith.constant 0 : i32
      %dma_start3A_151 = arith.constant 0 : i32
      %dma_start3A_152 = tpu.memref_slice %arg2[%dma_start3A, %dma_start3A_151] : memref<1001x128xf32, #tpu.memory_space<hbm>> -> memref<1001x128xf32, #tpu.memory_space<hbm>>
      tpu.enqueue_indirect_dma source(%dma_start3A_152 : memref<1001x128xf32, #tpu.memory_space<hbm>>) target(%arg17 : memref<80x128xf32, #tpu.memory_space<vmem>>) offsets(%arg9 : memref<80xi32, #tpu.memory_space<vmem>>) semaphore(%arg29 : memref<!tpu.dma_semaphore, #tpu.memory_space<semaphore_mem>>)
      %dma_start3A_153 = arith.constant 0 : i32
      %dma_start3A_154 = arith.constant 0 : i32
      %dma_start3A_155 = tpu.memref_slice %arg3[%dma_start3A_153, %dma_start3A_154] : memref<1001x128xf32, #tpu.memory_space<hbm>> -> memref<1001x128xf32, #tpu.memory_space<hbm>>
      tpu.enqueue_indirect_dma source(%dma_start3A_155 : memref<1001x128xf32, #tpu.memory_space<hbm>>) target(%arg21 : memref<80x128xf32, #tpu.memory_space<vmem>>) offsets(%arg13 : memref<80xi32, #tpu.memory_space<vmem>>) semaphore(%arg29 : memref<!tpu.dma_semaphore, #tpu.memory_space<semaphore_mem>>)
    } else {
    }
    %add3A_63 = arith.constant 240 : i32
    %add3A_64 = arith.addi %mul3A_2, %add3A_63 : i32
    %add3A_65 = arith.constant 80 : i32
    %add3A_66 = arith.addi %add3A_64, %add3A_65 : i32
    %le3A_67 = arith.constant 10000 : i32
    %le3A_68 = arith.cmpi sle, %add3A_66, %le3A_67 : i32
    %convert_element_type3A_69 = arith.extui %le3A_68 : i1 to i32
    %cond3A_70 = arith.constant 0 : i32
    %cond3A_71 = arith.cmpi ne, %convert_element_type3A_69, %cond3A_70 : i32
    scf.if %cond3A_71 {
      %add3A_144 = arith.constant 240 : i32
      %add3A_145 = arith.addi %mul3A_2, %add3A_144 : i32
      %dma_wait3A = tpu.memref_slice %arg4[%add3A_145] : memref<10000xi32, #tpu.memory_space<hbm>> -> memref<80xi32, #tpu.memory_space<hbm>>
      %dma_wait3A_146 = tpu.memref_slice %arg4[%add3A_145] : memref<10000xi32, #tpu.memory_space<hbm>> -> memref<80xi32, #tpu.memory_space<hbm>>
      tpu.wait_dma2 semaphore(%arg26 : memref<!tpu.dma_semaphore, #tpu.memory_space<semaphore_mem>>) src(%dma_wait3A_146 : memref<80xi32, #tpu.memory_space<hbm>>) dst(%arg10 : memref<80xi32, #tpu.memory_space<vmem>>)
      %add3A_147 = arith.constant 240 : i32
      %add3A_148 = arith.addi %mul3A_2, %add3A_147 : i32
      %dma_wait3A_149 = tpu.memref_slice %arg5[%add3A_148] : memref<10000xi32, #tpu.memory_space<hbm>> -> memref<80xi32, #tpu.memory_space<hbm>>
      %dma_wait3A_150 = tpu.memref_slice %arg5[%add3A_148] : memref<10000xi32, #tpu.memory_space<hbm>> -> memref<80xi32, #tpu.memory_space<hbm>>
      tpu.wait_dma2 semaphore(%arg26 : memref<!tpu.dma_semaphore, #tpu.memory_space<semaphore_mem>>) src(%dma_wait3A_150 : memref<80xi32, #tpu.memory_space<hbm>>) dst(%arg14 : memref<80xi32, #tpu.memory_space<vmem>>)
      %dma_start3A = arith.constant 0 : i32
      %dma_start3A_151 = arith.constant 0 : i32
      %dma_start3A_152 = tpu.memref_slice %arg2[%dma_start3A, %dma_start3A_151] : memref<1001x128xf32, #tpu.memory_space<hbm>> -> memref<1001x128xf32, #tpu.memory_space<hbm>>
      tpu.enqueue_indirect_dma source(%dma_start3A_152 : memref<1001x128xf32, #tpu.memory_space<hbm>>) target(%arg18 : memref<80x128xf32, #tpu.memory_space<vmem>>) offsets(%arg10 : memref<80xi32, #tpu.memory_space<vmem>>) semaphore(%arg30 : memref<!tpu.dma_semaphore, #tpu.memory_space<semaphore_mem>>)
      %dma_start3A_153 = arith.constant 0 : i32
      %dma_start3A_154 = arith.constant 0 : i32
      %dma_start3A_155 = tpu.memref_slice %arg3[%dma_start3A_153, %dma_start3A_154] : memref<1001x128xf32, #tpu.memory_space<hbm>> -> memref<1001x128xf32, #tpu.memory_space<hbm>>
      tpu.enqueue_indirect_dma source(%dma_start3A_155 : memref<1001x128xf32, #tpu.memory_space<hbm>>) target(%arg22 : memref<80x128xf32, #tpu.memory_space<vmem>>) offsets(%arg14 : memref<80xi32, #tpu.memory_space<vmem>>) semaphore(%arg30 : memref<!tpu.dma_semaphore, #tpu.memory_space<semaphore_mem>>)
    } else {
    }
    %add3A_72 = arith.constant 0 : i32
    %add3A_73 = arith.addi %mul3A_2, %add3A_72 : i32
    %add3A_74 = arith.constant 80 : i32
    %add3A_75 = arith.addi %add3A_73, %add3A_74 : i32
    %le3A_76 = arith.constant 10000 : i32
    %le3A_77 = arith.cmpi sle, %add3A_75, %le3A_76 : i32
    %convert_element_type3A_78 = arith.extui %le3A_77 : i1 to i32
    %cond3A_79 = arith.constant 0 : i32
    %cond3A_80 = arith.cmpi ne, %convert_element_type3A_78, %cond3A_79 : i32
    scf.if %cond3A_80 {
      %dma_wait3A = arith.constant 0 : i32
      %dma_wait3A_144 = arith.constant 0 : i32
      %dma_wait3A_145 = tpu.memref_slice %arg2[%dma_wait3A, %dma_wait3A_144] : memref<1001x128xf32, #tpu.memory_space<hbm>> -> memref<1001x128xf32, #tpu.memory_space<hbm>>
      tpu.wait_indirect_dma semaphore(%arg27 : memref<!tpu.dma_semaphore, #tpu.memory_space<semaphore_mem>>) src(%dma_wait3A_145 : memref<1001x128xf32, #tpu.memory_space<hbm>>) dst(%arg15 : memref<80x128xf32, #tpu.memory_space<vmem>>)
      %dma_wait3A_146 = arith.constant 0 : i32
      %dma_wait3A_147 = arith.constant 0 : i32
      %dma_wait3A_148 = tpu.memref_slice %arg3[%dma_wait3A_146, %dma_wait3A_147] : memref<1001x128xf32, #tpu.memory_space<hbm>> -> memref<1001x128xf32, #tpu.memory_space<hbm>>
      tpu.wait_indirect_dma semaphore(%arg27 : memref<!tpu.dma_semaphore, #tpu.memory_space<semaphore_mem>>) src(%dma_wait3A_148 : memref<1001x128xf32, #tpu.memory_space<hbm>>) dst(%arg19 : memref<80x128xf32, #tpu.memory_space<vmem>>)
      %scan3A = arith.constant 0 : i32
      %scan3A_149 = arith.constant 0 : i32
      %scan3A_150 = arith.constant 80 : i32
      %scan3A_151 = arith.addi %scan3A_149, %scan3A_150 : i32
      %scan3A_152 = arith.constant 1 : i32
      scf.for %scan3A_159 = %scan3A_149 to %scan3A_151 step %scan3A_152  : i32 {
        %get3A = arith.index_cast %scan3A_159 : i32 to index
        %get3A_160 = arith.constant 0 : index
        %get3A_161 = tpu.vector_load %arg15[%get3A, %get3A_160] {strides = array<i32>} : memref<80x128xf32, #tpu.memory_space<vmem>>, vector<1x16xf32>,
        %get3A_162 = vector.shape_cast %get3A_161 : vector<1x16xf32> to vector<16xf32>
        %get3A_163 = arith.index_cast %scan3A_159 : i32 to index
        %get3A_164 = arith.constant 0 : index
        %get3A_165 = tpu.vector_load %arg19[%get3A_163, %get3A_164] {strides = array<i32>} : memref<80x128xf32, #tpu.memory_space<vmem>>, vector<1x16xf32>,
        %get3A_166 = vector.shape_cast %get3A_165 : vector<1x16xf32> to vector<16xf32>
        %add3A_167 = arith.addf %get3A_162, %get3A_166 : vector<16xf32>
        %swap3A = arith.index_cast %scan3A_159 : i32 to index
        %swap3A_168 = arith.constant 0 : index
        %swap3A_169 = tpu.vector_load %arg15[%swap3A, %swap3A_168] {strides = array<i32>} : memref<80x128xf32, #tpu.memory_space<vmem>>, vector<1x16xf32>,
        %swap3A_170 = vector.shape_cast %swap3A_169 : vector<1x16xf32> to vector<16xf32>
        %swap3A_171 = vector.shape_cast %add3A_167 : vector<16xf32> to vector<1x16xf32>
        tpu.vector_store %arg15[%swap3A, %swap3A_168], %swap3A_171 {strides = array<i32>} : memref<80x128xf32, #tpu.memory_space<vmem>>, vector<1x16xf32>,
        %get3A_172 = arith.index_cast %scan3A_159 : i32 to index
        %get3A_173 = arith.constant 16 : index
        %get3A_174 = tpu.vector_load %arg15[%get3A_172, %get3A_173] {strides = array<i32>} : memref<80x128xf32, #tpu.memory_space<vmem>>, vector<1x16xf32>,
        %get3A_175 = vector.shape_cast %get3A_174 : vector<1x16xf32> to vector<16xf32>
        %get3A_176 = arith.index_cast %scan3A_159 : i32 to index
        %get3A_177 = arith.constant 16 : index
        %get3A_178 = tpu.vector_load %arg19[%get3A_176, %get3A_177] {strides = array<i32>} : memref<80x128xf32, #tpu.memory_space<vmem>>, vector<1x16xf32>,
        %get3A_179 = vector.shape_cast %get3A_178 : vector<1x16xf32> to vector<16xf32>
        %add3A_180 = arith.addf %get3A_175, %get3A_179 : vector<16xf32>
        %swap3A_181 = arith.index_cast %scan3A_159 : i32 to index
        %swap3A_182 = arith.constant 16 : index
        %swap3A_183 = tpu.vector_load %arg15[%swap3A_181, %swap3A_182] {strides = array<i32>} : memref<80x128xf32, #tpu.memory_space<vmem>>, vector<1x16xf32>,
        %swap3A_184 = vector.shape_cast %swap3A_183 : vector<1x16xf32> to vector<16xf32>
        %swap3A_185 = vector.shape_cast %add3A_180 : vector<16xf32> to vector<1x16xf32>
        tpu.vector_store %arg15[%swap3A_181, %swap3A_182], %swap3A_185 {strides = array<i32>} : memref<80x128xf32, #tpu.memory_space<vmem>>, vector<1x16xf32>,
        %get3A_186 = arith.index_cast %scan3A_159 : i32 to index
        %get3A_187 = arith.constant 32 : index
        %get3A_188 = tpu.vector_load %arg15[%get3A_186, %get3A_187] {strides = array<i32>} : memref<80x128xf32, #tpu.memory_space<vmem>>, vector<1x16xf32>,
        %get3A_189 = vector.shape_cast %get3A_188 : vector<1x16xf32> to vector<16xf32>
        %get3A_190 = arith.index_cast %scan3A_159 : i32 to index
        %get3A_191 = arith.constant 32 : index
        %get3A_192 = tpu.vector_load %arg19[%get3A_190, %get3A_191] {strides = array<i32>} : memref<80x128xf32, #tpu.memory_space<vmem>>, vector<1x16xf32>,
        %get3A_193 = vector.shape_cast %get3A_192 : vector<1x16xf32> to vector<16xf32>
        %add3A_194 = arith.addf %get3A_189, %get3A_193 : vector<16xf32>
        %swap3A_195 = arith.index_cast %scan3A_159 : i32 to index
        %swap3A_196 = arith.constant 32 : index
        %swap3A_197 = tpu.vector_load %arg15[%swap3A_195, %swap3A_196] {strides = array<i32>} : memref<80x128xf32, #tpu.memory_space<vmem>>, vector<1x16xf32>,
        %swap3A_198 = vector.shape_cast %swap3A_197 : vector<1x16xf32> to vector<16xf32>
        %swap3A_199 = vector.shape_cast %add3A_194 : vector<16xf32> to vector<1x16xf32>
        tpu.vector_store %arg15[%swap3A_195, %swap3A_196], %swap3A_199 {strides = array<i32>} : memref<80x128xf32, #tpu.memory_space<vmem>>, vector<1x16xf32>,
        %get3A_200 = arith.index_cast %scan3A_159 : i32 to index
        %get3A_201 = arith.constant 48 : index
        %get3A_202 = tpu.vector_load %arg15[%get3A_200, %get3A_201] {strides = array<i32>} : memref<80x128xf32, #tpu.memory_space<vmem>>, vector<1x16xf32>,
        %get3A_203 = vector.shape_cast %get3A_202 : vector<1x16xf32> to vector<16xf32>
        %get3A_204 = arith.index_cast %scan3A_159 : i32 to index
        %get3A_205 = arith.constant 48 : index
        %get3A_206 = tpu.vector_load %arg19[%get3A_204, %get3A_205] {strides = array<i32>} : memref<80x128xf32, #tpu.memory_space<vmem>>, vector<1x16xf32>,
        %get3A_207 = vector.shape_cast %get3A_206 : vector<1x16xf32> to vector<16xf32>
        %add3A_208 = arith.addf %get3A_203, %get3A_207 : vector<16xf32>
        %swap3A_209 = arith.index_cast %scan3A_159 : i32 to index
        %swap3A_210 = arith.constant 48 : index
        %swap3A_211 = tpu.vector_load %arg15[%swap3A_209, %swap3A_210] {strides = array<i32>} : memref<80x128xf32, #tpu.memory_space<vmem>>, vector<1x16xf32>,
        %swap3A_212 = vector.shape_cast %swap3A_211 : vector<1x16xf32> to vector<16xf32>
        %swap3A_213 = vector.shape_cast %add3A_208 : vector<16xf32> to vector<1x16xf32>
        tpu.vector_store %arg15[%swap3A_209, %swap3A_210], %swap3A_213 {strides = array<i32>} : memref<80x128xf32, #tpu.memory_space<vmem>>, vector<1x16xf32>,
        %get3A_214 = arith.index_cast %scan3A_159 : i32 to index
        %get3A_215 = arith.constant 64 : index
        %get3A_216 = tpu.vector_load %arg15[%get3A_214, %get3A_215] {strides = array<i32>} : memref<80x128xf32, #tpu.memory_space<vmem>>, vector<1x16xf32>,
        %get3A_217 = vector.shape_cast %get3A_216 : vector<1x16xf32> to vector<16xf32>
        %get3A_218 = arith.index_cast %scan3A_159 : i32 to index
        %get3A_219 = arith.constant 64 : index
        %get3A_220 = tpu.vector_load %arg19[%get3A_218, %get3A_219] {strides = array<i32>} : memref<80x128xf32, #tpu.memory_space<vmem>>, vector<1x16xf32>,
        %get3A_221 = vector.shape_cast %get3A_220 : vector<1x16xf32> to vector<16xf32>
        %add3A_222 = arith.addf %get3A_217, %get3A_221 : vector<16xf32>
        %swap3A_223 = arith.index_cast %scan3A_159 : i32 to index
        %swap3A_224 = arith.constant 64 : index
        %swap3A_225 = tpu.vector_load %arg15[%swap3A_223, %swap3A_224] {strides = array<i32>} : memref<80x128xf32, #tpu.memory_space<vmem>>, vector<1x16xf32>,
        %swap3A_226 = vector.shape_cast %swap3A_225 : vector<1x16xf32> to vector<16xf32>
        %swap3A_227 = vector.shape_cast %add3A_222 : vector<16xf32> to vector<1x16xf32>
        tpu.vector_store %arg15[%swap3A_223, %swap3A_224], %swap3A_227 {strides = array<i32>} : memref<80x128xf32, #tpu.memory_space<vmem>>, vector<1x16xf32>,
        %get3A_228 = arith.index_cast %scan3A_159 : i32 to index
        %get3A_229 = arith.constant 80 : index
        %get3A_230 = tpu.vector_load %arg15[%get3A_228, %get3A_229] {strides = array<i32>} : memref<80x128xf32, #tpu.memory_space<vmem>>, vector<1x16xf32>,
        %get3A_231 = vector.shape_cast %get3A_230 : vector<1x16xf32> to vector<16xf32>
        %get3A_232 = arith.index_cast %scan3A_159 : i32 to index
        %get3A_233 = arith.constant 80 : index
        %get3A_234 = tpu.vector_load %arg19[%get3A_232, %get3A_233] {strides = array<i32>} : memref<80x128xf32, #tpu.memory_space<vmem>>, vector<1x16xf32>,
        %get3A_235 = vector.shape_cast %get3A_234 : vector<1x16xf32> to vector<16xf32>
        %add3A_236 = arith.addf %get3A_231, %get3A_235 : vector<16xf32>
        %swap3A_237 = arith.index_cast %scan3A_159 : i32 to index
        %swap3A_238 = arith.constant 80 : index
        %swap3A_239 = tpu.vector_load %arg15[%swap3A_237, %swap3A_238] {strides = array<i32>} : memref<80x128xf32, #tpu.memory_space<vmem>>, vector<1x16xf32>,
        %swap3A_240 = vector.shape_cast %swap3A_239 : vector<1x16xf32> to vector<16xf32>
        %swap3A_241 = vector.shape_cast %add3A_236 : vector<16xf32> to vector<1x16xf32>
        tpu.vector_store %arg15[%swap3A_237, %swap3A_238], %swap3A_241 {strides = array<i32>} : memref<80x128xf32, #tpu.memory_space<vmem>>, vector<1x16xf32>,
        %get3A_242 = arith.index_cast %scan3A_159 : i32 to index
        %get3A_243 = arith.constant 96 : index
        %get3A_244 = tpu.vector_load %arg15[%get3A_242, %get3A_243] {strides = array<i32>} : memref<80x128xf32, #tpu.memory_space<vmem>>, vector<1x16xf32>,
        %get3A_245 = vector.shape_cast %get3A_244 : vector<1x16xf32> to vector<16xf32>
        %get3A_246 = arith.index_cast %scan3A_159 : i32 to index
        %get3A_247 = arith.constant 96 : index
        %get3A_248 = tpu.vector_load %arg19[%get3A_246, %get3A_247] {strides = array<i32>} : memref<80x128xf32, #tpu.memory_space<vmem>>, vector<1x16xf32>,
        %get3A_249 = vector.shape_cast %get3A_248 : vector<1x16xf32> to vector<16xf32>
        %add3A_250 = arith.addf %get3A_245, %get3A_249 : vector<16xf32>
        %swap3A_251 = arith.index_cast %scan3A_159 : i32 to index
        %swap3A_252 = arith.constant 96 : index
        %swap3A_253 = tpu.vector_load %arg15[%swap3A_251, %swap3A_252] {strides = array<i32>} : memref<80x128xf32, #tpu.memory_space<vmem>>, vector<1x16xf32>,
        %swap3A_254 = vector.shape_cast %swap3A_253 : vector<1x16xf32> to vector<16xf32>
        %swap3A_255 = vector.shape_cast %add3A_250 : vector<16xf32> to vector<1x16xf32>
        tpu.vector_store %arg15[%swap3A_251, %swap3A_252], %swap3A_255 {strides = array<i32>} : memref<80x128xf32, #tpu.memory_space<vmem>>, vector<1x16xf32>,
        %get3A_256 = arith.index_cast %scan3A_159 : i32 to index
        %get3A_257 = arith.constant 112 : index
        %get3A_258 = tpu.vector_load %arg15[%get3A_256, %get3A_257] {strides = array<i32>} : memref<80x128xf32, #tpu.memory_space<vmem>>, vector<1x16xf32>,
        %get3A_259 = vector.shape_cast %get3A_258 : vector<1x16xf32> to vector<16xf32>
        %get3A_260 = arith.index_cast %scan3A_159 : i32 to index
        %get3A_261 = arith.constant 112 : index
        %get3A_262 = tpu.vector_load %arg19[%get3A_260, %get3A_261] {strides = array<i32>} : memref<80x128xf32, #tpu.memory_space<vmem>>, vector<1x16xf32>,
        %get3A_263 = vector.shape_cast %get3A_262 : vector<1x16xf32> to vector<16xf32>
        %add3A_264 = arith.addf %get3A_259, %get3A_263 : vector<16xf32>
        %swap3A_265 = arith.index_cast %scan3A_159 : i32 to index
        %swap3A_266 = arith.constant 112 : index
        %swap3A_267 = tpu.vector_load %arg15[%swap3A_265, %swap3A_266] {strides = array<i32>} : memref<80x128xf32, #tpu.memory_space<vmem>>, vector<1x16xf32>,
        %swap3A_268 = vector.shape_cast %swap3A_267 : vector<1x16xf32> to vector<16xf32>
        %swap3A_269 = vector.shape_cast %add3A_264 : vector<16xf32> to vector<1x16xf32>
        tpu.vector_store %arg15[%swap3A_265, %swap3A_266], %swap3A_269 {strides = array<i32>} : memref<80x128xf32, #tpu.memory_space<vmem>>, vector<1x16xf32>,
      }
      %scan3A_153 = arith.constant 80 : i32
      %add3A_154 = arith.constant 0 : i32
      %add3A_155 = arith.addi %mul3A_2, %add3A_154 : i32
      %dma_start3A = arith.constant 0 : i32
      %dma_start3A_156 = tpu.memref_slice %arg6[%add3A_155, %dma_start3A] : memref<10000x128xf32, #tpu.memory_space<hbm>> -> memref<80x128xf32, #tpu.memory_space<hbm>>
      %dma_start3A_157 = arith.constant 0 : i32
      %dma_start3A_158 = tpu.memref_slice %arg6[%add3A_155, %dma_start3A_157] : memref<10000x128xf32, #tpu.memory_space<hbm>> -> memref<80x128xf32, #tpu.memory_space<hbm>>
      tpu.enqueue_dma source(%arg15 : memref<80x128xf32, #tpu.memory_space<vmem>>) target(%dma_start3A_158 : memref<80x128xf32, #tpu.memory_space<hbm>>) target_semaphore(%arg23 : memref<!tpu.dma_semaphore, #tpu.memory_space<semaphore_mem>>)
    } else {
    }
    %add3A_81 = arith.constant 80 : i32
    %add3A_82 = arith.addi %mul3A_2, %add3A_81 : i32
    %add3A_83 = arith.constant 80 : i32
    %add3A_84 = arith.addi %add3A_82, %add3A_83 : i32
    %le3A_85 = arith.constant 10000 : i32
    %le3A_86 = arith.cmpi sle, %add3A_84, %le3A_85 : i32
    %convert_element_type3A_87 = arith.extui %le3A_86 : i1 to i32
    %cond3A_88 = arith.constant 0 : i32
    %cond3A_89 = arith.cmpi ne, %convert_element_type3A_87, %cond3A_88 : i32
    scf.if %cond3A_89 {
      %dma_wait3A = arith.constant 0 : i32
      %dma_wait3A_144 = arith.constant 0 : i32
      %dma_wait3A_145 = tpu.memref_slice %arg2[%dma_wait3A, %dma_wait3A_144] : memref<1001x128xf32, #tpu.memory_space<hbm>> -> memref<1001x128xf32, #tpu.memory_space<hbm>>
      tpu.wait_indirect_dma semaphore(%arg28 : memref<!tpu.dma_semaphore, #tpu.memory_space<semaphore_mem>>) src(%dma_wait3A_145 : memref<1001x128xf32, #tpu.memory_space<hbm>>) dst(%arg16 : memref<80x128xf32, #tpu.memory_space<vmem>>)
      %dma_wait3A_146 = arith.constant 0 : i32
      %dma_wait3A_147 = arith.constant 0 : i32
      %dma_wait3A_148 = tpu.memref_slice %arg3[%dma_wait3A_146, %dma_wait3A_147] : memref<1001x128xf32, #tpu.memory_space<hbm>> -> memref<1001x128xf32, #tpu.memory_space<hbm>>
      tpu.wait_indirect_dma semaphore(%arg28 : memref<!tpu.dma_semaphore, #tpu.memory_space<semaphore_mem>>) src(%dma_wait3A_148 : memref<1001x128xf32, #tpu.memory_space<hbm>>) dst(%arg20 : memref<80x128xf32, #tpu.memory_space<vmem>>)
      %scan3A = arith.constant 0 : i32
      %scan3A_149 = arith.constant 0 : i32
      %scan3A_150 = arith.constant 80 : i32
      %scan3A_151 = arith.addi %scan3A_149, %scan3A_150 : i32
      %scan3A_152 = arith.constant 1 : i32
      scf.for %scan3A_159 = %scan3A_149 to %scan3A_151 step %scan3A_152  : i32 {
        %get3A = arith.index_cast %scan3A_159 : i32 to index
        %get3A_160 = arith.constant 0 : index
        %get3A_161 = tpu.vector_load %arg16[%get3A, %get3A_160] {strides = array<i32>} : memref<80x128xf32, #tpu.memory_space<vmem>>, vector<1x16xf32>,
        %get3A_162 = vector.shape_cast %get3A_161 : vector<1x16xf32> to vector<16xf32>
        %get3A_163 = arith.index_cast %scan3A_159 : i32 to index
        %get3A_164 = arith.constant 0 : index
        %get3A_165 = tpu.vector_load %arg20[%get3A_163, %get3A_164] {strides = array<i32>} : memref<80x128xf32, #tpu.memory_space<vmem>>, vector<1x16xf32>,
        %get3A_166 = vector.shape_cast %get3A_165 : vector<1x16xf32> to vector<16xf32>
        %add3A_167 = arith.addf %get3A_162, %get3A_166 : vector<16xf32>
        %swap3A = arith.index_cast %scan3A_159 : i32 to index
        %swap3A_168 = arith.constant 0 : index
        %swap3A_169 = tpu.vector_load %arg16[%swap3A, %swap3A_168] {strides = array<i32>} : memref<80x128xf32, #tpu.memory_space<vmem>>, vector<1x16xf32>,
        %swap3A_170 = vector.shape_cast %swap3A_169 : vector<1x16xf32> to vector<16xf32>
        %swap3A_171 = vector.shape_cast %add3A_167 : vector<16xf32> to vector<1x16xf32>
        tpu.vector_store %arg16[%swap3A, %swap3A_168], %swap3A_171 {strides = array<i32>} : memref<80x128xf32, #tpu.memory_space<vmem>>, vector<1x16xf32>,
        %get3A_172 = arith.index_cast %scan3A_159 : i32 to index
        %get3A_173 = arith.constant 16 : index
        %get3A_174 = tpu.vector_load %arg16[%get3A_172, %get3A_173] {strides = array<i32>} : memref<80x128xf32, #tpu.memory_space<vmem>>, vector<1x16xf32>,
        %get3A_175 = vector.shape_cast %get3A_174 : vector<1x16xf32> to vector<16xf32>
        %get3A_176 = arith.index_cast %scan3A_159 : i32 to index
        %get3A_177 = arith.constant 16 : index
        %get3A_178 = tpu.vector_load %arg20[%get3A_176, %get3A_177] {strides = array<i32>} : memref<80x128xf32, #tpu.memory_space<vmem>>, vector<1x16xf32>,
        %get3A_179 = vector.shape_cast %get3A_178 : vector<1x16xf32> to vector<16xf32>
        %add3A_180 = arith.addf %get3A_175, %get3A_179 : vector<16xf32>
        %swap3A_181 = arith.index_cast %scan3A_159 : i32 to index
        %swap3A_182 = arith.constant 16 : index
        %swap3A_183 = tpu.vector_load %arg16[%swap3A_181, %swap3A_182] {strides = array<i32>} : memref<80x128xf32, #tpu.memory_space<vmem>>, vector<1x16xf32>,
        %swap3A_184 = vector.shape_cast %swap3A_183 : vector<1x16xf32> to vector<16xf32>
        %swap3A_185 = vector.shape_cast %add3A_180 : vector<16xf32> to vector<1x16xf32>
        tpu.vector_store %arg16[%swap3A_181, %swap3A_182], %swap3A_185 {strides = array<i32>} : memref<80x128xf32, #tpu.memory_space<vmem>>, vector<1x16xf32>,
        %get3A_186 = arith.index_cast %scan3A_159 : i32 to index
        %get3A_187 = arith.constant 32 : index
        %get3A_188 = tpu.vector_load %arg16[%get3A_186, %get3A_187] {strides = array<i32>} : memref<80x128xf32, #tpu.memory_space<vmem>>, vector<1x16xf32>,
        %get3A_189 = vector.shape_cast %get3A_188 : vector<1x16xf32> to vector<16xf32>
        %get3A_190 = arith.index_cast %scan3A_159 : i32 to index
        %get3A_191 = arith.constant 32 : index
        %get3A_192 = tpu.vector_load %arg20[%get3A_190, %get3A_191] {strides = array<i32>} : memref<80x128xf32, #tpu.memory_space<vmem>>, vector<1x16xf32>,
        %get3A_193 = vector.shape_cast %get3A_192 : vector<1x16xf32> to vector<16xf32>
        %add3A_194 = arith.addf %get3A_189, %get3A_193 : vector<16xf32>
        %swap3A_195 = arith.index_cast %scan3A_159 : i32 to index
        %swap3A_196 = arith.constant 32 : index
        %swap3A_197 = tpu.vector_load %arg16[%swap3A_195, %swap3A_196] {strides = array<i32>} : memref<80x128xf32, #tpu.memory_space<vmem>>, vector<1x16xf32>,
        %swap3A_198 = vector.shape_cast %swap3A_197 : vector<1x16xf32> to vector<16xf32>
        %swap3A_199 = vector.shape_cast %add3A_194 : vector<16xf32> to vector<1x16xf32>
        tpu.vector_store %arg16[%swap3A_195, %swap3A_196], %swap3A_199 {strides = array<i32>} : memref<80x128xf32, #tpu.memory_space<vmem>>, vector<1x16xf32>,
        %get3A_200 = arith.index_cast %scan3A_159 : i32 to index
        %get3A_201 = arith.constant 48 : index
        %get3A_202 = tpu.vector_load %arg16[%get3A_200, %get3A_201] {strides = array<i32>} : memref<80x128xf32, #tpu.memory_space<vmem>>, vector<1x16xf32>,
        %get3A_203 = vector.shape_cast %get3A_202 : vector<1x16xf32> to vector<16xf32>
        %get3A_204 = arith.index_cast %scan3A_159 : i32 to index
        %get3A_205 = arith.constant 48 : index
        %get3A_206 = tpu.vector_load %arg20[%get3A_204, %get3A_205] {strides = array<i32>} : memref<80x128xf32, #tpu.memory_space<vmem>>, vector<1x16xf32>,
        %get3A_207 = vector.shape_cast %get3A_206 : vector<1x16xf32> to vector<16xf32>
        %add3A_208 = arith.addf %get3A_203, %get3A_207 : vector<16xf32>
        %swap3A_209 = arith.index_cast %scan3A_159 : i32 to index
        %swap3A_210 = arith.constant 48 : index
        %swap3A_211 = tpu.vector_load %arg16[%swap3A_209, %swap3A_210] {strides = array<i32>} : memref<80x128xf32, #tpu.memory_space<vmem>>, vector<1x16xf32>,
        %swap3A_212 = vector.shape_cast %swap3A_211 : vector<1x16xf32> to vector<16xf32>
        %swap3A_213 = vector.shape_cast %add3A_208 : vector<16xf32> to vector<1x16xf32>
        tpu.vector_store %arg16[%swap3A_209, %swap3A_210], %swap3A_213 {strides = array<i32>} : memref<80x128xf32, #tpu.memory_space<vmem>>, vector<1x16xf32>,
        %get3A_214 = arith.index_cast %scan3A_159 : i32 to index
        %get3A_215 = arith.constant 64 : index
        %get3A_216 = tpu.vector_load %arg16[%get3A_214, %get3A_215] {strides = array<i32>} : memref<80x128xf32, #tpu.memory_space<vmem>>, vector<1x16xf32>,
        %get3A_217 = vector.shape_cast %get3A_216 : vector<1x16xf32> to vector<16xf32>
        %get3A_218 = arith.index_cast %scan3A_159 : i32 to index
        %get3A_219 = arith.constant 64 : index
        %get3A_220 = tpu.vector_load %arg20[%get3A_218, %get3A_219] {strides = array<i32>} : memref<80x128xf32, #tpu.memory_space<vmem>>, vector<1x16xf32>,
        %get3A_221 = vector.shape_cast %get3A_220 : vector<1x16xf32> to vector<16xf32>
        %add3A_222 = arith.addf %get3A_217, %get3A_221 : vector<16xf32>
        %swap3A_223 = arith.index_cast %scan3A_159 : i32 to index
        %swap3A_224 = arith.constant 64 : index
        %swap3A_225 = tpu.vector_load %arg16[%swap3A_223, %swap3A_224] {strides = array<i32>} : memref<80x128xf32, #tpu.memory_space<vmem>>, vector<1x16xf32>,
        %swap3A_226 = vector.shape_cast %swap3A_225 : vector<1x16xf32> to vector<16xf32>
        %swap3A_227 = vector.shape_cast %add3A_222 : vector<16xf32> to vector<1x16xf32>
        tpu.vector_store %arg16[%swap3A_223, %swap3A_224], %swap3A_227 {strides = array<i32>} : memref<80x128xf32, #tpu.memory_space<vmem>>, vector<1x16xf32>,
        %get3A_228 = arith.index_cast %scan3A_159 : i32 to index
        %get3A_229 = arith.constant 80 : index
        %get3A_230 = tpu.vector_load %arg16[%get3A_228, %get3A_229] {strides = array<i32>} : memref<80x128xf32, #tpu.memory_space<vmem>>, vector<1x16xf32>,
        %get3A_231 = vector.shape_cast %get3A_230 : vector<1x16xf32> to vector<16xf32>
        %get3A_232 = arith.index_cast %scan3A_159 : i32 to index
        %get3A_233 = arith.constant 80 : index
        %get3A_234 = tpu.vector_load %arg20[%get3A_232, %get3A_233] {strides = array<i32>} : memref<80x128xf32, #tpu.memory_space<vmem>>, vector<1x16xf32>,
        %get3A_235 = vector.shape_cast %get3A_234 : vector<1x16xf32> to vector<16xf32>
        %add3A_236 = arith.addf %get3A_231, %get3A_235 : vector<16xf32>
        %swap3A_237 = arith.index_cast %scan3A_159 : i32 to index
        %swap3A_238 = arith.constant 80 : index
        %swap3A_239 = tpu.vector_load %arg16[%swap3A_237, %swap3A_238] {strides = array<i32>} : memref<80x128xf32, #tpu.memory_space<vmem>>, vector<1x16xf32>,
        %swap3A_240 = vector.shape_cast %swap3A_239 : vector<1x16xf32> to vector<16xf32>
        %swap3A_241 = vector.shape_cast %add3A_236 : vector<16xf32> to vector<1x16xf32>
        tpu.vector_store %arg16[%swap3A_237, %swap3A_238], %swap3A_241 {strides = array<i32>} : memref<80x128xf32, #tpu.memory_space<vmem>>, vector<1x16xf32>,
        %get3A_242 = arith.index_cast %scan3A_159 : i32 to index
        %get3A_243 = arith.constant 96 : index
        %get3A_244 = tpu.vector_load %arg16[%get3A_242, %get3A_243] {strides = array<i32>} : memref<80x128xf32, #tpu.memory_space<vmem>>, vector<1x16xf32>,
        %get3A_245 = vector.shape_cast %get3A_244 : vector<1x16xf32> to vector<16xf32>
        %get3A_246 = arith.index_cast %scan3A_159 : i32 to index
        %get3A_247 = arith.constant 96 : index
        %get3A_248 = tpu.vector_load %arg20[%get3A_246, %get3A_247] {strides = array<i32>} : memref<80x128xf32, #tpu.memory_space<vmem>>, vector<1x16xf32>,
        %get3A_249 = vector.shape_cast %get3A_248 : vector<1x16xf32> to vector<16xf32>
        %add3A_250 = arith.addf %get3A_245, %get3A_249 : vector<16xf32>
        %swap3A_251 = arith.index_cast %scan3A_159 : i32 to index
        %swap3A_252 = arith.constant 96 : index
        %swap3A_253 = tpu.vector_load %arg16[%swap3A_251, %swap3A_252] {strides = array<i32>} : memref<80x128xf32, #tpu.memory_space<vmem>>, vector<1x16xf32>,
        %swap3A_254 = vector.shape_cast %swap3A_253 : vector<1x16xf32> to vector<16xf32>
        %swap3A_255 = vector.shape_cast %add3A_250 : vector<16xf32> to vector<1x16xf32>
        tpu.vector_store %arg16[%swap3A_251, %swap3A_252], %swap3A_255 {strides = array<i32>} : memref<80x128xf32, #tpu.memory_space<vmem>>, vector<1x16xf32>,
        %get3A_256 = arith.index_cast %scan3A_159 : i32 to index
        %get3A_257 = arith.constant 112 : index
        %get3A_258 = tpu.vector_load %arg16[%get3A_256, %get3A_257] {strides = array<i32>} : memref<80x128xf32, #tpu.memory_space<vmem>>, vector<1x16xf32>,
        %get3A_259 = vector.shape_cast %get3A_258 : vector<1x16xf32> to vector<16xf32>
        %get3A_260 = arith.index_cast %scan3A_159 : i32 to index
        %get3A_261 = arith.constant 112 : index
        %get3A_262 = tpu.vector_load %arg20[%get3A_260, %get3A_261] {strides = array<i32>} : memref<80x128xf32, #tpu.memory_space<vmem>>, vector<1x16xf32>,
        %get3A_263 = vector.shape_cast %get3A_262 : vector<1x16xf32> to vector<16xf32>
        %add3A_264 = arith.addf %get3A_259, %get3A_263 : vector<16xf32>
        %swap3A_265 = arith.index_cast %scan3A_159 : i32 to index
        %swap3A_266 = arith.constant 112 : index
        %swap3A_267 = tpu.vector_load %arg16[%swap3A_265, %swap3A_266] {strides = array<i32>} : memref<80x128xf32, #tpu.memory_space<vmem>>, vector<1x16xf32>,
        %swap3A_268 = vector.shape_cast %swap3A_267 : vector<1x16xf32> to vector<16xf32>
        %swap3A_269 = vector.shape_cast %add3A_264 : vector<16xf32> to vector<1x16xf32>
        tpu.vector_store %arg16[%swap3A_265, %swap3A_266], %swap3A_269 {strides = array<i32>} : memref<80x128xf32, #tpu.memory_space<vmem>>, vector<1x16xf32>,
      }
      %scan3A_153 = arith.constant 80 : i32
      %add3A_154 = arith.constant 80 : i32
      %add3A_155 = arith.addi %mul3A_2, %add3A_154 : i32
      %dma_start3A = arith.constant 0 : i32
      %dma_start3A_156 = tpu.memref_slice %arg6[%add3A_155, %dma_start3A] : memref<10000x128xf32, #tpu.memory_space<hbm>> -> memref<80x128xf32, #tpu.memory_space<hbm>>
      %dma_start3A_157 = arith.constant 0 : i32
      %dma_start3A_158 = tpu.memref_slice %arg6[%add3A_155, %dma_start3A_157] : memref<10000x128xf32, #tpu.memory_space<hbm>> -> memref<80x128xf32, #tpu.memory_space<hbm>>
      tpu.enqueue_dma source(%arg16 : memref<80x128xf32, #tpu.memory_space<vmem>>) target(%dma_start3A_158 : memref<80x128xf32, #tpu.memory_space<hbm>>) target_semaphore(%arg24 : memref<!tpu.dma_semaphore, #tpu.memory_space<semaphore_mem>>)
    } else {
    }
    %add3A_90 = arith.constant 160 : i32
    %add3A_91 = arith.addi %mul3A_2, %add3A_90 : i32
    %add3A_92 = arith.constant 80 : i32
    %add3A_93 = arith.addi %add3A_91, %add3A_92 : i32
    %le3A_94 = arith.constant 10000 : i32
    %le3A_95 = arith.cmpi sle, %add3A_93, %le3A_94 : i32
    %convert_element_type3A_96 = arith.extui %le3A_95 : i1 to i32
    %cond3A_97 = arith.constant 0 : i32
    %cond3A_98 = arith.cmpi ne, %convert_element_type3A_96, %cond3A_97 : i32
    scf.if %cond3A_98 {
      %dma_wait3A = arith.constant 0 : i32
      %dma_wait3A_144 = arith.constant 0 : i32
      %dma_wait3A_145 = tpu.memref_slice %arg2[%dma_wait3A, %dma_wait3A_144] : memref<1001x128xf32, #tpu.memory_space<hbm>> -> memref<1001x128xf32, #tpu.memory_space<hbm>>
      tpu.wait_indirect_dma semaphore(%arg29 : memref<!tpu.dma_semaphore, #tpu.memory_space<semaphore_mem>>) src(%dma_wait3A_145 : memref<1001x128xf32, #tpu.memory_space<hbm>>) dst(%arg17 : memref<80x128xf32, #tpu.memory_space<vmem>>)
      %dma_wait3A_146 = arith.constant 0 : i32
      %dma_wait3A_147 = arith.constant 0 : i32
      %dma_wait3A_148 = tpu.memref_slice %arg3[%dma_wait3A_146, %dma_wait3A_147] : memref<1001x128xf32, #tpu.memory_space<hbm>> -> memref<1001x128xf32, #tpu.memory_space<hbm>>
      tpu.wait_indirect_dma semaphore(%arg29 : memref<!tpu.dma_semaphore, #tpu.memory_space<semaphore_mem>>) src(%dma_wait3A_148 : memref<1001x128xf32, #tpu.memory_space<hbm>>) dst(%arg21 : memref<80x128xf32, #tpu.memory_space<vmem>>)
      %scan3A = arith.constant 0 : i32
      %scan3A_149 = arith.constant 0 : i32
      %scan3A_150 = arith.constant 80 : i32
      %scan3A_151 = arith.addi %scan3A_149, %scan3A_150 : i32
      %scan3A_152 = arith.constant 1 : i32
      scf.for %scan3A_159 = %scan3A_149 to %scan3A_151 step %scan3A_152  : i32 {
        %get3A = arith.index_cast %scan3A_159 : i32 to index
        %get3A_160 = arith.constant 0 : index
        %get3A_161 = tpu.vector_load %arg17[%get3A, %get3A_160] {strides = array<i32>} : memref<80x128xf32, #tpu.memory_space<vmem>>, vector<1x16xf32>,
        %get3A_162 = vector.shape_cast %get3A_161 : vector<1x16xf32> to vector<16xf32>
        %get3A_163 = arith.index_cast %scan3A_159 : i32 to index
        %get3A_164 = arith.constant 0 : index
        %get3A_165 = tpu.vector_load %arg21[%get3A_163, %get3A_164] {strides = array<i32>} : memref<80x128xf32, #tpu.memory_space<vmem>>, vector<1x16xf32>,
        %get3A_166 = vector.shape_cast %get3A_165 : vector<1x16xf32> to vector<16xf32>
        %add3A_167 = arith.addf %get3A_162, %get3A_166 : vector<16xf32>
        %swap3A = arith.index_cast %scan3A_159 : i32 to index
        %swap3A_168 = arith.constant 0 : index
        %swap3A_169 = tpu.vector_load %arg17[%swap3A, %swap3A_168] {strides = array<i32>} : memref<80x128xf32, #tpu.memory_space<vmem>>, vector<1x16xf32>,
        %swap3A_170 = vector.shape_cast %swap3A_169 : vector<1x16xf32> to vector<16xf32>
        %swap3A_171 = vector.shape_cast %add3A_167 : vector<16xf32> to vector<1x16xf32>
        tpu.vector_store %arg17[%swap3A, %swap3A_168], %swap3A_171 {strides = array<i32>} : memref<80x128xf32, #tpu.memory_space<vmem>>, vector<1x16xf32>,
        %get3A_172 = arith.index_cast %scan3A_159 : i32 to index
        %get3A_173 = arith.constant 16 : index
        %get3A_174 = tpu.vector_load %arg17[%get3A_172, %get3A_173] {strides = array<i32>} : memref<80x128xf32, #tpu.memory_space<vmem>>, vector<1x16xf32>,
        %get3A_175 = vector.shape_cast %get3A_174 : vector<1x16xf32> to vector<16xf32>
        %get3A_176 = arith.index_cast %scan3A_159 : i32 to index
        %get3A_177 = arith.constant 16 : index
        %get3A_178 = tpu.vector_load %arg21[%get3A_176, %get3A_177] {strides = array<i32>} : memref<80x128xf32, #tpu.memory_space<vmem>>, vector<1x16xf32>,
        %get3A_179 = vector.shape_cast %get3A_178 : vector<1x16xf32> to vector<16xf32>
        %add3A_180 = arith.addf %get3A_175, %get3A_179 : vector<16xf32>
        %swap3A_181 = arith.index_cast %scan3A_159 : i32 to index
        %swap3A_182 = arith.constant 16 : index
        %swap3A_183 = tpu.vector_load %arg17[%swap3A_181, %swap3A_182] {strides = array<i32>} : memref<80x128xf32, #tpu.memory_space<vmem>>, vector<1x16xf32>,
        %swap3A_184 = vector.shape_cast %swap3A_183 : vector<1x16xf32> to vector<16xf32>
        %swap3A_185 = vector.shape_cast %add3A_180 : vector<16xf32> to vector<1x16xf32>
        tpu.vector_store %arg17[%swap3A_181, %swap3A_182], %swap3A_185 {strides = array<i32>} : memref<80x128xf32, #tpu.memory_space<vmem>>, vector<1x16xf32>,
        %get3A_186 = arith.index_cast %scan3A_159 : i32 to index
        %get3A_187 = arith.constant 32 : index
        %get3A_188 = tpu.vector_load %arg17[%get3A_186, %get3A_187] {strides = array<i32>} : memref<80x128xf32, #tpu.memory_space<vmem>>, vector<1x16xf32>,
        %get3A_189 = vector.shape_cast %get3A_188 : vector<1x16xf32> to vector<16xf32>
        %get3A_190 = arith.index_cast %scan3A_159 : i32 to index
        %get3A_191 = arith.constant 32 : index
        %get3A_192 = tpu.vector_load %arg21[%get3A_190, %get3A_191] {strides = array<i32>} : memref<80x128xf32, #tpu.memory_space<vmem>>, vector<1x16xf32>,
        %get3A_193 = vector.shape_cast %get3A_192 : vector<1x16xf32> to vector<16xf32>
        %add3A_194 = arith.addf %get3A_189, %get3A_193 : vector<16xf32>
        %swap3A_195 = arith.index_cast %scan3A_159 : i32 to index
        %swap3A_196 = arith.constant 32 : index
        %swap3A_197 = tpu.vector_load %arg17[%swap3A_195, %swap3A_196] {strides = array<i32>} : memref<80x128xf32, #tpu.memory_space<vmem>>, vector<1x16xf32>,
        %swap3A_198 = vector.shape_cast %swap3A_197 : vector<1x16xf32> to vector<16xf32>
        %swap3A_199 = vector.shape_cast %add3A_194 : vector<16xf32> to vector<1x16xf32>
        tpu.vector_store %arg17[%swap3A_195, %swap3A_196], %swap3A_199 {strides = array<i32>} : memref<80x128xf32, #tpu.memory_space<vmem>>, vector<1x16xf32>,
        %get3A_200 = arith.index_cast %scan3A_159 : i32 to index
        %get3A_201 = arith.constant 48 : index
        %get3A_202 = tpu.vector_load %arg17[%get3A_200, %get3A_201] {strides = array<i32>} : memref<80x128xf32, #tpu.memory_space<vmem>>, vector<1x16xf32>,
        %get3A_203 = vector.shape_cast %get3A_202 : vector<1x16xf32> to vector<16xf32>
        %get3A_204 = arith.index_cast %scan3A_159 : i32 to index
        %get3A_205 = arith.constant 48 : index
        %get3A_206 = tpu.vector_load %arg21[%get3A_204, %get3A_205] {strides = array<i32>} : memref<80x128xf32, #tpu.memory_space<vmem>>, vector<1x16xf32>,
        %get3A_207 = vector.shape_cast %get3A_206 : vector<1x16xf32> to vector<16xf32>
        %add3A_208 = arith.addf %get3A_203, %get3A_207 : vector<16xf32>
        %swap3A_209 = arith.index_cast %scan3A_159 : i32 to index
        %swap3A_210 = arith.constant 48 : index
        %swap3A_211 = tpu.vector_load %arg17[%swap3A_209, %swap3A_210] {strides = array<i32>} : memref<80x128xf32, #tpu.memory_space<vmem>>, vector<1x16xf32>,
        %swap3A_212 = vector.shape_cast %swap3A_211 : vector<1x16xf32> to vector<16xf32>
        %swap3A_213 = vector.shape_cast %add3A_208 : vector<16xf32> to vector<1x16xf32>
        tpu.vector_store %arg17[%swap3A_209, %swap3A_210], %swap3A_213 {strides = array<i32>} : memref<80x128xf32, #tpu.memory_space<vmem>>, vector<1x16xf32>,
        %get3A_214 = arith.index_cast %scan3A_159 : i32 to index
        %get3A_215 = arith.constant 64 : index
        %get3A_216 = tpu.vector_load %arg17[%get3A_214, %get3A_215] {strides = array<i32>} : memref<80x128xf32, #tpu.memory_space<vmem>>, vector<1x16xf32>,
        %get3A_217 = vector.shape_cast %get3A_216 : vector<1x16xf32> to vector<16xf32>
        %get3A_218 = arith.index_cast %scan3A_159 : i32 to index
        %get3A_219 = arith.constant 64 : index
        %get3A_220 = tpu.vector_load %arg21[%get3A_218, %get3A_219] {strides = array<i32>} : memref<80x128xf32, #tpu.memory_space<vmem>>, vector<1x16xf32>,
        %get3A_221 = vector.shape_cast %get3A_220 : vector<1x16xf32> to vector<16xf32>
        %add3A_222 = arith.addf %get3A_217, %get3A_221 : vector<16xf32>
        %swap3A_223 = arith.index_cast %scan3A_159 : i32 to index
        %swap3A_224 = arith.constant 64 : index
        %swap3A_225 = tpu.vector_load %arg17[%swap3A_223, %swap3A_224] {strides = array<i32>} : memref<80x128xf32, #tpu.memory_space<vmem>>, vector<1x16xf32>,
        %swap3A_226 = vector.shape_cast %swap3A_225 : vector<1x16xf32> to vector<16xf32>
        %swap3A_227 = vector.shape_cast %add3A_222 : vector<16xf32> to vector<1x16xf32>
        tpu.vector_store %arg17[%swap3A_223, %swap3A_224], %swap3A_227 {strides = array<i32>} : memref<80x128xf32, #tpu.memory_space<vmem>>, vector<1x16xf32>,
        %get3A_228 = arith.index_cast %scan3A_159 : i32 to index
        %get3A_229 = arith.constant 80 : index
        %get3A_230 = tpu.vector_load %arg17[%get3A_228, %get3A_229] {strides = array<i32>} : memref<80x128xf32, #tpu.memory_space<vmem>>, vector<1x16xf32>,
        %get3A_231 = vector.shape_cast %get3A_230 : vector<1x16xf32> to vector<16xf32>
        %get3A_232 = arith.index_cast %scan3A_159 : i32 to index
        %get3A_233 = arith.constant 80 : index
        %get3A_234 = tpu.vector_load %arg21[%get3A_232, %get3A_233] {strides = array<i32>} : memref<80x128xf32, #tpu.memory_space<vmem>>, vector<1x16xf32>,
        %get3A_235 = vector.shape_cast %get3A_234 : vector<1x16xf32> to vector<16xf32>
        %add3A_236 = arith.addf %get3A_231, %get3A_235 : vector<16xf32>
        %swap3A_237 = arith.index_cast %scan3A_159 : i32 to index
        %swap3A_238 = arith.constant 80 : index
        %swap3A_239 = tpu.vector_load %arg17[%swap3A_237, %swap3A_238] {strides = array<i32>} : memref<80x128xf32, #tpu.memory_space<vmem>>, vector<1x16xf32>,
        %swap3A_240 = vector.shape_cast %swap3A_239 : vector<1x16xf32> to vector<16xf32>
        %swap3A_241 = vector.shape_cast %add3A_236 : vector<16xf32> to vector<1x16xf32>
        tpu.vector_store %arg17[%swap3A_237, %swap3A_238], %swap3A_241 {strides = array<i32>} : memref<80x128xf32, #tpu.memory_space<vmem>>, vector<1x16xf32>,
        %get3A_242 = arith.index_cast %scan3A_159 : i32 to index
        %get3A_243 = arith.constant 96 : index
        %get3A_244 = tpu.vector_load %arg17[%get3A_242, %get3A_243] {strides = array<i32>} : memref<80x128xf32, #tpu.memory_space<vmem>>, vector<1x16xf32>,
        %get3A_245 = vector.shape_cast %get3A_244 : vector<1x16xf32> to vector<16xf32>
        %get3A_246 = arith.index_cast %scan3A_159 : i32 to index
        %get3A_247 = arith.constant 96 : index
        %get3A_248 = tpu.vector_load %arg21[%get3A_246, %get3A_247] {strides = array<i32>} : memref<80x128xf32, #tpu.memory_space<vmem>>, vector<1x16xf32>,
        %get3A_249 = vector.shape_cast %get3A_248 : vector<1x16xf32> to vector<16xf32>
        %add3A_250 = arith.addf %get3A_245, %get3A_249 : vector<16xf32>
        %swap3A_251 = arith.index_cast %scan3A_159 : i32 to index
        %swap3A_252 = arith.constant 96 : index
        %swap3A_253 = tpu.vector_load %arg17[%swap3A_251, %swap3A_252] {strides = array<i32>} : memref<80x128xf32, #tpu.memory_space<vmem>>, vector<1x16xf32>,
        %swap3A_254 = vector.shape_cast %swap3A_253 : vector<1x16xf32> to vector<16xf32>
        %swap3A_255 = vector.shape_cast %add3A_250 : vector<16xf32> to vector<1x16xf32>
        tpu.vector_store %arg17[%swap3A_251, %swap3A_252], %swap3A_255 {strides = array<i32>} : memref<80x128xf32, #tpu.memory_space<vmem>>, vector<1x16xf32>,
        %get3A_256 = arith.index_cast %scan3A_159 : i32 to index
        %get3A_257 = arith.constant 112 : index
        %get3A_258 = tpu.vector_load %arg17[%get3A_256, %get3A_257] {strides = array<i32>} : memref<80x128xf32, #tpu.memory_space<vmem>>, vector<1x16xf32>,
        %get3A_259 = vector.shape_cast %get3A_258 : vector<1x16xf32> to vector<16xf32>
        %get3A_260 = arith.index_cast %scan3A_159 : i32 to index
        %get3A_261 = arith.constant 112 : index
        %get3A_262 = tpu.vector_load %arg21[%get3A_260, %get3A_261] {strides = array<i32>} : memref<80x128xf32, #tpu.memory_space<vmem>>, vector<1x16xf32>,
        %get3A_263 = vector.shape_cast %get3A_262 : vector<1x16xf32> to vector<16xf32>
        %add3A_264 = arith.addf %get3A_259, %get3A_263 : vector<16xf32>
        %swap3A_265 = arith.index_cast %scan3A_159 : i32 to index
        %swap3A_266 = arith.constant 112 : index
        %swap3A_267 = tpu.vector_load %arg17[%swap3A_265, %swap3A_266] {strides = array<i32>} : memref<80x128xf32, #tpu.memory_space<vmem>>, vector<1x16xf32>,
        %swap3A_268 = vector.shape_cast %swap3A_267 : vector<1x16xf32> to vector<16xf32>
        %swap3A_269 = vector.shape_cast %add3A_264 : vector<16xf32> to vector<1x16xf32>
        tpu.vector_store %arg17[%swap3A_265, %swap3A_266], %swap3A_269 {strides = array<i32>} : memref<80x128xf32, #tpu.memory_space<vmem>>, vector<1x16xf32>,
      }
      %scan3A_153 = arith.constant 80 : i32
      %add3A_154 = arith.constant 160 : i32
      %add3A_155 = arith.addi %mul3A_2, %add3A_154 : i32
      %dma_start3A = arith.constant 0 : i32
      %dma_start3A_156 = tpu.memref_slice %arg6[%add3A_155, %dma_start3A] : memref<10000x128xf32, #tpu.memory_space<hbm>> -> memref<80x128xf32, #tpu.memory_space<hbm>>
      %dma_start3A_157 = arith.constant 0 : i32
      %dma_start3A_158 = tpu.memref_slice %arg6[%add3A_155, %dma_start3A_157] : memref<10000x128xf32, #tpu.memory_space<hbm>> -> memref<80x128xf32, #tpu.memory_space<hbm>>
      tpu.enqueue_dma source(%arg17 : memref<80x128xf32, #tpu.memory_space<vmem>>) target(%dma_start3A_158 : memref<80x128xf32, #tpu.memory_space<hbm>>) target_semaphore(%arg25 : memref<!tpu.dma_semaphore, #tpu.memory_space<semaphore_mem>>)
    } else {
    }
    %add3A_99 = arith.constant 240 : i32
    %add3A_100 = arith.addi %mul3A_2, %add3A_99 : i32
    %add3A_101 = arith.constant 80 : i32
    %add3A_102 = arith.addi %add3A_100, %add3A_101 : i32
    %le3A_103 = arith.constant 10000 : i32
    %le3A_104 = arith.cmpi sle, %add3A_102, %le3A_103 : i32
    %convert_element_type3A_105 = arith.extui %le3A_104 : i1 to i32
    %cond3A_106 = arith.constant 0 : i32
    %cond3A_107 = arith.cmpi ne, %convert_element_type3A_105, %cond3A_106 : i32
    scf.if %cond3A_107 {
      %dma_wait3A = arith.constant 0 : i32
      %dma_wait3A_144 = arith.constant 0 : i32
      %dma_wait3A_145 = tpu.memref_slice %arg2[%dma_wait3A, %dma_wait3A_144] : memref<1001x128xf32, #tpu.memory_space<hbm>> -> memref<1001x128xf32, #tpu.memory_space<hbm>>
      tpu.wait_indirect_dma semaphore(%arg30 : memref<!tpu.dma_semaphore, #tpu.memory_space<semaphore_mem>>) src(%dma_wait3A_145 : memref<1001x128xf32, #tpu.memory_space<hbm>>) dst(%arg18 : memref<80x128xf32, #tpu.memory_space<vmem>>)
      %dma_wait3A_146 = arith.constant 0 : i32
      %dma_wait3A_147 = arith.constant 0 : i32
      %dma_wait3A_148 = tpu.memref_slice %arg3[%dma_wait3A_146, %dma_wait3A_147] : memref<1001x128xf32, #tpu.memory_space<hbm>> -> memref<1001x128xf32, #tpu.memory_space<hbm>>
      tpu.wait_indirect_dma semaphore(%arg30 : memref<!tpu.dma_semaphore, #tpu.memory_space<semaphore_mem>>) src(%dma_wait3A_148 : memref<1001x128xf32, #tpu.memory_space<hbm>>) dst(%arg22 : memref<80x128xf32, #tpu.memory_space<vmem>>)
      %scan3A = arith.constant 0 : i32
      %scan3A_149 = arith.constant 0 : i32
      %scan3A_150 = arith.constant 80 : i32
      %scan3A_151 = arith.addi %scan3A_149, %scan3A_150 : i32
      %scan3A_152 = arith.constant 1 : i32
      scf.for %scan3A_159 = %scan3A_149 to %scan3A_151 step %scan3A_152  : i32 {
        %get3A = arith.index_cast %scan3A_159 : i32 to index
        %get3A_160 = arith.constant 0 : index
        %get3A_161 = tpu.vector_load %arg18[%get3A, %get3A_160] {strides = array<i32>} : memref<80x128xf32, #tpu.memory_space<vmem>>, vector<1x16xf32>,
        %get3A_162 = vector.shape_cast %get3A_161 : vector<1x16xf32> to vector<16xf32>
        %get3A_163 = arith.index_cast %scan3A_159 : i32 to index
        %get3A_164 = arith.constant 0 : index
        %get3A_165 = tpu.vector_load %arg22[%get3A_163, %get3A_164] {strides = array<i32>} : memref<80x128xf32, #tpu.memory_space<vmem>>, vector<1x16xf32>,
        %get3A_166 = vector.shape_cast %get3A_165 : vector<1x16xf32> to vector<16xf32>
        %add3A_167 = arith.addf %get3A_162, %get3A_166 : vector<16xf32>
        %swap3A = arith.index_cast %scan3A_159 : i32 to index
        %swap3A_168 = arith.constant 0 : index
        %swap3A_169 = tpu.vector_load %arg18[%swap3A, %swap3A_168] {strides = array<i32>} : memref<80x128xf32, #tpu.memory_space<vmem>>, vector<1x16xf32>,
        %swap3A_170 = vector.shape_cast %swap3A_169 : vector<1x16xf32> to vector<16xf32>
        %swap3A_171 = vector.shape_cast %add3A_167 : vector<16xf32> to vector<1x16xf32>
        tpu.vector_store %arg18[%swap3A, %swap3A_168], %swap3A_171 {strides = array<i32>} : memref<80x128xf32, #tpu.memory_space<vmem>>, vector<1x16xf32>,
        %get3A_172 = arith.index_cast %scan3A_159 : i32 to index
        %get3A_173 = arith.constant 16 : index
        %get3A_174 = tpu.vector_load %arg18[%get3A_172, %get3A_173] {strides = array<i32>} : memref<80x128xf32, #tpu.memory_space<vmem>>, vector<1x16xf32>,
        %get3A_175 = vector.shape_cast %get3A_174 : vector<1x16xf32> to vector<16xf32>
        %get3A_176 = arith.index_cast %scan3A_159 : i32 to index
        %get3A_177 = arith.constant 16 : index
        %get3A_178 = tpu.vector_load %arg22[%get3A_176, %get3A_177] {strides = array<i32>} : memref<80x128xf32, #tpu.memory_space<vmem>>, vector<1x16xf32>,
        %get3A_179 = vector.shape_cast %get3A_178 : vector<1x16xf32> to vector<16xf32>
        %add3A_180 = arith.addf %get3A_175, %get3A_179 : vector<16xf32>
        %swap3A_181 = arith.index_cast %scan3A_159 : i32 to index
        %swap3A_182 = arith.constant 16 : index
        %swap3A_183 = tpu.vector_load %arg18[%swap3A_181, %swap3A_182] {strides = array<i32>} : memref<80x128xf32, #tpu.memory_space<vmem>>, vector<1x16xf32>,
        %swap3A_184 = vector.shape_cast %swap3A_183 : vector<1x16xf32> to vector<16xf32>
        %swap3A_185 = vector.shape_cast %add3A_180 : vector<16xf32> to vector<1x16xf32>
        tpu.vector_store %arg18[%swap3A_181, %swap3A_182], %swap3A_185 {strides = array<i32>} : memref<80x128xf32, #tpu.memory_space<vmem>>, vector<1x16xf32>,
        %get3A_186 = arith.index_cast %scan3A_159 : i32 to index
        %get3A_187 = arith.constant 32 : index
        %get3A_188 = tpu.vector_load %arg18[%get3A_186, %get3A_187] {strides = array<i32>} : memref<80x128xf32, #tpu.memory_space<vmem>>, vector<1x16xf32>,
        %get3A_189 = vector.shape_cast %get3A_188 : vector<1x16xf32> to vector<16xf32>
        %get3A_190 = arith.index_cast %scan3A_159 : i32 to index
        %get3A_191 = arith.constant 32 : index
        %get3A_192 = tpu.vector_load %arg22[%get3A_190, %get3A_191] {strides = array<i32>} : memref<80x128xf32, #tpu.memory_space<vmem>>, vector<1x16xf32>,
        %get3A_193 = vector.shape_cast %get3A_192 : vector<1x16xf32> to vector<16xf32>
        %add3A_194 = arith.addf %get3A_189, %get3A_193 : vector<16xf32>
        %swap3A_195 = arith.index_cast %scan3A_159 : i32 to index
        %swap3A_196 = arith.constant 32 : index
        %swap3A_197 = tpu.vector_load %arg18[%swap3A_195, %swap3A_196] {strides = array<i32>} : memref<80x128xf32, #tpu.memory_space<vmem>>, vector<1x16xf32>,
        %swap3A_198 = vector.shape_cast %swap3A_197 : vector<1x16xf32> to vector<16xf32>
        %swap3A_199 = vector.shape_cast %add3A_194 : vector<16xf32> to vector<1x16xf32>
        tpu.vector_store %arg18[%swap3A_195, %swap3A_196], %swap3A_199 {strides = array<i32>} : memref<80x128xf32, #tpu.memory_space<vmem>>, vector<1x16xf32>,
        %get3A_200 = arith.index_cast %scan3A_159 : i32 to index
        %get3A_201 = arith.constant 48 : index
        %get3A_202 = tpu.vector_load %arg18[%get3A_200, %get3A_201] {strides = array<i32>} : memref<80x128xf32, #tpu.memory_space<vmem>>, vector<1x16xf32>,
        %get3A_203 = vector.shape_cast %get3A_202 : vector<1x16xf32> to vector<16xf32>
        %get3A_204 = arith.index_cast %scan3A_159 : i32 to index
        %get3A_205 = arith.constant 48 : index
        %get3A_206 = tpu.vector_load %arg22[%get3A_204, %get3A_205] {strides = array<i32>} : memref<80x128xf32, #tpu.memory_space<vmem>>, vector<1x16xf32>,
        %get3A_207 = vector.shape_cast %get3A_206 : vector<1x16xf32> to vector<16xf32>
        %add3A_208 = arith.addf %get3A_203, %get3A_207 : vector<16xf32>
        %swap3A_209 = arith.index_cast %scan3A_159 : i32 to index
        %swap3A_210 = arith.constant 48 : index
        %swap3A_211 = tpu.vector_load %arg18[%swap3A_209, %swap3A_210] {strides = array<i32>} : memref<80x128xf32, #tpu.memory_space<vmem>>, vector<1x16xf32>,
        %swap3A_212 = vector.shape_cast %swap3A_211 : vector<1x16xf32> to vector<16xf32>
        %swap3A_213 = vector.shape_cast %add3A_208 : vector<16xf32> to vector<1x16xf32>
        tpu.vector_store %arg18[%swap3A_209, %swap3A_210], %swap3A_213 {strides = array<i32>} : memref<80x128xf32, #tpu.memory_space<vmem>>, vector<1x16xf32>,
        %get3A_214 = arith.index_cast %scan3A_159 : i32 to index
        %get3A_215 = arith.constant 64 : index
        %get3A_216 = tpu.vector_load %arg18[%get3A_214, %get3A_215] {strides = array<i32>} : memref<80x128xf32, #tpu.memory_space<vmem>>, vector<1x16xf32>,
        %get3A_217 = vector.shape_cast %get3A_216 : vector<1x16xf32> to vector<16xf32>
        %get3A_218 = arith.index_cast %scan3A_159 : i32 to index
        %get3A_219 = arith.constant 64 : index
        %get3A_220 = tpu.vector_load %arg22[%get3A_218, %get3A_219] {strides = array<i32>} : memref<80x128xf32, #tpu.memory_space<vmem>>, vector<1x16xf32>,
        %get3A_221 = vector.shape_cast %get3A_220 : vector<1x16xf32> to vector<16xf32>
        %add3A_222 = arith.addf %get3A_217, %get3A_221 : vector<16xf32>
        %swap3A_223 = arith.index_cast %scan3A_159 : i32 to index
        %swap3A_224 = arith.constant 64 : index
        %swap3A_225 = tpu.vector_load %arg18[%swap3A_223, %swap3A_224] {strides = array<i32>} : memref<80x128xf32, #tpu.memory_space<vmem>>, vector<1x16xf32>,
        %swap3A_226 = vector.shape_cast %swap3A_225 : vector<1x16xf32> to vector<16xf32>
        %swap3A_227 = vector.shape_cast %add3A_222 : vector<16xf32> to vector<1x16xf32>
        tpu.vector_store %arg18[%swap3A_223, %swap3A_224], %swap3A_227 {strides = array<i32>} : memref<80x128xf32, #tpu.memory_space<vmem>>, vector<1x16xf32>,
        %get3A_228 = arith.index_cast %scan3A_159 : i32 to index
        %get3A_229 = arith.constant 80 : index
        %get3A_230 = tpu.vector_load %arg18[%get3A_228, %get3A_229] {strides = array<i32>} : memref<80x128xf32, #tpu.memory_space<vmem>>, vector<1x16xf32>,
        %get3A_231 = vector.shape_cast %get3A_230 : vector<1x16xf32> to vector<16xf32>
        %get3A_232 = arith.index_cast %scan3A_159 : i32 to index
        %get3A_233 = arith.constant 80 : index
        %get3A_234 = tpu.vector_load %arg22[%get3A_232, %get3A_233] {strides = array<i32>} : memref<80x128xf32, #tpu.memory_space<vmem>>, vector<1x16xf32>,
        %get3A_235 = vector.shape_cast %get3A_234 : vector<1x16xf32> to vector<16xf32>
        %add3A_236 = arith.addf %get3A_231, %get3A_235 : vector<16xf32>
        %swap3A_237 = arith.index_cast %scan3A_159 : i32 to index
        %swap3A_238 = arith.constant 80 : index
        %swap3A_239 = tpu.vector_load %arg18[%swap3A_237, %swap3A_238] {strides = array<i32>} : memref<80x128xf32, #tpu.memory_space<vmem>>, vector<1x16xf32>,
        %swap3A_240 = vector.shape_cast %swap3A_239 : vector<1x16xf32> to vector<16xf32>
        %swap3A_241 = vector.shape_cast %add3A_236 : vector<16xf32> to vector<1x16xf32>
        tpu.vector_store %arg18[%swap3A_237, %swap3A_238], %swap3A_241 {strides = array<i32>} : memref<80x128xf32, #tpu.memory_space<vmem>>, vector<1x16xf32>,
        %get3A_242 = arith.index_cast %scan3A_159 : i32 to index
        %get3A_243 = arith.constant 96 : index
        %get3A_244 = tpu.vector_load %arg18[%get3A_242, %get3A_243] {strides = array<i32>} : memref<80x128xf32, #tpu.memory_space<vmem>>, vector<1x16xf32>,
        %get3A_245 = vector.shape_cast %get3A_244 : vector<1x16xf32> to vector<16xf32>
        %get3A_246 = arith.index_cast %scan3A_159 : i32 to index
        %get3A_247 = arith.constant 96 : index
        %get3A_248 = tpu.vector_load %arg22[%get3A_246, %get3A_247] {strides = array<i32>} : memref<80x128xf32, #tpu.memory_space<vmem>>, vector<1x16xf32>,
        %get3A_249 = vector.shape_cast %get3A_248 : vector<1x16xf32> to vector<16xf32>
        %add3A_250 = arith.addf %get3A_245, %get3A_249 : vector<16xf32>
        %swap3A_251 = arith.index_cast %scan3A_159 : i32 to index
        %swap3A_252 = arith.constant 96 : index
        %swap3A_253 = tpu.vector_load %arg18[%swap3A_251, %swap3A_252] {strides = array<i32>} : memref<80x128xf32, #tpu.memory_space<vmem>>, vector<1x16xf32>,
        %swap3A_254 = vector.shape_cast %swap3A_253 : vector<1x16xf32> to vector<16xf32>
        %swap3A_255 = vector.shape_cast %add3A_250 : vector<16xf32> to vector<1x16xf32>
        tpu.vector_store %arg18[%swap3A_251, %swap3A_252], %swap3A_255 {strides = array<i32>} : memref<80x128xf32, #tpu.memory_space<vmem>>, vector<1x16xf32>,
        %get3A_256 = arith.index_cast %scan3A_159 : i32 to index
        %get3A_257 = arith.constant 112 : index
        %get3A_258 = tpu.vector_load %arg18[%get3A_256, %get3A_257] {strides = array<i32>} : memref<80x128xf32, #tpu.memory_space<vmem>>, vector<1x16xf32>,
        %get3A_259 = vector.shape_cast %get3A_258 : vector<1x16xf32> to vector<16xf32>
        %get3A_260 = arith.index_cast %scan3A_159 : i32 to index
        %get3A_261 = arith.constant 112 : index
        %get3A_262 = tpu.vector_load %arg22[%get3A_260, %get3A_261] {strides = array<i32>} : memref<80x128xf32, #tpu.memory_space<vmem>>, vector<1x16xf32>,
        %get3A_263 = vector.shape_cast %get3A_262 : vector<1x16xf32> to vector<16xf32>
        %add3A_264 = arith.addf %get3A_259, %get3A_263 : vector<16xf32>
        %swap3A_265 = arith.index_cast %scan3A_159 : i32 to index
        %swap3A_266 = arith.constant 112 : index
        %swap3A_267 = tpu.vector_load %arg18[%swap3A_265, %swap3A_266] {strides = array<i32>} : memref<80x128xf32, #tpu.memory_space<vmem>>, vector<1x16xf32>,
        %swap3A_268 = vector.shape_cast %swap3A_267 : vector<1x16xf32> to vector<16xf32>
        %swap3A_269 = vector.shape_cast %add3A_264 : vector<16xf32> to vector<1x16xf32>
        tpu.vector_store %arg18[%swap3A_265, %swap3A_266], %swap3A_269 {strides = array<i32>} : memref<80x128xf32, #tpu.memory_space<vmem>>, vector<1x16xf32>,
      }
      %scan3A_153 = arith.constant 80 : i32
      %add3A_154 = arith.constant 240 : i32
      %add3A_155 = arith.addi %mul3A_2, %add3A_154 : i32
      %dma_start3A = arith.constant 0 : i32
      %dma_start3A_156 = tpu.memref_slice %arg6[%add3A_155, %dma_start3A] : memref<10000x128xf32, #tpu.memory_space<hbm>> -> memref<80x128xf32, #tpu.memory_space<hbm>>
      %dma_start3A_157 = arith.constant 0 : i32
      %dma_start3A_158 = tpu.memref_slice %arg6[%add3A_155, %dma_start3A_157] : memref<10000x128xf32, #tpu.memory_space<hbm>> -> memref<80x128xf32, #tpu.memory_space<hbm>>
      tpu.enqueue_dma source(%arg18 : memref<80x128xf32, #tpu.memory_space<vmem>>) target(%dma_start3A_158 : memref<80x128xf32, #tpu.memory_space<hbm>>) target_semaphore(%arg26 : memref<!tpu.dma_semaphore, #tpu.memory_space<semaphore_mem>>)
    } else {
    }
    %add3A_108 = arith.constant 0 : i32
    %add3A_109 = arith.addi %mul3A_2, %add3A_108 : i32
    %add3A_110 = arith.constant 80 : i32
    %add3A_111 = arith.addi %add3A_109, %add3A_110 : i32
    %le3A_112 = arith.constant 10000 : i32
    %le3A_113 = arith.cmpi sle, %add3A_111, %le3A_112 : i32
    %convert_element_type3A_114 = arith.extui %le3A_113 : i1 to i32
    %cond3A_115 = arith.constant 0 : i32
    %cond3A_116 = arith.cmpi ne, %convert_element_type3A_114, %cond3A_115 : i32
    scf.if %cond3A_116 {
      %add3A_144 = arith.constant 0 : i32
      %add3A_145 = arith.addi %mul3A_2, %add3A_144 : i32
      %dma_wait3A = arith.constant 0 : i32
      %dma_wait3A_146 = tpu.memref_slice %arg6[%add3A_145, %dma_wait3A] : memref<10000x128xf32, #tpu.memory_space<hbm>> -> memref<80x128xf32, #tpu.memory_space<hbm>>
      %dma_wait3A_147 = arith.constant 0 : i32
      %dma_wait3A_148 = tpu.memref_slice %arg6[%add3A_145, %dma_wait3A_147] : memref<10000x128xf32, #tpu.memory_space<hbm>> -> memref<80x128xf32, #tpu.memory_space<hbm>>
      tpu.wait_dma2 semaphore(%arg23 : memref<!tpu.dma_semaphore, #tpu.memory_space<semaphore_mem>>) src(%arg15 : memref<80x128xf32, #tpu.memory_space<vmem>>) dst(%dma_wait3A_148 : memref<80x128xf32, #tpu.memory_space<hbm>>)
    } else {
    }
    %add3A_117 = arith.constant 80 : i32
    %add3A_118 = arith.addi %mul3A_2, %add3A_117 : i32
    %add3A_119 = arith.constant 80 : i32
    %add3A_120 = arith.addi %add3A_118, %add3A_119 : i32
    %le3A_121 = arith.constant 10000 : i32
    %le3A_122 = arith.cmpi sle, %add3A_120, %le3A_121 : i32
    %convert_element_type3A_123 = arith.extui %le3A_122 : i1 to i32
    %cond3A_124 = arith.constant 0 : i32
    %cond3A_125 = arith.cmpi ne, %convert_element_type3A_123, %cond3A_124 : i32
    scf.if %cond3A_125 {
      %add3A_144 = arith.constant 80 : i32
      %add3A_145 = arith.addi %mul3A_2, %add3A_144 : i32
      %dma_wait3A = arith.constant 0 : i32
      %dma_wait3A_146 = tpu.memref_slice %arg6[%add3A_145, %dma_wait3A] : memref<10000x128xf32, #tpu.memory_space<hbm>> -> memref<80x128xf32, #tpu.memory_space<hbm>>
      %dma_wait3A_147 = arith.constant 0 : i32
      %dma_wait3A_148 = tpu.memref_slice %arg6[%add3A_145, %dma_wait3A_147] : memref<10000x128xf32, #tpu.memory_space<hbm>> -> memref<80x128xf32, #tpu.memory_space<hbm>>
      tpu.wait_dma2 semaphore(%arg24 : memref<!tpu.dma_semaphore, #tpu.memory_space<semaphore_mem>>) src(%arg16 : memref<80x128xf32, #tpu.memory_space<vmem>>) dst(%dma_wait3A_148 : memref<80x128xf32, #tpu.memory_space<hbm>>)
    } else {
    }
    %add3A_126 = arith.constant 160 : i32
    %add3A_127 = arith.addi %mul3A_2, %add3A_126 : i32
    %add3A_128 = arith.constant 80 : i32
    %add3A_129 = arith.addi %add3A_127, %add3A_128 : i32
    %le3A_130 = arith.constant 10000 : i32
    %le3A_131 = arith.cmpi sle, %add3A_129, %le3A_130 : i32
    %convert_element_type3A_132 = arith.extui %le3A_131 : i1 to i32
    %cond3A_133 = arith.constant 0 : i32
    %cond3A_134 = arith.cmpi ne, %convert_element_type3A_132, %cond3A_133 : i32
    scf.if %cond3A_134 {
      %add3A_144 = arith.constant 160 : i32
      %add3A_145 = arith.addi %mul3A_2, %add3A_144 : i32
      %dma_wait3A = arith.constant 0 : i32
      %dma_wait3A_146 = tpu.memref_slice %arg6[%add3A_145, %dma_wait3A] : memref<10000x128xf32, #tpu.memory_space<hbm>> -> memref<80x128xf32, #tpu.memory_space<hbm>>
      %dma_wait3A_147 = arith.constant 0 : i32
      %dma_wait3A_148 = tpu.memref_slice %arg6[%add3A_145, %dma_wait3A_147] : memref<10000x128xf32, #tpu.memory_space<hbm>> -> memref<80x128xf32, #tpu.memory_space<hbm>>
      tpu.wait_dma2 semaphore(%arg25 : memref<!tpu.dma_semaphore, #tpu.memory_space<semaphore_mem>>) src(%arg17 : memref<80x128xf32, #tpu.memory_space<vmem>>) dst(%dma_wait3A_148 : memref<80x128xf32, #tpu.memory_space<hbm>>)
    } else {
    }
    %add3A_135 = arith.constant 240 : i32
    %add3A_136 = arith.addi %mul3A_2, %add3A_135 : i32
    %add3A_137 = arith.constant 80 : i32
    %add3A_138 = arith.addi %add3A_136, %add3A_137 : i32
    %le3A_139 = arith.constant 10000 : i32
    %le3A_140 = arith.cmpi sle, %add3A_138, %le3A_139 : i32
    %convert_element_type3A_141 = arith.extui %le3A_140 : i1 to i32
    %cond3A_142 = arith.constant 0 : i32
    %cond3A_143 = arith.cmpi ne, %convert_element_type3A_141, %cond3A_142 : i32
    scf.if %cond3A_143 {
      %add3A_144 = arith.constant 240 : i32
      %add3A_145 = arith.addi %mul3A_2, %add3A_144 : i32
      %dma_wait3A = arith.constant 0 : i32
      %dma_wait3A_146 = tpu.memref_slice %arg6[%add3A_145, %dma_wait3A] : memref<10000x128xf32, #tpu.memory_space<hbm>> -> memref<80x128xf32, #tpu.memory_space<hbm>>
      %dma_wait3A_147 = arith.constant 0 : i32
      %dma_wait3A_148 = tpu.memref_slice %arg6[%add3A_145, %dma_wait3A_147] : memref<10000x128xf32, #tpu.memory_space<hbm>> -> memref<80x128xf32, #tpu.memory_space<hbm>>
      tpu.wait_dma2 semaphore(%arg26 : memref<!tpu.dma_semaphore, #tpu.memory_space<semaphore_mem>>) src(%arg18 : memref<80x128xf32, #tpu.memory_space<vmem>>) dst(%dma_wait3A_148 : memref<80x128xf32, #tpu.memory_space<hbm>>)
    } else {
    }
    return
  }
}

module attributes {stable_mosaic.version = 14 : i64} {
  func.func @_hplus_body(%arg0: i32, %arg1: memref<2000x128xf32, #tpu.memory_space<vmem>>, %arg2: memref<4x128xf32, #tpu.memory_space<vmem>>, %arg3: memref<4x2000x128xf32, #tpu.memory_space<vmem>>) attributes {dimension_semantics = [#tpu.dimension_semantics<arbitrary>], iteration_bounds = array<i64: 5>, scalar_prefetch = 0 : i64, scratch_operands = 0 : i64, tpu.core_type = #tpu.core_type<tc>, window_params = [{transform_indices = @transform_0, window_bounds = array<i64: 2000, 128>}, {pipeline_mode = #tpu.pipeline_mode<synchronous>, transform_indices = @transform_1, window_bounds = array<i64: 4, 128>}, {transform_indices = @transform_2, window_bounds = array<i64: 4, 2000, 128>}]} {
    %get3A = arith.constant 0 : index
    %get3A_0 = arith.constant 0 : index
    %get3A_1 = vector.load %arg1[%get3A, %get3A_0] : memref<2000x128xf32, #tpu.memory_space<vmem>>, vector<2000x128xf32>
    %broadcast_in_dim3A = vector.shape_cast %get3A_1 : vector<2000x128xf32> to vector<1x2000x128xf32>
    %get3A_2 = arith.constant 0 : index
    %get3A_3 = arith.constant 0 : index
    %get3A_4 = vector.load %arg2[%get3A_2, %get3A_3] : memref<4x128xf32, #tpu.memory_space<vmem>>, vector<4x128xf32>
    %broadcast_in_dim3A_5 = vector.shape_cast %get3A_4 : vector<4x128xf32> to vector<4x1x128xf32>
    %add3A = vector.broadcast %broadcast_in_dim3A : vector<1x2000x128xf32> to vector<4x2000x128xf32>
    %add3A_6 = vector.broadcast %broadcast_in_dim3A_5 : vector<4x1x128xf32> to vector<4x2000x128xf32>
    %add3A_7 = arith.addf %add3A, %add3A_6 : vector<4x2000x128xf32>
    %max3A = arith.constant 0.000000e+00 : f32
    %max3A_8 = vector.broadcast %max3A : f32 to vector<4x2000x128xf32>
    %max3A_9 = arith.maximumf %add3A_7, %max3A_8 : vector<4x2000x128xf32>
    %swap3A = arith.constant 0 : index
    %swap3A_10 = arith.constant 0 : index
    %swap3A_11 = arith.constant 0 : index
    %swap3A_12 = vector.load %arg3[%swap3A, %swap3A_10, %swap3A_11] : memref<4x2000x128xf32, #tpu.memory_space<vmem>>, vector<4x2000x128xf32>
    tpu.vector_store %arg3[%swap3A, %swap3A_10, %swap3A_11], %max3A_9 {strides = array<i32>} : memref<4x2000x128xf32, #tpu.memory_space<vmem>>, vector<4x2000x128xf32>,
    return
  }
  func.func @transform_0(%arg0: i32) -> (i32, i32) {
    %c0_i32 = arith.constant 0 : i32
    %c0_i32_0 = arith.constant 0 : i32
    return %arg0, %c0_i32 : i32, i32
  }
  func.func @transform_1(%arg0: i32) -> (i32, i32) {
    %c0_i32 = arith.constant 0 : i32
    %c0_i32_0 = arith.constant 0 : i32
    %c0_i32_1 = arith.constant 0 : i32
    return %c0_i32, %c0_i32_0 : i32, i32
  }
  func.func @transform_2(%arg0: i32) -> (i32, i32, i32) {
    %c0_i32 = arith.constant 0 : i32
    %c0_i32_0 = arith.constant 0 : i32
    %c0_i32_1 = arith.constant 0 : i32
    return %c0_i32, %arg0, %c0_i32_0 : i32, i32, i32
  }
}

module attributes {stable_mosaic.version = 14 : i64} {
  func.func @_layer_body(%arg0: i32, %arg1: i32, %arg2: memref<1xf32, #tpu.memory_space<smem>>, %arg3: memref<2000x128xf32, #tpu.memory_space<vmem>>, %arg4: memref<2x2000x128xf32, #tpu.memory_space<vmem>>, %arg5: memref<128x256xf32, #tpu.memory_space<vmem>>, %arg6: memref<256xf32, #tpu.memory_space<vmem>>, %arg7: memref<256x128xf32, #tpu.memory_space<vmem>>, %arg8: memref<128xf32, #tpu.memory_space<vmem>>, %arg9: memref<128xf32, #tpu.memory_space<vmem>>, %arg10: memref<128xf32, #tpu.memory_space<vmem>>, %arg11: memref<128xf32, #tpu.memory_space<vmem>>, %arg12: memref<128xf32, #tpu.memory_space<vmem>>, %arg13: memref<4x128xf32, #tpu.memory_space<vmem>>, %arg14: memref<2000x128xf32, #tpu.memory_space<vmem>>, %arg15: memref<4x2000x128xf32, #tpu.memory_space<vmem>>, %arg16: memref<5x2000x128xf32, #tpu.memory_space<vmem>>, %arg17: memref<5x2000x128xf32, #tpu.memory_space<vmem>>, %arg18: memref<1x128xf32, #tpu.memory_space<vmem>>, %arg19: memref<1x128xf32, #tpu.memory_space<vmem>>) attributes {dimension_semantics = [#tpu.dimension_semantics<arbitrary>, #tpu.dimension_semantics<arbitrary>], iteration_bounds = array<i64: 2, 5>, scalar_prefetch = 0 : i64, scratch_operands = 4 : i64, tpu.core_type = #tpu.core_type<tc>, window_params = [{transform_indices = @transform_0, window_bounds = array<i64: 1>}, {transform_indices = @transform_1, window_bounds = array<i64: 2000, 128>}, {transform_indices = @transform_2, window_bounds = array<i64: 2, 2000, 128>}, {pipeline_mode = #tpu.pipeline_mode<synchronous>, transform_indices = @transform_3, window_bounds = array<i64: 128, 256>}, {pipeline_mode = #tpu.pipeline_mode<synchronous>, transform_indices = @transform_4, window_bounds = array<i64: 256>}, {pipeline_mode = #tpu.pipeline_mode<synchronous>, transform_indices = @transform_5, window_bounds = array<i64: 256, 128>}, {pipeline_mode = #tpu.pipeline_mode<synchronous>, transform_indices = @transform_6, window_bounds = array<i64: 128>}, {pipeline_mode = #tpu.pipeline_mode<synchronous>, transform_indices = @transform_7, window_bounds = array<i64: 128>}, {pipeline_mode = #tpu.pipeline_mode<synchronous>, transform_indices = @transform_8, window_bounds = array<i64: 128>}, {pipeline_mode = #tpu.pipeline_mode<synchronous>, transform_indices = @transform_9, window_bounds = array<i64: 128>}, {pipeline_mode = #tpu.pipeline_mode<synchronous>, transform_indices = @transform_10, window_bounds = array<i64: 128>}, {pipeline_mode = #tpu.pipeline_mode<synchronous>, transform_indices = @transform_11, window_bounds = array<i64: 4, 128>}, {transform_indices = @transform_12, window_bounds = array<i64: 2000, 128>}, {transform_indices = @transform_13, window_bounds = array<i64: 4, 2000, 128>}]} {
    %eq3A = arith.constant 0 : i32
    %eq3A_0 = arith.cmpi eq, %arg0, %eq3A : i32
    %convert_element_type3A = arith.extui %eq3A_0 : i1 to i32
    %cond3A = arith.constant 0 : i32
    %cond3A_1 = arith.cmpi ne, %convert_element_type3A, %cond3A : i32
    scf.if %cond3A_1 {
      %get3A = arith.constant 0 : index
      %get3A_7 = arith.constant 0 : index
      %get3A_8 = vector.load %arg3[%get3A, %get3A_7] : memref<2000x128xf32, #tpu.memory_space<vmem>>, vector<2000x128xf32>
      %swap3A = arith.index_cast %arg1 : i32 to index
      %swap3A_9 = arith.constant 0 : index
      %swap3A_10 = arith.constant 0 : index
      %swap3A_11 = vector.load %arg17[%swap3A, %swap3A_9, %swap3A_10] : memref<5x2000x128xf32, #tpu.memory_space<vmem>>, vector<1x2000x128xf32>
      %swap3A_12 = vector.shape_cast %swap3A_11 : vector<1x2000x128xf32> to vector<2000x128xf32>
      %swap3A_13 = vector.shape_cast %get3A_8 : vector<2000x128xf32> to vector<1x2000x128xf32>
      tpu.vector_store %arg17[%swap3A, %swap3A_9, %swap3A_10], %swap3A_13 {strides = array<i32>} : memref<5x2000x128xf32, #tpu.memory_space<vmem>>, vector<1x2000x128xf32>,
      %get3A_14 = arith.constant 0 : index
      %get3A_15 = memref.load %arg2[%get3A_14] : memref<1xf32, #tpu.memory_space<smem>>
      %add3A = arith.constant 1.000000e+00 : f32
      %add3A_16 = arith.addf %add3A, %get3A_15 : f32
      %mul3A = vector.broadcast %add3A_16 : f32 to vector<2000x128xf32>
      %mul3A_17 = arith.mulf %mul3A, %get3A_8 : vector<2000x128xf32>
      %get3A_18 = arith.constant 0 : index
      %get3A_19 = arith.constant 0 : index
      %get3A_20 = arith.constant 0 : index
      %get3A_21 = vector.load %arg4[%get3A_18, %get3A_19, %get3A_20] : memref<2x2000x128xf32, #tpu.memory_space<vmem>>, vector<1x2000x128xf32>
      %get3A_22 = vector.shape_cast %get3A_21 : vector<1x2000x128xf32> to vector<2000x128xf32>
      %add3A_23 = arith.addf %mul3A_17, %get3A_22 : vector<2000x128xf32>
      %get3A_24 = arith.constant 1 : index
      %get3A_25 = arith.constant 0 : index
      %get3A_26 = arith.constant 0 : index
      %get3A_27 = vector.load %arg4[%get3A_24, %get3A_25, %get3A_26] : memref<2x2000x128xf32, #tpu.memory_space<vmem>>, vector<1x2000x128xf32>
      %get3A_28 = vector.shape_cast %get3A_27 : vector<1x2000x128xf32> to vector<2000x128xf32>
      %add3A_29 = arith.addf %add3A_23, %get3A_28 : vector<2000x128xf32>
      %convert_element_type3A_30 = arith.truncf %add3A_29 : vector<2000x128xf32> to vector<2000x128xbf16>
      %get3A_31 = arith.constant 0 : index
      %get3A_32 = arith.constant 0 : index
      %get3A_33 = vector.load %arg5[%get3A_31, %get3A_32] : memref<128x256xf32, #tpu.memory_space<vmem>>, vector<128x256xf32>
      %convert_element_type3A_34 = arith.truncf %get3A_33 : vector<128x256xf32> to vector<128x256xbf16>
      %dot_general3A = arith.constant dense<0.000000e+00> : vector<2000x256xf32>
      %dot_general3A_35 = tpu.matmul %convert_element_type3A_30, %convert_element_type3A_34, %dot_general3A {dimension_numbers = #tpu.dot_dimension_numbers<[1], [0], [0], [1], [0, 0, 1, 1], [], []>, transpose_lhs_hint = false} : vector<2000x128xbf16>, vector<128x256xbf16>, vector<2000x256xf32> -> vector<2000x256xf32>
      %get3A_36 = arith.constant 0 : index
      %get3A_37 = vector.load %arg6[%get3A_36] : memref<256xf32, #tpu.memory_space<vmem>>, vector<256xf32>
      %broadcast_in_dim3A = vector.shape_cast %get3A_37 : vector<256xf32> to vector<1x256xf32>
      %add3A_38 = vector.broadcast %broadcast_in_dim3A : vector<1x256xf32> to vector<2000x256xf32>
      %add3A_39 = arith.addf %dot_general3A_35, %add3A_38 : vector<2000x256xf32>
      %max3A = arith.constant 0.000000e+00 : f32
      %max3A_40 = vector.broadcast %max3A : f32 to vector<2000x256xf32>
      %max3A_41 = arith.maximumf %add3A_39, %max3A_40 : vector<2000x256xf32>
      %convert_element_type3A_42 = arith.truncf %max3A_41 : vector<2000x256xf32> to vector<2000x256xbf16>
      %get3A_43 = arith.constant 0 : index
      %get3A_44 = arith.constant 0 : index
      %get3A_45 = vector.load %arg7[%get3A_43, %get3A_44] : memref<256x128xf32, #tpu.memory_space<vmem>>, vector<256x128xf32>
      %convert_element_type3A_46 = arith.truncf %get3A_45 : vector<256x128xf32> to vector<256x128xbf16>
      %dot_general3A_47 = arith.constant dense<0.000000e+00> : vector<2000x128xf32>
      %dot_general3A_48 = tpu.matmul %convert_element_type3A_42, %convert_element_type3A_46, %dot_general3A_47 {dimension_numbers = #tpu.dot_dimension_numbers<[1], [0], [0], [1], [0, 0, 1, 1], [], []>, transpose_lhs_hint = false} : vector<2000x256xbf16>, vector<256x128xbf16>, vector<2000x128xf32> -> vector<2000x128xf32>
      %get3A_49 = arith.constant 0 : index
      %get3A_50 = vector.load %arg8[%get3A_49] : memref<128xf32, #tpu.memory_space<vmem>>, vector<128xf32>
      %broadcast_in_dim3A_51 = vector.shape_cast %get3A_50 : vector<128xf32> to vector<1x128xf32>
      %add3A_52 = vector.broadcast %broadcast_in_dim3A_51 : vector<1x128xf32> to vector<2000x128xf32>
      %add3A_53 = arith.addf %dot_general3A_48, %add3A_52 : vector<2000x128xf32>
      %swap3A_54 = arith.index_cast %arg1 : i32 to index
      %swap3A_55 = arith.constant 0 : index
      %swap3A_56 = arith.constant 0 : index
      %swap3A_57 = vector.load %arg16[%swap3A_54, %swap3A_55, %swap3A_56] : memref<5x2000x128xf32, #tpu.memory_space<vmem>>, vector<1x2000x128xf32>
      %swap3A_58 = vector.shape_cast %swap3A_57 : vector<1x2000x128xf32> to vector<2000x128xf32>
      %swap3A_59 = vector.shape_cast %add3A_53 : vector<2000x128xf32> to vector<1x2000x128xf32>
      tpu.vector_store %arg16[%swap3A_54, %swap3A_55, %swap3A_56], %swap3A_59 {strides = array<i32>} : memref<5x2000x128xf32, #tpu.memory_space<vmem>>, vector<1x2000x128xf32>,
      %eq3A_60 = arith.constant 0 : i32
      %eq3A_61 = arith.cmpi eq, %arg1, %eq3A_60 : i32
      %convert_element_type3A_62 = arith.extui %eq3A_61 : i1 to i32
      %cond3A_63 = arith.constant 0 : i32
      %cond3A_64 = arith.cmpi ne, %convert_element_type3A_62, %cond3A_63 : i32
      scf.if %cond3A_64 {
        %broadcast_in_dim3A_85 = arith.constant 0.000000e+00 : f32
        %broadcast_in_dim3A_86 = vector.broadcast %broadcast_in_dim3A_85 : f32 to vector<1x128xf32>
        %swap3A_87 = arith.constant 0 : index
        %swap3A_88 = arith.constant 0 : index
        %swap3A_89 = vector.load %arg18[%swap3A_87, %swap3A_88] : memref<1x128xf32, #tpu.memory_space<vmem>>, vector<1x128xf32>
        tpu.vector_store %arg18[%swap3A_87, %swap3A_88], %broadcast_in_dim3A_86 {strides = array<i32>} : memref<1x128xf32, #tpu.memory_space<vmem>>, vector<1x128xf32>,
        %broadcast_in_dim3A_90 = arith.constant 0.000000e+00 : f32
        %broadcast_in_dim3A_91 = vector.broadcast %broadcast_in_dim3A_90 : f32 to vector<1x128xf32>
        %swap3A_92 = arith.constant 0 : index
        %swap3A_93 = arith.constant 0 : index
        %swap3A_94 = vector.load %arg19[%swap3A_92, %swap3A_93] : memref<1x128xf32, #tpu.memory_space<vmem>>, vector<1x128xf32>
        tpu.vector_store %arg19[%swap3A_92, %swap3A_93], %broadcast_in_dim3A_91 {strides = array<i32>} : memref<1x128xf32, #tpu.memory_space<vmem>>, vector<1x128xf32>,
      } else {
      }
      %get3A_65 = arith.constant 0 : index
      %get3A_66 = arith.constant 0 : index
      %get3A_67 = vector.load %arg18[%get3A_65, %get3A_66] : memref<1x128xf32, #tpu.memory_space<vmem>>, vector<1x128xf32>
      %reduce_sum3A = arith.constant dense<0.000000e+00> : vector<128xf32>
      %reduce_sum3A_68 = vector.multi_reduction <add>, %add3A_53, %reduce_sum3A [0] : vector<2000x128xf32> to vector<128xf32>
      %broadcast_in_dim3A_69 = vector.shape_cast %reduce_sum3A_68 : vector<128xf32> to vector<1x128xf32>
      %add3A_70 = arith.addf %get3A_67, %broadcast_in_dim3A_69 : vector<1x128xf32>
      %swap3A_71 = arith.constant 0 : index
      %swap3A_72 = arith.constant 0 : index
      %swap3A_73 = vector.load %arg18[%swap3A_71, %swap3A_72] : memref<1x128xf32, #tpu.memory_space<vmem>>, vector<1x128xf32>
      tpu.vector_store %arg18[%swap3A_71, %swap3A_72], %add3A_70 {strides = array<i32>} : memref<1x128xf32, #tpu.memory_space<vmem>>, vector<1x128xf32>,
      %get3A_74 = arith.constant 0 : index
      %get3A_75 = arith.constant 0 : index
      %get3A_76 = vector.load %arg19[%get3A_74, %get3A_75] : memref<1x128xf32, #tpu.memory_space<vmem>>, vector<1x128xf32>
      %mul3A_77 = arith.mulf %add3A_53, %add3A_53 : vector<2000x128xf32>
      %reduce_sum3A_78 = arith.constant dense<0.000000e+00> : vector<128xf32>
      %reduce_sum3A_79 = vector.multi_reduction <add>, %mul3A_77, %reduce_sum3A_78 [0] : vector<2000x128xf32> to vector<128xf32>
      %broadcast_in_dim3A_80 = vector.shape_cast %reduce_sum3A_79 : vector<128xf32> to vector<1x128xf32>
      %add3A_81 = arith.addf %get3A_76, %broadcast_in_dim3A_80 : vector<1x128xf32>
      %swap3A_82 = arith.constant 0 : index
      %swap3A_83 = arith.constant 0 : index
      %swap3A_84 = vector.load %arg19[%swap3A_82, %swap3A_83] : memref<1x128xf32, #tpu.memory_space<vmem>>, vector<1x128xf32>
      tpu.vector_store %arg19[%swap3A_82, %swap3A_83], %add3A_81 {strides = array<i32>} : memref<1x128xf32, #tpu.memory_space<vmem>>, vector<1x128xf32>,
    } else {
    }
    %eq3A_2 = arith.constant 1 : i32
    %eq3A_3 = arith.cmpi eq, %arg0, %eq3A_2 : i32
    %convert_element_type3A_4 = arith.extui %eq3A_3 : i1 to i32
    %cond3A_5 = arith.constant 0 : i32
    %cond3A_6 = arith.cmpi ne, %convert_element_type3A_4, %cond3A_5 : i32
    scf.if %cond3A_6 {
      %get3A = arith.index_cast %arg1 : i32 to index
      %get3A_7 = arith.constant 0 : index
      %get3A_8 = arith.constant 0 : index
      %get3A_9 = vector.load %arg16[%get3A, %get3A_7, %get3A_8] : memref<5x2000x128xf32, #tpu.memory_space<vmem>>, vector<1x2000x128xf32>
      %get3A_10 = vector.shape_cast %get3A_9 : vector<1x2000x128xf32> to vector<2000x128xf32>
      %get3A_11 = arith.constant 0 : index
      %get3A_12 = arith.constant 0 : index
      %get3A_13 = vector.load %arg18[%get3A_11, %get3A_12] : memref<1x128xf32, #tpu.memory_space<vmem>>, vector<1x128xf32>
      %mul3A = arith.constant 9.99999974E-5 : f32
      %mul3A_14 = vector.broadcast %mul3A : f32 to vector<1x128xf32>
      %mul3A_15 = arith.mulf %get3A_13, %mul3A_14 : vector<1x128xf32>
      %get3A_16 = arith.constant 0 : index
      %get3A_17 = arith.constant 0 : index
      %get3A_18 = vector.load %arg19[%get3A_16, %get3A_17] : memref<1x128xf32, #tpu.memory_space<vmem>>, vector<1x128xf32>
      %mul3A_19 = arith.constant 9.99999974E-5 : f32
      %mul3A_20 = vector.broadcast %mul3A_19 : f32 to vector<1x128xf32>
      %mul3A_21 = arith.mulf %get3A_18, %mul3A_20 : vector<1x128xf32>
      %mul3A_22 = arith.mulf %mul3A_15, %mul3A_15 : vector<1x128xf32>
      %sub3A = arith.subf %mul3A_21, %mul3A_22 : vector<1x128xf32>
      %get3A_23 = arith.constant 0 : index
      %get3A_24 = vector.load %arg9[%get3A_23] : memref<128xf32, #tpu.memory_space<vmem>>, vector<128xf32>
      %broadcast_in_dim3A = vector.shape_cast %get3A_24 : vector<128xf32> to vector<1x128xf32>
      %add3A = arith.constant 9.99999974E-6 : f32
      %add3A_25 = vector.broadcast %add3A : f32 to vector<1x128xf32>
      %add3A_26 = arith.addf %sub3A, %add3A_25 : vector<1x128xf32>
      %rsqrt3A = math.rsqrt %add3A_26 : vector<1x128xf32>
      %mul3A_27 = arith.mulf %broadcast_in_dim3A, %rsqrt3A : vector<1x128xf32>
      %get3A_28 = arith.constant 0 : index
      %get3A_29 = vector.load %arg10[%get3A_28] : memref<128xf32, #tpu.memory_space<vmem>>, vector<128xf32>
      %broadcast_in_dim3A_30 = vector.shape_cast %get3A_29 : vector<128xf32> to vector<1x128xf32>
      %mul3A_31 = arith.mulf %mul3A_15, %mul3A_27 : vector<1x128xf32>
      %sub3A_32 = arith.subf %broadcast_in_dim3A_30, %mul3A_31 : vector<1x128xf32>
      %mul3A_33 = vector.broadcast %mul3A_27 : vector<1x128xf32> to vector<2000x128xf32>
      %mul3A_34 = arith.mulf %get3A_10, %mul3A_33 : vector<2000x128xf32>
      %add3A_35 = vector.broadcast %sub3A_32 : vector<1x128xf32> to vector<2000x128xf32>
      %add3A_36 = arith.addf %mul3A_34, %add3A_35 : vector<2000x128xf32>
      %max3A = arith.constant 0.000000e+00 : f32
      %max3A_37 = vector.broadcast %max3A : f32 to vector<2000x128xf32>
      %max3A_38 = arith.maximumf %add3A_36, %max3A_37 : vector<2000x128xf32>
      %get3A_39 = arith.index_cast %arg1 : i32 to index
      %get3A_40 = arith.constant 0 : index
      %get3A_41 = arith.constant 0 : index
      %get3A_42 = vector.load %arg17[%get3A_39, %get3A_40, %get3A_41] : memref<5x2000x128xf32, #tpu.memory_space<vmem>>, vector<1x2000x128xf32>
      %get3A_43 = vector.shape_cast %get3A_42 : vector<1x2000x128xf32> to vector<2000x128xf32>
      %add3A_44 = arith.addf %max3A_38, %get3A_43 : vector<2000x128xf32>
      %reduce_sum3A = arith.constant dense<0.000000e+00> : vector<2000xf32>
      %reduce_sum3A_45 = vector.multi_reduction <add>, %add3A_44, %reduce_sum3A [1] : vector<2000x128xf32> to vector<2000xf32>
      %broadcast_in_dim3A_46 = vector.shape_cast %reduce_sum3A_45 : vector<2000xf32> to vector<2000x1xf32>
      %div3A = arith.constant 1.280000e+02 : f32
      %div3A_47 = vector.broadcast %div3A : f32 to vector<2000x1xf32>
      %div3A_48 = arith.divf %broadcast_in_dim3A_46, %div3A_47 : vector<2000x1xf32>
      %sub3A_49 = vector.broadcast %div3A_48 : vector<2000x1xf32> to vector<2000x128xf32>
      %sub3A_50 = arith.subf %add3A_44, %sub3A_49 : vector<2000x128xf32>
      %mul3A_51 = arith.mulf %sub3A_50, %sub3A_50 : vector<2000x128xf32>
      %reduce_sum3A_52 = arith.constant dense<0.000000e+00> : vector<2000xf32>
      %reduce_sum3A_53 = vector.multi_reduction <add>, %mul3A_51, %reduce_sum3A_52 [1] : vector<2000x128xf32> to vector<2000xf32>
      %broadcast_in_dim3A_54 = vector.shape_cast %reduce_sum3A_53 : vector<2000xf32> to vector<2000x1xf32>
      %div3A_55 = arith.constant 1.280000e+02 : f32
      %div3A_56 = vector.broadcast %div3A_55 : f32 to vector<2000x1xf32>
      %div3A_57 = arith.divf %broadcast_in_dim3A_54, %div3A_56 : vector<2000x1xf32>
      %add3A_58 = arith.constant 9.99999974E-6 : f32
      %add3A_59 = vector.broadcast %add3A_58 : f32 to vector<2000x1xf32>
      %add3A_60 = arith.addf %div3A_57, %add3A_59 : vector<2000x1xf32>
      %rsqrt3A_61 = math.rsqrt %add3A_60 : vector<2000x1xf32>
      %mul3A_62 = vector.broadcast %rsqrt3A_61 : vector<2000x1xf32> to vector<2000x128xf32>
      %mul3A_63 = arith.mulf %sub3A_50, %mul3A_62 : vector<2000x128xf32>
      %get3A_64 = arith.constant 0 : index
      %get3A_65 = vector.load %arg11[%get3A_64] : memref<128xf32, #tpu.memory_space<vmem>>, vector<128xf32>
      %broadcast_in_dim3A_66 = vector.shape_cast %get3A_65 : vector<128xf32> to vector<1x128xf32>
      %mul3A_67 = vector.broadcast %broadcast_in_dim3A_66 : vector<1x128xf32> to vector<2000x128xf32>
      %mul3A_68 = arith.mulf %mul3A_63, %mul3A_67 : vector<2000x128xf32>
      %get3A_69 = arith.constant 0 : index
      %get3A_70 = vector.load %arg12[%get3A_69] : memref<128xf32, #tpu.memory_space<vmem>>, vector<128xf32>
      %broadcast_in_dim3A_71 = vector.shape_cast %get3A_70 : vector<128xf32> to vector<1x128xf32>
      %add3A_72 = vector.broadcast %broadcast_in_dim3A_71 : vector<1x128xf32> to vector<2000x128xf32>
      %add3A_73 = arith.addf %mul3A_68, %add3A_72 : vector<2000x128xf32>
      %swap3A = arith.constant 0 : index
      %swap3A_74 = arith.constant 0 : index
      %swap3A_75 = vector.load %arg14[%swap3A, %swap3A_74] : memref<2000x128xf32, #tpu.memory_space<vmem>>, vector<2000x128xf32>
      tpu.vector_store %arg14[%swap3A, %swap3A_74], %add3A_73 {strides = array<i32>} : memref<2000x128xf32, #tpu.memory_space<vmem>>, vector<2000x128xf32>,
      %broadcast_in_dim3A_76 = vector.shape_cast %add3A_73 : vector<2000x128xf32> to vector<1x2000x128xf32>
      %get3A_77 = arith.constant 0 : index
      %get3A_78 = arith.constant 0 : index
      %get3A_79 = vector.load %arg13[%get3A_77, %get3A_78] : memref<4x128xf32, #tpu.memory_space<vmem>>, vector<4x128xf32>
      %broadcast_in_dim3A_80 = vector.shape_cast %get3A_79 : vector<4x128xf32> to vector<4x1x128xf32>
      %add3A_81 = vector.broadcast %broadcast_in_dim3A_76 : vector<1x2000x128xf32> to vector<4x2000x128xf32>
      %add3A_82 = vector.broadcast %broadcast_in_dim3A_80 : vector<4x1x128xf32> to vector<4x2000x128xf32>
      %add3A_83 = arith.addf %add3A_81, %add3A_82 : vector<4x2000x128xf32>
      %max3A_84 = arith.constant 0.000000e+00 : f32
      %max3A_85 = vector.broadcast %max3A_84 : f32 to vector<4x2000x128xf32>
      %max3A_86 = arith.maximumf %add3A_83, %max3A_85 : vector<4x2000x128xf32>
      %swap3A_87 = arith.constant 0 : index
      %swap3A_88 = arith.constant 0 : index
      %swap3A_89 = arith.constant 0 : index
      %swap3A_90 = vector.load %arg15[%swap3A_87, %swap3A_88, %swap3A_89] : memref<4x2000x128xf32, #tpu.memory_space<vmem>>, vector<4x2000x128xf32>
      tpu.vector_store %arg15[%swap3A_87, %swap3A_88, %swap3A_89], %max3A_86 {strides = array<i32>} : memref<4x2000x128xf32, #tpu.memory_space<vmem>>, vector<4x2000x128xf32>,
    } else {
    }
    return
  }
  func.func @transform_0(%arg0: i32, %arg1: i32) -> i32 {
    %c0_i32 = arith.constant 0 : i32
    %c0_i32_0 = arith.constant 0 : i32
    return %c0_i32 : i32
  }
  func.func @transform_1(%arg0: i32, %arg1: i32) -> (i32, i32) {
    %eq3A = arith.constant 0 : i32
    %eq3A_0 = arith.cmpi eq, %arg0, %eq3A : i32
    %jit3A = arith.constant 0 : i32
    %select_n3A = arith.select %eq3A_0, %arg1, %jit3A : i32
    %c0_i32 = arith.constant 0 : i32
    %c0_i32_1 = arith.constant 0 : i32
    return %select_n3A, %c0_i32 : i32, i32
  }
  func.func @transform_2(%arg0: i32, %arg1: i32) -> (i32, i32, i32) {
    %eq3A = arith.constant 0 : i32
    %eq3A_0 = arith.cmpi eq, %arg0, %eq3A : i32
    %jit3A = arith.constant 0 : i32
    %select_n3A = arith.select %eq3A_0, %arg1, %jit3A : i32
    %c0_i32 = arith.constant 0 : i32
    %c0_i32_1 = arith.constant 0 : i32
    %c0_i32_2 = arith.constant 0 : i32
    return %c0_i32, %select_n3A, %c0_i32_1 : i32, i32, i32
  }
  func.func @transform_3(%arg0: i32, %arg1: i32) -> (i32, i32) {
    %c0_i32 = arith.constant 0 : i32
    %c0_i32_0 = arith.constant 0 : i32
    %c0_i32_1 = arith.constant 0 : i32
    return %c0_i32, %c0_i32_0 : i32, i32
  }
  func.func @transform_4(%arg0: i32, %arg1: i32) -> i32 {
    %c0_i32 = arith.constant 0 : i32
    %c0_i32_0 = arith.constant 0 : i32
    return %c0_i32 : i32
  }
  func.func @transform_5(%arg0: i32, %arg1: i32) -> (i32, i32) {
    %c0_i32 = arith.constant 0 : i32
    %c0_i32_0 = arith.constant 0 : i32
    %c0_i32_1 = arith.constant 0 : i32
    return %c0_i32, %c0_i32_0 : i32, i32
  }
  func.func @transform_6(%arg0: i32, %arg1: i32) -> i32 {
    %c0_i32 = arith.constant 0 : i32
    %c0_i32_0 = arith.constant 0 : i32
    return %c0_i32 : i32
  }
  func.func @transform_7(%arg0: i32, %arg1: i32) -> i32 {
    %c0_i32 = arith.constant 0 : i32
    %c0_i32_0 = arith.constant 0 : i32
    return %c0_i32 : i32
  }
  func.func @transform_8(%arg0: i32, %arg1: i32) -> i32 {
    %c0_i32 = arith.constant 0 : i32
    %c0_i32_0 = arith.constant 0 : i32
    return %c0_i32 : i32
  }
  func.func @transform_9(%arg0: i32, %arg1: i32) -> i32 {
    %c0_i32 = arith.constant 0 : i32
    %c0_i32_0 = arith.constant 0 : i32
    return %c0_i32 : i32
  }
  func.func @transform_10(%arg0: i32, %arg1: i32) -> i32 {
    %c0_i32 = arith.constant 0 : i32
    %c0_i32_0 = arith.constant 0 : i32
    return %c0_i32 : i32
  }
  func.func @transform_11(%arg0: i32, %arg1: i32) -> (i32, i32) {
    %c0_i32 = arith.constant 0 : i32
    %c0_i32_0 = arith.constant 0 : i32
    %c0_i32_1 = arith.constant 0 : i32
    return %c0_i32, %c0_i32_0 : i32, i32
  }
  func.func @transform_12(%arg0: i32, %arg1: i32) -> (i32, i32) {
    %eq3A = arith.constant 1 : i32
    %eq3A_0 = arith.cmpi eq, %arg0, %eq3A : i32
    %jit3A = arith.constant 0 : i32
    %select_n3A = arith.select %eq3A_0, %arg1, %jit3A : i32
    %c0_i32 = arith.constant 0 : i32
    %c0_i32_1 = arith.constant 0 : i32
    return %select_n3A, %c0_i32 : i32, i32
  }
  func.func @transform_13(%arg0: i32, %arg1: i32) -> (i32, i32, i32) {
    %eq3A = arith.constant 1 : i32
    %eq3A_0 = arith.cmpi eq, %arg0, %eq3A : i32
    %jit3A = arith.constant 0 : i32
    %select_n3A = arith.select %eq3A_0, %arg1, %jit3A : i32
    %c0_i32 = arith.constant 0 : i32
    %c0_i32_1 = arith.constant 0 : i32
    %c0_i32_2 = arith.constant 0 : i32
    return %c0_i32, %select_n3A, %c0_i32_1 : i32, i32, i32
  }
}

module attributes {stable_mosaic.version = 14 : i64} {
  func.func @_layer_body(%arg0: i32, %arg1: i32, %arg2: memref<1xf32, #tpu.memory_space<smem>>, %arg3: memref<2000x128xf32, #tpu.memory_space<vmem>>, %arg4: memref<2x2000x128xf32, #tpu.memory_space<vmem>>, %arg5: memref<128x256xf32, #tpu.memory_space<vmem>>, %arg6: memref<256xf32, #tpu.memory_space<vmem>>, %arg7: memref<256x128xf32, #tpu.memory_space<vmem>>, %arg8: memref<128xf32, #tpu.memory_space<vmem>>, %arg9: memref<128xf32, #tpu.memory_space<vmem>>, %arg10: memref<128xf32, #tpu.memory_space<vmem>>, %arg11: memref<128xf32, #tpu.memory_space<vmem>>, %arg12: memref<128xf32, #tpu.memory_space<vmem>>, %arg13: memref<2000x128xf32, #tpu.memory_space<vmem>>, %arg14: memref<5x2000x128xf32, #tpu.memory_space<vmem>>, %arg15: memref<5x2000x128xf32, #tpu.memory_space<vmem>>, %arg16: memref<1x128xf32, #tpu.memory_space<vmem>>, %arg17: memref<1x128xf32, #tpu.memory_space<vmem>>) attributes {dimension_semantics = [#tpu.dimension_semantics<arbitrary>, #tpu.dimension_semantics<arbitrary>], iteration_bounds = array<i64: 2, 5>, scalar_prefetch = 0 : i64, scratch_operands = 4 : i64, tpu.core_type = #tpu.core_type<tc>, window_params = [{transform_indices = @transform_0, window_bounds = array<i64: 1>}, {transform_indices = @transform_1, window_bounds = array<i64: 2000, 128>}, {transform_indices = @transform_2, window_bounds = array<i64: 2, 2000, 128>}, {pipeline_mode = #tpu.pipeline_mode<synchronous>, transform_indices = @transform_3, window_bounds = array<i64: 128, 256>}, {pipeline_mode = #tpu.pipeline_mode<synchronous>, transform_indices = @transform_4, window_bounds = array<i64: 256>}, {pipeline_mode = #tpu.pipeline_mode<synchronous>, transform_indices = @transform_5, window_bounds = array<i64: 256, 128>}, {pipeline_mode = #tpu.pipeline_mode<synchronous>, transform_indices = @transform_6, window_bounds = array<i64: 128>}, {pipeline_mode = #tpu.pipeline_mode<synchronous>, transform_indices = @transform_7, window_bounds = array<i64: 128>}, {pipeline_mode = #tpu.pipeline_mode<synchronous>, transform_indices = @transform_8, window_bounds = array<i64: 128>}, {pipeline_mode = #tpu.pipeline_mode<synchronous>, transform_indices = @transform_9, window_bounds = array<i64: 128>}, {pipeline_mode = #tpu.pipeline_mode<synchronous>, transform_indices = @transform_10, window_bounds = array<i64: 128>}, {transform_indices = @transform_11, window_bounds = array<i64: 2000, 128>}]} {
    %eq3A = arith.constant 0 : i32
    %eq3A_0 = arith.cmpi eq, %arg0, %eq3A : i32
    %convert_element_type3A = arith.extui %eq3A_0 : i1 to i32
    %cond3A = arith.constant 0 : i32
    %cond3A_1 = arith.cmpi ne, %convert_element_type3A, %cond3A : i32
    scf.if %cond3A_1 {
      %get3A = arith.constant 0 : index
      %get3A_7 = arith.constant 0 : index
      %get3A_8 = vector.load %arg3[%get3A, %get3A_7] : memref<2000x128xf32, #tpu.memory_space<vmem>>, vector<2000x128xf32>
      %swap3A = arith.index_cast %arg1 : i32 to index
      %swap3A_9 = arith.constant 0 : index
      %swap3A_10 = arith.constant 0 : index
      %swap3A_11 = vector.load %arg15[%swap3A, %swap3A_9, %swap3A_10] : memref<5x2000x128xf32, #tpu.memory_space<vmem>>, vector<1x2000x128xf32>
      %swap3A_12 = vector.shape_cast %swap3A_11 : vector<1x2000x128xf32> to vector<2000x128xf32>
      %swap3A_13 = vector.shape_cast %get3A_8 : vector<2000x128xf32> to vector<1x2000x128xf32>
      tpu.vector_store %arg15[%swap3A, %swap3A_9, %swap3A_10], %swap3A_13 {strides = array<i32>} : memref<5x2000x128xf32, #tpu.memory_space<vmem>>, vector<1x2000x128xf32>,
      %get3A_14 = arith.constant 0 : index
      %get3A_15 = memref.load %arg2[%get3A_14] : memref<1xf32, #tpu.memory_space<smem>>
      %add3A = arith.constant 1.000000e+00 : f32
      %add3A_16 = arith.addf %add3A, %get3A_15 : f32
      %mul3A = vector.broadcast %add3A_16 : f32 to vector<2000x128xf32>
      %mul3A_17 = arith.mulf %mul3A, %get3A_8 : vector<2000x128xf32>
      %get3A_18 = arith.constant 0 : index
      %get3A_19 = arith.constant 0 : index
      %get3A_20 = arith.constant 0 : index
      %get3A_21 = vector.load %arg4[%get3A_18, %get3A_19, %get3A_20] : memref<2x2000x128xf32, #tpu.memory_space<vmem>>, vector<1x2000x128xf32>
      %get3A_22 = vector.shape_cast %get3A_21 : vector<1x2000x128xf32> to vector<2000x128xf32>
      %add3A_23 = arith.addf %mul3A_17, %get3A_22 : vector<2000x128xf32>
      %get3A_24 = arith.constant 1 : index
      %get3A_25 = arith.constant 0 : index
      %get3A_26 = arith.constant 0 : index
      %get3A_27 = vector.load %arg4[%get3A_24, %get3A_25, %get3A_26] : memref<2x2000x128xf32, #tpu.memory_space<vmem>>, vector<1x2000x128xf32>
      %get3A_28 = vector.shape_cast %get3A_27 : vector<1x2000x128xf32> to vector<2000x128xf32>
      %add3A_29 = arith.addf %add3A_23, %get3A_28 : vector<2000x128xf32>
      %convert_element_type3A_30 = arith.truncf %add3A_29 : vector<2000x128xf32> to vector<2000x128xbf16>
      %get3A_31 = arith.constant 0 : index
      %get3A_32 = arith.constant 0 : index
      %get3A_33 = vector.load %arg5[%get3A_31, %get3A_32] : memref<128x256xf32, #tpu.memory_space<vmem>>, vector<128x256xf32>
      %convert_element_type3A_34 = arith.truncf %get3A_33 : vector<128x256xf32> to vector<128x256xbf16>
      %dot_general3A = arith.constant dense<0.000000e+00> : vector<2000x256xf32>
      %dot_general3A_35 = tpu.matmul %convert_element_type3A_30, %convert_element_type3A_34, %dot_general3A {dimension_numbers = #tpu.dot_dimension_numbers<[1], [0], [0], [1], [0, 0, 1, 1], [], []>, transpose_lhs_hint = false} : vector<2000x128xbf16>, vector<128x256xbf16>, vector<2000x256xf32> -> vector<2000x256xf32>
      %get3A_36 = arith.constant 0 : index
      %get3A_37 = vector.load %arg6[%get3A_36] : memref<256xf32, #tpu.memory_space<vmem>>, vector<256xf32>
      %broadcast_in_dim3A = vector.shape_cast %get3A_37 : vector<256xf32> to vector<1x256xf32>
      %add3A_38 = vector.broadcast %broadcast_in_dim3A : vector<1x256xf32> to vector<2000x256xf32>
      %add3A_39 = arith.addf %dot_general3A_35, %add3A_38 : vector<2000x256xf32>
      %max3A = arith.constant 0.000000e+00 : f32
      %max3A_40 = vector.broadcast %max3A : f32 to vector<2000x256xf32>
      %max3A_41 = arith.maximumf %add3A_39, %max3A_40 : vector<2000x256xf32>
      %convert_element_type3A_42 = arith.truncf %max3A_41 : vector<2000x256xf32> to vector<2000x256xbf16>
      %get3A_43 = arith.constant 0 : index
      %get3A_44 = arith.constant 0 : index
      %get3A_45 = vector.load %arg7[%get3A_43, %get3A_44] : memref<256x128xf32, #tpu.memory_space<vmem>>, vector<256x128xf32>
      %convert_element_type3A_46 = arith.truncf %get3A_45 : vector<256x128xf32> to vector<256x128xbf16>
      %dot_general3A_47 = arith.constant dense<0.000000e+00> : vector<2000x128xf32>
      %dot_general3A_48 = tpu.matmul %convert_element_type3A_42, %convert_element_type3A_46, %dot_general3A_47 {dimension_numbers = #tpu.dot_dimension_numbers<[1], [0], [0], [1], [0, 0, 1, 1], [], []>, transpose_lhs_hint = false} : vector<2000x256xbf16>, vector<256x128xbf16>, vector<2000x128xf32> -> vector<2000x128xf32>
      %get3A_49 = arith.constant 0 : index
      %get3A_50 = vector.load %arg8[%get3A_49] : memref<128xf32, #tpu.memory_space<vmem>>, vector<128xf32>
      %broadcast_in_dim3A_51 = vector.shape_cast %get3A_50 : vector<128xf32> to vector<1x128xf32>
      %add3A_52 = vector.broadcast %broadcast_in_dim3A_51 : vector<1x128xf32> to vector<2000x128xf32>
      %add3A_53 = arith.addf %dot_general3A_48, %add3A_52 : vector<2000x128xf32>
      %swap3A_54 = arith.index_cast %arg1 : i32 to index
      %swap3A_55 = arith.constant 0 : index
      %swap3A_56 = arith.constant 0 : index
      %swap3A_57 = vector.load %arg14[%swap3A_54, %swap3A_55, %swap3A_56] : memref<5x2000x128xf32, #tpu.memory_space<vmem>>, vector<1x2000x128xf32>
      %swap3A_58 = vector.shape_cast %swap3A_57 : vector<1x2000x128xf32> to vector<2000x128xf32>
      %swap3A_59 = vector.shape_cast %add3A_53 : vector<2000x128xf32> to vector<1x2000x128xf32>
      tpu.vector_store %arg14[%swap3A_54, %swap3A_55, %swap3A_56], %swap3A_59 {strides = array<i32>} : memref<5x2000x128xf32, #tpu.memory_space<vmem>>, vector<1x2000x128xf32>,
      %eq3A_60 = arith.constant 0 : i32
      %eq3A_61 = arith.cmpi eq, %arg1, %eq3A_60 : i32
      %convert_element_type3A_62 = arith.extui %eq3A_61 : i1 to i32
      %cond3A_63 = arith.constant 0 : i32
      %cond3A_64 = arith.cmpi ne, %convert_element_type3A_62, %cond3A_63 : i32
      scf.if %cond3A_64 {
        %broadcast_in_dim3A_85 = arith.constant 0.000000e+00 : f32
        %broadcast_in_dim3A_86 = vector.broadcast %broadcast_in_dim3A_85 : f32 to vector<1x128xf32>
        %swap3A_87 = arith.constant 0 : index
        %swap3A_88 = arith.constant 0 : index
        %swap3A_89 = vector.load %arg16[%swap3A_87, %swap3A_88] : memref<1x128xf32, #tpu.memory_space<vmem>>, vector<1x128xf32>
        tpu.vector_store %arg16[%swap3A_87, %swap3A_88], %broadcast_in_dim3A_86 {strides = array<i32>} : memref<1x128xf32, #tpu.memory_space<vmem>>, vector<1x128xf32>,
        %broadcast_in_dim3A_90 = arith.constant 0.000000e+00 : f32
        %broadcast_in_dim3A_91 = vector.broadcast %broadcast_in_dim3A_90 : f32 to vector<1x128xf32>
        %swap3A_92 = arith.constant 0 : index
        %swap3A_93 = arith.constant 0 : index
        %swap3A_94 = vector.load %arg17[%swap3A_92, %swap3A_93] : memref<1x128xf32, #tpu.memory_space<vmem>>, vector<1x128xf32>
        tpu.vector_store %arg17[%swap3A_92, %swap3A_93], %broadcast_in_dim3A_91 {strides = array<i32>} : memref<1x128xf32, #tpu.memory_space<vmem>>, vector<1x128xf32>,
      } else {
      }
      %get3A_65 = arith.constant 0 : index
      %get3A_66 = arith.constant 0 : index
      %get3A_67 = vector.load %arg16[%get3A_65, %get3A_66] : memref<1x128xf32, #tpu.memory_space<vmem>>, vector<1x128xf32>
      %reduce_sum3A = arith.constant dense<0.000000e+00> : vector<128xf32>
      %reduce_sum3A_68 = vector.multi_reduction <add>, %add3A_53, %reduce_sum3A [0] : vector<2000x128xf32> to vector<128xf32>
      %broadcast_in_dim3A_69 = vector.shape_cast %reduce_sum3A_68 : vector<128xf32> to vector<1x128xf32>
      %add3A_70 = arith.addf %get3A_67, %broadcast_in_dim3A_69 : vector<1x128xf32>
      %swap3A_71 = arith.constant 0 : index
      %swap3A_72 = arith.constant 0 : index
      %swap3A_73 = vector.load %arg16[%swap3A_71, %swap3A_72] : memref<1x128xf32, #tpu.memory_space<vmem>>, vector<1x128xf32>
      tpu.vector_store %arg16[%swap3A_71, %swap3A_72], %add3A_70 {strides = array<i32>} : memref<1x128xf32, #tpu.memory_space<vmem>>, vector<1x128xf32>,
      %get3A_74 = arith.constant 0 : index
      %get3A_75 = arith.constant 0 : index
      %get3A_76 = vector.load %arg17[%get3A_74, %get3A_75] : memref<1x128xf32, #tpu.memory_space<vmem>>, vector<1x128xf32>
      %mul3A_77 = arith.mulf %add3A_53, %add3A_53 : vector<2000x128xf32>
      %reduce_sum3A_78 = arith.constant dense<0.000000e+00> : vector<128xf32>
      %reduce_sum3A_79 = vector.multi_reduction <add>, %mul3A_77, %reduce_sum3A_78 [0] : vector<2000x128xf32> to vector<128xf32>
      %broadcast_in_dim3A_80 = vector.shape_cast %reduce_sum3A_79 : vector<128xf32> to vector<1x128xf32>
      %add3A_81 = arith.addf %get3A_76, %broadcast_in_dim3A_80 : vector<1x128xf32>
      %swap3A_82 = arith.constant 0 : index
      %swap3A_83 = arith.constant 0 : index
      %swap3A_84 = vector.load %arg17[%swap3A_82, %swap3A_83] : memref<1x128xf32, #tpu.memory_space<vmem>>, vector<1x128xf32>
      tpu.vector_store %arg17[%swap3A_82, %swap3A_83], %add3A_81 {strides = array<i32>} : memref<1x128xf32, #tpu.memory_space<vmem>>, vector<1x128xf32>,
    } else {
    }
    %eq3A_2 = arith.constant 1 : i32
    %eq3A_3 = arith.cmpi eq, %arg0, %eq3A_2 : i32
    %convert_element_type3A_4 = arith.extui %eq3A_3 : i1 to i32
    %cond3A_5 = arith.constant 0 : i32
    %cond3A_6 = arith.cmpi ne, %convert_element_type3A_4, %cond3A_5 : i32
    scf.if %cond3A_6 {
      %get3A = arith.index_cast %arg1 : i32 to index
      %get3A_7 = arith.constant 0 : index
      %get3A_8 = arith.constant 0 : index
      %get3A_9 = vector.load %arg14[%get3A, %get3A_7, %get3A_8] : memref<5x2000x128xf32, #tpu.memory_space<vmem>>, vector<1x2000x128xf32>
      %get3A_10 = vector.shape_cast %get3A_9 : vector<1x2000x128xf32> to vector<2000x128xf32>
      %get3A_11 = arith.constant 0 : index
      %get3A_12 = arith.constant 0 : index
      %get3A_13 = vector.load %arg16[%get3A_11, %get3A_12] : memref<1x128xf32, #tpu.memory_space<vmem>>, vector<1x128xf32>
      %mul3A = arith.constant 9.99999974E-5 : f32
      %mul3A_14 = vector.broadcast %mul3A : f32 to vector<1x128xf32>
      %mul3A_15 = arith.mulf %get3A_13, %mul3A_14 : vector<1x128xf32>
      %get3A_16 = arith.constant 0 : index
      %get3A_17 = arith.constant 0 : index
      %get3A_18 = vector.load %arg17[%get3A_16, %get3A_17] : memref<1x128xf32, #tpu.memory_space<vmem>>, vector<1x128xf32>
      %mul3A_19 = arith.constant 9.99999974E-5 : f32
      %mul3A_20 = vector.broadcast %mul3A_19 : f32 to vector<1x128xf32>
      %mul3A_21 = arith.mulf %get3A_18, %mul3A_20 : vector<1x128xf32>
      %mul3A_22 = arith.mulf %mul3A_15, %mul3A_15 : vector<1x128xf32>
      %sub3A = arith.subf %mul3A_21, %mul3A_22 : vector<1x128xf32>
      %get3A_23 = arith.constant 0 : index
      %get3A_24 = vector.load %arg9[%get3A_23] : memref<128xf32, #tpu.memory_space<vmem>>, vector<128xf32>
      %broadcast_in_dim3A = vector.shape_cast %get3A_24 : vector<128xf32> to vector<1x128xf32>
      %add3A = arith.constant 9.99999974E-6 : f32
      %add3A_25 = vector.broadcast %add3A : f32 to vector<1x128xf32>
      %add3A_26 = arith.addf %sub3A, %add3A_25 : vector<1x128xf32>
      %rsqrt3A = math.rsqrt %add3A_26 : vector<1x128xf32>
      %mul3A_27 = arith.mulf %broadcast_in_dim3A, %rsqrt3A : vector<1x128xf32>
      %get3A_28 = arith.constant 0 : index
      %get3A_29 = vector.load %arg10[%get3A_28] : memref<128xf32, #tpu.memory_space<vmem>>, vector<128xf32>
      %broadcast_in_dim3A_30 = vector.shape_cast %get3A_29 : vector<128xf32> to vector<1x128xf32>
      %mul3A_31 = arith.mulf %mul3A_15, %mul3A_27 : vector<1x128xf32>
      %sub3A_32 = arith.subf %broadcast_in_dim3A_30, %mul3A_31 : vector<1x128xf32>
      %mul3A_33 = vector.broadcast %mul3A_27 : vector<1x128xf32> to vector<2000x128xf32>
      %mul3A_34 = arith.mulf %get3A_10, %mul3A_33 : vector<2000x128xf32>
      %add3A_35 = vector.broadcast %sub3A_32 : vector<1x128xf32> to vector<2000x128xf32>
      %add3A_36 = arith.addf %mul3A_34, %add3A_35 : vector<2000x128xf32>
      %max3A = arith.constant 0.000000e+00 : f32
      %max3A_37 = vector.broadcast %max3A : f32 to vector<2000x128xf32>
      %max3A_38 = arith.maximumf %add3A_36, %max3A_37 : vector<2000x128xf32>
      %get3A_39 = arith.index_cast %arg1 : i32 to index
      %get3A_40 = arith.constant 0 : index
      %get3A_41 = arith.constant 0 : index
      %get3A_42 = vector.load %arg15[%get3A_39, %get3A_40, %get3A_41] : memref<5x2000x128xf32, #tpu.memory_space<vmem>>, vector<1x2000x128xf32>
      %get3A_43 = vector.shape_cast %get3A_42 : vector<1x2000x128xf32> to vector<2000x128xf32>
      %add3A_44 = arith.addf %max3A_38, %get3A_43 : vector<2000x128xf32>
      %reduce_sum3A = arith.constant dense<0.000000e+00> : vector<2000xf32>
      %reduce_sum3A_45 = vector.multi_reduction <add>, %add3A_44, %reduce_sum3A [1] : vector<2000x128xf32> to vector<2000xf32>
      %broadcast_in_dim3A_46 = vector.shape_cast %reduce_sum3A_45 : vector<2000xf32> to vector<2000x1xf32>
      %div3A = arith.constant 1.280000e+02 : f32
      %div3A_47 = vector.broadcast %div3A : f32 to vector<2000x1xf32>
      %div3A_48 = arith.divf %broadcast_in_dim3A_46, %div3A_47 : vector<2000x1xf32>
      %sub3A_49 = vector.broadcast %div3A_48 : vector<2000x1xf32> to vector<2000x128xf32>
      %sub3A_50 = arith.subf %add3A_44, %sub3A_49 : vector<2000x128xf32>
      %mul3A_51 = arith.mulf %sub3A_50, %sub3A_50 : vector<2000x128xf32>
      %reduce_sum3A_52 = arith.constant dense<0.000000e+00> : vector<2000xf32>
      %reduce_sum3A_53 = vector.multi_reduction <add>, %mul3A_51, %reduce_sum3A_52 [1] : vector<2000x128xf32> to vector<2000xf32>
      %broadcast_in_dim3A_54 = vector.shape_cast %reduce_sum3A_53 : vector<2000xf32> to vector<2000x1xf32>
      %div3A_55 = arith.constant 1.280000e+02 : f32
      %div3A_56 = vector.broadcast %div3A_55 : f32 to vector<2000x1xf32>
      %div3A_57 = arith.divf %broadcast_in_dim3A_54, %div3A_56 : vector<2000x1xf32>
      %add3A_58 = arith.constant 9.99999974E-6 : f32
      %add3A_59 = vector.broadcast %add3A_58 : f32 to vector<2000x1xf32>
      %add3A_60 = arith.addf %div3A_57, %add3A_59 : vector<2000x1xf32>
      %rsqrt3A_61 = math.rsqrt %add3A_60 : vector<2000x1xf32>
      %mul3A_62 = vector.broadcast %rsqrt3A_61 : vector<2000x1xf32> to vector<2000x128xf32>
      %mul3A_63 = arith.mulf %sub3A_50, %mul3A_62 : vector<2000x128xf32>
      %get3A_64 = arith.constant 0 : index
      %get3A_65 = vector.load %arg11[%get3A_64] : memref<128xf32, #tpu.memory_space<vmem>>, vector<128xf32>
      %broadcast_in_dim3A_66 = vector.shape_cast %get3A_65 : vector<128xf32> to vector<1x128xf32>
      %mul3A_67 = vector.broadcast %broadcast_in_dim3A_66 : vector<1x128xf32> to vector<2000x128xf32>
      %mul3A_68 = arith.mulf %mul3A_63, %mul3A_67 : vector<2000x128xf32>
      %get3A_69 = arith.constant 0 : index
      %get3A_70 = vector.load %arg12[%get3A_69] : memref<128xf32, #tpu.memory_space<vmem>>, vector<128xf32>
      %broadcast_in_dim3A_71 = vector.shape_cast %get3A_70 : vector<128xf32> to vector<1x128xf32>
      %add3A_72 = vector.broadcast %broadcast_in_dim3A_71 : vector<1x128xf32> to vector<2000x128xf32>
      %add3A_73 = arith.addf %mul3A_68, %add3A_72 : vector<2000x128xf32>
      %swap3A = arith.constant 0 : index
      %swap3A_74 = arith.constant 0 : index
      %swap3A_75 = vector.load %arg13[%swap3A, %swap3A_74] : memref<2000x128xf32, #tpu.memory_space<vmem>>, vector<2000x128xf32>
      tpu.vector_store %arg13[%swap3A, %swap3A_74], %add3A_73 {strides = array<i32>} : memref<2000x128xf32, #tpu.memory_space<vmem>>, vector<2000x128xf32>,
    } else {
    }
    return
  }
  func.func @transform_0(%arg0: i32, %arg1: i32) -> i32 {
    %c0_i32 = arith.constant 0 : i32
    %c0_i32_0 = arith.constant 0 : i32
    return %c0_i32 : i32
  }
  func.func @transform_1(%arg0: i32, %arg1: i32) -> (i32, i32) {
    %eq3A = arith.constant 0 : i32
    %eq3A_0 = arith.cmpi eq, %arg0, %eq3A : i32
    %jit3A = arith.constant 0 : i32
    %select_n3A = arith.select %eq3A_0, %arg1, %jit3A : i32
    %c0_i32 = arith.constant 0 : i32
    %c0_i32_1 = arith.constant 0 : i32
    return %select_n3A, %c0_i32 : i32, i32
  }
  func.func @transform_2(%arg0: i32, %arg1: i32) -> (i32, i32, i32) {
    %eq3A = arith.constant 0 : i32
    %eq3A_0 = arith.cmpi eq, %arg0, %eq3A : i32
    %jit3A = arith.constant 0 : i32
    %select_n3A = arith.select %eq3A_0, %arg1, %jit3A : i32
    %c0_i32 = arith.constant 0 : i32
    %c0_i32_1 = arith.constant 0 : i32
    %c0_i32_2 = arith.constant 0 : i32
    return %c0_i32, %select_n3A, %c0_i32_1 : i32, i32, i32
  }
  func.func @transform_3(%arg0: i32, %arg1: i32) -> (i32, i32) {
    %c0_i32 = arith.constant 0 : i32
    %c0_i32_0 = arith.constant 0 : i32
    %c0_i32_1 = arith.constant 0 : i32
    return %c0_i32, %c0_i32_0 : i32, i32
  }
  func.func @transform_4(%arg0: i32, %arg1: i32) -> i32 {
    %c0_i32 = arith.constant 0 : i32
    %c0_i32_0 = arith.constant 0 : i32
    return %c0_i32 : i32
  }
  func.func @transform_5(%arg0: i32, %arg1: i32) -> (i32, i32) {
    %c0_i32 = arith.constant 0 : i32
    %c0_i32_0 = arith.constant 0 : i32
    %c0_i32_1 = arith.constant 0 : i32
    return %c0_i32, %c0_i32_0 : i32, i32
  }
  func.func @transform_6(%arg0: i32, %arg1: i32) -> i32 {
    %c0_i32 = arith.constant 0 : i32
    %c0_i32_0 = arith.constant 0 : i32
    return %c0_i32 : i32
  }
  func.func @transform_7(%arg0: i32, %arg1: i32) -> i32 {
    %c0_i32 = arith.constant 0 : i32
    %c0_i32_0 = arith.constant 0 : i32
    return %c0_i32 : i32
  }
  func.func @transform_8(%arg0: i32, %arg1: i32) -> i32 {
    %c0_i32 = arith.constant 0 : i32
    %c0_i32_0 = arith.constant 0 : i32
    return %c0_i32 : i32
  }
  func.func @transform_9(%arg0: i32, %arg1: i32) -> i32 {
    %c0_i32 = arith.constant 0 : i32
    %c0_i32_0 = arith.constant 0 : i32
    return %c0_i32 : i32
  }
  func.func @transform_10(%arg0: i32, %arg1: i32) -> i32 {
    %c0_i32 = arith.constant 0 : i32
    %c0_i32_0 = arith.constant 0 : i32
    return %c0_i32 : i32
  }
  func.func @transform_11(%arg0: i32, %arg1: i32) -> (i32, i32) {
    %eq3A = arith.constant 1 : i32
    %eq3A_0 = arith.cmpi eq, %arg0, %eq3A : i32
    %jit3A = arith.constant 0 : i32
    %select_n3A = arith.select %eq3A_0, %arg1, %jit3A : i32
    %c0_i32 = arith.constant 0 : i32
    %c0_i32_1 = arith.constant 0 : i32
    return %select_n3A, %c0_i32 : i32, i32
  }
}

</mosaic_0001>

<sc_bundles>
// kernel: kernel.11.cloned.1.call-start
scs
__scs_entry_jumppad:
0x0: {  	(pc) =	sbr.rel $0x88, $3  }
0x1: {  	(tag) =	ssettag $0x0;
	lr =	simm.s32 $0x1  }
0x2: {  	[smem:$0x3F88] =	sst lr;
	_ =	strace $0xD0000000  }
0x3: {  	_ = 	snop  }
0x4: {  	_ = 	snop  }
0x5: {  	_ = 	snop  }
0x6: {  	_ = 	snop  }
0x7: {  	_ = 	snop  }
__scs_overlays_trampoline_lowered:
0x8: {  	[smem:$0x3F97] =	sst s0  }
0x9: {  	[smem:$0x3F98] =	sst s1  }
0xa: {  	[smem:$0x3F99] =	sst s2  }
0xb: {  	[smem:$0x3F9A] =	sst s3  }
0xc: {  	[smem:$0x3F9B] =	sst s4  }
0xd: {  	[smem:$0x3F9C] =	sst s5  }
0xe: {  	[smem:$0x3F9D] =	sst s6  }
0xf: {  	[smem:$0x3F9E] =	sst s7  }
0x10: {  	[smem:$0x3F9F] =	sst s8  }
0x11: {  	[smem:$0x3FA0] =	sst s9;
	s0 =	simm.s32 @!p0 $0x0  }
0x12: {  	s1 =	sld [smem:$0x3F86];
	s0 =	simm.s32 @p0 $0x1  }
0x13: {  	[smem:$0x3FA1] =	sst s0;
	s0 =	simm.s32 @!p1 $0x0  }
0x14: {  	s2 =	sld [smem:$0x3F85];
	s0 =	simm.s32 @p1 $0x1  }
0x15: {  	[smem:$0x3FA2] =	sst s0;
	s0 =	simm.s32 @!p2 $0x0  }
0x16: {  	s3 =	sld [smem:$0x3FDB];
	s0 =	simm.s32 @p2 $0x1  }
0x17: {  	s4 =	simm.s32 $0x1BF5;
	[smem:$0x3FA4] =	sst s0  }
0x18: {  	s0 =	sld [smem:$0x3F87];
	_ =	swait.ge [sflag:s4], $0x0  }
0x19: {  	s7 =	sld [smem:$0x3F88]  }
0x1a: {  	s8 =	sadd.s32 $0xFFFFE003, lr  }
0x1b: {  	s9 =	sadd.s32 $0xFFFFFEF7, lr;
	s5 =	simm.s32 $0xFFFFFFFF;
	p2 =	slt.u32 s8, $0xFFFFF086  }
0x1c: {  	p1 =	slt.u32 s9, $0xF7A;
	s5 =	simm.s32 @!p2 $0x0  }
0x1d: {  	s5 =	simm.s32 @p1 $0x1;
	p0 =	seq.s32 s7, s2  }
0x1e: {  	s7 =	smul.u32 @!p0 $0xF7A, s2;
	p2 =	seq.s32 @!p0 s5, $0x0  }
0x1f: {  	s9 =	smul.u32 $0xF7A, s1;
	s8 =	simm.s32 @!p0 $0x1BF5;
	p2 =	por !p2, p0  }
0x20: {  	[sflag:s8] =	ssyncset.s32 @!p0 $0xFFFFF086;
	s6 =	sadd.s32 @!p0 s3, s7;
	s7 =	simm.s32 @!p0 $0x108  }
0x21: {  	s3 =	sadd.s32 s3, s9;
	s6 =	sadd.s32 @!p0 $0x88, s6;
	s7 =	simm.s32 @p2 $0x1082  }
0x22: {  	[simem:s7], [sflag:s8] =	dma.local @!p0 [hbm:s6], $0xF7A  }
0x23: {  	s9 =	sor.u32 $0xD0000000, s2;
	s6 =	simm.s32 $0x108;
	_ =	swait.ge @!p0 [sflag:s8], $0x0  }
0x24: {  	s3 =	sadd.s32 $0x88, s3;
	s6 =	simm.s32 @!p1 $0x1082;
	[sflag:s4] =	ssyncset.s32 $0xFFFFF086  }
0x25: {  	[simem:s6], [sflag:s4] =	dma.local [hbm:s3], $0xF7A  }
0x26: {  	[smem:$0x3F88] =	sst s1;
	(tag) =	ssettag s2;
	_ =	strace s9  }
0x27: {  	s1 =	sld [smem:$0x3F98]  }
0x28: {  	s2 =	sld [smem:$0x3F99]  }
0x29: {  	s4 =	sld [smem:$0x3F9B]  }
0x2a: {  	p0 =	seq.s32 s5, $0x0;
	s5 =	sld [smem:$0x3F9C]  }
0x2b: {  	s6 =	sld [smem:$0x3F9D]  }
0x2c: {  	s7 =	sld [smem:$0x3F9E]  }
0x2d: {  	s3 =	simm.s32 $0x108;
	s8 =	sld [smem:$0x3F9F]  }
0x2e: {  	s3 =	simm.s32 @!p0 $0x1082;
	s9 =	sld [smem:$0x3FA0]  }
0x2f: {  	lr =	sadd.s32 s0, s3;
	s0 =	sld [smem:$0x3F97]  }
0x30: {  	s3 =	sld [smem:$0x3F9A]  }
0x31: {  	[smem:$0x3FA3] =	sst s10  }
0x32: {  	s10 =	sld [smem:$0x3FA1];
	_ =	sdelay $0x3  }
0x33: {  	p0 =	seq.s32 s10, $0x1;
	s10 =	sld [smem:$0x3FA3];
	_ =	sdelay $0x3  }
0x34: {  	[smem:$0x3FA3] =	sst s10  }
0x35: {  	s10 =	sld [smem:$0x3FA2];
	_ =	sdelay $0x3  }
0x36: {  	p1 =	seq.s32 s10, $0x1;
	s10 =	sld [smem:$0x3FA3];
	_ =	sdelay $0x3  }
0x37: {  	[smem:$0x3FA3] =	sst s10  }
0x38: {  	s10 =	sld [smem:$0x3FA4]  }
0x39: {  	_ = 	snop;
	(pc) =	sbr.ind lr, $3  }
0x3a: {  	_ = 	snop  }
0x3b: {  	_ = 	snop  }
0x3c: {  	p2 =	seq.s32 s10, $0x1;
	s10 =	sld [smem:$0x3FA3]  }
0x3d: {  	_ =	shalt  }
0x3e: {  	_ =	shalt  }
0x3f: {  	_ =	shalt  }
0x40: {  	_ =	shalt  }
0x41: {  	_ =	shalt  }
0x42: {  	_ =	shalt  }
0x43: {  	_ =	shalt  }
0x44: {  	_ =	shalt  }
0x45: {  	_ =	shalt  }
0x46: {  	_ =	shalt  }
0x47: {  	_ =	shalt  }
0x48: {  	_ =	shalt  }
0x49: {  	_ =	shalt  }
0x4a: {  	_ =	shalt  }
0x4b: {  	_ =	shalt  }
0x4c: {  	_ =	shalt  }
0x4d: {  	_ =	shalt  }
0x4e: {  	_ =	shalt  }
0x4f: {  	_ =	shalt  }
0x50: {  	_ =	shalt  }
0x51: {  	_ =	shalt  }
0x52: {  	_ =	shalt  }
0x53: {  	_ =	shalt  }
0x54: {  	_ =	shalt  }
0x55: {  	_ =	shalt  }
0x56: {  	_ =	shalt  }
0x57: {  	_ =	shalt  }
0x58: {  	_ =	shalt  }
0x59: {  	_ =	shalt  }
0x5a: {  	_ =	shalt  }
0x5b: {  	_ =	shalt  }
0x5c: {  	_ =	shalt  }
0x5d: {  	_ =	shalt  }
0x5e: {  	_ =	shalt  }
0x5f: {  	_ =	shalt  }
0x60: {  	_ =	shalt  }
0x61: {  	_ =	shalt  }
0x62: {  	_ =	shalt  }
0x63: {  	_ =	shalt  }
0x64: {  	_ =	shalt  }
0x65: {  	_ =	shalt  }
0x66: {  	_ =	shalt  }
0x67: {  	_ =	shalt  }
0x68: {  	_ =	shalt  }
0x69: {  	_ =	shalt  }
0x6a: {  	_ =	shalt  }
0x6b: {  	_ =	shalt  }
0x6c: {  	_ =	shalt  }
0x6d: {  	_ =	shalt  }
0x6e: {  	_ =	shalt  }
0x6f: {  	_ =	shalt  }
0x70: {  	_ =	shalt  }
0x71: {  	_ =	shalt  }
0x72: {  	_ =	shalt  }
0x73: {  	_ =	shalt  }
0x74: {  	_ =	shalt  }
0x75: {  	_ =	shalt  }
0x76: {  	_ =	shalt  }
0x77: {  	_ =	shalt  }
0x78: {  	_ =	shalt  }
0x79: {  	_ =	shalt  }
0x7a: {  	_ =	shalt  }
0x7b: {  	_ =	shalt  }
0x7c: {  	_ =	shalt  }
0x7d: {  	_ =	shalt  }
0x7e: {  	_ =	shalt  }
0x7f: {  	_ =	shalt  }
0x80: {  	_ =	shalt  }
0x81: {  	_ =	shalt  }
0x82: {  	_ =	shalt  }
0x83: {  	_ =	shalt  }
0x84: {  	_ =	shalt  }
0x85: {  	_ =	shalt  }
0x86: {  	_ =	shalt  }
0x87: {  	_ =	shalt  }
.Lfunc_end0:
.L_simem_size_0:
called_computation.1_lowered:
.L_overlay_start_0:
0x88: {  	s2 =	sld [smem:$0x3FD9]  }
0x89: {  	s3 =	sld [smem:$0x3FFE];
	_ =	sdelay $0x1  }
0x8a: {  	s1 =	srdreg.scid  }
0x8b: {  	s0 =	sand.u32 $0x1, s1  }
0x8c: {  	s16 =	sshll.u32 s0, $0xA;
	s2 =	sadd.s32 s3, s2  }
0x8d: {  	s2 =	sadd.s32 s2, s16  }
0x8e: {  	[smem:$0x3FAF] =	sst s2  }
0x8f: {  	_ = 	snop  }
0x90: {  	(tm) =	ssettm $0x1  }
0x91: {  	s17 =	sld [smem:$0x3FFB];
	_ =	sdelay $0x3  }
0x92: {  	_ =	strace s17  }
0x93: {  	s2 =	sld [smem:$0x3FFC];
	_ =	sdelay $0x3  }
0x94: {  	_ =	strace s2  }
0x95: {  	s2 =	sld [smem:$0x3FFD];
	_ =	sdelay $0x3  }
0x96: {  	_ =	strace s2  }
0x97: {  	_ =	strace $0x8FFFFFFF  }
0x98: {  	s18 =	sld [smem:$0x3FDB];
	_ =	sdelay $0x1  }
0x99: {  	s19 =	simm.s32 $_scs_section_size  }
0x9a: {  	s4 =	simm.s32 $_size__tile_overlayer_lowered;
	s5 =	simm.s32 $_tile_overlayer_lowered  }
0x9b: {  	s22 =	simm.s32 $0x1BFF;
	s21 =	sshll.u32 s5, $0x1;
	s2 =	sadd.s32 s19, s18  }
0x9c: {  	s6 =	simm.s32 $0x0;
	s20 =	sshll.u32 s4, $0x1;
	s4 =	sadd.s32 s21, s2  }
0x9d: {  	[timem:s6], [sflag:s22] =	dma.local [hbm:s4], s20  }
0x9e: {  	_ =	swait.ge [sflag:s22], s20  }
0x9f: {  	s3 =	ssub.s32 $0x0, s20;
	[sflag:s22] =	ssyncset.done $0x0  }
0xa0: {  	[sflag:s22] =	ssyncadd.s32 s3;
	_ =	sdelay $0x1  }
0xa1: {  	s23 =	simm.s32 $0x1B8B  }
0xa2: {  	_ =	swait.ge [sflag:s23], $0x1  }
0xa3: {  	[sflag:s23] =	ssyncset.done $0x0  }
0xa4: {  	s25 =	simm.s32 $0x1B8E;
	s24 =	sld [smem:$0x3FFE];
	[sflag:s23] =	ssyncadd.s32 $0xFFFFFFFF  }
0xa5: {  	s26 =	simm.s32 $execute0_lowered;
	[smem:$0x3FD2] =	sst s25  }
0xa6: {  	s4 =	sshll.u32 s26, $0x1;
	_ =	strace $0x80000049;
	[dreg:$0x1] =	wrdreg $0xFFFFFFFF  }
0xa7: {  	s28 =	simm.s32 $_size_execute0_lowered;
	s2 =	sadd.s32 s2, s4;
	[dreg:$0x0] =	wrdreg $0x0  }
0xa8: {  	s4 =	sshll.u32 s28, $0x1;
	[dreg:$0x2] =	wrdreg s2  }
0xa9: {  	[dreg:$0x3] =	wrdreg s4  }
0xaa: {  	[dreg:$0x4] =	wrdreg $0xC0  }
0xab: {  	_ =	task [dreg:s6], $0x5FFFF  }
0xac: {  	[dreg:$0x1] =	wrdreg $0xFFFFFFFF  }
0xad: {  	[dreg:$0x0] =	wrdreg $0x60  }
0xae: {  	[dreg:$0x2] =	wrdreg s24  }
0xaf: {  	[dreg:$0x3] =	wrdreg $0xA4000  }
0xb0: {  	[dreg:$0x4] =	wrdreg $0x9  }
0xb1: {  	_ =	task.clear_ibuf [dreg:s6], $0x5FFFF;
	_ =	strace $0x90000049  }
0xb2: {  	s29 =	simm.s32 $0x9;
	_ =	strace $0x8000004B  }
0xb3: {  	_ =	swait.ge [sflag:s29], $0x1  }
0xb4: {  	[sflag:s29] =	ssyncadd.s32 $0xFFFFFFFF  }
0xb5: {  	_ =	strace $0x9000004B  }
0xb6: {  	_ =	sfence  }
0xb7: {  	s30 =	sld [smem:$0x0];
	_ =	sdelay $0x2  }
0xb8: {  	s31 =	sshll.u32 s1, $0xD;
	s1 =	sshrl.u32 s1, $0x2  }
0xb9: {  	s3 =	sand.u32 $0x4000, s31;
	s1 =	sadd.s32 s1, s30  }
0xba: {  	s0 =	sor.u32 s3, s0;
	s1 =	sshll.u32 s1, $0x11  }
0xbb: {  	s0 =	sor.u32 s1, s0  }
0xbc: {  	s0 =	sadd.s32 $0x8F2B, s0  }
0xbd: {  	[sflag:s0] =	ssyncadd.remote.s32 $0x1  }
0xbe: {  	_ =	sfence.sel $0xFFFF  }
0xbf: {  	[dreg:$0x0] =	wrdreg $0xFFFFFFFF;
	(pc) =	sbr.abs _section_cstart, $3  }
0xc0: {  	[dreg:$0x1] =	wrdreg $0xFFFFFFFF  }
0xc1: {  	_ =	task.clear_ibuf [dreg:s6], $0x2FFFF;
	_ =	strace $0x9FFFFFFF  }
0xc2: {  	(tm) =	ssettm $0x7FFFFFFF  }
0xc3: {  	_ =	shalt  }
tec
execute0_lowered:
.L_overlay_start_1:
0x0: {  	(tag) =	ssettag $0x1  }
0x1: {  	s0 =	rddreg [dreg:$0x0]  }
0x2: {  	s1 =	rddreg [dreg:$0x1];
	s2 =	srdreg.scid  }
0x3: {  	s3 =	simm.s32 $0x0;
	s9 =	stileid.u32;
	s28 =	simm.s32 $0x200  }
0x4: {  	s31 =	simm.s32 $0x100;
	s29 =	simm.s32 $0xB;
	s7 =	smul.u32 $0x13C00, s9  }
0x5: {  	s2 =	sand.u32 $0x1, s2;
	[smem:$0x7FF] =	sst s3;
	s30 =	smul.u32 $0x4F000, s9  }
0x6: {  	s4 =	sadd.s32 $0x17200, s0;
	s5 =	sadd.s32 $0xD400, s0;
	s8 =	sshll.u32 s2, $0x4  }
0x7: {  	s6 =	smul.u32 $0x13C000, s2;
	s24 =	sor.u32 s9, s8;
	s8 =	sshrl.u32 s30, $0x2  }
0x8: {  	_ =	strace $0x8000004A;
	s2 =	ssub.s32 $0x2, s2;
	s23 =	sadd.s32 s8, s1  }
0x9: {  	s25 =	sshrl.u32 s2, $0x1;
	s16 =	sadd.s32 $0x2800, s23;
	[dreg:$0x9] =	wrdreg s23  }
0xa: {  	s6 =	sadd.s32 s7, s6;
	s17 =	sadd.s32 $0x5000, s23;
	[dreg:$0xb] =	wrdreg s16  }
0xb: {  	s10 =	smul.u32 $0x2710, s24;
	s18 =	sadd.s32 $0x7800, s23;
	[dreg:$0xc] =	wrdreg s17  }
0xc: {  	s7 =	sadd.s32 $0x3600, s0;
	s19 =	sadd.s32 $0xA000, s23;
	[dreg:$0xd] =	wrdreg s18  }
0xd: {  	s2 =	ssub.s32 s2, s25;
	s20 =	sadd.s32 $0xC800, s23;
	[dreg:$0xe] =	wrdreg s19  }
0xe: {  	s8 =	simm.s32 $0x8;
	s21 =	sadd.s32 $0xF000, s23;
	[dreg:$0xf] =	wrdreg s20  }
0xf: {  	s6 =	sshrl.u32 s6, $0x3;
	s22 =	sadd.s32 $0x11800, s23;
	[dreg:$0x10] =	wrdreg s21  }
0x10: {  	s0 =	sadd.s32 s6, s0;
	s26 =	sshrl.u32 s10, $0x3;
	[dreg:$0x11] =	wrdreg s22  }
0x11: {  	s24 =	sadd.s32 $0x140, s10;
	s25 =	sadd.s32 $0x190, s10;
	[dreg:$0x3] =	wrdreg s10  }
0x12: {  	s30 =	sadd.s32 $0x1E0, s10;
	s10 =	simm.s32 $0x50;
	s16 =	simm.s32 $0x380  }
0x13: {  	s17 =	simm.s32 $0x3;
	s18 =	simm.s32 $0x5400;
	s19 =	simm.s32 $0x6  }
0x14: {  	s20 =	simm.s32 $0x9;
	s21 =	simm.s32 $0x4;
	[dreg:$0x12] =	wrdreg s24  }
0x15: {  	s22 =	simm.s32 $0x0;
	s12 =	sadd.s32 s5, s26;
	[dreg:$0x13] =	wrdreg s25  }
0x16: {  	s13 =	sadd.s32 s7, s26;
	s14 =	sadd.s32 $0xA, s26;
	[dreg:$0x16] =	wrdreg s30  }
0x17: {  	s6 =	sadd.s32 $0x14, s26;
	s0 =	sadd.s32 $0xB3600, s0;
	[dreg:$0x4] =	wrdreg s12  }
0x18: {  	s26 =	smax.u32 s2, $0x1;
	s2 =	simm.s32 $0x400;
	[dreg:$0x5] =	wrdreg s13  }
0x19: {  	s24 =	simm.s32 $0x7C00;
	s25 =	simm.s32 $0x7;
	[dreg:$0x14] =	wrdreg s0  }
0x1a: {  	s11 =	sadd.s32 s5, s14;
	s9 =	sadd.s32 s7, s14;
	[dreg:$0x15] =	wrdreg s26  }
.Ltmp0:
0x1b: {  	s15 =	sadd.s32 s5, s6;
	[dreg:$0x6] =	wrdreg s11;
	(pc) =	sbr.rel .LBB2_1-.Ltmp0, $4  }
0x1c: {  	s6 =	sadd.s32 s7, s6;
	s0 =	simm.s32 $0x300;
	[dreg:$0x7] =	wrdreg s9  }
0x1d: {  	s26 =	simm.s32 $0xD;
	s12 =	simm.s32 $0x2C00;
	[dreg:$0x8] =	wrdreg s15  }
0x1e: {  	s14 =	simm.s32 $0x5;
	s13 =	simm.s32 $0xA;
	[dreg:$0xa] =	wrdreg s6  }
0x1f: {  	v0 =	vimm.f32 $0.0e+00;
	s9 =	simm.s32 $0x1;
	s11 =	simm.s32 $0x2;
	s15 =	simm.s32 $0x180  }
.LBB2_6:
0x20: {  	_ =	swait.ge [sflag:s14], $0x2800  }
0x21: {  	[sflag:s14] =	ssyncset.done $0x0  }
0x22: {  	s28 =	simm.s32 $0x200;
	s0 =	simm.s32 $0xC;
	[sflag:s14] =	ssyncadd.s32 $0xFFFFD800  }
0x23: {  	[spmem:s1] =	stream.indirect.scatter.add.f32 [tilespmem:s2], [sflag:$0x9], $0x80, s28, s10, $0xb8;
	[tilespmem:$0x1E000] =	vst v63  }
0x24: {  	_ =	swait.ge [sflag:s0], $0x2800  }
0x25: {  	[sflag:s0] =	ssyncset.done $0x0  }
0x26: {  	[sflag:s0] =	ssyncadd.s32 $0xFFFFD800  }
0x27: {  	_ =	swait.ge [sflag:s20], $0x2800  }
0x28: {  	[sflag:s20] =	ssyncset.done $0x0  }
0x29: {  	[sflag:s20] =	ssyncadd.s32 $0xFFFFD800  }
0x2a: {  	s6 =	stileid.u32;
	[bflag:$0x0] =	sbarrier.arrive $0xFFFF  }
0x2b: {  	s6 =	sshll.u32 s6, $0x6;
	s23 =	rddreg [dreg:$0x9]  }
0x2c: {  	s6 =	sor.u32 $0x1C0D, s6;
	s26 =	rddreg [dreg:$0x14];
	s22 =	sshrl.u32 s23, $0x3  }
0x2d: {  	[hbm:s26], [sflag:s6] =	dma.local [spmem:s22], $0x2780  }
0x2e: {  	s26 =	simm.s32 $0xD  }
0x2f: {  	_ =	swait.ge [sflag:s26], $0x2780  }
0x30: {  	s6 =	rddreg [dreg:$0x17]  }
0x31: {  	s30 =	rddreg [dreg:$0x15];
	s22 =	sadd.s32 $0x1, s6  }
0x32: {  	p0 =	sne.s32 s22, s30  }
.Ltmp1:
0x33: {  	_ = 	snop;
	(pc) =	sbr.rel @!p0 .LBB2_7-.Ltmp1, $3  }
0x34: {  	_ =	sdelay $0x1  }
0x35: {  	[sflag:s26] =	ssyncset.done $0x0  }
0x36: {  	s31 =	simm.s32 $0x100;
	s0 =	simm.s32 $0x300;
	[sflag:s26] =	ssyncadd.s32 $0xFFFFD880  }
.LBB2_1:
0x37: {  	[dreg:$0x17] =	wrdreg s22  }
0x38: {  	s6 =	rddreg [dreg:$0x4]  }
0x39: {  	[tilespmem:s3], [sflag:$0x1] =	stream.linear.gather [hbm4b:s6+s3], $0x50, $0x38;
	[tilespmem:$0x1E000] =	vst v63  }
0x3a: {  	s22 =	rddreg [dreg:$0x5]  }
0x3b: {  	[tilespmem:s28], [sflag:$0x1] =	stream.linear.gather [hbm4b:s22+s3], $0x50, $0x38;
	[tilespmem:$0x1E000] =	vst v63  }
0x3c: {  	s6 =	rddreg [dreg:$0x6];
	s22 =	simm.s32 $0x80  }
0x3d: {  	[tilespmem:s22], [sflag:$0x2] =	stream.linear.gather [hbm4b:s6+s3], $0x50, $0x38;
	[tilespmem:$0x1E000] =	vst v63  }
0x3e: {  	s6 =	rddreg [dreg:$0x7];
	s22 =	simm.s32 $0x280  }
0x3f: {  	[tilespmem:s22], [sflag:$0x2] =	stream.linear.gather [hbm4b:s6+s3], $0x50, $0x38;
	[tilespmem:$0x1E000] =	vst v63  }
0x40: {  	s22 =	rddreg [dreg:$0x8]  }
0x41: {  	[tilespmem:s31], [sflag:$0x3] =	stream.linear.gather [hbm4b:s22+s3], $0x50, $0x38;
	[tilespmem:$0x1E000] =	vst v63  }
0x42: {  	s30 =	simm.s32 $0x200;
	s6 =	simm.s32 $0x0;
	s22 =	rddreg [dreg:$0xa]  }
0x43: {  	[tilespmem:s0], [sflag:$0x3] =	stream.linear.gather [hbm4b:s22+s3], $0x50, $0x38;
	[tilespmem:$0x1E000] =	vst v63  }
.LBB2_2:
0x44: {  	p0 =	sne.s32 s30, $0x9E00;
	[tilespmem:s6+$0x470] =	vst v0  }
0x45: {  	[tilespmem:s6+$0x400] =	vst v0  }
0x46: {  	[tilespmem:s6+$0x410] =	vst v0  }
.Ltmp2:
0x47: {  	[tilespmem:s6+$0x420] =	vst v0;
	(pc) =	sbr.rel @p0 .LBB2_2-.Ltmp2, $4  }
0x48: {  	[tilespmem:s6+$0x430] =	vst v0  }
0x49: {  	[tilespmem:s6+$0x440] =	vst v0  }
0x4a: {  	[tilespmem:s6+$0x450] =	vst v0  }
0x4b: {  	[tilespmem:s6+$0x460] =	vst v0;
	s6 =	sshra.s32 s30, $0x2;
	s30 =	sadd.s32 $0x200, s30  }
0x4c: {  	[tilespmem:s6+$0x470] =	vst v0  }
0x4d: {  	[tilespmem:s6+$0x400] =	vst v0  }
0x4e: {  	[tilespmem:s6+$0x410] =	vst v0  }
0x4f: {  	[tilespmem:s6+$0x420] =	vst v0  }
0x50: {  	[tilespmem:s6+$0x430] =	vst v0  }
0x51: {  	[tilespmem:s6+$0x440] =	vst v0  }
0x52: {  	[tilespmem:s6+$0x450] =	vst v0  }
0x53: {  	[tilespmem:s6+$0x460] =	vst v0  }
0x54: {  	[spmem:s23] =	stream.linear.scatter [tilespmem:s2], [sflag:$0xD], $0x2800, $0x38;
	[tilespmem:$0x1E000] =	vst v63  }
0x55: {  	_ =	swait.ge [sflag:s26], $0x2800  }
0x56: {  	[sflag:s26] =	ssyncset.done $0x0  }
0x57: {  	s30 =	rddreg [dreg:$0xb];
	[sflag:s26] =	ssyncadd.s32 $0xFFFFD800  }
0x58: {  	[spmem:s30] =	stream.linear.scatter [tilespmem:s2], [sflag:$0xD], $0x2800, $0x38;
	[tilespmem:$0x1E000] =	vst v63  }
0x59: {  	_ =	swait.ge [sflag:s26], $0x2800  }
0x5a: {  	[sflag:s26] =	ssyncset.done $0x0  }
0x5b: {  	s22 =	rddreg [dreg:$0xc];
	[sflag:s26] =	ssyncadd.s32 $0xFFFFD800  }
0x5c: {  	[spmem:s22] =	stream.linear.scatter [tilespmem:s2], [sflag:$0xD], $0x2800, $0x38;
	[tilespmem:$0x1E000] =	vst v63  }
0x5d: {  	_ =	swait.ge [sflag:s26], $0x2800  }
0x5e: {  	[sflag:s26] =	ssyncset.done $0x0  }
0x5f: {  	s23 =	rddreg [dreg:$0xd];
	[sflag:s26] =	ssyncadd.s32 $0xFFFFD800  }
0x60: {  	[spmem:s23] =	stream.linear.scatter [tilespmem:s2], [sflag:$0xD], $0x2800, $0x38;
	[tilespmem:$0x1E000] =	vst v63  }
0x61: {  	_ =	swait.ge [sflag:s26], $0x2800  }
0x62: {  	[sflag:s26] =	ssyncset.done $0x0  }
0x63: {  	s30 =	rddreg [dreg:$0xe];
	[sflag:s26] =	ssyncadd.s32 $0xFFFFD800  }
0x64: {  	[spmem:s30] =	stream.linear.scatter [tilespmem:s2], [sflag:$0xD], $0x2800, $0x38;
	[tilespmem:$0x1E000] =	vst v63  }
0x65: {  	_ =	swait.ge [sflag:s26], $0x2800  }
0x66: {  	[sflag:s26] =	ssyncset.done $0x0  }
0x67: {  	s22 =	rddreg [dreg:$0xf];
	[sflag:s26] =	ssyncadd.s32 $0xFFFFD800  }
0x68: {  	[spmem:s22] =	stream.linear.scatter [tilespmem:s2], [sflag:$0xD], $0x2800, $0x38;
	[tilespmem:$0x1E000] =	vst v63  }
0x69: {  	_ =	swait.ge [sflag:s26], $0x2800  }
0x6a: {  	[sflag:s26] =	ssyncset.done $0x0  }
0x6b: {  	s23 =	rddreg [dreg:$0x10];
	[sflag:s26] =	ssyncadd.s32 $0xFFFFD800  }
0x6c: {  	[spmem:s23] =	stream.linear.scatter [tilespmem:s2], [sflag:$0xD], $0x2800, $0x38;
	[tilespmem:$0x1E000] =	vst v63  }
0x6d: {  	_ =	swait.ge [sflag:s26], $0x2800  }
0x6e: {  	[sflag:s26] =	ssyncset.done $0x0  }
0x6f: {  	s30 =	rddreg [dreg:$0x11];
	[sflag:s26] =	ssyncadd.s32 $0xFFFFD800  }
0x70: {  	[spmem:s30] =	stream.linear.scatter [tilespmem:s2], [sflag:$0xD], $0x2400, $0x38;
	[tilespmem:$0x1E000] =	vst v63  }
0x71: {  	_ =	swait.ge [sflag:s26], $0x2400  }
0x72: {  	[sflag:s26] =	ssyncset.done $0x0  }
0x73: {  	[sflag:s26] =	ssyncadd.s32 $0xFFFFDC00  }
0x74: {  	_ =	swait.ge [sflag:s9], $0x50  }
0x75: {  	[sflag:s9] =	ssyncset.done $0x0  }
0x76: {  	[sflag:s9] =	ssyncadd.s32 $0xFFFFFFB0  }
0x77: {  	_ =	swait.ge [sflag:s9], $0x50  }
0x78: {  	[sflag:s9] =	ssyncset.done $0x0  }
0x79: {  	s6 =	simm.s32 $0x0;
	[sflag:s9] =	ssyncadd.s32 $0xFFFFFFB0  }
0x7a: {  	[tilespmem:s2], [sflag:$0x5] =	stream.indirect.gather [hbm4b:s4+s10], $0x80, s6, s10, $0xb8;
	[tilespmem:$0x1E000] =	vst v63  }
0x7b: {  	_ =	swait.ge [sflag:s11], $0x50  }
0x7c: {  	[sflag:s11] =	ssyncset.done $0x0  }
0x7d: {  	[sflag:s11] =	ssyncadd.s32 $0xFFFFFFB0  }
0x7e: {  	_ =	swait.ge [sflag:s11], $0x50  }
0x7f: {  	[sflag:s11] =	ssyncset.done $0x0  }
0x80: {  	s22 =	simm.s32 $0x80;
	[sflag:s11] =	ssyncadd.s32 $0xFFFFFFB0  }
0x81: {  	[tilespmem:s12], [sflag:$0x6] =	stream.indirect.gather [hbm4b:s4+s10], $0x80, s22, s10, $0xb8;
	[tilespmem:$0x1E000] =	vst v63  }
0x82: {  	[bflag:$0x0] =	sbarrier.arrive $0xFFFF  }
.LBB2_4:
0x83: {  	_ =	swait.ge [sflag:s14], $0x2800  }
0x84: {  	p0 =	seq.s32 s6, $0x0;
	[sflag:s14] =	ssyncset.done $0x0  }
0x85: {  	s26 =	simm.s32 @!p0 $0xC;
	[sflag:s14] =	ssyncadd.s32 $0xFFFFD800  }
0x86: {  	[spmem:s1] =	stream.indirect.scatter.add.f32 [tilespmem:s2], [sflag:$0x9], $0x80, s28, s10, $0xb8;
	[tilespmem:$0x1E000] =	vst v63  }
0x87: {  	s30 =	sadd.s32 @!p0 $0xF0, s6;
	_ =	swait.ge @!p0 [sflag:s26], $0x2800  }
0x88: {  	s30 =	simm.s32 @p0 $0xF0;
	s22 =	rddreg [dreg:$0x3]  }
0x89: {  	s30 =	sadd.s32 s22, s30  }
0x8a: {  	[sflag:s26] =	ssyncset.done @!p0 $0x0;
	s30 =	sshrl.u32 s30, $0x3  }
0x8b: {  	[sflag:s26] =	ssyncadd.s32 @!p0 $0xFFFFD800;
	s22 =	sadd.s32 s5, s30  }
0x8c: {  	[tilespmem:s15], [sflag:$0x4] =	stream.linear.gather [hbm4b:s22+s3], $0x50, $0x38;
	[tilespmem:$0x1E000] =	vst v63  }
0x8d: {  	s23 =	sadd.s32 s7, s30  }
0x8e: {  	[tilespmem:s16], [sflag:$0x4] =	stream.linear.gather [hbm4b:s23+s3], $0x50, $0x38;
	[tilespmem:$0x1E000] =	vst v63  }
0x8f: {  	_ =	swait.ge [sflag:s17], $0x50  }
0x90: {  	[sflag:s17] =	ssyncset.done $0x0  }
0x91: {  	[sflag:s17] =	ssyncadd.s32 $0xFFFFFFB0  }
0x92: {  	_ =	swait.ge [sflag:s17], $0x50  }
0x93: {  	[sflag:s17] =	ssyncset.done $0x0  }
0x94: {  	[sflag:s17] =	ssyncadd.s32 $0xFFFFFFB0  }
0x95: {  	[tilespmem:s18], [sflag:$0x7] =	stream.indirect.gather [hbm4b:s4+s10], $0x80, s31, s10, $0xb8;
	[tilespmem:$0x1E000] =	vst v63  }
0x96: {  	_ =	swait.ge [sflag:s19], $0x2800  }
0x97: {  	[sflag:s19] =	ssyncset.done $0x0  }
0x98: {  	s26 =	simm.s32 $0x280;
	[sflag:s19] =	ssyncadd.s32 $0xFFFFD800  }
0x99: {  	[spmem:s1] =	stream.indirect.scatter.add.f32 [tilespmem:s12], [sflag:$0xA], $0x80, s26, s10, $0xb8;
	[tilespmem:$0x1E000] =	vst v63  }
0x9a: {  	s30 =	smov.u32 s6;
	_ =	swait.ge [sflag:s20], $0x2800  }
0x9b: {  	s30 =	simm.s32 @p0 $0x0;
	s31 =	rddreg [dreg:$0x12]  }
0x9c: {  	s22 =	sadd.s32 s30, s31  }
0x9d: {  	[sflag:s20] =	ssyncset.done $0x0;
	s26 =	sshrl.u32 s22, $0x3  }
0x9e: {  	[sflag:s20] =	ssyncadd.s32 $0xFFFFD800;
	s23 =	sadd.s32 s5, s26  }
0x9f: {  	[tilespmem:s3], [sflag:$0x1] =	stream.linear.gather [hbm4b:s23+s3], $0x50, $0x38;
	[tilespmem:$0x1E000] =	vst v63  }
0xa0: {  	s31 =	sadd.s32 s7, s26  }
0xa1: {  	[tilespmem:s28], [sflag:$0x1] =	stream.linear.gather [hbm4b:s31+s3], $0x50, $0x38;
	[tilespmem:$0x1E000] =	vst v63  }
0xa2: {  	_ =	swait.ge [sflag:s21], $0x50  }
0xa3: {  	[sflag:s21] =	ssyncset.done $0x0  }
0xa4: {  	[sflag:s21] =	ssyncadd.s32 $0xFFFFFFB0  }
0xa5: {  	_ =	swait.ge [sflag:s21], $0x50  }
0xa6: {  	[sflag:s21] =	ssyncset.done $0x0  }
0xa7: {  	[sflag:s21] =	ssyncadd.s32 $0xFFFFFFB0  }
0xa8: {  	[tilespmem:s24], [sflag:$0x8] =	stream.indirect.gather [hbm4b:s4+s10], $0x80, s15, s10, $0xb8;
	[tilespmem:$0x1E000] =	vst v63  }
0xa9: {  	_ =	swait.ge [sflag:s25], $0x2800  }
0xaa: {  	[sflag:s25] =	ssyncset.done $0x0  }
0xab: {  	[sflag:s25] =	ssyncadd.s32 $0xFFFFD800  }
0xac: {  	[spmem:s1] =	stream.indirect.scatter.add.f32 [tilespmem:s18], [sflag:$0xB], $0x80, s0, s10, $0xb8;
	[tilespmem:$0x1E000] =	vst v63  }
0xad: {  	_ =	swait.ge [sflag:s13], $0x2800  }
0xae: {  	p0 =	seq.s32 s6, $0x2580;
	s22 =	rddreg [dreg:$0x13]  }
0xaf: {  	s22 =	sadd.s32 @!p0 s30, s22  }
0xb0: {  	s23 =	simm.s32 @!p0 $0x0;
	[sflag:s13] =	ssyncset.done $0x0;
	s22 =	sshrl.u32 @!p0 s22, $0x3  }
0xb1: {  	s31 =	simm.s32 @!p0 $0x80;
	[sflag:s13] =	ssyncadd.s32 $0xFFFFD800;
	s26 =	sadd.s32 @!p0 s5, s22  }
0xb2: {  	[tilespmem:s31], [sflag:$0x2] =	stream.linear.gather @!p0 [hbm4b:s26+s23], $0x50, $0x38;
	[tilespmem:$0x1E000] =	vst v63  }
0xb3: {  	s22 =	sadd.s32 @!p0 s7, s22;
	s26 =	simm.s32 @!p0 $0x280  }
0xb4: {  	[tilespmem:s26], [sflag:$0x2] =	stream.linear.gather @!p0 [hbm4b:s22+s23], $0x50, $0x38;
	[tilespmem:$0x1E000] =	vst v63  }
0xb5: {  	_ =	swait.ge [sflag:s9], $0x50  }
0xb6: {  	[sflag:s9] =	ssyncset.done $0x0  }
0xb7: {  	[sflag:s9] =	ssyncadd.s32 $0xFFFFFFB0  }
0xb8: {  	_ =	swait.ge [sflag:s9], $0x50  }
0xb9: {  	[sflag:s9] =	ssyncset.done $0x0  }
0xba: {  	[sflag:s9] =	ssyncadd.s32 $0xFFFFFFB0  }
0xbb: {  	[tilespmem:s2], [sflag:$0x5] =	stream.indirect.gather [hbm4b:s4+s10], $0x80, s3, s10, $0xb8;
	[tilespmem:$0x1E000] =	vst v63  }
0xbc: {  	_ =	swait.ge [sflag:s8], $0x2800  }
0xbd: {  	[sflag:s8] =	ssyncset.done $0x0  }
.Ltmp3:
0xbe: {  	[sflag:s8] =	ssyncadd.s32 $0xFFFFD800;
	(pc) =	sbr.rel @p0 .LBB2_6-.Ltmp3, $4  }
0xbf: {  	[spmem:s1] =	stream.indirect.scatter.add.f32 [tilespmem:s24], [sflag:$0xC], $0x80, s16, s10, $0xb8;
	[tilespmem:$0x1E000] =	vst v63  }
0xc0: {  	_ =	swait.ge [sflag:s29], $0x2800  }
0xc1: {  	[sflag:s29] =	ssyncset.done $0x0  }
0xc2: {  	s28 =	simm.s32 $0x300;
	s0 =	simm.s32 $0x100;
	[sflag:s29] =	ssyncadd.s32 $0xFFFFD800  }
0xc3: {  	s22 =	rddreg [dreg:$0x16]  }
0xc4: {  	s22 =	sadd.s32 s30, s22  }
0xc5: {  	s22 =	sshrl.u32 s22, $0x3  }
0xc6: {  	s23 =	sadd.s32 s5, s22  }
0xc7: {  	[tilespmem:s0], [sflag:$0x3] =	stream.linear.gather [hbm4b:s23+s3], $0x50, $0x38;
	[tilespmem:$0x1E000] =	vst v63  }
0xc8: {  	s22 =	sadd.s32 s7, s22  }
0xc9: {  	[tilespmem:s28], [sflag:$0x3] =	stream.linear.gather [hbm4b:s22+s3], $0x50, $0x38;
	[tilespmem:$0x1E000] =	vst v63  }
0xca: {  	_ =	swait.ge [sflag:s11], $0x50  }
0xcb: {  	[sflag:s11] =	ssyncset.done $0x0  }
.Ltmp4:
0xcc: {  	[sflag:s11] =	ssyncadd.s32 $0xFFFFFFB0;
	(pc) =	sbr.rel .LBB2_4-.Ltmp4, $4  }
0xcd: {  	s6 =	sadd.s32 $0x140, s6;
	_ =	swait.ge [sflag:s11], $0x50  }
0xce: {  	s31 =	simm.s32 $0x100;
	s30 =	simm.s32 $0x80;
	[sflag:s11] =	ssyncset.done $0x0  }
0xcf: {  	s0 =	simm.s32 $0x300;
	s28 =	simm.s32 $0x200;
	[sflag:s11] =	ssyncadd.s32 $0xFFFFFFB0  }
0xd0: {  	[tilespmem:s12], [sflag:$0x6] =	stream.indirect.gather [hbm4b:s4+s10], $0x80, s30, s10, $0xb8;
	[tilespmem:$0x1E000] =	vst v63  }
.LBB2_7:
0xd1: {  	_ =	sfence.sel $0x180000  }
0xd2: {  	[bflag:$0x0] =	sbarrier.arrive $0xFFFF  }
0xd3: {  	_ =	strace $0x9000004A  }
0xd4: {  	s0 =	stileid.u32;
	[bflag:$0x2] =	sbarrier.arrive $0xFFFF  }
0xd5: {  	p0 =	sne.s32 s0, $0x0;
	s0 =	rddreg [dreg:$0x2]  }
0xd6: {  	s0 =	sadd.s32 @!p0 $0x100000, s0  }
0xd7: {  	[sflag:s0] =	ssyncadd.tile.s32 @!p0 $0x1;
	_ =	shalt  }
.Lfunc_end2:
_tile_overlayer_lowered:
.L_overlay_start_2:
0xd8: {  	(tag) =	ssettag $0x2  }
0xd9: {  	s0 =	rddreg [dreg:$0x0];
	s2 =	stileid.u32  }
0xda: {  	s1 =	rddreg [dreg:$0x1];
	p0 =	sne.s32 s2, $0x0  }
0xdb: {  	s3 =	rddreg [dreg:$0x2];
	[bflag:$0x3] =	sbarrier.arrive $0xFFFF;
	s2 =	simm.s32 @!p0 $0x1C0D  }
0xdc: {  	[timem:s3], [sflag:s2] =	dma.local @!p0 [hbm:s0], s1  }
0xdd: {  	s0 =	simm.s32 @!p0 $0xD  }
0xde: {  	_ =	swait.ge @!p0 [sflag:s0], s1  }
0xdf: {  	s1 =	ssub.s32 @!p0 $0x0, s1;
	[sflag:s0] =	ssyncset.done @!p0 $0x0  }
0xe0: {  	[sflag:s0] =	ssyncadd.s32 @!p0 s1  }
0xe1: {  	[bflag:$0x3] =	sbarrier.arrive $0xFFFF  }
0xe2: {  	_ =	shalt  }

// kernel: kernel.14.cloned.1.call-start
scs
__scs_entry_jumppad:
0x0: {  	(pc) =	sbr.rel $0x88, $3  }
0x1: {  	(tag) =	ssettag $0x0;
	lr =	simm.s32 $0x1  }
0x2: {  	[smem:$0x3F88] =	sst lr;
	_ =	strace $0xD0000000  }
0x3: {  	_ = 	snop  }
0x4: {  	_ = 	snop  }
0x5: {  	_ = 	snop  }
0x6: {  	_ = 	snop  }
0x7: {  	_ = 	snop  }
__scs_overlays_trampoline_lowered:
0x8: {  	[smem:$0x3F97] =	sst s0  }
0x9: {  	[smem:$0x3F98] =	sst s1  }
0xa: {  	[smem:$0x3F99] =	sst s2  }
0xb: {  	[smem:$0x3F9A] =	sst s3  }
0xc: {  	[smem:$0x3F9B] =	sst s4  }
0xd: {  	[smem:$0x3F9C] =	sst s5  }
0xe: {  	[smem:$0x3F9D] =	sst s6  }
0xf: {  	[smem:$0x3F9E] =	sst s7  }
0x10: {  	[smem:$0x3F9F] =	sst s8  }
0x11: {  	[smem:$0x3FA0] =	sst s9;
	s0 =	simm.s32 @!p0 $0x0  }
0x12: {  	s1 =	sld [smem:$0x3F86];
	s0 =	simm.s32 @p0 $0x1  }
0x13: {  	[smem:$0x3FA1] =	sst s0;
	s0 =	simm.s32 @!p1 $0x0  }
0x14: {  	s2 =	sld [smem:$0x3F85];
	s0 =	simm.s32 @p1 $0x1  }
0x15: {  	[smem:$0x3FA2] =	sst s0;
	s0 =	simm.s32 @!p2 $0x0  }
0x16: {  	s3 =	sld [smem:$0x3FDB];
	s0 =	simm.s32 @p2 $0x1  }
0x17: {  	s4 =	simm.s32 $0x1BF5;
	[smem:$0x3FA4] =	sst s0  }
0x18: {  	s0 =	sld [smem:$0x3F87];
	_ =	swait.ge [sflag:s4], $0x0  }
0x19: {  	s7 =	sld [smem:$0x3F88]  }
0x1a: {  	s8 =	sadd.s32 $0xFFFFE003, lr  }
0x1b: {  	s9 =	sadd.s32 $0xFFFFFEF7, lr;
	s5 =	simm.s32 $0xFFFFFFFF;
	p2 =	slt.u32 s8, $0xFFFFF086  }
0x1c: {  	p1 =	slt.u32 s9, $0xF7A;
	s5 =	simm.s32 @!p2 $0x0  }
0x1d: {  	s5 =	simm.s32 @p1 $0x1;
	p0 =	seq.s32 s7, s2  }
0x1e: {  	s7 =	smul.u32 @!p0 $0xF7A, s2;
	p2 =	seq.s32 @!p0 s5, $0x0  }
0x1f: {  	s9 =	smul.u32 $0xF7A, s1;
	s8 =	simm.s32 @!p0 $0x1BF5;
	p2 =	por !p2, p0  }
0x20: {  	[sflag:s8] =	ssyncset.s32 @!p0 $0xFFFFF086;
	s6 =	sadd.s32 @!p0 s3, s7;
	s7 =	simm.s32 @!p0 $0x108  }
0x21: {  	s3 =	sadd.s32 s3, s9;
	s6 =	sadd.s32 @!p0 $0x88, s6;
	s7 =	simm.s32 @p2 $0x1082  }
0x22: {  	[simem:s7], [sflag:s8] =	dma.local @!p0 [hbm:s6], $0xF7A  }
0x23: {  	s9 =	sor.u32 $0xD0000000, s2;
	s6 =	simm.s32 $0x108;
	_ =	swait.ge @!p0 [sflag:s8], $0x0  }
0x24: {  	s3 =	sadd.s32 $0x88, s3;
	s6 =	simm.s32 @!p1 $0x1082;
	[sflag:s4] =	ssyncset.s32 $0xFFFFF086  }
0x25: {  	[simem:s6], [sflag:s4] =	dma.local [hbm:s3], $0xF7A  }
0x26: {  	[smem:$0x3F88] =	sst s1;
	(tag) =	ssettag s2;
	_ =	strace s9  }
0x27: {  	s1 =	sld [smem:$0x3F98]  }
0x28: {  	s2 =	sld [smem:$0x3F99]  }
0x29: {  	s4 =	sld [smem:$0x3F9B]  }
0x2a: {  	p0 =	seq.s32 s5, $0x0;
	s5 =	sld [smem:$0x3F9C]  }
0x2b: {  	s6 =	sld [smem:$0x3F9D]  }
0x2c: {  	s7 =	sld [smem:$0x3F9E]  }
0x2d: {  	s3 =	simm.s32 $0x108;
	s8 =	sld [smem:$0x3F9F]  }
0x2e: {  	s3 =	simm.s32 @!p0 $0x1082;
	s9 =	sld [smem:$0x3FA0]  }
0x2f: {  	lr =	sadd.s32 s0, s3;
	s0 =	sld [smem:$0x3F97]  }
0x30: {  	s3 =	sld [smem:$0x3F9A]  }
0x31: {  	[smem:$0x3FA3] =	sst s10  }
0x32: {  	s10 =	sld [smem:$0x3FA1];
	_ =	sdelay $0x3  }
0x33: {  	p0 =	seq.s32 s10, $0x1;
	s10 =	sld [smem:$0x3FA3];
	_ =	sdelay $0x3  }
0x34: {  	[smem:$0x3FA3] =	sst s10  }
0x35: {  	s10 =	sld [smem:$0x3FA2];
	_ =	sdelay $0x3  }
0x36: {  	p1 =	seq.s32 s10, $0x1;
	s10 =	sld [smem:$0x3FA3];
	_ =	sdelay $0x3  }
0x37: {  	[smem:$0x3FA3] =	sst s10  }
0x38: {  	s10 =	sld [smem:$0x3FA4]  }
0x39: {  	_ = 	snop;
	(pc) =	sbr.ind lr, $3  }
0x3a: {  	_ = 	snop  }
0x3b: {  	_ = 	snop  }
0x3c: {  	p2 =	seq.s32 s10, $0x1;
	s10 =	sld [smem:$0x3FA3]  }
0x3d: {  	_ =	shalt  }
0x3e: {  	_ =	shalt  }
0x3f: {  	_ =	shalt  }
0x40: {  	_ =	shalt  }
0x41: {  	_ =	shalt  }
0x42: {  	_ =	shalt  }
0x43: {  	_ =	shalt  }
0x44: {  	_ =	shalt  }
0x45: {  	_ =	shalt  }
0x46: {  	_ =	shalt  }
0x47: {  	_ =	shalt  }
0x48: {  	_ =	shalt  }
0x49: {  	_ =	shalt  }
0x4a: {  	_ =	shalt  }
0x4b: {  	_ =	shalt  }
0x4c: {  	_ =	shalt  }
0x4d: {  	_ =	shalt  }
0x4e: {  	_ =	shalt  }
0x4f: {  	_ =	shalt  }
0x50: {  	_ =	shalt  }
0x51: {  	_ =	shalt  }
0x52: {  	_ =	shalt  }
0x53: {  	_ =	shalt  }
0x54: {  	_ =	shalt  }
0x55: {  	_ =	shalt  }
0x56: {  	_ =	shalt  }
0x57: {  	_ =	shalt  }
0x58: {  	_ =	shalt  }
0x59: {  	_ =	shalt  }
0x5a: {  	_ =	shalt  }
0x5b: {  	_ =	shalt  }
0x5c: {  	_ =	shalt  }
0x5d: {  	_ =	shalt  }
0x5e: {  	_ =	shalt  }
0x5f: {  	_ =	shalt  }
0x60: {  	_ =	shalt  }
0x61: {  	_ =	shalt  }
0x62: {  	_ =	shalt  }
0x63: {  	_ =	shalt  }
0x64: {  	_ =	shalt  }
0x65: {  	_ =	shalt  }
0x66: {  	_ =	shalt  }
0x67: {  	_ =	shalt  }
0x68: {  	_ =	shalt  }
0x69: {  	_ =	shalt  }
0x6a: {  	_ =	shalt  }
0x6b: {  	_ =	shalt  }
0x6c: {  	_ =	shalt  }
0x6d: {  	_ =	shalt  }
0x6e: {  	_ =	shalt  }
0x6f: {  	_ =	shalt  }
0x70: {  	_ =	shalt  }
0x71: {  	_ =	shalt  }
0x72: {  	_ =	shalt  }
0x73: {  	_ =	shalt  }
0x74: {  	_ =	shalt  }
0x75: {  	_ =	shalt  }
0x76: {  	_ =	shalt  }
0x77: {  	_ =	shalt  }
0x78: {  	_ =	shalt  }
0x79: {  	_ =	shalt  }
0x7a: {  	_ =	shalt  }
0x7b: {  	_ =	shalt  }
0x7c: {  	_ =	shalt  }
0x7d: {  	_ =	shalt  }
0x7e: {  	_ =	shalt  }
0x7f: {  	_ =	shalt  }
0x80: {  	_ =	shalt  }
0x81: {  	_ =	shalt  }
0x82: {  	_ =	shalt  }
0x83: {  	_ =	shalt  }
0x84: {  	_ =	shalt  }
0x85: {  	_ =	shalt  }
0x86: {  	_ =	shalt  }
0x87: {  	_ =	shalt  }
.Lfunc_end0:
.L_simem_size_0:
called_computation.2_lowered:
.L_overlay_start_0:
0x88: {  	s2 =	sld [smem:$0x3FD9]  }
0x89: {  	s3 =	sld [smem:$0x3FFE];
	_ =	sdelay $0x1  }
0x8a: {  	s1 =	srdreg.scid  }
0x8b: {  	s0 =	sand.u32 $0x1, s1  }
0x8c: {  	s16 =	sshll.u32 s0, $0xA;
	s2 =	sadd.s32 s3, s2  }
0x8d: {  	s2 =	sadd.s32 s2, s16  }
0x8e: {  	[smem:$0x3FAF] =	sst s2  }
0x8f: {  	_ = 	snop  }
0x90: {  	(tm) =	ssettm $0x1  }
0x91: {  	s17 =	sld [smem:$0x3FFB];
	_ =	sdelay $0x3  }
0x92: {  	_ =	strace s17  }
0x93: {  	s2 =	sld [smem:$0x3FFC];
	_ =	sdelay $0x3  }
0x94: {  	_ =	strace s2  }
0x95: {  	s2 =	sld [smem:$0x3FFD];
	_ =	sdelay $0x3  }
0x96: {  	_ =	strace s2  }
0x97: {  	_ =	strace $0x8FFFFFFF  }
0x98: {  	s18 =	sld [smem:$0x3FDB];
	_ =	sdelay $0x1  }
0x99: {  	s19 =	simm.s32 $_scs_section_size  }
0x9a: {  	s4 =	simm.s32 $_size__tile_overlayer_lowered;
	s5 =	simm.s32 $_tile_overlayer_lowered  }
0x9b: {  	s22 =	simm.s32 $0x1BFF;
	s21 =	sshll.u32 s5, $0x1;
	s2 =	sadd.s32 s19, s18  }
0x9c: {  	s6 =	simm.s32 $0x0;
	s20 =	sshll.u32 s4, $0x1;
	s4 =	sadd.s32 s21, s2  }
0x9d: {  	[timem:s6], [sflag:s22] =	dma.local [hbm:s4], s20  }
0x9e: {  	_ =	swait.ge [sflag:s22], s20  }
0x9f: {  	s3 =	ssub.s32 $0x0, s20;
	[sflag:s22] =	ssyncset.done $0x0  }
0xa0: {  	[sflag:s22] =	ssyncadd.s32 s3;
	_ =	sdelay $0x1  }
0xa1: {  	s23 =	simm.s32 $0x1B8B  }
0xa2: {  	_ =	swait.ge [sflag:s23], $0x1  }
0xa3: {  	[sflag:s23] =	ssyncset.done $0x0  }
0xa4: {  	s25 =	simm.s32 $0x1B8E;
	s24 =	sld [smem:$0x3FFE];
	[sflag:s23] =	ssyncadd.s32 $0xFFFFFFFF  }
0xa5: {  	s26 =	simm.s32 $execute0_lowered;
	[smem:$0x3FD2] =	sst s25  }
0xa6: {  	s4 =	sshll.u32 s26, $0x1;
	_ =	strace $0x8000004C;
	[dreg:$0x1] =	wrdreg $0xFFFFFFFF  }
0xa7: {  	s28 =	simm.s32 $_size_execute0_lowered;
	s2 =	sadd.s32 s2, s4;
	[dreg:$0x0] =	wrdreg $0x0  }
0xa8: {  	s4 =	sshll.u32 s28, $0x1;
	[dreg:$0x2] =	wrdreg s2  }
0xa9: {  	[dreg:$0x3] =	wrdreg s4  }
0xaa: {  	[dreg:$0x4] =	wrdreg $0xC0  }
0xab: {  	_ =	task [dreg:s6], $0x5FFFF  }
0xac: {  	[dreg:$0x1] =	wrdreg $0xFFFFFFFF  }
0xad: {  	[dreg:$0x0] =	wrdreg $0x60  }
0xae: {  	[dreg:$0x2] =	wrdreg s24  }
0xaf: {  	[dreg:$0x3] =	wrdreg $0xA4000  }
0xb0: {  	[dreg:$0x4] =	wrdreg $0x9  }
0xb1: {  	_ =	task.clear_ibuf [dreg:s6], $0x5FFFF;
	_ =	strace $0x9000004C  }
0xb2: {  	s29 =	simm.s32 $0x9;
	_ =	strace $0x8000004E  }
0xb3: {  	_ =	swait.ge [sflag:s29], $0x1  }
0xb4: {  	[sflag:s29] =	ssyncadd.s32 $0xFFFFFFFF  }
0xb5: {  	_ =	strace $0x9000004E  }
0xb6: {  	_ =	sfence  }
0xb7: {  	s30 =	sld [smem:$0x0];
	_ =	sdelay $0x2  }
0xb8: {  	s31 =	sshll.u32 s1, $0xD;
	s1 =	sshrl.u32 s1, $0x2  }
0xb9: {  	s3 =	sand.u32 $0x4000, s31;
	s1 =	sadd.s32 s1, s30  }
0xba: {  	s0 =	sor.u32 s3, s0;
	s1 =	sshll.u32 s1, $0x11  }
0xbb: {  	s0 =	sor.u32 s1, s0  }
0xbc: {  	s0 =	sadd.s32 $0x8F2B, s0  }
0xbd: {  	[sflag:s0] =	ssyncadd.remote.s32 $0x1  }
0xbe: {  	_ =	sfence.sel $0xFFFF  }
0xbf: {  	[dreg:$0x0] =	wrdreg $0xFFFFFFFF;
	(pc) =	sbr.abs _section_cstart, $3  }
0xc0: {  	[dreg:$0x1] =	wrdreg $0xFFFFFFFF  }
0xc1: {  	_ =	task.clear_ibuf [dreg:s6], $0x2FFFF;
	_ =	strace $0x9FFFFFFF  }
0xc2: {  	(tm) =	ssettm $0x7FFFFFFF  }
0xc3: {  	_ =	shalt  }
tec
execute0_lowered:
.L_overlay_start_1:
0x0: {  	(tag) =	ssettag $0x1  }
0x1: {  	s0 =	rddreg [dreg:$0x0]  }
0x2: {  	s1 =	rddreg [dreg:$0x1];
	s2 =	srdreg.scid  }
0x3: {  	s3 =	simm.s32 $0x0;
	s9 =	stileid.u32;
	s28 =	simm.s32 $0x200  }
0x4: {  	s31 =	simm.s32 $0x100;
	s29 =	simm.s32 $0xB;
	s7 =	smul.u32 $0x13C00, s9  }
0x5: {  	s2 =	sand.u32 $0x1, s2;
	[smem:$0x7FF] =	sst s3;
	s30 =	smul.u32 $0x4F000, s9  }
0x6: {  	s4 =	sadd.s32 $0x17200, s0;
	s5 =	sadd.s32 $0xD400, s0;
	s8 =	sshll.u32 s2, $0x4  }
0x7: {  	s6 =	smul.u32 $0x13C000, s2;
	s24 =	sor.u32 s9, s8;
	s8 =	sshrl.u32 s30, $0x2  }
0x8: {  	_ =	strace $0x8000004D;
	s2 =	ssub.s32 $0x2, s2;
	s23 =	sadd.s32 s8, s1  }
0x9: {  	s25 =	sshrl.u32 s2, $0x1;
	s16 =	sadd.s32 $0x2800, s23;
	[dreg:$0x9] =	wrdreg s23  }
0xa: {  	s6 =	sadd.s32 s7, s6;
	s17 =	sadd.s32 $0x5000, s23;
	[dreg:$0xb] =	wrdreg s16  }
0xb: {  	s10 =	smul.u32 $0x2710, s24;
	s18 =	sadd.s32 $0x7800, s23;
	[dreg:$0xc] =	wrdreg s17  }
0xc: {  	s7 =	sadd.s32 $0x3600, s0;
	s19 =	sadd.s32 $0xA000, s23;
	[dreg:$0xd] =	wrdreg s18  }
0xd: {  	s2 =	ssub.s32 s2, s25;
	s20 =	sadd.s32 $0xC800, s23;
	[dreg:$0xe] =	wrdreg s19  }
0xe: {  	s8 =	simm.s32 $0x8;
	s21 =	sadd.s32 $0xF000, s23;
	[dreg:$0xf] =	wrdreg s20  }
0xf: {  	s6 =	sshrl.u32 s6, $0x3;
	s22 =	sadd.s32 $0x11800, s23;
	[dreg:$0x10] =	wrdreg s21  }
0x10: {  	s0 =	sadd.s32 s6, s0;
	s26 =	sshrl.u32 s10, $0x3;
	[dreg:$0x11] =	wrdreg s22  }
0x11: {  	s24 =	sadd.s32 $0x140, s10;
	s25 =	sadd.s32 $0x190, s10;
	[dreg:$0x3] =	wrdreg s10  }
0x12: {  	s30 =	sadd.s32 $0x1E0, s10;
	s10 =	simm.s32 $0x50;
	s16 =	simm.s32 $0x380  }
0x13: {  	s17 =	simm.s32 $0x3;
	s18 =	simm.s32 $0x5400;
	s19 =	simm.s32 $0x6  }
0x14: {  	s20 =	simm.s32 $0x9;
	s21 =	simm.s32 $0x4;
	[dreg:$0x12] =	wrdreg s24  }
0x15: {  	s22 =	simm.s32 $0x0;
	s12 =	sadd.s32 s5, s26;
	[dreg:$0x13] =	wrdreg s25  }
0x16: {  	s13 =	sadd.s32 s7, s26;
	s14 =	sadd.s32 $0xA, s26;
	[dreg:$0x16] =	wrdreg s30  }
0x17: {  	s6 =	sadd.s32 $0x14, s26;
	s0 =	sadd.s32 $0xB3600, s0;
	[dreg:$0x4] =	wrdreg s12  }
0x18: {  	s26 =	smax.u32 s2, $0x1;
	s2 =	simm.s32 $0x400;
	[dreg:$0x5] =	wrdreg s13  }
0x19: {  	s24 =	simm.s32 $0x7C00;
	s25 =	simm.s32 $0x7;
	[dreg:$0x14] =	wrdreg s0  }
0x1a: {  	s11 =	sadd.s32 s5, s14;
	s9 =	sadd.s32 s7, s14;
	[dreg:$0x15] =	wrdreg s26  }
.Ltmp0:
0x1b: {  	s15 =	sadd.s32 s5, s6;
	[dreg:$0x6] =	wrdreg s11;
	(pc) =	sbr.rel .LBB2_1-.Ltmp0, $4  }
0x1c: {  	s6 =	sadd.s32 s7, s6;
	s0 =	simm.s32 $0x300;
	[dreg:$0x7] =	wrdreg s9  }
0x1d: {  	s26 =	simm.s32 $0xD;
	s12 =	simm.s32 $0x2C00;
	[dreg:$0x8] =	wrdreg s15  }
0x1e: {  	s14 =	simm.s32 $0x5;
	s13 =	simm.s32 $0xA;
	[dreg:$0xa] =	wrdreg s6  }
0x1f: {  	v0 =	vimm.f32 $0.0e+00;
	s9 =	simm.s32 $0x1;
	s11 =	simm.s32 $0x2;
	s15 =	simm.s32 $0x180  }
.LBB2_6:
0x20: {  	_ =	swait.ge [sflag:s14], $0x2800  }
0x21: {  	[sflag:s14] =	ssyncset.done $0x0  }
0x22: {  	s28 =	simm.s32 $0x200;
	s0 =	simm.s32 $0xC;
	[sflag:s14] =	ssyncadd.s32 $0xFFFFD800  }
0x23: {  	[spmem:s1] =	stream.indirect.scatter.add.f32 [tilespmem:s2], [sflag:$0x9], $0x80, s28, s10, $0xb8;
	[tilespmem:$0x1E000] =	vst v63  }
0x24: {  	_ =	swait.ge [sflag:s0], $0x2800  }
0x25: {  	[sflag:s0] =	ssyncset.done $0x0  }
0x26: {  	[sflag:s0] =	ssyncadd.s32 $0xFFFFD800  }
0x27: {  	_ =	swait.ge [sflag:s20], $0x2800  }
0x28: {  	[sflag:s20] =	ssyncset.done $0x0  }
0x29: {  	[sflag:s20] =	ssyncadd.s32 $0xFFFFD800  }
0x2a: {  	s6 =	stileid.u32;
	[bflag:$0x0] =	sbarrier.arrive $0xFFFF  }
0x2b: {  	s6 =	sshll.u32 s6, $0x6;
	s23 =	rddreg [dreg:$0x9]  }
0x2c: {  	s6 =	sor.u32 $0x1C0D, s6;
	s26 =	rddreg [dreg:$0x14];
	s22 =	sshrl.u32 s23, $0x3  }
0x2d: {  	[hbm:s26], [sflag:s6] =	dma.local [spmem:s22], $0x2780  }
0x2e: {  	s26 =	simm.s32 $0xD  }
0x2f: {  	_ =	swait.ge [sflag:s26], $0x2780  }
0x30: {  	s6 =	rddreg [dreg:$0x17]  }
0x31: {  	s30 =	rddreg [dreg:$0x15];
	s22 =	sadd.s32 $0x1, s6  }
0x32: {  	p0 =	sne.s32 s22, s30  }
.Ltmp1:
0x33: {  	_ = 	snop;
	(pc) =	sbr.rel @!p0 .LBB2_7-.Ltmp1, $3  }
0x34: {  	_ =	sdelay $0x1  }
0x35: {  	[sflag:s26] =	ssyncset.done $0x0  }
0x36: {  	s31 =	simm.s32 $0x100;
	s0 =	simm.s32 $0x300;
	[sflag:s26] =	ssyncadd.s32 $0xFFFFD880  }
.LBB2_1:
0x37: {  	[dreg:$0x17] =	wrdreg s22  }
0x38: {  	s6 =	rddreg [dreg:$0x4]  }
0x39: {  	[tilespmem:s3], [sflag:$0x1] =	stream.linear.gather [hbm4b:s6+s3], $0x50, $0x38;
	[tilespmem:$0x1E000] =	vst v63  }
0x3a: {  	s22 =	rddreg [dreg:$0x5]  }
0x3b: {  	[tilespmem:s28], [sflag:$0x1] =	stream.linear.gather [hbm4b:s22+s3], $0x50, $0x38;
	[tilespmem:$0x1E000] =	vst v63  }
0x3c: {  	s6 =	rddreg [dreg:$0x6];
	s22 =	simm.s32 $0x80  }
0x3d: {  	[tilespmem:s22], [sflag:$0x2] =	stream.linear.gather [hbm4b:s6+s3], $0x50, $0x38;
	[tilespmem:$0x1E000] =	vst v63  }
0x3e: {  	s6 =	rddreg [dreg:$0x7];
	s22 =	simm.s32 $0x280  }
0x3f: {  	[tilespmem:s22], [sflag:$0x2] =	stream.linear.gather [hbm4b:s6+s3], $0x50, $0x38;
	[tilespmem:$0x1E000] =	vst v63  }
0x40: {  	s22 =	rddreg [dreg:$0x8]  }
0x41: {  	[tilespmem:s31], [sflag:$0x3] =	stream.linear.gather [hbm4b:s22+s3], $0x50, $0x38;
	[tilespmem:$0x1E000] =	vst v63  }
0x42: {  	s30 =	simm.s32 $0x200;
	s6 =	simm.s32 $0x0;
	s22 =	rddreg [dreg:$0xa]  }
0x43: {  	[tilespmem:s0], [sflag:$0x3] =	stream.linear.gather [hbm4b:s22+s3], $0x50, $0x38;
	[tilespmem:$0x1E000] =	vst v63  }
.LBB2_2:
0x44: {  	p0 =	sne.s32 s30, $0x9E00;
	[tilespmem:s6+$0x470] =	vst v0  }
0x45: {  	[tilespmem:s6+$0x400] =	vst v0  }
0x46: {  	[tilespmem:s6+$0x410] =	vst v0  }
.Ltmp2:
0x47: {  	[tilespmem:s6+$0x420] =	vst v0;
	(pc) =	sbr.rel @p0 .LBB2_2-.Ltmp2, $4  }
0x48: {  	[tilespmem:s6+$0x430] =	vst v0  }
0x49: {  	[tilespmem:s6+$0x440] =	vst v0  }
0x4a: {  	[tilespmem:s6+$0x450] =	vst v0  }
0x4b: {  	[tilespmem:s6+$0x460] =	vst v0;
	s6 =	sshra.s32 s30, $0x2;
	s30 =	sadd.s32 $0x200, s30  }
0x4c: {  	[tilespmem:s6+$0x470] =	vst v0  }
0x4d: {  	[tilespmem:s6+$0x400] =	vst v0  }
0x4e: {  	[tilespmem:s6+$0x410] =	vst v0  }
0x4f: {  	[tilespmem:s6+$0x420] =	vst v0  }
0x50: {  	[tilespmem:s6+$0x430] =	vst v0  }
0x51: {  	[tilespmem:s6+$0x440] =	vst v0  }
0x52: {  	[tilespmem:s6+$0x450] =	vst v0  }
0x53: {  	[tilespmem:s6+$0x460] =	vst v0  }
0x54: {  	[spmem:s23] =	stream.linear.scatter [tilespmem:s2], [sflag:$0xD], $0x2800, $0x38;
	[tilespmem:$0x1E000] =	vst v63  }
0x55: {  	_ =	swait.ge [sflag:s26], $0x2800  }
0x56: {  	[sflag:s26] =	ssyncset.done $0x0  }
0x57: {  	s30 =	rddreg [dreg:$0xb];
	[sflag:s26] =	ssyncadd.s32 $0xFFFFD800  }
0x58: {  	[spmem:s30] =	stream.linear.scatter [tilespmem:s2], [sflag:$0xD], $0x2800, $0x38;
	[tilespmem:$0x1E000] =	vst v63  }
0x59: {  	_ =	swait.ge [sflag:s26], $0x2800  }
0x5a: {  	[sflag:s26] =	ssyncset.done $0x0  }
0x5b: {  	s22 =	rddreg [dreg:$0xc];
	[sflag:s26] =	ssyncadd.s32 $0xFFFFD800  }
0x5c: {  	[spmem:s22] =	stream.linear.scatter [tilespmem:s2], [sflag:$0xD], $0x2800, $0x38;
	[tilespmem:$0x1E000] =	vst v63  }
0x5d: {  	_ =	swait.ge [sflag:s26], $0x2800  }
0x5e: {  	[sflag:s26] =	ssyncset.done $0x0  }
0x5f: {  	s23 =	rddreg [dreg:$0xd];
	[sflag:s26] =	ssyncadd.s32 $0xFFFFD800  }
0x60: {  	[spmem:s23] =	stream.linear.scatter [tilespmem:s2], [sflag:$0xD], $0x2800, $0x38;
	[tilespmem:$0x1E000] =	vst v63  }
0x61: {  	_ =	swait.ge [sflag:s26], $0x2800  }
0x62: {  	[sflag:s26] =	ssyncset.done $0x0  }
0x63: {  	s30 =	rddreg [dreg:$0xe];
	[sflag:s26] =	ssyncadd.s32 $0xFFFFD800  }
0x64: {  	[spmem:s30] =	stream.linear.scatter [tilespmem:s2], [sflag:$0xD], $0x2800, $0x38;
	[tilespmem:$0x1E000] =	vst v63  }
0x65: {  	_ =	swait.ge [sflag:s26], $0x2800  }
0x66: {  	[sflag:s26] =	ssyncset.done $0x0  }
0x67: {  	s22 =	rddreg [dreg:$0xf];
	[sflag:s26] =	ssyncadd.s32 $0xFFFFD800  }
0x68: {  	[spmem:s22] =	stream.linear.scatter [tilespmem:s2], [sflag:$0xD], $0x2800, $0x38;
	[tilespmem:$0x1E000] =	vst v63  }
0x69: {  	_ =	swait.ge [sflag:s26], $0x2800  }
0x6a: {  	[sflag:s26] =	ssyncset.done $0x0  }
0x6b: {  	s23 =	rddreg [dreg:$0x10];
	[sflag:s26] =	ssyncadd.s32 $0xFFFFD800  }
0x6c: {  	[spmem:s23] =	stream.linear.scatter [tilespmem:s2], [sflag:$0xD], $0x2800, $0x38;
	[tilespmem:$0x1E000] =	vst v63  }
0x6d: {  	_ =	swait.ge [sflag:s26], $0x2800  }
0x6e: {  	[sflag:s26] =	ssyncset.done $0x0  }
0x6f: {  	s30 =	rddreg [dreg:$0x11];
	[sflag:s26] =	ssyncadd.s32 $0xFFFFD800  }
0x70: {  	[spmem:s30] =	stream.linear.scatter [tilespmem:s2], [sflag:$0xD], $0x2400, $0x38;
	[tilespmem:$0x1E000] =	vst v63  }
0x71: {  	_ =	swait.ge [sflag:s26], $0x2400  }
0x72: {  	[sflag:s26] =	ssyncset.done $0x0  }
0x73: {  	[sflag:s26] =	ssyncadd.s32 $0xFFFFDC00  }
0x74: {  	_ =	swait.ge [sflag:s9], $0x50  }
0x75: {  	[sflag:s9] =	ssyncset.done $0x0  }
0x76: {  	[sflag:s9] =	ssyncadd.s32 $0xFFFFFFB0  }
0x77: {  	_ =	swait.ge [sflag:s9], $0x50  }
0x78: {  	[sflag:s9] =	ssyncset.done $0x0  }
0x79: {  	s6 =	simm.s32 $0x0;
	[sflag:s9] =	ssyncadd.s32 $0xFFFFFFB0  }
0x7a: {  	[tilespmem:s2], [sflag:$0x5] =	stream.indirect.gather [hbm4b:s4+s10], $0x80, s6, s10, $0xb8;
	[tilespmem:$0x1E000] =	vst v63  }
0x7b: {  	_ =	swait.ge [sflag:s11], $0x50  }
0x7c: {  	[sflag:s11] =	ssyncset.done $0x0  }
0x7d: {  	[sflag:s11] =	ssyncadd.s32 $0xFFFFFFB0  }
0x7e: {  	_ =	swait.ge [sflag:s11], $0x50  }
0x7f: {  	[sflag:s11] =	ssyncset.done $0x0  }
0x80: {  	s22 =	simm.s32 $0x80;
	[sflag:s11] =	ssyncadd.s32 $0xFFFFFFB0  }
0x81: {  	[tilespmem:s12], [sflag:$0x6] =	stream.indirect.gather [hbm4b:s4+s10], $0x80, s22, s10, $0xb8;
	[tilespmem:$0x1E000] =	vst v63  }
0x82: {  	[bflag:$0x0] =	sbarrier.arrive $0xFFFF  }
.LBB2_4:
0x83: {  	_ =	swait.ge [sflag:s14], $0x2800  }
0x84: {  	p0 =	seq.s32 s6, $0x0;
	[sflag:s14] =	ssyncset.done $0x0  }
0x85: {  	s26 =	simm.s32 @!p0 $0xC;
	[sflag:s14] =	ssyncadd.s32 $0xFFFFD800  }
0x86: {  	[spmem:s1] =	stream.indirect.scatter.add.f32 [tilespmem:s2], [sflag:$0x9], $0x80, s28, s10, $0xb8;
	[tilespmem:$0x1E000] =	vst v63  }
0x87: {  	s30 =	sadd.s32 @!p0 $0xF0, s6;
	_ =	swait.ge @!p0 [sflag:s26], $0x2800  }
0x88: {  	s30 =	simm.s32 @p0 $0xF0;
	s22 =	rddreg [dreg:$0x3]  }
0x89: {  	s30 =	sadd.s32 s22, s30  }
0x8a: {  	[sflag:s26] =	ssyncset.done @!p0 $0x0;
	s30 =	sshrl.u32 s30, $0x3  }
0x8b: {  	[sflag:s26] =	ssyncadd.s32 @!p0 $0xFFFFD800;
	s22 =	sadd.s32 s5, s30  }
0x8c: {  	[tilespmem:s15], [sflag:$0x4] =	stream.linear.gather [hbm4b:s22+s3], $0x50, $0x38;
	[tilespmem:$0x1E000] =	vst v63  }
0x8d: {  	s23 =	sadd.s32 s7, s30  }
0x8e: {  	[tilespmem:s16], [sflag:$0x4] =	stream.linear.gather [hbm4b:s23+s3], $0x50, $0x38;
	[tilespmem:$0x1E000] =	vst v63  }
0x8f: {  	_ =	swait.ge [sflag:s17], $0x50  }
0x90: {  	[sflag:s17] =	ssyncset.done $0x0  }
0x91: {  	[sflag:s17] =	ssyncadd.s32 $0xFFFFFFB0  }
0x92: {  	_ =	swait.ge [sflag:s17], $0x50  }
0x93: {  	[sflag:s17] =	ssyncset.done $0x0  }
0x94: {  	[sflag:s17] =	ssyncadd.s32 $0xFFFFFFB0  }
0x95: {  	[tilespmem:s18], [sflag:$0x7] =	stream.indirect.gather [hbm4b:s4+s10], $0x80, s31, s10, $0xb8;
	[tilespmem:$0x1E000] =	vst v63  }
0x96: {  	_ =	swait.ge [sflag:s19], $0x2800  }
0x97: {  	[sflag:s19] =	ssyncset.done $0x0  }
0x98: {  	s26 =	simm.s32 $0x280;
	[sflag:s19] =	ssyncadd.s32 $0xFFFFD800  }
0x99: {  	[spmem:s1] =	stream.indirect.scatter.add.f32 [tilespmem:s12], [sflag:$0xA], $0x80, s26, s10, $0xb8;
	[tilespmem:$0x1E000] =	vst v63  }
0x9a: {  	s30 =	smov.u32 s6;
	_ =	swait.ge [sflag:s20], $0x2800  }
0x9b: {  	s30 =	simm.s32 @p0 $0x0;
	s31 =	rddreg [dreg:$0x12]  }
0x9c: {  	s22 =	sadd.s32 s30, s31  }
0x9d: {  	[sflag:s20] =	ssyncset.done $0x0;
	s26 =	sshrl.u32 s22, $0x3  }
0x9e: {  	[sflag:s20] =	ssyncadd.s32 $0xFFFFD800;
	s23 =	sadd.s32 s5, s26  }
0x9f: {  	[tilespmem:s3], [sflag:$0x1] =	stream.linear.gather [hbm4b:s23+s3], $0x50, $0x38;
	[tilespmem:$0x1E000] =	vst v63  }
0xa0: {  	s31 =	sadd.s32 s7, s26  }
0xa1: {  	[tilespmem:s28], [sflag:$0x1] =	stream.linear.gather [hbm4b:s31+s3], $0x50, $0x38;
	[tilespmem:$0x1E000] =	vst v63  }
0xa2: {  	_ =	swait.ge [sflag:s21], $0x50  }
0xa3: {  	[sflag:s21] =	ssyncset.done $0x0  }
0xa4: {  	[sflag:s21] =	ssyncadd.s32 $0xFFFFFFB0  }
0xa5: {  	_ =	swait.ge [sflag:s21], $0x50  }
0xa6: {  	[sflag:s21] =	ssyncset.done $0x0  }
0xa7: {  	[sflag:s21] =	ssyncadd.s32 $0xFFFFFFB0  }
0xa8: {  	[tilespmem:s24], [sflag:$0x8] =	stream.indirect.gather [hbm4b:s4+s10], $0x80, s15, s10, $0xb8;
	[tilespmem:$0x1E000] =	vst v63  }
0xa9: {  	_ =	swait.ge [sflag:s25], $0x2800  }
0xaa: {  	[sflag:s25] =	ssyncset.done $0x0  }
0xab: {  	[sflag:s25] =	ssyncadd.s32 $0xFFFFD800  }
0xac: {  	[spmem:s1] =	stream.indirect.scatter.add.f32 [tilespmem:s18], [sflag:$0xB], $0x80, s0, s10, $0xb8;
	[tilespmem:$0x1E000] =	vst v63  }
0xad: {  	_ =	swait.ge [sflag:s13], $0x2800  }
0xae: {  	p0 =	seq.s32 s6, $0x2580;
	s22 =	rddreg [dreg:$0x13]  }
0xaf: {  	s22 =	sadd.s32 @!p0 s30, s22  }
0xb0: {  	s23 =	simm.s32 @!p0 $0x0;
	[sflag:s13] =	ssyncset.done $0x0;
	s22 =	sshrl.u32 @!p0 s22, $0x3  }
0xb1: {  	s31 =	simm.s32 @!p0 $0x80;
	[sflag:s13] =	ssyncadd.s32 $0xFFFFD800;
	s26 =	sadd.s32 @!p0 s5, s22  }
0xb2: {  	[tilespmem:s31], [sflag:$0x2] =	stream.linear.gather @!p0 [hbm4b:s26+s23], $0x50, $0x38;
	[tilespmem:$0x1E000] =	vst v63  }
0xb3: {  	s22 =	sadd.s32 @!p0 s7, s22;
	s26 =	simm.s32 @!p0 $0x280  }
0xb4: {  	[tilespmem:s26], [sflag:$0x2] =	stream.linear.gather @!p0 [hbm4b:s22+s23], $0x50, $0x38;
	[tilespmem:$0x1E000] =	vst v63  }
0xb5: {  	_ =	swait.ge [sflag:s9], $0x50  }
0xb6: {  	[sflag:s9] =	ssyncset.done $0x0  }
0xb7: {  	[sflag:s9] =	ssyncadd.s32 $0xFFFFFFB0  }
0xb8: {  	_ =	swait.ge [sflag:s9], $0x50  }
0xb9: {  	[sflag:s9] =	ssyncset.done $0x0  }
0xba: {  	[sflag:s9] =	ssyncadd.s32 $0xFFFFFFB0  }
0xbb: {  	[tilespmem:s2], [sflag:$0x5] =	stream.indirect.gather [hbm4b:s4+s10], $0x80, s3, s10, $0xb8;
	[tilespmem:$0x1E000] =	vst v63  }
0xbc: {  	_ =	swait.ge [sflag:s8], $0x2800  }
0xbd: {  	[sflag:s8] =	ssyncset.done $0x0  }
.Ltmp3:
0xbe: {  	[sflag:s8] =	ssyncadd.s32 $0xFFFFD800;
	(pc) =	sbr.rel @p0 .LBB2_6-.Ltmp3, $4  }
0xbf: {  	[spmem:s1] =	stream.indirect.scatter.add.f32 [tilespmem:s24], [sflag:$0xC], $0x80, s16, s10, $0xb8;
	[tilespmem:$0x1E000] =	vst v63  }
0xc0: {  	_ =	swait.ge [sflag:s29], $0x2800  }
0xc1: {  	[sflag:s29] =	ssyncset.done $0x0  }
0xc2: {  	s28 =	simm.s32 $0x300;
	s0 =	simm.s32 $0x100;
	[sflag:s29] =	ssyncadd.s32 $0xFFFFD800  }
0xc3: {  	s22 =	rddreg [dreg:$0x16]  }
0xc4: {  	s22 =	sadd.s32 s30, s22  }
0xc5: {  	s22 =	sshrl.u32 s22, $0x3  }
0xc6: {  	s23 =	sadd.s32 s5, s22  }
0xc7: {  	[tilespmem:s0], [sflag:$0x3] =	stream.linear.gather [hbm4b:s23+s3], $0x50, $0x38;
	[tilespmem:$0x1E000] =	vst v63  }
0xc8: {  	s22 =	sadd.s32 s7, s22  }
0xc9: {  	[tilespmem:s28], [sflag:$0x3] =	stream.linear.gather [hbm4b:s22+s3], $0x50, $0x38;
	[tilespmem:$0x1E000] =	vst v63  }
0xca: {  	_ =	swait.ge [sflag:s11], $0x50  }
0xcb: {  	[sflag:s11] =	ssyncset.done $0x0  }
.Ltmp4:
0xcc: {  	[sflag:s11] =	ssyncadd.s32 $0xFFFFFFB0;
	(pc) =	sbr.rel .LBB2_4-.Ltmp4, $4  }
0xcd: {  	s6 =	sadd.s32 $0x140, s6;
	_ =	swait.ge [sflag:s11], $0x50  }
0xce: {  	s31 =	simm.s32 $0x100;
	s30 =	simm.s32 $0x80;
	[sflag:s11] =	ssyncset.done $0x0  }
0xcf: {  	s0 =	simm.s32 $0x300;
	s28 =	simm.s32 $0x200;
	[sflag:s11] =	ssyncadd.s32 $0xFFFFFFB0  }
0xd0: {  	[tilespmem:s12], [sflag:$0x6] =	stream.indirect.gather [hbm4b:s4+s10], $0x80, s30, s10, $0xb8;
	[tilespmem:$0x1E000] =	vst v63  }
.LBB2_7:
0xd1: {  	_ =	sfence.sel $0x180000  }
0xd2: {  	[bflag:$0x0] =	sbarrier.arrive $0xFFFF  }
0xd3: {  	_ =	strace $0x9000004D  }
0xd4: {  	s0 =	stileid.u32;
	[bflag:$0x2] =	sbarrier.arrive $0xFFFF  }
0xd5: {  	p0 =	sne.s32 s0, $0x0;
	s0 =	rddreg [dreg:$0x2]  }
0xd6: {  	s0 =	sadd.s32 @!p0 $0x100000, s0  }
0xd7: {  	[sflag:s0] =	ssyncadd.tile.s32 @!p0 $0x1;
	_ =	shalt  }
.Lfunc_end2:
_tile_overlayer_lowered:
.L_overlay_start_2:
0xd8: {  	(tag) =	ssettag $0x2  }
0xd9: {  	s0 =	rddreg [dreg:$0x0];
	s2 =	stileid.u32  }
0xda: {  	s1 =	rddreg [dreg:$0x1];
	p0 =	sne.s32 s2, $0x0  }
0xdb: {  	s3 =	rddreg [dreg:$0x2];
	[bflag:$0x3] =	sbarrier.arrive $0xFFFF;
	s2 =	simm.s32 @!p0 $0x1C0D  }
0xdc: {  	[timem:s3], [sflag:s2] =	dma.local @!p0 [hbm:s0], s1  }
0xdd: {  	s0 =	simm.s32 @!p0 $0xD  }
0xde: {  	_ =	swait.ge @!p0 [sflag:s0], s1  }
0xdf: {  	s1 =	ssub.s32 @!p0 $0x0, s1;
	[sflag:s0] =	ssyncset.done @!p0 $0x0  }
0xe0: {  	[sflag:s0] =	ssyncadd.s32 @!p0 s1  }
0xe1: {  	[bflag:$0x3] =	sbarrier.arrive $0xFFFF  }
0xe2: {  	_ =	shalt  }

// kernel: kernel.8.cloned.1.call-start
scs
__scs_entry_jumppad:
0x0: {  	(pc) =	sbr.rel $0x88, $3  }
0x1: {  	(tag) =	ssettag $0x0;
	lr =	simm.s32 $0x1  }
0x2: {  	[smem:$0x3F88] =	sst lr;
	_ =	strace $0xD0000000  }
0x3: {  	_ = 	snop  }
0x4: {  	_ = 	snop  }
0x5: {  	_ = 	snop  }
0x6: {  	_ = 	snop  }
0x7: {  	_ = 	snop  }
__scs_overlays_trampoline_lowered:
0x8: {  	[smem:$0x3F97] =	sst s0  }
0x9: {  	[smem:$0x3F98] =	sst s1  }
0xa: {  	[smem:$0x3F99] =	sst s2  }
0xb: {  	[smem:$0x3F9A] =	sst s3  }
0xc: {  	[smem:$0x3F9B] =	sst s4  }
0xd: {  	[smem:$0x3F9C] =	sst s5  }
0xe: {  	[smem:$0x3F9D] =	sst s6  }
0xf: {  	[smem:$0x3F9E] =	sst s7  }
0x10: {  	[smem:$0x3F9F] =	sst s8  }
0x11: {  	[smem:$0x3FA0] =	sst s9;
	s0 =	simm.s32 @!p0 $0x0  }
0x12: {  	s1 =	sld [smem:$0x3F86];
	s0 =	simm.s32 @p0 $0x1  }
0x13: {  	[smem:$0x3FA1] =	sst s0;
	s0 =	simm.s32 @!p1 $0x0  }
0x14: {  	s2 =	sld [smem:$0x3F85];
	s0 =	simm.s32 @p1 $0x1  }
0x15: {  	[smem:$0x3FA2] =	sst s0;
	s0 =	simm.s32 @!p2 $0x0  }
0x16: {  	s3 =	sld [smem:$0x3FDB];
	s0 =	simm.s32 @p2 $0x1  }
0x17: {  	s4 =	simm.s32 $0x1BF5;
	[smem:$0x3FA4] =	sst s0  }
0x18: {  	s0 =	sld [smem:$0x3F87];
	_ =	swait.ge [sflag:s4], $0x0  }
0x19: {  	s7 =	sld [smem:$0x3F88]  }
0x1a: {  	s8 =	sadd.s32 $0xFFFFE003, lr  }
0x1b: {  	s9 =	sadd.s32 $0xFFFFFEF7, lr;
	s5 =	simm.s32 $0xFFFFFFFF;
	p2 =	slt.u32 s8, $0xFFFFF086  }
0x1c: {  	p1 =	slt.u32 s9, $0xF7A;
	s5 =	simm.s32 @!p2 $0x0  }
0x1d: {  	s5 =	simm.s32 @p1 $0x1;
	p0 =	seq.s32 s7, s2  }
0x1e: {  	s7 =	smul.u32 @!p0 $0xF7A, s2;
	p2 =	seq.s32 @!p0 s5, $0x0  }
0x1f: {  	s9 =	smul.u32 $0xF7A, s1;
	s8 =	simm.s32 @!p0 $0x1BF5;
	p2 =	por !p2, p0  }
0x20: {  	[sflag:s8] =	ssyncset.s32 @!p0 $0xFFFFF086;
	s6 =	sadd.s32 @!p0 s3, s7;
	s7 =	simm.s32 @!p0 $0x108  }
0x21: {  	s3 =	sadd.s32 s3, s9;
	s6 =	sadd.s32 @!p0 $0x88, s6;
	s7 =	simm.s32 @p2 $0x1082  }
0x22: {  	[simem:s7], [sflag:s8] =	dma.local @!p0 [hbm:s6], $0xF7A  }
0x23: {  	s9 =	sor.u32 $0xD0000000, s2;
	s6 =	simm.s32 $0x108;
	_ =	swait.ge @!p0 [sflag:s8], $0x0  }
0x24: {  	s3 =	sadd.s32 $0x88, s3;
	s6 =	simm.s32 @!p1 $0x1082;
	[sflag:s4] =	ssyncset.s32 $0xFFFFF086  }
0x25: {  	[simem:s6], [sflag:s4] =	dma.local [hbm:s3], $0xF7A  }
0x26: {  	[smem:$0x3F88] =	sst s1;
	(tag) =	ssettag s2;
	_ =	strace s9  }
0x27: {  	s1 =	sld [smem:$0x3F98]  }
0x28: {  	s2 =	sld [smem:$0x3F99]  }
0x29: {  	s4 =	sld [smem:$0x3F9B]  }
0x2a: {  	p0 =	seq.s32 s5, $0x0;
	s5 =	sld [smem:$0x3F9C]  }
0x2b: {  	s6 =	sld [smem:$0x3F9D]  }
0x2c: {  	s7 =	sld [smem:$0x3F9E]  }
0x2d: {  	s3 =	simm.s32 $0x108;
	s8 =	sld [smem:$0x3F9F]  }
0x2e: {  	s3 =	simm.s32 @!p0 $0x1082;
	s9 =	sld [smem:$0x3FA0]  }
0x2f: {  	lr =	sadd.s32 s0, s3;
	s0 =	sld [smem:$0x3F97]  }
0x30: {  	s3 =	sld [smem:$0x3F9A]  }
0x31: {  	[smem:$0x3FA3] =	sst s10  }
0x32: {  	s10 =	sld [smem:$0x3FA1];
	_ =	sdelay $0x3  }
0x33: {  	p0 =	seq.s32 s10, $0x1;
	s10 =	sld [smem:$0x3FA3];
	_ =	sdelay $0x3  }
0x34: {  	[smem:$0x3FA3] =	sst s10  }
0x35: {  	s10 =	sld [smem:$0x3FA2];
	_ =	sdelay $0x3  }
0x36: {  	p1 =	seq.s32 s10, $0x1;
	s10 =	sld [smem:$0x3FA3];
	_ =	sdelay $0x3  }
0x37: {  	[smem:$0x3FA3] =	sst s10  }
0x38: {  	s10 =	sld [smem:$0x3FA4]  }
0x39: {  	_ = 	snop;
	(pc) =	sbr.ind lr, $3  }
0x3a: {  	_ = 	snop  }
0x3b: {  	_ = 	snop  }
0x3c: {  	p2 =	seq.s32 s10, $0x1;
	s10 =	sld [smem:$0x3FA3]  }
0x3d: {  	_ =	shalt  }
0x3e: {  	_ =	shalt  }
0x3f: {  	_ =	shalt  }
0x40: {  	_ =	shalt  }
0x41: {  	_ =	shalt  }
0x42: {  	_ =	shalt  }
0x43: {  	_ =	shalt  }
0x44: {  	_ =	shalt  }
0x45: {  	_ =	shalt  }
0x46: {  	_ =	shalt  }
0x47: {  	_ =	shalt  }
0x48: {  	_ =	shalt  }
0x49: {  	_ =	shalt  }
0x4a: {  	_ =	shalt  }
0x4b: {  	_ =	shalt  }
0x4c: {  	_ =	shalt  }
0x4d: {  	_ =	shalt  }
0x4e: {  	_ =	shalt  }
0x4f: {  	_ =	shalt  }
0x50: {  	_ =	shalt  }
0x51: {  	_ =	shalt  }
0x52: {  	_ =	shalt  }
0x53: {  	_ =	shalt  }
0x54: {  	_ =	shalt  }
0x55: {  	_ =	shalt  }
0x56: {  	_ =	shalt  }
0x57: {  	_ =	shalt  }
0x58: {  	_ =	shalt  }
0x59: {  	_ =	shalt  }
0x5a: {  	_ =	shalt  }
0x5b: {  	_ =	shalt  }
0x5c: {  	_ =	shalt  }
0x5d: {  	_ =	shalt  }
0x5e: {  	_ =	shalt  }
0x5f: {  	_ =	shalt  }
0x60: {  	_ =	shalt  }
0x61: {  	_ =	shalt  }
0x62: {  	_ =	shalt  }
0x63: {  	_ =	shalt  }
0x64: {  	_ =	shalt  }
0x65: {  	_ =	shalt  }
0x66: {  	_ =	shalt  }
0x67: {  	_ =	shalt  }
0x68: {  	_ =	shalt  }
0x69: {  	_ =	shalt  }
0x6a: {  	_ =	shalt  }
0x6b: {  	_ =	shalt  }
0x6c: {  	_ =	shalt  }
0x6d: {  	_ =	shalt  }
0x6e: {  	_ =	shalt  }
0x6f: {  	_ =	shalt  }
0x70: {  	_ =	shalt  }
0x71: {  	_ =	shalt  }
0x72: {  	_ =	shalt  }
0x73: {  	_ =	shalt  }
0x74: {  	_ =	shalt  }
0x75: {  	_ =	shalt  }
0x76: {  	_ =	shalt  }
0x77: {  	_ =	shalt  }
0x78: {  	_ =	shalt  }
0x79: {  	_ =	shalt  }
0x7a: {  	_ =	shalt  }
0x7b: {  	_ =	shalt  }
0x7c: {  	_ =	shalt  }
0x7d: {  	_ =	shalt  }
0x7e: {  	_ =	shalt  }
0x7f: {  	_ =	shalt  }
0x80: {  	_ =	shalt  }
0x81: {  	_ =	shalt  }
0x82: {  	_ =	shalt  }
0x83: {  	_ =	shalt  }
0x84: {  	_ =	shalt  }
0x85: {  	_ =	shalt  }
0x86: {  	_ =	shalt  }
0x87: {  	_ =	shalt  }
.Lfunc_end0:
.L_simem_size_0:
called_computation_lowered:
.L_overlay_start_0:
0x88: {  	s2 =	sld [smem:$0x3FD9]  }
0x89: {  	s3 =	sld [smem:$0x3FFE];
	_ =	sdelay $0x1  }
0x8a: {  	s1 =	srdreg.scid  }
0x8b: {  	s0 =	sand.u32 $0x1, s1  }
0x8c: {  	s17 =	sshll.u32 s0, $0xA;
	s2 =	sadd.s32 s3, s2  }
0x8d: {  	s2 =	sadd.s32 s2, s17  }
0x8e: {  	[smem:$0x3FAF] =	sst s2  }
0x8f: {  	_ = 	snop  }
0x90: {  	s2 =	sld [smem:$0x3FC6]  }
0x91: {  	s18 =	sld [smem:$0x3FB1]  }
0x92: {  	s4 =	sld [smem:$0x3FD0];
	(tm) =	ssettm $0x1  }
0x93: {  	s5 =	sld [smem:$0x3FFB];
	_ =	sdelay $0x3  }
0x94: {  	_ =	strace s5  }
0x95: {  	s5 =	sld [smem:$0x3FFC];
	_ =	sdelay $0x3  }
0x96: {  	_ =	strace s5  }
0x97: {  	s5 =	sld [smem:$0x3FFD];
	_ =	sdelay $0x3  }
0x98: {  	_ =	strace s5  }
0x99: {  	_ =	strace $0x8FFFFFFF  }
0x9a: {  	s19 =	sld [smem:$0x3FDB];
	_ =	sdelay $0x1  }
0x9b: {  	s6 =	simm.s32 $_scs_section_size  }
0x9c: {  	s7 =	simm.s32 $_size__tile_overlayer_lowered;
	s8 =	simm.s32 $_tile_overlayer_lowered  }
0x9d: {  	s22 =	simm.s32 $0x1BFF;
	s21 =	sshll.u32 s8, $0x1;
	s5 =	sadd.s32 s6, s19  }
0x9e: {  	s9 =	simm.s32 $0x0;
	s20 =	sshll.u32 s7, $0x1;
	s7 =	sadd.s32 s21, s5  }
0x9f: {  	[timem:s9], [sflag:s22] =	dma.local [hbm:s7], s20  }
0xa0: {  	_ =	swait.ge [sflag:s22], s20  }
0xa1: {  	s6 =	ssub.s32 $0x0, s20;
	[sflag:s22] =	ssyncset.done $0x0  }
0xa2: {  	[sflag:s22] =	ssyncadd.s32 s6;
	_ =	sdelay $0x1  }
0xa3: {  	s23 =	simm.s32 $0x1B8B  }
0xa4: {  	_ =	swait.ge [sflag:s23], $0x1  }
0xa5: {  	[sflag:s23] =	ssyncset.done $0x0  }
0xa6: {  	s25 =	simm.s32 $0x1B8E;
	s24 =	sld [smem:$0x3FFE];
	[sflag:s23] =	ssyncadd.s32 $0xFFFFFFFF  }
0xa7: {  	s26 =	simm.s32 $execute0_lowered;
	[smem:$0x3FD2] =	sst s25  }
0xa8: {  	s7 =	sshll.u32 s26, $0x1;
	_ =	strace $0x80000046;
	[dreg:$0x1] =	wrdreg $0xFFFFFFFF  }
0xa9: {  	s28 =	simm.s32 $_size_execute0_lowered;
	s5 =	sadd.s32 s5, s7;
	[dreg:$0x0] =	wrdreg $0x0  }
0xaa: {  	s7 =	sshll.u32 s28, $0x1;
	[dreg:$0x2] =	wrdreg s5  }
0xab: {  	[dreg:$0x3] =	wrdreg s7  }
0xac: {  	[dreg:$0x4] =	wrdreg $0xC0  }
0xad: {  	_ =	task [dreg:s9], $0x5FFFF  }
0xae: {  	[dreg:$0x1] =	wrdreg $0xFFFFFFFF  }
0xaf: {  	[dreg:$0x0] =	wrdreg $0x60  }
0xb0: {  	[dreg:$0x2] =	wrdreg s2  }
0xb1: {  	[dreg:$0x3] =	wrdreg s18  }
0xb2: {  	[dreg:$0x4] =	wrdreg s24  }
0xb3: {  	[dreg:$0x5] =	wrdreg s4  }
0xb4: {  	[dreg:$0x6] =	wrdreg $0x9  }
0xb5: {  	_ =	task.clear_ibuf [dreg:s9], $0x7FFFF;
	_ =	strace $0x90000046  }
0xb6: {  	s29 =	simm.s32 $0x9;
	_ =	strace $0x80000048  }
0xb7: {  	_ =	swait.ge [sflag:s29], $0x1  }
0xb8: {  	[sflag:s29] =	ssyncadd.s32 $0xFFFFFFFF  }
0xb9: {  	_ =	strace $0x90000048  }
0xba: {  	_ =	sfence  }
0xbb: {  	s30 =	sld [smem:$0x0];
	_ =	sdelay $0x2  }
0xbc: {  	s31 =	sshll.u32 s1, $0xD;
	s1 =	sshrl.u32 s1, $0x2  }
0xbd: {  	s3 =	sand.u32 $0x4000, s31;
	s1 =	sadd.s32 s1, s30  }
0xbe: {  	s0 =	sor.u32 s3, s0;
	s1 =	sshll.u32 s1, $0x11  }
0xbf: {  	s0 =	sor.u32 s1, s0  }
0xc0: {  	s0 =	sadd.s32 $0x8F2B, s0  }
0xc1: {  	[sflag:s0] =	ssyncadd.remote.s32 $0x1  }
0xc2: {  	_ =	sfence.sel $0xFFFF  }
0xc3: {  	[dreg:$0x0] =	wrdreg $0xFFFFFFFF;
	(pc) =	sbr.abs _section_cstart, $3  }
0xc4: {  	[dreg:$0x1] =	wrdreg $0xFFFFFFFF  }
0xc5: {  	_ =	task.clear_ibuf [dreg:s9], $0x2FFFF;
	_ =	strace $0x9FFFFFFF  }
0xc6: {  	(tm) =	ssettm $0x7FFFFFFF  }
0xc7: {  	_ =	shalt  }
tec
execute0_lowered:
.L_overlay_start_1:
0x0: {  	(tag) =	ssettag $0x1  }
0x1: {  	s1 =	rddreg [dreg:$0x0]  }
0x2: {  	s2 =	rddreg [dreg:$0x1]  }
0x3: {  	s0 =	rddreg [dreg:$0x2]  }
0x4: {  	s3 =	rddreg [dreg:$0x3]  }
0x5: {  	s4 =	srdreg.scid;
	s7 =	stileid.u32  }
0x6: {  	s19 =	simm.s32 $0x5;
	s21 =	simm.s32 $0x6;
	s28 =	simm.s32 $0x1  }
0x7: {  	s29 =	simm.s32 $0x2;
	s30 =	simm.s32 $0x3;
	s31 =	simm.s32 $0x0  }
0x8: {  	s5 =	sand.u32 $0x1, s4;
	s4 =	simm.s32 $0x0;
	s11 =	sadd.s32 $0x3000, s0  }
0x9: {  	s0 =	sadd.s32 $0x2A00, s0;
	s6 =	sshll.u32 s5, $0x4;
	s5 =	ssub.s32 $0x2, s5  }
0xa: {  	[smem:$0x7FF] =	sst s4;
	s18 =	sor.u32 s7, s6;
	s22 =	sshrl.u32 s5, $0x1  }
0xb: {  	_ =	strace $0x80000047;
	s9 =	smul.u32 $0x140, s18;
	s16 =	ssub.s32 s5, s22  }
0xc: {  	s14 =	smul.u32 $0x1400, s18;
	p0 =	seq.s32 s18, $0x1F;
	s16 =	smax.u32 s16, $0x1  }
0xd: {  	s13 =	sadd.s32 $0x50, s9;
	s23 =	sshrl.u32 s9, $0x3;
	s15 =	sadd.s32 $0xA0, s9  }
0xe: {  	s17 =	sadd.s32 $0xF0, s9;
	s5 =	sadd.s32 s11, s23;
	s8 =	sshrl.u32 s13, $0x3  }
0xf: {  	s6 =	sadd.s32 s0, s23;
	s10 =	sshrl.u32 s15, $0x3;
	s12 =	sshrl.u32 s17, $0x3  }
0x10: {  	s24 =	sshll.u32 s13, $0x4;
	s13 =	sadd.s32 s3, s14;
	s25 =	sshll.u32 s15, $0x4  }
.Ltmp0:
0x11: {  	s26 =	sshll.u32 s17, $0x4;
	s7 =	sadd.s32 s11, s8;
	(pc) =	sbr.rel .LBB2_1-.Ltmp0, $4  }
0x12: {  	s8 =	sadd.s32 s0, s8;
	s9 =	sadd.s32 s11, s10;
	s10 =	sadd.s32 s0, s10  }
0x13: {  	s11 =	sadd.s32 s11, s12;
	s12 =	sadd.s32 s0, s12;
	s0 =	sadd.s32 s3, s24  }
0x14: {  	s23 =	simm.s32 $0x7;
	[dreg:$0x5] =	wrdreg s0;
	s0 =	sadd.s32 s3, s25  }
0x15: {  	s17 =	sadd.s32 s3, s26;
	s25 =	simm.s32 $0x8;
	[dreg:$0x6] =	wrdreg s0  }
.LBB2_10:
0x16: {  	[tilespmem:s0+$0x7C00] =	vst v12;
	v5 =	vadd.f32 v5, v10;
	v63 =	vld [tilespmem:s0+$0x7C70]  }
0x17: {  	[tilespmem:s0+$0x7C10] =	vst v11;
	v4 =	vadd.f32 v4, v9  }
0x18: {  	v3 =	vadd.f32 v3, v8;
	[tilespmem:s0+$0x7C20] =	vst v5  }
0x19: {  	v2 =	vadd.f32 v2, v6;
	[tilespmem:s0+$0x7C30] =	vst v4  }
0x1a: {  	v1 =	vadd.f32 v1, v7;
	[tilespmem:s0+$0x7C40] =	vst v3  }
0x1b: {  	[tilespmem:s0+$0x7C50] =	vst v2;
	v0 =	vadd.f32 v0, v63  }
0x1c: {  	[tilespmem:s0+$0x7C60] =	vst v1  }
0x1d: {  	s26 =	simm.s32 $0x7C00;
	[tilespmem:s0+$0x7C70] =	vst v0  }
0x1e: {  	[hbm4b:s17+s4] =	stream.linear.scatter [tilespmem:s26], [sflag:$0x4], $0x2800, $0x38;
	[tilespmem:$0x14400] =	vst v63  }
0x1f: {  	_ =	swait.ge [sflag:s28], $0x2800  }
0x20: {  	[sflag:s28] =	ssyncset.done $0x0  }
0x21: {  	[sflag:s28] =	ssyncadd.s32 $0xFFFFD800  }
0x22: {  	_ =	swait.ge [sflag:s29], $0x2800  }
0x23: {  	[sflag:s29] =	ssyncset.done $0x0  }
0x24: {  	[sflag:s29] =	ssyncadd.s32 $0xFFFFD800  }
0x25: {  	_ =	swait.ge [sflag:s30], $0x2800  }
0x26: {  	[sflag:s30] =	ssyncset.done $0x0  }
0x27: {  	s0 =	simm.s32 $0x4;
	[sflag:s30] =	ssyncadd.s32 $0xFFFFD800  }
.LBB2_11:
0x28: {  	s31 =	sadd.s32 $0x1, s31  }
0x29: {  	p1 =	sne.s32 s31, s16  }
.Ltmp1:
0x2a: {  	_ = 	snop;
	(pc) =	sbr.rel @!p1 .LBB2_12-.Ltmp1, $4  }
0x2b: {  	_ = 	snop  }
0x2c: {  	_ =	swait.ge [sflag:s0], $0x2800  }
0x2d: {  	[sflag:s0] =	ssyncset.done $0x0  }
0x2e: {  	[sflag:s0] =	ssyncadd.s32 $0xFFFFD800  }
.LBB2_1:
0x2f: {  	[tilespmem:s4], [sflag:$0x1] =	stream.linear.gather [hbm4b:s5+s4], $0x50, $0x38;
	[tilespmem:$0x14400] =	vst v63  }
0x30: {  	s0 =	simm.s32 $0x200  }
0x31: {  	[tilespmem:s0], [sflag:$0x1] =	stream.linear.gather [hbm4b:s6+s4], $0x50, $0x38;
	[tilespmem:$0x14400] =	vst v63  }
0x32: {  	s0 =	simm.s32 @p0 $0x1  }
0x33: {  	_ =	swait.ge @p0 [sflag:s0], $0x50  }
0x34: {  	[sflag:s0] =	ssyncset.done @p0 $0x0  }
0x35: {  	[sflag:s0] =	ssyncadd.s32 @p0 $0xFFFFFFB0  }
0x36: {  	_ =	swait.ge @p0 [sflag:s0], $0x50  }
0x37: {  	s3 =	simm.s32 @p0 $0x0;
	[sflag:s0] =	ssyncset.done @p0 $0x0  }
0x38: {  	s22 =	simm.s32 @p0 $0x400;
	[sflag:s0] =	ssyncadd.s32 @p0 $0xFFFFFFB0;
	s0 =	simm.s32 @p0 $0x50  }
0x39: {  	[tilespmem:s22], [sflag:$0x5] =	stream.indirect.gather @p0 [hbm4b:s1+s0], $0x80, s3, s0, $0xb8;
	[tilespmem:$0x14400] =	vst v63  }
0x3a: {  	s3 =	simm.s32 @p0 $0x200;
	s22 =	simm.s32 @p0 $0xA400  }
0x3b: {  	[tilespmem:s22], [sflag:$0x5] =	stream.indirect.gather @p0 [hbm4b:s2+s0], $0x80, s3, s0, $0xb8;
	[tilespmem:$0x14400] =	vst v63  }
0x3c: {  	s0 =	simm.s32 @!p0 $0x0;
	s3 =	simm.s32 @!p0 $0x80  }
0x3d: {  	[tilespmem:s3], [sflag:$0x2] =	stream.linear.gather @!p0 [hbm4b:s7+s0], $0x50, $0x38;
	[tilespmem:$0x14400] =	vst v63  }
0x3e: {  	s22 =	simm.s32 @!p0 $0x280  }
0x3f: {  	[tilespmem:s22], [sflag:$0x2] =	stream.linear.gather @!p0 [hbm4b:s8+s0], $0x50, $0x38;
	[tilespmem:$0x14400] =	vst v63  }
0x40: {  	s24 =	simm.s32 @!p0 $0x100  }
0x41: {  	[tilespmem:s24], [sflag:$0x3] =	stream.linear.gather @!p0 [hbm4b:s9+s0], $0x50, $0x38;
	[tilespmem:$0x14400] =	vst v63  }
0x42: {  	s26 =	simm.s32 @!p0 $0x300  }
0x43: {  	[tilespmem:s26], [sflag:$0x3] =	stream.linear.gather @!p0 [hbm4b:s10+s0], $0x50, $0x38;
	[tilespmem:$0x14400] =	vst v63  }
0x44: {  	s18 =	simm.s32 @!p0 $0x180  }
0x45: {  	[tilespmem:s18], [sflag:$0x4] =	stream.linear.gather @!p0 [hbm4b:s11+s0], $0x50, $0x38;
	[tilespmem:$0x14400] =	vst v63  }
0x46: {  	s20 =	simm.s32 @!p0 $0x380;
	s14 =	simm.s32 @!p0 $0x1  }
0x47: {  	[tilespmem:s20], [sflag:$0x4] =	stream.linear.gather @!p0 [hbm4b:s12+s0], $0x50, $0x38;
	[tilespmem:$0x14400] =	vst v63  }
0x48: {  	_ =	swait.ge @!p0 [sflag:s14], $0x50  }
0x49: {  	[sflag:s14] =	ssyncset.done @!p0 $0x0  }
0x4a: {  	[sflag:s14] =	ssyncadd.s32 @!p0 $0xFFFFFFB0  }
0x4b: {  	_ =	swait.ge @!p0 [sflag:s14], $0x50  }
0x4c: {  	[sflag:s14] =	ssyncset.done @!p0 $0x0  }
0x4d: {  	s15 =	simm.s32 @!p0 $0x400;
	[sflag:s14] =	ssyncadd.s32 @!p0 $0xFFFFFFB0;
	s14 =	simm.s32 @!p0 $0x50  }
0x4e: {  	[tilespmem:s15], [sflag:$0x5] =	stream.indirect.gather @!p0 [hbm4b:s1+s14], $0x80, s0, s14, $0xb8;
	[tilespmem:$0x14400] =	vst v63  }
0x4f: {  	s0 =	simm.s32 @!p0 $0x200;
	s15 =	simm.s32 @!p0 $0xA400  }
0x50: {  	[tilespmem:s15], [sflag:$0x5] =	stream.indirect.gather @!p0 [hbm4b:s2+s14], $0x80, s0, s14, $0xb8;
	[tilespmem:$0x14400] =	vst v63  }
0x51: {  	s0 =	simm.s32 @!p0 $0x2  }
0x52: {  	_ =	swait.ge @!p0 [sflag:s0], $0x50  }
0x53: {  	[sflag:s0] =	ssyncset.done @!p0 $0x0  }
0x54: {  	[sflag:s0] =	ssyncadd.s32 @!p0 $0xFFFFFFB0  }
0x55: {  	_ =	swait.ge @!p0 [sflag:s0], $0x50  }
0x56: {  	[sflag:s0] =	ssyncset.done @!p0 $0x0  }
0x57: {  	[sflag:s0] =	ssyncadd.s32 @!p0 $0xFFFFFFB0;
	s0 =	simm.s32 @!p0 $0x2C00  }
0x58: {  	[tilespmem:s0], [sflag:$0x6] =	stream.indirect.gather @!p0 [hbm4b:s1+s14], $0x80, s3, s14, $0xb8;
	[tilespmem:$0x14400] =	vst v63  }
0x59: {  	s0 =	simm.s32 @!p0 $0xCC00  }
0x5a: {  	[tilespmem:s0], [sflag:$0x6] =	stream.indirect.gather @!p0 [hbm4b:s2+s14], $0x80, s22, s14, $0xb8;
	[tilespmem:$0x14400] =	vst v63  }
0x5b: {  	s0 =	simm.s32 @!p0 $0x3  }
0x5c: {  	_ =	swait.ge @!p0 [sflag:s0], $0x50  }
0x5d: {  	[sflag:s0] =	ssyncset.done @!p0 $0x0  }
0x5e: {  	[sflag:s0] =	ssyncadd.s32 @!p0 $0xFFFFFFB0  }
0x5f: {  	_ =	swait.ge @!p0 [sflag:s0], $0x50  }
0x60: {  	[sflag:s0] =	ssyncset.done @!p0 $0x0  }
0x61: {  	[sflag:s0] =	ssyncadd.s32 @!p0 $0xFFFFFFB0;
	s0 =	simm.s32 @!p0 $0x5400  }
0x62: {  	[tilespmem:s0], [sflag:$0x7] =	stream.indirect.gather @!p0 [hbm4b:s1+s14], $0x80, s24, s14, $0xb8;
	[tilespmem:$0x14400] =	vst v63  }
0x63: {  	s0 =	simm.s32 @!p0 $0xF400  }
0x64: {  	[tilespmem:s0], [sflag:$0x7] =	stream.indirect.gather @!p0 [hbm4b:s2+s14], $0x80, s26, s14, $0xb8;
	[tilespmem:$0x14400] =	vst v63  }
0x65: {  	s0 =	simm.s32 @!p0 $0x4  }
0x66: {  	_ =	swait.ge @!p0 [sflag:s0], $0x50  }
0x67: {  	[sflag:s0] =	ssyncset.done @!p0 $0x0  }
0x68: {  	[sflag:s0] =	ssyncadd.s32 @!p0 $0xFFFFFFB0  }
0x69: {  	_ =	swait.ge @!p0 [sflag:s0], $0x50  }
0x6a: {  	[sflag:s0] =	ssyncset.done @!p0 $0x0  }
0x6b: {  	[sflag:s0] =	ssyncadd.s32 @!p0 $0xFFFFFFB0;
	s0 =	simm.s32 @!p0 $0x7C00  }
0x6c: {  	[tilespmem:s0], [sflag:$0x8] =	stream.indirect.gather @!p0 [hbm4b:s1+s14], $0x80, s18, s14, $0xb8;
	[tilespmem:$0x14400] =	vst v63  }
0x6d: {  	s0 =	simm.s32 @!p0 $0x11C00  }
0x6e: {  	[tilespmem:s0], [sflag:$0x8] =	stream.indirect.gather @!p0 [hbm4b:s2+s14], $0x80, s20, s14, $0xb8;
	[tilespmem:$0x14400] =	vst v63  }
0x6f: {  	_ =	swait.ge [sflag:s19], $0x2800  }
0x70: {  	[sflag:s19] =	ssyncset.done $0x0  }
0x71: {  	[sflag:s19] =	ssyncadd.s32 $0xFFFFD800  }
0x72: {  	_ =	swait.ge [sflag:s19], $0x2800  }
0x73: {  	[sflag:s19] =	ssyncset.done $0x0  }
0x74: {  	s0 =	simm.s32 $0x0;
	[sflag:s19] =	ssyncadd.s32 $0xFFFFD800  }
0x75: {  	v7 =	vld [tilespmem:s0+$0xA400]  }
0x76: {  	v11 =	vld [tilespmem:s0+$0xA410]  }
0x77: {  	v5 =	vld [tilespmem:s0+$0xA420]  }
0x78: {  	v4 =	vld [tilespmem:s0+$0xA430]  }
0x79: {  	v3 =	vld [tilespmem:s0+$0xA440]  }
0x7a: {  	v2 =	vld [tilespmem:s0+$0xA450]  }
0x7b: {  	v1 =	vld [tilespmem:s0+$0xA460]  }
0x7c: {  	v0 =	vld [tilespmem:s0+$0xA470]  }
0x7d: {  	v12 =	vld [tilespmem:s0+$0x400]  }
0x7e: {  	v13 =	vld [tilespmem:s0+$0x410]  }
0x7f: {  	v10 =	vld [tilespmem:s0+$0x420]  }
0x80: {  	v9 =	vld [tilespmem:s0+$0x430]  }
0x81: {  	v8 =	vld [tilespmem:s0+$0x440]  }
0x82: {  	v6 =	vld [tilespmem:s0+$0x450];
	v12 =	vadd.f32 v7, v12  }
0x83: {  	s3 =	simm.s32 $0x200;
	v11 =	vadd.f32 v11, v13;
	v7 =	vld [tilespmem:s0+$0x460]  }
.LBB2_2:
0x84: {  	s14 =	sshra.s32 s3, $0x2;
	p1 =	sne.s32 s3, $0x9E00;
	[tilespmem:s0+$0x400] =	vst v12;
	v5 =	vadd.f32 v5, v10;
	v10 =	vld [tilespmem:s0+$0x470]  }
0x85: {  	v12 =	vld [tilespmem:s14+$0xA400];
	[tilespmem:s0+$0x410] =	vst v11;
	v4 =	vadd.f32 v4, v9  }
0x86: {  	v11 =	vld [tilespmem:s14+$0xA410];
	[tilespmem:s0+$0x420] =	vst v5;
	v3 =	vadd.f32 v3, v8  }
0x87: {  	v5 =	vld [tilespmem:s14+$0xA420];
	[tilespmem:s0+$0x430] =	vst v4;
	v2 =	vadd.f32 v2, v6  }
0x88: {  	v4 =	vld [tilespmem:s14+$0xA430];
	[tilespmem:s0+$0x440] =	vst v3;
	v1 =	vadd.f32 v1, v7  }
0x89: {  	v3 =	vld [tilespmem:s14+$0xA440];
	[tilespmem:s0+$0x450] =	vst v2;
	v0 =	vadd.f32 v0, v10  }
0x8a: {  	v2 =	vld [tilespmem:s14+$0xA450];
	[tilespmem:s0+$0x460] =	vst v1  }
0x8b: {  	v1 =	vld [tilespmem:s14+$0xA460];
	[tilespmem:s0+$0x470] =	vst v0;
	s0 =	smov.u32 s14  }
0x8c: {  	v0 =	vld [tilespmem:s0+$0xA470]  }
0x8d: {  	v6 =	vld [tilespmem:s0+$0x400]  }
0x8e: {  	v7 =	vld [tilespmem:s0+$0x410]  }
.Ltmp2:
0x8f: {  	v10 =	vld [tilespmem:s0+$0x420];
	(pc) =	sbr.rel @p1 .LBB2_2-.Ltmp2, $4  }
0x90: {  	v9 =	vld [tilespmem:s0+$0x430]  }
0x91: {  	v8 =	vld [tilespmem:s0+$0x440]  }
0x92: {  	v12 =	vadd.f32 v12, v6;
	v6 =	vld [tilespmem:s0+$0x450]  }
0x93: {  	s3 =	sadd.s32 $0x200, s3;
	v11 =	vadd.f32 v11, v7;
	v7 =	vld [tilespmem:s0+$0x460]  }
0x94: {  	[tilespmem:s0+$0x400] =	vst v12;
	v5 =	vadd.f32 v5, v10;
	v63 =	vld [tilespmem:s0+$0x470]  }
0x95: {  	[tilespmem:s0+$0x410] =	vst v11;
	v4 =	vadd.f32 v4, v9  }
0x96: {  	[tilespmem:s0+$0x420] =	vst v5;
	v3 =	vadd.f32 v3, v8  }
0x97: {  	[tilespmem:s0+$0x430] =	vst v4;
	v2 =	vadd.f32 v2, v6  }
.Ltmp3:
0x98: {  	[tilespmem:s0+$0x440] =	vst v3;
	v1 =	vadd.f32 v1, v7;
	(pc) =	sbr.rel @p0 .LBB2_11-.Ltmp3, $4  }
0x99: {  	[tilespmem:s0+$0x450] =	vst v2;
	v0 =	vadd.f32 v0, v63  }
0x9a: {  	[tilespmem:s0+$0x460] =	vst v1  }
0x9b: {  	s26 =	simm.s32 $0x400;
	[tilespmem:s0+$0x470] =	vst v0;
	s0 =	simm.s32 $0x1  }
0x9c: {  	[hbm4b:s13+s4] =	stream.linear.scatter [tilespmem:s26], [sflag:$0x1], $0x2800, $0x38;
	[tilespmem:$0x14400] =	vst v63  }
0x9d: {  	_ =	swait.ge [sflag:s21], $0x2800  }
0x9e: {  	[sflag:s21] =	ssyncset.done $0x0  }
0x9f: {  	[sflag:s21] =	ssyncadd.s32 $0xFFFFD800  }
0xa0: {  	_ =	swait.ge [sflag:s21], $0x2800  }
0xa1: {  	[sflag:s21] =	ssyncset.done $0x0  }
0xa2: {  	s0 =	simm.s32 $0x0;
	[sflag:s21] =	ssyncadd.s32 $0xFFFFD800  }
0xa3: {  	v7 =	vld [tilespmem:s0+$0xCC00]  }
0xa4: {  	v11 =	vld [tilespmem:s0+$0xCC10]  }
0xa5: {  	v5 =	vld [tilespmem:s0+$0xCC20]  }
0xa6: {  	v4 =	vld [tilespmem:s0+$0xCC30]  }
0xa7: {  	v3 =	vld [tilespmem:s0+$0xCC40]  }
0xa8: {  	v2 =	vld [tilespmem:s0+$0xCC50]  }
0xa9: {  	v1 =	vld [tilespmem:s0+$0xCC60]  }
0xaa: {  	v0 =	vld [tilespmem:s0+$0xCC70]  }
0xab: {  	v12 =	vld [tilespmem:s0+$0x2C00]  }
0xac: {  	v13 =	vld [tilespmem:s0+$0x2C10]  }
0xad: {  	v10 =	vld [tilespmem:s0+$0x2C20]  }
0xae: {  	v9 =	vld [tilespmem:s0+$0x2C30]  }
0xaf: {  	v8 =	vld [tilespmem:s0+$0x2C40]  }
0xb0: {  	v6 =	vld [tilespmem:s0+$0x2C50];
	v12 =	vadd.f32 v7, v12  }
0xb1: {  	s3 =	simm.s32 $0x200;
	v11 =	vadd.f32 v11, v13;
	v7 =	vld [tilespmem:s0+$0x2C60]  }
.LBB2_5:
0xb2: {  	s14 =	sshra.s32 s3, $0x2;
	p1 =	sne.s32 s3, $0x9E00;
	[tilespmem:s0+$0x2C00] =	vst v12;
	v5 =	vadd.f32 v5, v10;
	v10 =	vld [tilespmem:s0+$0x2C70]  }
0xb3: {  	v12 =	vld [tilespmem:s14+$0xCC00];
	[tilespmem:s0+$0x2C10] =	vst v11;
	v4 =	vadd.f32 v4, v9  }
0xb4: {  	v11 =	vld [tilespmem:s14+$0xCC10];
	[tilespmem:s0+$0x2C20] =	vst v5;
	v3 =	vadd.f32 v3, v8  }
0xb5: {  	v5 =	vld [tilespmem:s14+$0xCC20];
	[tilespmem:s0+$0x2C30] =	vst v4;
	v2 =	vadd.f32 v2, v6  }
0xb6: {  	v4 =	vld [tilespmem:s14+$0xCC30];
	[tilespmem:s0+$0x2C40] =	vst v3;
	v1 =	vadd.f32 v1, v7  }
0xb7: {  	v3 =	vld [tilespmem:s14+$0xCC40];
	[tilespmem:s0+$0x2C50] =	vst v2;
	v0 =	vadd.f32 v0, v10  }
0xb8: {  	v2 =	vld [tilespmem:s14+$0xCC50];
	[tilespmem:s0+$0x2C60] =	vst v1  }
0xb9: {  	v1 =	vld [tilespmem:s14+$0xCC60];
	[tilespmem:s0+$0x2C70] =	vst v0;
	s0 =	smov.u32 s14  }
0xba: {  	v0 =	vld [tilespmem:s0+$0xCC70]  }
0xbb: {  	v6 =	vld [tilespmem:s0+$0x2C00]  }
0xbc: {  	v7 =	vld [tilespmem:s0+$0x2C10]  }
.Ltmp4:
0xbd: {  	v10 =	vld [tilespmem:s0+$0x2C20];
	(pc) =	sbr.rel @p1 .LBB2_5-.Ltmp4, $4  }
0xbe: {  	v9 =	vld [tilespmem:s0+$0x2C30]  }
0xbf: {  	v8 =	vld [tilespmem:s0+$0x2C40]  }
0xc0: {  	v12 =	vadd.f32 v12, v6;
	v6 =	vld [tilespmem:s0+$0x2C50]  }
0xc1: {  	s3 =	sadd.s32 $0x200, s3;
	v11 =	vadd.f32 v11, v7;
	v7 =	vld [tilespmem:s0+$0x2C60]  }
0xc2: {  	[tilespmem:s0+$0x2C00] =	vst v12;
	v5 =	vadd.f32 v5, v10;
	v10 =	vld [tilespmem:s0+$0x2C70]  }
0xc3: {  	[tilespmem:s0+$0x2C10] =	vst v11;
	v4 =	vadd.f32 v4, v9  }
0xc4: {  	[tilespmem:s0+$0x2C20] =	vst v5;
	v3 =	vadd.f32 v3, v8  }
0xc5: {  	[tilespmem:s0+$0x2C30] =	vst v4;
	v2 =	vadd.f32 v2, v6  }
0xc6: {  	[tilespmem:s0+$0x2C40] =	vst v3;
	v1 =	vadd.f32 v1, v7  }
0xc7: {  	[tilespmem:s0+$0x2C50] =	vst v2;
	v0 =	vadd.f32 v0, v10  }
0xc8: {  	[tilespmem:s0+$0x2C60] =	vst v1  }
0xc9: {  	s26 =	simm.s32 $0x0;
	s3 =	rddreg [dreg:$0x5];
	s14 =	simm.s32 $0x2C00;
	[tilespmem:s0+$0x2C70] =	vst v0  }
0xca: {  	[hbm4b:s3+s26] =	stream.linear.scatter [tilespmem:s14], [sflag:$0x2], $0x2800, $0x38;
	[tilespmem:$0x14400] =	vst v63  }
0xcb: {  	_ =	swait.ge [sflag:s23], $0x2800  }
0xcc: {  	[sflag:s23] =	ssyncset.done $0x0  }
0xcd: {  	[sflag:s23] =	ssyncadd.s32 $0xFFFFD800  }
0xce: {  	_ =	swait.ge [sflag:s23], $0x2800  }
0xcf: {  	[sflag:s23] =	ssyncset.done $0x0  }
0xd0: {  	s0 =	simm.s32 $0x0;
	[sflag:s23] =	ssyncadd.s32 $0xFFFFD800  }
0xd1: {  	v7 =	vld [tilespmem:s0+$0xF400]  }
0xd2: {  	v11 =	vld [tilespmem:s0+$0xF410]  }
0xd3: {  	v5 =	vld [tilespmem:s0+$0xF420]  }
0xd4: {  	v4 =	vld [tilespmem:s0+$0xF430]  }
0xd5: {  	v3 =	vld [tilespmem:s0+$0xF440]  }
0xd6: {  	v2 =	vld [tilespmem:s0+$0xF450]  }
0xd7: {  	v1 =	vld [tilespmem:s0+$0xF460]  }
0xd8: {  	v0 =	vld [tilespmem:s0+$0xF470]  }
0xd9: {  	v12 =	vld [tilespmem:s0+$0x5400]  }
0xda: {  	v13 =	vld [tilespmem:s0+$0x5410]  }
0xdb: {  	v10 =	vld [tilespmem:s0+$0x5420]  }
0xdc: {  	v9 =	vld [tilespmem:s0+$0x5430]  }
0xdd: {  	v8 =	vld [tilespmem:s0+$0x5440]  }
0xde: {  	v6 =	vld [tilespmem:s0+$0x5450];
	v12 =	vadd.f32 v7, v12  }
0xdf: {  	s3 =	simm.s32 $0x200;
	v11 =	vadd.f32 v11, v13;
	v7 =	vld [tilespmem:s0+$0x5460]  }
.LBB2_7:
0xe0: {  	s14 =	sshra.s32 s3, $0x2;
	p1 =	sne.s32 s3, $0x9E00;
	[tilespmem:s0+$0x5400] =	vst v12;
	v5 =	vadd.f32 v5, v10;
	v10 =	vld [tilespmem:s0+$0x5470]  }
0xe1: {  	v12 =	vld [tilespmem:s14+$0xF400];
	[tilespmem:s0+$0x5410] =	vst v11;
	v4 =	vadd.f32 v4, v9  }
0xe2: {  	v11 =	vld [tilespmem:s14+$0xF410];
	[tilespmem:s0+$0x5420] =	vst v5;
	v3 =	vadd.f32 v3, v8  }
0xe3: {  	v5 =	vld [tilespmem:s14+$0xF420];
	[tilespmem:s0+$0x5430] =	vst v4;
	v2 =	vadd.f32 v2, v6  }
0xe4: {  	v4 =	vld [tilespmem:s14+$0xF430];
	[tilespmem:s0+$0x5440] =	vst v3;
	v1 =	vadd.f32 v1, v7  }
0xe5: {  	v3 =	vld [tilespmem:s14+$0xF440];
	[tilespmem:s0+$0x5450] =	vst v2;
	v0 =	vadd.f32 v0, v10  }
0xe6: {  	v2 =	vld [tilespmem:s14+$0xF450];
	[tilespmem:s0+$0x5460] =	vst v1  }
0xe7: {  	v1 =	vld [tilespmem:s14+$0xF460];
	[tilespmem:s0+$0x5470] =	vst v0;
	s0 =	smov.u32 s14  }
0xe8: {  	v0 =	vld [tilespmem:s0+$0xF470]  }
0xe9: {  	v6 =	vld [tilespmem:s0+$0x5400]  }
0xea: {  	v7 =	vld [tilespmem:s0+$0x5410]  }
.Ltmp5:
0xeb: {  	v10 =	vld [tilespmem:s0+$0x5420];
	(pc) =	sbr.rel @p1 .LBB2_7-.Ltmp5, $4  }
0xec: {  	v9 =	vld [tilespmem:s0+$0x5430]  }
0xed: {  	v8 =	vld [tilespmem:s0+$0x5440]  }
0xee: {  	v12 =	vadd.f32 v12, v6;
	v6 =	vld [tilespmem:s0+$0x5450]  }
0xef: {  	s3 =	sadd.s32 $0x200, s3;
	v11 =	vadd.f32 v11, v7;
	v7 =	vld [tilespmem:s0+$0x5460]  }
0xf0: {  	[tilespmem:s0+$0x5400] =	vst v12;
	v5 =	vadd.f32 v5, v10;
	v10 =	vld [tilespmem:s0+$0x5470]  }
0xf1: {  	[tilespmem:s0+$0x5410] =	vst v11;
	v4 =	vadd.f32 v4, v9  }
0xf2: {  	[tilespmem:s0+$0x5420] =	vst v5;
	v3 =	vadd.f32 v3, v8  }
0xf3: {  	[tilespmem:s0+$0x5430] =	vst v4;
	v2 =	vadd.f32 v2, v6  }
0xf4: {  	[tilespmem:s0+$0x5440] =	vst v3;
	v1 =	vadd.f32 v1, v7  }
0xf5: {  	[tilespmem:s0+$0x5450] =	vst v2;
	v0 =	vadd.f32 v0, v10  }
0xf6: {  	[tilespmem:s0+$0x5460] =	vst v1  }
0xf7: {  	s26 =	simm.s32 $0x0;
	s3 =	rddreg [dreg:$0x6];
	s14 =	simm.s32 $0x5400;
	[tilespmem:s0+$0x5470] =	vst v0  }
0xf8: {  	[hbm4b:s3+s26] =	stream.linear.scatter [tilespmem:s14], [sflag:$0x3], $0x2800, $0x38;
	[tilespmem:$0x14400] =	vst v63  }
0xf9: {  	_ =	swait.ge [sflag:s25], $0x2800  }
0xfa: {  	[sflag:s25] =	ssyncset.done $0x0  }
0xfb: {  	[sflag:s25] =	ssyncadd.s32 $0xFFFFD800  }
0xfc: {  	_ =	swait.ge [sflag:s25], $0x2800  }
0xfd: {  	[sflag:s25] =	ssyncset.done $0x0  }
0xfe: {  	s0 =	simm.s32 $0x0;
	[sflag:s25] =	ssyncadd.s32 $0xFFFFD800  }
0xff: {  	v7 =	vld [tilespmem:s0+$0x11C00]  }
0x100: {  	v11 =	vld [tilespmem:s0+$0x11C10]  }
0x101: {  	v5 =	vld [tilespmem:s0+$0x11C20]  }
0x102: {  	v4 =	vld [tilespmem:s0+$0x11C30]  }
0x103: {  	v3 =	vld [tilespmem:s0+$0x11C40]  }
0x104: {  	v2 =	vld [tilespmem:s0+$0x11C50]  }
0x105: {  	v1 =	vld [tilespmem:s0+$0x11C60]  }
0x106: {  	v0 =	vld [tilespmem:s0+$0x11C70]  }
0x107: {  	v12 =	vld [tilespmem:s0+$0x7C00]  }
0x108: {  	v13 =	vld [tilespmem:s0+$0x7C10]  }
0x109: {  	v10 =	vld [tilespmem:s0+$0x7C20]  }
0x10a: {  	v9 =	vld [tilespmem:s0+$0x7C30]  }
0x10b: {  	v8 =	vld [tilespmem:s0+$0x7C40]  }
0x10c: {  	v6 =	vld [tilespmem:s0+$0x7C50];
	v12 =	vadd.f32 v7, v12  }
0x10d: {  	s3 =	simm.s32 $0x200;
	v11 =	vadd.f32 v11, v13;
	v7 =	vld [tilespmem:s0+$0x7C60]  }
.LBB2_9:
0x10e: {  	s14 =	sshra.s32 s3, $0x2;
	p1 =	sne.s32 s3, $0x9E00;
	[tilespmem:s0+$0x7C00] =	vst v12;
	v5 =	vadd.f32 v5, v10;
	v10 =	vld [tilespmem:s0+$0x7C70]  }
0x10f: {  	v4 =	vadd.f32 v4, v9;
	v12 =	vld [tilespmem:s14+$0x11C00];
	[tilespmem:s0+$0x7C10] =	vst v11  }
0x110: {  	v3 =	vadd.f32 v3, v8;
	v11 =	vld [tilespmem:s14+$0x11C10];
	[tilespmem:s0+$0x7C20] =	vst v5  }
0x111: {  	v2 =	vadd.f32 v2, v6;
	v5 =	vld [tilespmem:s14+$0x11C20];
	[tilespmem:s0+$0x7C30] =	vst v4  }
0x112: {  	v1 =	vadd.f32 v1, v7;
	v4 =	vld [tilespmem:s14+$0x11C30];
	[tilespmem:s0+$0x7C40] =	vst v3  }
0x113: {  	v3 =	vld [tilespmem:s14+$0x11C40];
	[tilespmem:s0+$0x7C50] =	vst v2;
	v0 =	vadd.f32 v0, v10  }
0x114: {  	v2 =	vld [tilespmem:s14+$0x11C50];
	[tilespmem:s0+$0x7C60] =	vst v1  }
0x115: {  	v1 =	vld [tilespmem:s14+$0x11C60];
	[tilespmem:s0+$0x7C70] =	vst v0;
	s0 =	smov.u32 s14  }
0x116: {  	v0 =	vld [tilespmem:s0+$0x11C70]  }
0x117: {  	v6 =	vld [tilespmem:s0+$0x7C00]  }
0x118: {  	v7 =	vld [tilespmem:s0+$0x7C10]  }
.Ltmp6:
0x119: {  	v10 =	vld [tilespmem:s0+$0x7C20];
	(pc) =	sbr.rel @p1 .LBB2_9-.Ltmp6, $4  }
0x11a: {  	v9 =	vld [tilespmem:s0+$0x7C30]  }
0x11b: {  	v8 =	vld [tilespmem:s0+$0x7C40]  }
0x11c: {  	v12 =	vadd.f32 v12, v6;
	v6 =	vld [tilespmem:s0+$0x7C50]  }
0x11d: {  	s3 =	sadd.s32 $0x200, s3;
	v11 =	vadd.f32 v11, v7;
	v7 =	vld [tilespmem:s0+$0x7C60]  }
.Ltmp7:
0x11e: {  	_ = 	snop;
	(pc) =	sbr.rel .LBB2_10-.Ltmp7, $1  }
0x11f: {  	_ =	sdelay $0x3  }
.LBB2_12:
0x120: {  	_ =	sfence.sel $0x180000  }
0x121: {  	[bflag:$0x0] =	sbarrier.arrive $0xFFFF  }
0x122: {  	_ =	strace $0x90000047  }
0x123: {  	s0 =	stileid.u32;
	[bflag:$0x2] =	sbarrier.arrive $0xFFFF  }
0x124: {  	p0 =	sne.s32 s0, $0x0;
	s0 =	rddreg [dreg:$0x4]  }
0x125: {  	s0 =	sadd.s32 @!p0 $0x100000, s0  }
0x126: {  	[sflag:s0] =	ssyncadd.tile.s32 @!p0 $0x1;
	_ =	shalt  }
.Lfunc_end2:
_tile_overlayer_lowered:
.L_overlay_start_2:
0x127: {  	(tag) =	ssettag $0x2  }
0x128: {  	s0 =	rddreg [dreg:$0x0];
	s2 =	stileid.u32  }
0x129: {  	s1 =	rddreg [dreg:$0x1];
	p0 =	sne.s32 s2, $0x0  }
0x12a: {  	s3 =	rddreg [dreg:$0x2];
	[bflag:$0x3] =	sbarrier.arrive $0xFFFF;
	s2 =	simm.s32 @!p0 $0x1C09  }
0x12b: {  	[timem:s3], [sflag:s2] =	dma.local @!p0 [hbm:s0], s1  }
0x12c: {  	s0 =	simm.s32 @!p0 $0x9  }
0x12d: {  	_ =	swait.ge @!p0 [sflag:s0], s1  }
0x12e: {  	s1 =	ssub.s32 @!p0 $0x0, s1;
	[sflag:s0] =	ssyncset.done @!p0 $0x0  }
0x12f: {  	[sflag:s0] =	ssyncadd.s32 @!p0 s1  }
0x130: {  	[bflag:$0x3] =	sbarrier.arrive $0xFFFF  }
0x131: {  	_ =	shalt  }

</sc_bundles>
